<compile_context>
chip_gen: v7x
topology: tpu7x:2x2x1
jax: 0.10.2.dev20260603
libtpu: 0.0.44.dev20260713+nightly
codegen_flags: <defaults>
</compile_context>

<pallas_src>
import functools

import jax
import jax.numpy as jnp
from jax import lax
from jax.experimental import pallas as pl
from jax.experimental.pallas import tpu as pltpu
from jax.experimental.pallas import tpu_sc as plsc

B, T, D = 1, 2048, 768
FF = 2 * D
E = 8
K = 2
SINKHORN_ITERS = 3

S = K * T
TB = 256
NSLOT = 6144
G = NSLOT // TB
L = 16
NW = 32


def _cumsum_lanes(a):
    n = a.shape[1]
    k = 1
    while k < n:
        z = jnp.zeros((a.shape[0], k), a.dtype)
        a = a + jnp.concatenate([z, a[:, :n - k]], axis=1)
        k *= 2
    return a


def _lse(a, axis):
    m = jnp.max(a, axis=axis, keepdims=True)
    return m + jnp.log(jnp.sum(jnp.exp(a - m), axis=axis, keepdims=True))


def _route_body(x_ref, rw_ref, rb_ref, temp_ref, slots_ref, gsel_ref, bexp_ref):
    x = x_ref[...]
    rw = rw_ref[...]
    temp = jnp.maximum(temp_ref[0], 0.1)
    scores = lax.dot_general(rw, x, (((1,), (1,)), ((), ())),
                             preferred_element_type=jnp.float32)
    la = (scores + rb_ref[...].reshape(E, 1)) / temp
    for _ in range(SINKHORN_ITERS):
        la = la - _lse(la, axis=0)
        la = la - _lse(la, axis=1)
    gates = jnp.exp(la)
    gates = gates / (jnp.sum(gates, axis=0, keepdims=True) + 1e-8)
    r = lax.broadcasted_iota(jnp.int32, (E, T), 0)
    v1 = jnp.max(gates, axis=0, keepdims=True)
    i1 = jnp.min(jnp.where(gates == v1, r, E), axis=0, keepdims=True)
    g2m = jnp.where(r == i1, -1.0, gates)
    v2 = jnp.max(g2m, axis=0, keepdims=True)
    i2 = jnp.min(jnp.where(g2m == v2, r, E), axis=0, keepdims=True)
    den = v1 + v2 + 1e-8
    gsel_ref[...] = jnp.concatenate([v1 / den, v2 / den], axis=0)

    oh1 = (r == i1).astype(jnp.float32)
    oh2 = (r == i2).astype(jnp.float32)
    c1incl = _cumsum_lanes(oh1)
    c2incl = _cumsum_lanes(oh2)
    cnt1 = c1incl[:, T - 1:T]
    cnt = cnt1 + c2incl[:, T - 1:T]
    m = jnp.floor((cnt + (TB - 1)) / TB) * TB
    tri = (lax.broadcasted_iota(jnp.int32, (E, E), 0)
           > lax.broadcasted_iota(jnp.int32, (E, E), 1)).astype(jnp.float32)
    off = lax.dot_general(tri, m, (((1,), (0,)), ((), ())),
                          preferred_element_type=jnp.float32)
    slot1 = jnp.sum(oh1 * (off + c1incl - oh1), axis=0, keepdims=True)
    slot2 = jnp.sum(oh2 * (off + cnt1 + c2incl - oh2), axis=0, keepdims=True)
    slots_ref[...] = jnp.concatenate([slot1, slot2], axis=0).astype(jnp.int32)

    endblk = (off + m) / TB
    usedblk = jnp.sum(m) / TB
    biota = lax.broadcasted_iota(jnp.int32, (E, 2 * L), 1).astype(jnp.float32)
    acc = jnp.sum((biota >= endblk).astype(jnp.float32), axis=0, keepdims=True)
    bexp = jnp.minimum(acc, E - 1) + E * (biota[0:1] >= usedblk).astype(jnp.float32)

    prev = jnp.concatenate([jnp.full((1, 1), -1.0), bexp[:, :2 * L - 1]], axis=1)
    first = (bexp != prev).astype(jnp.float32)
    reg = _cumsum_lanes(first) - 1.0
    par = reg - 2.0 * jnp.floor(reg / 2.0)
    ohbe = (jnp.broadcast_to(bexp, (E, 2 * L))
            == lax.broadcasted_iota(jnp.int32, (E, 2 * L), 0).astype(jnp.float32)
            ).astype(jnp.float32)
    lk = jnp.sum((biota == endblk).astype(jnp.float32)
                 * jnp.broadcast_to(bexp, (E, 2 * L)), axis=1, keepdims=True)
    nxt = jnp.sum(ohbe * lk, axis=0, keepdims=True)
    meta = jnp.concatenate([bexp, first, nxt, par], axis=0)
    bexp_ref[...] = meta.astype(jnp.int32)


def _xdispatch_body(x_hbm, slots_hbm, xg_hbm, sl_v, rows_v, sem1, sem2):
    wid = lax.axis_index("s") * 2 + lax.axis_index("c")
    ch = S // NW
    s0 = pl.multiple_of(wid * ch, ch)
    t0 = pl.multiple_of(s0 & (T - 1), ch)
    c1 = pltpu.async_copy(slots_hbm.at[pl.ds(s0, ch)], sl_v, sem1)
    c2 = pltpu.async_copy(x_hbm.at[pl.ds(t0, ch)], rows_v, sem2)
    c1.wait()
    c2.wait()
    pltpu.sync_copy(rows_v, xg_hbm.at[sl_v])


def _ffn_body(meta_ref, xg_ref, gw_hbm, pw_hbm, ow_hbm, y_ref,
              gw_v, pw_v, ow_v, sems):
    b = pl.program_id(0)
    e = meta_ref[0, b]
    valid = e < E
    first = meta_ref[1, b] == 1
    nxt = meta_ref[2, b]
    par = meta_ref[3, b]

    def _fetch(dst_e, dst_par):
        pltpu.async_copy(gw_hbm.at[dst_e], gw_v.at[dst_par], sems.at[dst_par])
        pltpu.async_copy(pw_hbm.at[dst_e], pw_v.at[dst_par], sems.at[dst_par])
        pltpu.async_copy(ow_hbm.at[dst_e], ow_v.at[dst_par], sems.at[dst_par])

    def _drain(dst_e, dst_par):
        pltpu.make_async_copy(gw_hbm.at[dst_e], gw_v.at[dst_par],
                              sems.at[dst_par]).wait()
        pltpu.make_async_copy(pw_hbm.at[dst_e], pw_v.at[dst_par],
                              sems.at[dst_par]).wait()
        pltpu.make_async_copy(ow_hbm.at[dst_e], ow_v.at[dst_par],
                              sems.at[dst_par]).wait()

    @pl.when(valid & first)
    def _turnover():
        @pl.when(b == 0)
        def _prologue():
            _fetch(e, par)

        _drain(e, par)

        @pl.when(nxt < E)
        def _prefetch_next():
            _fetch(nxt, 1 - par)

    @pl.when(valid)
    def _compute():
        xb = xg_ref[...]
        g = lax.dot_general(xb, gw_v[par], (((1,), (1,)), ((), ())),
                            preferred_element_type=jnp.float32)
        p = lax.dot_general(xb, pw_v[par], (((1,), (1,)), ((), ())),
                            preferred_element_type=jnp.float32)
        h = jnp.maximum(g, 0.0) * p
        y_ref[...] = lax.dot_general(h, ow_v[par], (((1,), (1,)), ((), ())),
                                     preferred_element_type=jnp.float32) + xb


def _combine_body(y_hbm, slots_hbm, gsel_hbm, out_hbm,
                  i1_v, i2_v, g_v, r1_v, r2_v, sem):
    wid = lax.axis_index("s") * 2 + lax.axis_index("c")
    ch = T // NW // 2
    nv = D // L
    for c in range(2):
        t0 = pl.multiple_of(wid * (2 * ch) + c * ch, ch)
        pltpu.sync_copy(slots_hbm.at[pl.ds(t0, ch)], i1_v)
        pltpu.sync_copy(slots_hbm.at[pl.ds(T + t0, ch)], i2_v)
        d1 = pltpu.async_copy(y_hbm.at[i1_v], r1_v, sem)
        d2 = pltpu.async_copy(y_hbm.at[i2_v], r2_v, sem)
        pltpu.sync_copy(gsel_hbm.at[pl.ds(t0, ch)], g_v.at[pl.ds(0, ch)])
        pltpu.sync_copy(gsel_hbm.at[pl.ds(T + t0, ch)], g_v.at[pl.ds(ch, ch)])
        d1.wait()
        d2.wait()

        ga = g_v[pl.ds(0, L)]
        gb = g_v[pl.ds(L, L)]
        gc = g_v[pl.ds(2 * L, L)]
        gd = g_v[pl.ds(3 * L, L)]

        def rowbody(rr, carry):
            lane = jnp.full((L,), rr & (L - 1), jnp.int32)
            lo = rr < L
            g1v = jnp.where(lo, jnp.take(ga, lane), jnp.take(gb, lane))
            g2v = jnp.where(lo, jnp.take(gc, lane), jnp.take(gd, lane))
            for bv in range(nv):
                d0 = bv * L
                r1_v[rr, pl.ds(d0, L)] = (g1v * r1_v[rr, pl.ds(d0, L)]
                                          + g2v * r2_v[rr, pl.ds(d0, L)])
            return carry

        lax.fori_loop(0, ch, rowbody, 0)
        pltpu.sync_copy(r1_v, out_hbm.at[pl.ds(t0, ch)])


def kernel(x, temperature, router_w, router_b, gate_w, proj_w, out_w):
    x2 = x.reshape(T, D)

    slots, gsel, bexp = pl.pallas_call(
        _route_body,
        out_shape=(jax.ShapeDtypeStruct((K, T), jnp.int32),
                   jax.ShapeDtypeStruct((K, T), jnp.float32),
                   jax.ShapeDtypeStruct((4, 2 * L), jnp.int32)),
    )(x2, router_w, router_b, temperature)

    slots_flat = slots.reshape(S)
    gsel_flat = gsel.reshape(S)

    mesh = plsc.VectorSubcoreMesh(core_axis_name="c", subcore_axis_name="s")

    xg = pl.kernel(
        _xdispatch_body,
        out_type=jax.ShapeDtypeStruct((NSLOT, D), jnp.float32),
        mesh=mesh,
        scratch_types=[
            pltpu.VMEM((S // NW,), jnp.int32),
            pltpu.VMEM((S // NW, D), jnp.float32),
            pltpu.SemaphoreType.DMA,
            pltpu.SemaphoreType.DMA,
        ],
    )(x2, slots_flat)

    y = pl.pallas_call(
        _ffn_body,
        grid_spec=pltpu.PrefetchScalarGridSpec(
            num_scalar_prefetch=1,
            grid=(G,),
            in_specs=[
                pl.BlockSpec((TB, D),
                             lambda b, be: (jnp.where(be[0, b] < E, b, 0), 0)),
                pl.BlockSpec(memory_space=pl.ANY),
                pl.BlockSpec(memory_space=pl.ANY),
                pl.BlockSpec(memory_space=pl.ANY),
            ],
            out_specs=pl.BlockSpec((TB, D), lambda b, be: (b, 0)),
            scratch_shapes=[
                pltpu.VMEM((2, FF, D), jnp.float32),
                pltpu.VMEM((2, FF, D), jnp.float32),
                pltpu.VMEM((2, D, FF), jnp.float32),
                pltpu.SemaphoreType.DMA((2,)),
            ],
        ),
        out_shape=jax.ShapeDtypeStruct((NSLOT, D), jnp.float32),
    )(bexp, xg, gate_w, proj_w, out_w)

    out = pl.kernel(
        _combine_body,
        out_type=jax.ShapeDtypeStruct((T, D), jnp.float32),
        mesh=mesh,
        scratch_types=[
            pltpu.VMEM((T // NW // 2,), jnp.int32),
            pltpu.VMEM((T // NW // 2,), jnp.int32),
            pltpu.VMEM((4 * L,), jnp.float32),
            pltpu.VMEM((T // NW // 2, D), jnp.float32),
            pltpu.VMEM((T // NW // 2, D), jnp.float32),
            pltpu.SemaphoreType.DMA,
        ],
    )(y, slots_flat, gsel_flat)

    return out.reshape(B, T, D)

# --- scband reference (transcript-rebuilt; emitter-appended) ---
"""Pipeline reference for scband-routing-strategy-78546361909750 (READ-ONLY COPY).

The authoritative reference and input builder live on the scoring server;
editing this copy changes nothing except your own understanding.
"""

import jax, jax.numpy as jnp
import numpy as np

B, T, D = 1, 2048, 768
FF = 2 * D
E = 8
K = 2
SINKHORN_ITERS = 3


def setup_inputs(seed: int = 0) -> dict:
    key = jax.random.key(seed)
    ks = jax.random.split(key, 6)
    x = jax.random.normal(ks[0], (B, T, D), dtype=jnp.float32)
    # router: xavier uniform weight, zero bias
    limit = float(np.sqrt(6.0 / (D + E)))
    router_w = jax.random.uniform(ks[1], (E, D), minval=-limit, maxval=limit, dtype=jnp.float32)
    router_b = jnp.zeros((E,), dtype=jnp.float32)
    temperature = jnp.ones((1,), dtype=jnp.float32) * 0.5
    # expert linears: default torch Linear init ~ U(-1/sqrt(fan_in), 1/sqrt(fan_in))
    s_in = 1.0 / float(np.sqrt(D))
    s_ff = 1.0 / float(np.sqrt(FF))
    gate_w = jax.random.uniform(ks[2], (E, FF, D), minval=-s_in, maxval=s_in, dtype=jnp.float32)
    proj_w = jax.random.uniform(ks[3], (E, FF, D), minval=-s_in, maxval=s_in, dtype=jnp.float32)
    out_w = jax.random.uniform(ks[4], (E, D, FF), minval=-s_ff, maxval=s_ff, dtype=jnp.float32)
    return {
        "x": x,
        "temperature": temperature,
        "router_w": router_w,
        "router_b": router_b,
        "gate_w": gate_w,
        "proj_w": proj_w,
        "out_w": out_w,
    }


def _sinkhorn(log_alpha, iters=SINKHORN_ITERS):
    for _ in range(iters):
        log_alpha = log_alpha - jax.scipy.special.logsumexp(log_alpha, axis=-1, keepdims=True)
        log_alpha = log_alpha - jax.scipy.special.logsumexp(log_alpha, axis=-2, keepdims=True)
    gates = jnp.exp(log_alpha)
    gates = gates / (gates.sum(axis=-1, keepdims=True) + 1e-8)
    return gates


def _forward(x, temperature, router_w, router_b, gate_w, proj_w, out_w):
    temp = jnp.clip(temperature, 0.1, None)
    scores = (x @ router_w.T + router_b) / temp
    # T > 1 and n_exp > 1 -> sinkhorn path
    doubly_stochastic = _sinkhorn(scores, SINKHORN_ITERS)
    topk_vals, topk_idx = jax.lax.top_k(doubly_stochastic, K)
    topk_gates = topk_vals / (topk_vals.sum(axis=-1, keepdims=True) + 1e-8)
    # expert outputs (each expert applied densely to all tokens, as in the torch loop)
    expert_outs = []
    for i in range(E):
        g = jnp.maximum(x @ gate_w[i].T, 0.0)  # relu gate
        p = x @ proj_w[i].T
        expert_outs.append((g * p) @ out_w[i].T)
    expert_out = jnp.zeros_like(x)
    for k in range(K):
        idx_k = topk_idx[:, :, k]
        gate_k = topk_gates[:, :, k][..., None]  # dropout is identity in eval / drop=0.0
        for i in range(E):
            mask = (idx_k == i)[..., None].astype(x.dtype)
            expert_out = expert_out + mask * gate_k * expert_outs[i]
    return x + expert_out


def reference(x, temperature, router_w, router_b, gate_w, proj_w, out_w):
    return _forward(x, temperature, router_w, router_b, gate_w, proj_w, out_w)

if __name__ == "__main__":
    import jax
    _d = setup_inputs()
    print(jax.jit(kernel)(*tuple(_d.values())))

</pallas_src>

<mosaic_0001>
#map = affine_map<(d0, d1) -> (0, 0)>
#map1 = affine_map<(d0, d1) -> (0)>
module attributes {stable_mosaic.version = 14 : i64} {
  func.func @_combine_body(%arg0: i32, %arg1: i32, %arg2: memref<6144x768xf32, #tpu.memory_space<hbm>>, %arg3: memref<4096xi32, #tpu.memory_space<hbm>>, %arg4: memref<4096xf32, #tpu.memory_space<hbm>>, %arg5: memref<2048x768xf32, #tpu.memory_space<hbm>>, %arg6: memref<32xi32, #tpu.memory_space<vmem>>, %arg7: memref<32xi32, #tpu.memory_space<vmem>>, %arg8: memref<64xf32, #tpu.memory_space<vmem>>, %arg9: memref<32x768xf32, #tpu.memory_space<vmem>>, %arg10: memref<32x768xf32, #tpu.memory_space<vmem>>, %arg11: memref<!tpu.dma_semaphore, #tpu.memory_space<semaphore_mem>>) attributes {dimension_semantics = [#tpu.dimension_semantics<core_parallel>, #tpu.dimension_semantics<subcore_parallel>], iteration_bounds = array<i64: 2, 16>, scalar_prefetch = 0 : i64, scratch_operands = 6 : i64, tpu.core_type = #tpu.core_type<sc_vector_subcore>, window_params = [{transform_indices = #map}, {transform_indices = #map1}, {transform_indices = #map1}, {transform_indices = #map}]} {
    %mul3A = arith.constant 2 : i32
    %mul3A_0 = arith.muli %arg1, %mul3A : i32
    %add3A = arith.addi %mul3A_0, %arg0 : i32
    %mul3A_1 = arith.constant 64 : i32
    %mul3A_2 = arith.muli %add3A, %mul3A_1 : i32
    %add3A_3 = arith.constant 0 : i32
    %add3A_4 = arith.addi %mul3A_2, %add3A_3 : i32
    %multiple_of3A = tpu.assume_multiple %add3A_4, 32 : i32
    "tpu.region"() ({
      %run_scoped3A = tpu.sem_alloc : memref<!tpu.dma_semaphore, #tpu.memory_space<semaphore_mem>>
      %dma_start3A_74 = tpu.memref_slice %arg3[%multiple_of3A] : memref<4096xi32, #tpu.memory_space<hbm>> -> memref<32xi32, #tpu.memory_space<hbm>>
      %dma_start3A_75 = tpu.memref_slice %arg3[%multiple_of3A] : memref<4096xi32, #tpu.memory_space<hbm>> -> memref<32xi32, #tpu.memory_space<hbm>>
      tpu.enqueue_dma source(%dma_start3A_75 : memref<32xi32, #tpu.memory_space<hbm>>) target(%arg6 : memref<32xi32, #tpu.memory_space<vmem>>) target_semaphore(%run_scoped3A : memref<!tpu.dma_semaphore, #tpu.memory_space<semaphore_mem>>)
      %dma_wait3A_76 = tpu.memref_slice %arg3[%multiple_of3A] : memref<4096xi32, #tpu.memory_space<hbm>> -> memref<32xi32, #tpu.memory_space<hbm>>
      %dma_wait3A_77 = tpu.memref_slice %arg3[%multiple_of3A] : memref<4096xi32, #tpu.memory_space<hbm>> -> memref<32xi32, #tpu.memory_space<hbm>>
      tpu.wait_dma2 semaphore(%run_scoped3A : memref<!tpu.dma_semaphore, #tpu.memory_space<semaphore_mem>>) src(%dma_wait3A_77 : memref<32xi32, #tpu.memory_space<hbm>>) dst(%arg6 : memref<32xi32, #tpu.memory_space<vmem>>)
      tpu.yield
    }) : () -> ()
    %add3A_5 = arith.constant 2048 : i32
    %add3A_6 = arith.addi %add3A_5, %multiple_of3A : i32
    "tpu.region"() ({
      %run_scoped3A = tpu.sem_alloc : memref<!tpu.dma_semaphore, #tpu.memory_space<semaphore_mem>>
      %dma_start3A_74 = tpu.memref_slice %arg3[%add3A_6] : memref<4096xi32, #tpu.memory_space<hbm>> -> memref<32xi32, #tpu.memory_space<hbm>>
      %dma_start3A_75 = tpu.memref_slice %arg3[%add3A_6] : memref<4096xi32, #tpu.memory_space<hbm>> -> memref<32xi32, #tpu.memory_space<hbm>>
      tpu.enqueue_dma source(%dma_start3A_75 : memref<32xi32, #tpu.memory_space<hbm>>) target(%arg7 : memref<32xi32, #tpu.memory_space<vmem>>) target_semaphore(%run_scoped3A : memref<!tpu.dma_semaphore, #tpu.memory_space<semaphore_mem>>)
      %dma_wait3A_76 = tpu.memref_slice %arg3[%add3A_6] : memref<4096xi32, #tpu.memory_space<hbm>> -> memref<32xi32, #tpu.memory_space<hbm>>
      %dma_wait3A_77 = tpu.memref_slice %arg3[%add3A_6] : memref<4096xi32, #tpu.memory_space<hbm>> -> memref<32xi32, #tpu.memory_space<hbm>>
      tpu.wait_dma2 semaphore(%run_scoped3A : memref<!tpu.dma_semaphore, #tpu.memory_space<semaphore_mem>>) src(%dma_wait3A_77 : memref<32xi32, #tpu.memory_space<hbm>>) dst(%arg7 : memref<32xi32, #tpu.memory_space<vmem>>)
      tpu.yield
    }) : () -> ()
    %dma_start3A = arith.constant 0 : i32
    %dma_start3A_7 = arith.constant 0 : i32
    %dma_start3A_8 = tpu.memref_slice %arg2[%dma_start3A, %dma_start3A_7] : memref<6144x768xf32, #tpu.memory_space<hbm>> -> memref<6144x768xf32, #tpu.memory_space<hbm>>
    tpu.enqueue_indirect_dma source(%dma_start3A_8 : memref<6144x768xf32, #tpu.memory_space<hbm>>) target(%arg9 : memref<32x768xf32, #tpu.memory_space<vmem>>) offsets(%arg6 : memref<32xi32, #tpu.memory_space<vmem>>) semaphore(%arg11 : memref<!tpu.dma_semaphore, #tpu.memory_space<semaphore_mem>>)
    %dma_start3A_9 = arith.constant 0 : i32
    %dma_start3A_10 = arith.constant 0 : i32
    %dma_start3A_11 = tpu.memref_slice %arg2[%dma_start3A_9, %dma_start3A_10] : memref<6144x768xf32, #tpu.memory_space<hbm>> -> memref<6144x768xf32, #tpu.memory_space<hbm>>
    tpu.enqueue_indirect_dma source(%dma_start3A_11 : memref<6144x768xf32, #tpu.memory_space<hbm>>) target(%arg10 : memref<32x768xf32, #tpu.memory_space<vmem>>) offsets(%arg7 : memref<32xi32, #tpu.memory_space<vmem>>) semaphore(%arg11 : memref<!tpu.dma_semaphore, #tpu.memory_space<semaphore_mem>>)
    "tpu.region"() ({
      %run_scoped3A = tpu.sem_alloc : memref<!tpu.dma_semaphore, #tpu.memory_space<semaphore_mem>>
      %dma_start3A_74 = arith.constant 0 : i32
      %dma_start3A_75 = tpu.memref_slice %arg8[%dma_start3A_74] : memref<64xf32, #tpu.memory_space<vmem>> -> memref<32xf32, #tpu.memory_space<vmem>>
      %dma_start3A_76 = tpu.memref_slice %arg4[%multiple_of3A] : memref<4096xf32, #tpu.memory_space<hbm>> -> memref<32xf32, #tpu.memory_space<hbm>>
      %dma_start3A_77 = arith.constant 0 : i32
      %dma_start3A_78 = tpu.memref_slice %arg8[%dma_start3A_77] : memref<64xf32, #tpu.memory_space<vmem>> -> memref<32xf32, #tpu.memory_space<vmem>>
      %dma_start3A_79 = tpu.memref_slice %arg4[%multiple_of3A] : memref<4096xf32, #tpu.memory_space<hbm>> -> memref<32xf32, #tpu.memory_space<hbm>>
      tpu.enqueue_dma source(%dma_start3A_79 : memref<32xf32, #tpu.memory_space<hbm>>) target(%dma_start3A_78 : memref<32xf32, #tpu.memory_space<vmem>>) target_semaphore(%run_scoped3A : memref<!tpu.dma_semaphore, #tpu.memory_space<semaphore_mem>>)
      %dma_wait3A_80 = arith.constant 0 : i32
      %dma_wait3A_81 = tpu.memref_slice %arg8[%dma_wait3A_80] : memref<64xf32, #tpu.memory_space<vmem>> -> memref<32xf32, #tpu.memory_space<vmem>>
      %dma_wait3A_82 = tpu.memref_slice %arg4[%multiple_of3A] : memref<4096xf32, #tpu.memory_space<hbm>> -> memref<32xf32, #tpu.memory_space<hbm>>
      %dma_wait3A_83 = arith.constant 0 : i32
      %dma_wait3A_84 = tpu.memref_slice %arg8[%dma_wait3A_83] : memref<64xf32, #tpu.memory_space<vmem>> -> memref<32xf32, #tpu.memory_space<vmem>>
      %dma_wait3A_85 = tpu.memref_slice %arg4[%multiple_of3A] : memref<4096xf32, #tpu.memory_space<hbm>> -> memref<32xf32, #tpu.memory_space<hbm>>
      tpu.wait_dma2 semaphore(%run_scoped3A : memref<!tpu.dma_semaphore, #tpu.memory_space<semaphore_mem>>) src(%dma_wait3A_85 : memref<32xf32, #tpu.memory_space<hbm>>) dst(%dma_wait3A_84 : memref<32xf32, #tpu.memory_space<vmem>>)
      tpu.yield
    }) : () -> ()
    %add3A_12 = arith.constant 2048 : i32
    %add3A_13 = arith.addi %add3A_12, %multiple_of3A : i32
    "tpu.region"() ({
      %run_scoped3A = tpu.sem_alloc : memref<!tpu.dma_semaphore, #tpu.memory_space<semaphore_mem>>
      %dma_start3A_74 = arith.constant 32 : i32
      %dma_start3A_75 = tpu.memref_slice %arg8[%dma_start3A_74] : memref<64xf32, #tpu.memory_space<vmem>> -> memref<32xf32, #tpu.memory_space<vmem>>
      %dma_start3A_76 = tpu.memref_slice %arg4[%add3A_13] : memref<4096xf32, #tpu.memory_space<hbm>> -> memref<32xf32, #tpu.memory_space<hbm>>
      %dma_start3A_77 = arith.constant 32 : i32
      %dma_start3A_78 = tpu.memref_slice %arg8[%dma_start3A_77] : memref<64xf32, #tpu.memory_space<vmem>> -> memref<32xf32, #tpu.memory_space<vmem>>
      %dma_start3A_79 = tpu.memref_slice %arg4[%add3A_13] : memref<4096xf32, #tpu.memory_space<hbm>> -> memref<32xf32, #tpu.memory_space<hbm>>
      tpu.enqueue_dma source(%dma_start3A_79 : memref<32xf32, #tpu.memory_space<hbm>>) target(%dma_start3A_78 : memref<32xf32, #tpu.memory_space<vmem>>) target_semaphore(%run_scoped3A : memref<!tpu.dma_semaphore, #tpu.memory_space<semaphore_mem>>)
      %dma_wait3A_80 = arith.constant 32 : i32
      %dma_wait3A_81 = tpu.memref_slice %arg8[%dma_wait3A_80] : memref<64xf32, #tpu.memory_space<vmem>> -> memref<32xf32, #tpu.memory_space<vmem>>
      %dma_wait3A_82 = tpu.memref_slice %arg4[%add3A_13] : memref<4096xf32, #tpu.memory_space<hbm>> -> memref<32xf32, #tpu.memory_space<hbm>>
      %dma_wait3A_83 = arith.constant 32 : i32
      %dma_wait3A_84 = tpu.memref_slice %arg8[%dma_wait3A_83] : memref<64xf32, #tpu.memory_space<vmem>> -> memref<32xf32, #tpu.memory_space<vmem>>
      %dma_wait3A_85 = tpu.memref_slice %arg4[%add3A_13] : memref<4096xf32, #tpu.memory_space<hbm>> -> memref<32xf32, #tpu.memory_space<hbm>>
      tpu.wait_dma2 semaphore(%run_scoped3A : memref<!tpu.dma_semaphore, #tpu.memory_space<semaphore_mem>>) src(%dma_wait3A_85 : memref<32xf32, #tpu.memory_space<hbm>>) dst(%dma_wait3A_84 : memref<32xf32, #tpu.memory_space<vmem>>)
      tpu.yield
    }) : () -> ()
    %dma_wait3A = arith.constant 0 : i32
    %dma_wait3A_14 = arith.constant 0 : i32
    %dma_wait3A_15 = tpu.memref_slice %arg2[%dma_wait3A, %dma_wait3A_14] : memref<6144x768xf32, #tpu.memory_space<hbm>> -> memref<6144x768xf32, #tpu.memory_space<hbm>>
    tpu.wait_indirect_dma semaphore(%arg11 : memref<!tpu.dma_semaphore, #tpu.memory_space<semaphore_mem>>) src(%dma_wait3A_15 : memref<6144x768xf32, #tpu.memory_space<hbm>>) dst(%arg9 : memref<32x768xf32, #tpu.memory_space<vmem>>)
    %dma_wait3A_16 = arith.constant 0 : i32
    %dma_wait3A_17 = arith.constant 0 : i32
    %dma_wait3A_18 = tpu.memref_slice %arg2[%dma_wait3A_16, %dma_wait3A_17] : memref<6144x768xf32, #tpu.memory_space<hbm>> -> memref<6144x768xf32, #tpu.memory_space<hbm>>
    tpu.wait_indirect_dma semaphore(%arg11 : memref<!tpu.dma_semaphore, #tpu.memory_space<semaphore_mem>>) src(%dma_wait3A_18 : memref<6144x768xf32, #tpu.memory_space<hbm>>) dst(%arg10 : memref<32x768xf32, #tpu.memory_space<vmem>>)
    %get3A = arith.constant 0 : index
    %get3A_19 = tpu.vector_load %arg8[%get3A] {strides = array<i32>} : memref<64xf32, #tpu.memory_space<vmem>>, vector<16xf32>,
    %get3A_20 = vector.shape_cast %get3A_19 : vector<16xf32> to vector<16xf32>
    %get3A_21 = arith.constant 16 : index
    %get3A_22 = tpu.vector_load %arg8[%get3A_21] {strides = array<i32>} : memref<64xf32, #tpu.memory_space<vmem>>, vector<16xf32>,
    %get3A_23 = vector.shape_cast %get3A_22 : vector<16xf32> to vector<16xf32>
    %get3A_24 = arith.constant 32 : index
    %get3A_25 = tpu.vector_load %arg8[%get3A_24] {strides = array<i32>} : memref<64xf32, #tpu.memory_space<vmem>>, vector<16xf32>,
    %get3A_26 = vector.shape_cast %get3A_25 : vector<16xf32> to vector<16xf32>
    %get3A_27 = arith.constant 48 : index
    %get3A_28 = tpu.vector_load %arg8[%get3A_27] {strides = array<i32>} : memref<64xf32, #tpu.memory_space<vmem>>, vector<16xf32>,
    %get3A_29 = vector.shape_cast %get3A_28 : vector<16xf32> to vector<16xf32>
    %scan3A = arith.constant 0 : i32
    %scan3A_30 = arith.constant 0 : i32
    %scan3A_31 = arith.constant 32 : i32
    %scan3A_32 = arith.addi %scan3A_30, %scan3A_31 : i32
    %scan3A_33 = arith.constant 1 : i32
    scf.for %scan3A_74 = %scan3A_30 to %scan3A_32 step %scan3A_33  : i32 {
      %and3A = arith.constant 15 : i32
      %and3A_75 = arith.andi %scan3A_74, %and3A : i32
      %broadcast_in_dim3A = vector.broadcast %and3A_75 : i32 to vector<16xi32>
      %lt3A = arith.constant 16 : i32
      %lt3A_76 = arith.cmpi slt, %scan3A_74, %lt3A : i32
      %lt3A_77 = arith.constant 0 : i32
      %lt3A_78 = vector.broadcast %lt3A_77 : i32 to vector<16xi32>
      %lt3A_79 = arith.cmpi slt, %broadcast_in_dim3A, %lt3A_78 : vector<16xi32>
      %add3A_80 = arith.constant 16 : i32
      %add3A_81 = vector.broadcast %add3A_80 : i32 to vector<16xi32>
      %add3A_82 = arith.addi %broadcast_in_dim3A, %add3A_81 : vector<16xi32>
      %select_n3A = arith.select %lt3A_79, %add3A_82, %broadcast_in_dim3A : vector<16xi1>, vector<16xi32>
      %broadcast_in_dim3A_83 = vector.shape_cast %select_n3A : vector<16xi32> to vector<16x1xi32>
      %gather3A = vector.shape_cast %broadcast_in_dim3A_83 : vector<16x1xi32> to vector<16xi32>
      %gather3A_84 = tpu.dynamic_gather %get3A_20[%gather3A] in [0] : vector<16xf32>, vector<16xi32> -> vector<16xf32>
      %lt3A_85 = arith.constant 0 : i32
      %lt3A_86 = vector.broadcast %lt3A_85 : i32 to vector<16xi32>
      %lt3A_87 = arith.cmpi slt, %broadcast_in_dim3A, %lt3A_86 : vector<16xi32>
      %add3A_88 = arith.constant 16 : i32
      %add3A_89 = vector.broadcast %add3A_88 : i32 to vector<16xi32>
      %add3A_90 = arith.addi %broadcast_in_dim3A, %add3A_89 : vector<16xi32>
      %select_n3A_91 = arith.select %lt3A_87, %add3A_90, %broadcast_in_dim3A : vector<16xi1>, vector<16xi32>
      %broadcast_in_dim3A_92 = vector.shape_cast %select_n3A_91 : vector<16xi32> to vector<16x1xi32>
      %gather3A_93 = vector.shape_cast %broadcast_in_dim3A_92 : vector<16x1xi32> to vector<16xi32>
      %gather3A_94 = tpu.dynamic_gather %get3A_23[%gather3A_93] in [0] : vector<16xf32>, vector<16xi32> -> vector<16xf32>
      %select_n3A_95 = arith.select %lt3A_76, %gather3A_84, %gather3A_94 : vector<16xf32>
      %lt3A_96 = arith.constant 0 : i32
      %lt3A_97 = vector.broadcast %lt3A_96 : i32 to vector<16xi32>
      %lt3A_98 = arith.cmpi slt, %broadcast_in_dim3A, %lt3A_97 : vector<16xi32>
      %add3A_99 = arith.constant 16 : i32
      %add3A_100 = vector.broadcast %add3A_99 : i32 to vector<16xi32>
      %add3A_101 = arith.addi %broadcast_in_dim3A, %add3A_100 : vector<16xi32>
      %select_n3A_102 = arith.select %lt3A_98, %add3A_101, %broadcast_in_dim3A : vector<16xi1>, vector<16xi32>
      %broadcast_in_dim3A_103 = vector.shape_cast %select_n3A_102 : vector<16xi32> to vector<16x1xi32>
      %gather3A_104 = vector.shape_cast %broadcast_in_dim3A_103 : vector<16x1xi32> to vector<16xi32>
      %gather3A_105 = tpu.dynamic_gather %get3A_26[%gather3A_104] in [0] : vector<16xf32>, vector<16xi32> -> vector<16xf32>
      %lt3A_106 = arith.constant 0 : i32
      %lt3A_107 = vector.broadcast %lt3A_106 : i32 to vector<16xi32>
      %lt3A_108 = arith.cmpi slt, %broadcast_in_dim3A, %lt3A_107 : vector<16xi32>
      %add3A_109 = arith.constant 16 : i32
      %add3A_110 = vector.broadcast %add3A_109 : i32 to vector<16xi32>
      %add3A_111 = arith.addi %broadcast_in_dim3A, %add3A_110 : vector<16xi32>
      %select_n3A_112 = arith.select %lt3A_108, %add3A_111, %broadcast_in_dim3A : vector<16xi1>, vector<16xi32>
      %broadcast_in_dim3A_113 = vector.shape_cast %select_n3A_112 : vector<16xi32> to vector<16x1xi32>
      %gather3A_114 = vector.shape_cast %broadcast_in_dim3A_113 : vector<16x1xi32> to vector<16xi32>
      %gather3A_115 = tpu.dynamic_gather %get3A_29[%gather3A_114] in [0] : vector<16xf32>, vector<16xi32> -> vector<16xf32>
      %select_n3A_116 = arith.select %lt3A_76, %gather3A_105, %gather3A_115 : vector<16xf32>
      %get3A_117 = arith.index_cast %scan3A_74 : i32 to index
      %get3A_118 = arith.constant 0 : index
      %get3A_119 = tpu.vector_load %arg9[%get3A_117, %get3A_118] {strides = array<i32>} : memref<32x768xf32, #tpu.memory_space<vmem>>, vector<1x16xf32>,
      %get3A_120 = vector.shape_cast %get3A_119 : vector<1x16xf32> to vector<16xf32>
      %mul3A_121 = arith.mulf %select_n3A_95, %get3A_120 : vector<16xf32>
      %get3A_122 = arith.index_cast %scan3A_74 : i32 to index
      %get3A_123 = arith.constant 0 : index
      %get3A_124 = tpu.vector_load %arg10[%get3A_122, %get3A_123] {strides = array<i32>} : memref<32x768xf32, #tpu.memory_space<vmem>>, vector<1x16xf32>,
      %get3A_125 = vector.shape_cast %get3A_124 : vector<1x16xf32> to vector<16xf32>
      %mul3A_126 = arith.mulf %select_n3A_116, %get3A_125 : vector<16xf32>
      %add3A_127 = arith.addf %mul3A_121, %mul3A_126 : vector<16xf32>
      %swap3A = arith.index_cast %scan3A_74 : i32 to index
      %swap3A_128 = arith.constant 0 : index
      %swap3A_129 = tpu.vector_load %arg9[%swap3A, %swap3A_128] {strides = array<i32>} : memref<32x768xf32, #tpu.memory_space<vmem>>, vector<1x16xf32>,
      %swap3A_130 = vector.shape_cast %swap3A_129 : vector<1x16xf32> to vector<16xf32>
      %swap3A_131 = vector.shape_cast %add3A_127 : vector<16xf32> to vector<1x16xf32>
      tpu.vector_store %arg9[%swap3A, %swap3A_128], %swap3A_131 {strides = array<i32>} : memref<32x768xf32, #tpu.memory_space<vmem>>, vector<1x16xf32>,
      %get3A_132 = arith.index_cast %scan3A_74 : i32 to index
      %get3A_133 = arith.constant 16 : index
      %get3A_134 = tpu.vector_load %arg9[%get3A_132, %get3A_133] {strides = array<i32>} : memref<32x768xf32, #tpu.memory_space<vmem>>, vector<1x16xf32>,
      %get3A_135 = vector.shape_cast %get3A_134 : vector<1x16xf32> to vector<16xf32>
      %mul3A_136 = arith.mulf %select_n3A_95, %get3A_135 : vector<16xf32>
      %get3A_137 = arith.index_cast %scan3A_74 : i32 to index
      %get3A_138 = arith.constant 16 : index
      %get3A_139 = tpu.vector_load %arg10[%get3A_137, %get3A_138] {strides = array<i32>} : memref<32x768xf32, #tpu.memory_space<vmem>>, vector<1x16xf32>,
      %get3A_140 = vector.shape_cast %get3A_139 : vector<1x16xf32> to vector<16xf32>
      %mul3A_141 = arith.mulf %select_n3A_116, %get3A_140 : vector<16xf32>
      %add3A_142 = arith.addf %mul3A_136, %mul3A_141 : vector<16xf32>
      %swap3A_143 = arith.index_cast %scan3A_74 : i32 to index
      %swap3A_144 = arith.constant 16 : index
      %swap3A_145 = tpu.vector_load %arg9[%swap3A_143, %swap3A_144] {strides = array<i32>} : memref<32x768xf32, #tpu.memory_space<vmem>>, vector<1x16xf32>,
      %swap3A_146 = vector.shape_cast %swap3A_145 : vector<1x16xf32> to vector<16xf32>
      %swap3A_147 = vector.shape_cast %add3A_142 : vector<16xf32> to vector<1x16xf32>
      tpu.vector_store %arg9[%swap3A_143, %swap3A_144], %swap3A_147 {strides = array<i32>} : memref<32x768xf32, #tpu.memory_space<vmem>>, vector<1x16xf32>,
      %get3A_148 = arith.index_cast %scan3A_74 : i32 to index
      %get3A_149 = arith.constant 32 : index
      %get3A_150 = tpu.vector_load %arg9[%get3A_148, %get3A_149] {strides = array<i32>} : memref<32x768xf32, #tpu.memory_space<vmem>>, vector<1x16xf32>,
      %get3A_151 = vector.shape_cast %get3A_150 : vector<1x16xf32> to vector<16xf32>
      %mul3A_152 = arith.mulf %select_n3A_95, %get3A_151 : vector<16xf32>
      %get3A_153 = arith.index_cast %scan3A_74 : i32 to index
      %get3A_154 = arith.constant 32 : index
      %get3A_155 = tpu.vector_load %arg10[%get3A_153, %get3A_154] {strides = array<i32>} : memref<32x768xf32, #tpu.memory_space<vmem>>, vector<1x16xf32>,
      %get3A_156 = vector.shape_cast %get3A_155 : vector<1x16xf32> to vector<16xf32>
      %mul3A_157 = arith.mulf %select_n3A_116, %get3A_156 : vector<16xf32>
      %add3A_158 = arith.addf %mul3A_152, %mul3A_157 : vector<16xf32>
      %swap3A_159 = arith.index_cast %scan3A_74 : i32 to index
      %swap3A_160 = arith.constant 32 : index
      %swap3A_161 = tpu.vector_load %arg9[%swap3A_159, %swap3A_160] {strides = array<i32>} : memref<32x768xf32, #tpu.memory_space<vmem>>, vector<1x16xf32>,
      %swap3A_162 = vector.shape_cast %swap3A_161 : vector<1x16xf32> to vector<16xf32>
      %swap3A_163 = vector.shape_cast %add3A_158 : vector<16xf32> to vector<1x16xf32>
      tpu.vector_store %arg9[%swap3A_159, %swap3A_160], %swap3A_163 {strides = array<i32>} : memref<32x768xf32, #tpu.memory_space<vmem>>, vector<1x16xf32>,
      %get3A_164 = arith.index_cast %scan3A_74 : i32 to index
      %get3A_165 = arith.constant 48 : index
      %get3A_166 = tpu.vector_load %arg9[%get3A_164, %get3A_165] {strides = array<i32>} : memref<32x768xf32, #tpu.memory_space<vmem>>, vector<1x16xf32>,
      %get3A_167 = vector.shape_cast %get3A_166 : vector<1x16xf32> to vector<16xf32>
      %mul3A_168 = arith.mulf %select_n3A_95, %get3A_167 : vector<16xf32>
      %get3A_169 = arith.index_cast %scan3A_74 : i32 to index
      %get3A_170 = arith.constant 48 : index
      %get3A_171 = tpu.vector_load %arg10[%get3A_169, %get3A_170] {strides = array<i32>} : memref<32x768xf32, #tpu.memory_space<vmem>>, vector<1x16xf32>,
      %get3A_172 = vector.shape_cast %get3A_171 : vector<1x16xf32> to vector<16xf32>
      %mul3A_173 = arith.mulf %select_n3A_116, %get3A_172 : vector<16xf32>
      %add3A_174 = arith.addf %mul3A_168, %mul3A_173 : vector<16xf32>
      %swap3A_175 = arith.index_cast %scan3A_74 : i32 to index
      %swap3A_176 = arith.constant 48 : index
      %swap3A_177 = tpu.vector_load %arg9[%swap3A_175, %swap3A_176] {strides = array<i32>} : memref<32x768xf32, #tpu.memory_space<vmem>>, vector<1x16xf32>,
      %swap3A_178 = vector.shape_cast %swap3A_177 : vector<1x16xf32> to vector<16xf32>
      %swap3A_179 = vector.shape_cast %add3A_174 : vector<16xf32> to vector<1x16xf32>
      tpu.vector_store %arg9[%swap3A_175, %swap3A_176], %swap3A_179 {strides = array<i32>} : memref<32x768xf32, #tpu.memory_space<vmem>>, vector<1x16xf32>,
      %get3A_180 = arith.index_cast %scan3A_74 : i32 to index
      %get3A_181 = arith.constant 64 : index
      %get3A_182 = tpu.vector_load %arg9[%get3A_180, %get3A_181] {strides = array<i32>} : memref<32x768xf32, #tpu.memory_space<vmem>>, vector<1x16xf32>,
      %get3A_183 = vector.shape_cast %get3A_182 : vector<1x16xf32> to vector<16xf32>
      %mul3A_184 = arith.mulf %select_n3A_95, %get3A_183 : vector<16xf32>
      %get3A_185 = arith.index_cast %scan3A_74 : i32 to index
      %get3A_186 = arith.constant 64 : index
      %get3A_187 = tpu.vector_load %arg10[%get3A_185, %get3A_186] {strides = array<i32>} : memref<32x768xf32, #tpu.memory_space<vmem>>, vector<1x16xf32>,
      %get3A_188 = vector.shape_cast %get3A_187 : vector<1x16xf32> to vector<16xf32>
      %mul3A_189 = arith.mulf %select_n3A_116, %get3A_188 : vector<16xf32>
      %add3A_190 = arith.addf %mul3A_184, %mul3A_189 : vector<16xf32>
      %swap3A_191 = arith.index_cast %scan3A_74 : i32 to index
      %swap3A_192 = arith.constant 64 : index
      %swap3A_193 = tpu.vector_load %arg9[%swap3A_191, %swap3A_192] {strides = array<i32>} : memref<32x768xf32, #tpu.memory_space<vmem>>, vector<1x16xf32>,
      %swap3A_194 = vector.shape_cast %swap3A_193 : vector<1x16xf32> to vector<16xf32>
      %swap3A_195 = vector.shape_cast %add3A_190 : vector<16xf32> to vector<1x16xf32>
      tpu.vector_store %arg9[%swap3A_191, %swap3A_192], %swap3A_195 {strides = array<i32>} : memref<32x768xf32, #tpu.memory_space<vmem>>, vector<1x16xf32>,
      %get3A_196 = arith.index_cast %scan3A_74 : i32 to index
      %get3A_197 = arith.constant 80 : index
      %get3A_198 = tpu.vector_load %arg9[%get3A_196, %get3A_197] {strides = array<i32>} : memref<32x768xf32, #tpu.memory_space<vmem>>, vector<1x16xf32>,
      %get3A_199 = vector.shape_cast %get3A_198 : vector<1x16xf32> to vector<16xf32>
      %mul3A_200 = arith.mulf %select_n3A_95, %get3A_199 : vector<16xf32>
      %get3A_201 = arith.index_cast %scan3A_74 : i32 to index
      %get3A_202 = arith.constant 80 : index
      %get3A_203 = tpu.vector_load %arg10[%get3A_201, %get3A_202] {strides = array<i32>} : memref<32x768xf32, #tpu.memory_space<vmem>>, vector<1x16xf32>,
      %get3A_204 = vector.shape_cast %get3A_203 : vector<1x16xf32> to vector<16xf32>
      %mul3A_205 = arith.mulf %select_n3A_116, %get3A_204 : vector<16xf32>
      %add3A_206 = arith.addf %mul3A_200, %mul3A_205 : vector<16xf32>
      %swap3A_207 = arith.index_cast %scan3A_74 : i32 to index
      %swap3A_208 = arith.constant 80 : index
      %swap3A_209 = tpu.vector_load %arg9[%swap3A_207, %swap3A_208] {strides = array<i32>} : memref<32x768xf32, #tpu.memory_space<vmem>>, vector<1x16xf32>,
      %swap3A_210 = vector.shape_cast %swap3A_209 : vector<1x16xf32> to vector<16xf32>
      %swap3A_211 = vector.shape_cast %add3A_206 : vector<16xf32> to vector<1x16xf32>
      tpu.vector_store %arg9[%swap3A_207, %swap3A_208], %swap3A_211 {strides = array<i32>} : memref<32x768xf32, #tpu.memory_space<vmem>>, vector<1x16xf32>,
      %get3A_212 = arith.index_cast %scan3A_74 : i32 to index
      %get3A_213 = arith.constant 96 : index
      %get3A_214 = tpu.vector_load %arg9[%get3A_212, %get3A_213] {strides = array<i32>} : memref<32x768xf32, #tpu.memory_space<vmem>>, vector<1x16xf32>,
      %get3A_215 = vector.shape_cast %get3A_214 : vector<1x16xf32> to vector<16xf32>
      %mul3A_216 = arith.mulf %select_n3A_95, %get3A_215 : vector<16xf32>
      %get3A_217 = arith.index_cast %scan3A_74 : i32 to index
      %get3A_218 = arith.constant 96 : index
      %get3A_219 = tpu.vector_load %arg10[%get3A_217, %get3A_218] {strides = array<i32>} : memref<32x768xf32, #tpu.memory_space<vmem>>, vector<1x16xf32>,
      %get3A_220 = vector.shape_cast %get3A_219 : vector<1x16xf32> to vector<16xf32>
      %mul3A_221 = arith.mulf %select_n3A_116, %get3A_220 : vector<16xf32>
      %add3A_222 = arith.addf %mul3A_216, %mul3A_221 : vector<16xf32>
      %swap3A_223 = arith.index_cast %scan3A_74 : i32 to index
      %swap3A_224 = arith.constant 96 : index
      %swap3A_225 = tpu.vector_load %arg9[%swap3A_223, %swap3A_224] {strides = array<i32>} : memref<32x768xf32, #tpu.memory_space<vmem>>, vector<1x16xf32>,
      %swap3A_226 = vector.shape_cast %swap3A_225 : vector<1x16xf32> to vector<16xf32>
      %swap3A_227 = vector.shape_cast %add3A_222 : vector<16xf32> to vector<1x16xf32>
      tpu.vector_store %arg9[%swap3A_223, %swap3A_224], %swap3A_227 {strides = array<i32>} : memref<32x768xf32, #tpu.memory_space<vmem>>, vector<1x16xf32>,
      %get3A_228 = arith.index_cast %scan3A_74 : i32 to index
      %get3A_229 = arith.constant 112 : index
      %get3A_230 = tpu.vector_load %arg9[%get3A_228, %get3A_229] {strides = array<i32>} : memref<32x768xf32, #tpu.memory_space<vmem>>, vector<1x16xf32>,
      %get3A_231 = vector.shape_cast %get3A_230 : vector<1x16xf32> to vector<16xf32>
      %mul3A_232 = arith.mulf %select_n3A_95, %get3A_231 : vector<16xf32>
      %get3A_233 = arith.index_cast %scan3A_74 : i32 to index
      %get3A_234 = arith.constant 112 : index
      %get3A_235 = tpu.vector_load %arg10[%get3A_233, %get3A_234] {strides = array<i32>} : memref<32x768xf32, #tpu.memory_space<vmem>>, vector<1x16xf32>,
      %get3A_236 = vector.shape_cast %get3A_235 : vector<1x16xf32> to vector<16xf32>
      %mul3A_237 = arith.mulf %select_n3A_116, %get3A_236 : vector<16xf32>
      %add3A_238 = arith.addf %mul3A_232, %mul3A_237 : vector<16xf32>
      %swap3A_239 = arith.index_cast %scan3A_74 : i32 to index
      %swap3A_240 = arith.constant 112 : index
      %swap3A_241 = tpu.vector_load %arg9[%swap3A_239, %swap3A_240] {strides = array<i32>} : memref<32x768xf32, #tpu.memory_space<vmem>>, vector<1x16xf32>,
      %swap3A_242 = vector.shape_cast %swap3A_241 : vector<1x16xf32> to vector<16xf32>
      %swap3A_243 = vector.shape_cast %add3A_238 : vector<16xf32> to vector<1x16xf32>
      tpu.vector_store %arg9[%swap3A_239, %swap3A_240], %swap3A_243 {strides = array<i32>} : memref<32x768xf32, #tpu.memory_space<vmem>>, vector<1x16xf32>,
      %get3A_244 = arith.index_cast %scan3A_74 : i32 to index
      %get3A_245 = arith.constant 128 : index
      %get3A_246 = tpu.vector_load %arg9[%get3A_244, %get3A_245] {strides = array<i32>} : memref<32x768xf32, #tpu.memory_space<vmem>>, vector<1x16xf32>,
      %get3A_247 = vector.shape_cast %get3A_246 : vector<1x16xf32> to vector<16xf32>
      %mul3A_248 = arith.mulf %select_n3A_95, %get3A_247 : vector<16xf32>
      %get3A_249 = arith.index_cast %scan3A_74 : i32 to index
      %get3A_250 = arith.constant 128 : index
      %get3A_251 = tpu.vector_load %arg10[%get3A_249, %get3A_250] {strides = array<i32>} : memref<32x768xf32, #tpu.memory_space<vmem>>, vector<1x16xf32>,
      %get3A_252 = vector.shape_cast %get3A_251 : vector<1x16xf32> to vector<16xf32>
      %mul3A_253 = arith.mulf %select_n3A_116, %get3A_252 : vector<16xf32>
      %add3A_254 = arith.addf %mul3A_248, %mul3A_253 : vector<16xf32>
      %swap3A_255 = arith.index_cast %scan3A_74 : i32 to index
      %swap3A_256 = arith.constant 128 : index
      %swap3A_257 = tpu.vector_load %arg9[%swap3A_255, %swap3A_256] {strides = array<i32>} : memref<32x768xf32, #tpu.memory_space<vmem>>, vector<1x16xf32>,
      %swap3A_258 = vector.shape_cast %swap3A_257 : vector<1x16xf32> to vector<16xf32>
      %swap3A_259 = vector.shape_cast %add3A_254 : vector<16xf32> to vector<1x16xf32>
      tpu.vector_store %arg9[%swap3A_255, %swap3A_256], %swap3A_259 {strides = array<i32>} : memref<32x768xf32, #tpu.memory_space<vmem>>, vector<1x16xf32>,
      %get3A_260 = arith.index_cast %scan3A_74 : i32 to index
      %get3A_261 = arith.constant 144 : index
      %get3A_262 = tpu.vector_load %arg9[%get3A_260, %get3A_261] {strides = array<i32>} : memref<32x768xf32, #tpu.memory_space<vmem>>, vector<1x16xf32>,
      %get3A_263 = vector.shape_cast %get3A_262 : vector<1x16xf32> to vector<16xf32>
      %mul3A_264 = arith.mulf %select_n3A_95, %get3A_263 : vector<16xf32>
      %get3A_265 = arith.index_cast %scan3A_74 : i32 to index
      %get3A_266 = arith.constant 144 : index
      %get3A_267 = tpu.vector_load %arg10[%get3A_265, %get3A_266] {strides = array<i32>} : memref<32x768xf32, #tpu.memory_space<vmem>>, vector<1x16xf32>,
      %get3A_268 = vector.shape_cast %get3A_267 : vector<1x16xf32> to vector<16xf32>
      %mul3A_269 = arith.mulf %select_n3A_116, %get3A_268 : vector<16xf32>
      %add3A_270 = arith.addf %mul3A_264, %mul3A_269 : vector<16xf32>
      %swap3A_271 = arith.index_cast %scan3A_74 : i32 to index
      %swap3A_272 = arith.constant 144 : index
      %swap3A_273 = tpu.vector_load %arg9[%swap3A_271, %swap3A_272] {strides = array<i32>} : memref<32x768xf32, #tpu.memory_space<vmem>>, vector<1x16xf32>,
      %swap3A_274 = vector.shape_cast %swap3A_273 : vector<1x16xf32> to vector<16xf32>
      %swap3A_275 = vector.shape_cast %add3A_270 : vector<16xf32> to vector<1x16xf32>
      tpu.vector_store %arg9[%swap3A_271, %swap3A_272], %swap3A_275 {strides = array<i32>} : memref<32x768xf32, #tpu.memory_space<vmem>>, vector<1x16xf32>,
      %get3A_276 = arith.index_cast %scan3A_74 : i32 to index
      %get3A_277 = arith.constant 160 : index
      %get3A_278 = tpu.vector_load %arg9[%get3A_276, %get3A_277] {strides = array<i32>} : memref<32x768xf32, #tpu.memory_space<vmem>>, vector<1x16xf32>,
      %get3A_279 = vector.shape_cast %get3A_278 : vector<1x16xf32> to vector<16xf32>
      %mul3A_280 = arith.mulf %select_n3A_95, %get3A_279 : vector<16xf32>
      %get3A_281 = arith.index_cast %scan3A_74 : i32 to index
      %get3A_282 = arith.constant 160 : index
      %get3A_283 = tpu.vector_load %arg10[%get3A_281, %get3A_282] {strides = array<i32>} : memref<32x768xf32, #tpu.memory_space<vmem>>, vector<1x16xf32>,
      %get3A_284 = vector.shape_cast %get3A_283 : vector<1x16xf32> to vector<16xf32>
      %mul3A_285 = arith.mulf %select_n3A_116, %get3A_284 : vector<16xf32>
      %add3A_286 = arith.addf %mul3A_280, %mul3A_285 : vector<16xf32>
      %swap3A_287 = arith.index_cast %scan3A_74 : i32 to index
      %swap3A_288 = arith.constant 160 : index
      %swap3A_289 = tpu.vector_load %arg9[%swap3A_287, %swap3A_288] {strides = array<i32>} : memref<32x768xf32, #tpu.memory_space<vmem>>, vector<1x16xf32>,
      %swap3A_290 = vector.shape_cast %swap3A_289 : vector<1x16xf32> to vector<16xf32>
      %swap3A_291 = vector.shape_cast %add3A_286 : vector<16xf32> to vector<1x16xf32>
      tpu.vector_store %arg9[%swap3A_287, %swap3A_288], %swap3A_291 {strides = array<i32>} : memref<32x768xf32, #tpu.memory_space<vmem>>, vector<1x16xf32>,
      %get3A_292 = arith.index_cast %scan3A_74 : i32 to index
      %get3A_293 = arith.constant 176 : index
      %get3A_294 = tpu.vector_load %arg9[%get3A_292, %get3A_293] {strides = array<i32>} : memref<32x768xf32, #tpu.memory_space<vmem>>, vector<1x16xf32>,
      %get3A_295 = vector.shape_cast %get3A_294 : vector<1x16xf32> to vector<16xf32>
      %mul3A_296 = arith.mulf %select_n3A_95, %get3A_295 : vector<16xf32>
      %get3A_297 = arith.index_cast %scan3A_74 : i32 to index
      %get3A_298 = arith.constant 176 : index
      %get3A_299 = tpu.vector_load %arg10[%get3A_297, %get3A_298] {strides = array<i32>} : memref<32x768xf32, #tpu.memory_space<vmem>>, vector<1x16xf32>,
      %get3A_300 = vector.shape_cast %get3A_299 : vector<1x16xf32> to vector<16xf32>
      %mul3A_301 = arith.mulf %select_n3A_116, %get3A_300 : vector<16xf32>
      %add3A_302 = arith.addf %mul3A_296, %mul3A_301 : vector<16xf32>
      %swap3A_303 = arith.index_cast %scan3A_74 : i32 to index
      %swap3A_304 = arith.constant 176 : index
      %swap3A_305 = tpu.vector_load %arg9[%swap3A_303, %swap3A_304] {strides = array<i32>} : memref<32x768xf32, #tpu.memory_space<vmem>>, vector<1x16xf32>,
      %swap3A_306 = vector.shape_cast %swap3A_305 : vector<1x16xf32> to vector<16xf32>
      %swap3A_307 = vector.shape_cast %add3A_302 : vector<16xf32> to vector<1x16xf32>
      tpu.vector_store %arg9[%swap3A_303, %swap3A_304], %swap3A_307 {strides = array<i32>} : memref<32x768xf32, #tpu.memory_space<vmem>>, vector<1x16xf32>,
      %get3A_308 = arith.index_cast %scan3A_74 : i32 to index
      %get3A_309 = arith.constant 192 : index
      %get3A_310 = tpu.vector_load %arg9[%get3A_308, %get3A_309] {strides = array<i32>} : memref<32x768xf32, #tpu.memory_space<vmem>>, vector<1x16xf32>,
      %get3A_311 = vector.shape_cast %get3A_310 : vector<1x16xf32> to vector<16xf32>
      %mul3A_312 = arith.mulf %select_n3A_95, %get3A_311 : vector<16xf32>
      %get3A_313 = arith.index_cast %scan3A_74 : i32 to index
      %get3A_314 = arith.constant 192 : index
      %get3A_315 = tpu.vector_load %arg10[%get3A_313, %get3A_314] {strides = array<i32>} : memref<32x768xf32, #tpu.memory_space<vmem>>, vector<1x16xf32>,
      %get3A_316 = vector.shape_cast %get3A_315 : vector<1x16xf32> to vector<16xf32>
      %mul3A_317 = arith.mulf %select_n3A_116, %get3A_316 : vector<16xf32>
      %add3A_318 = arith.addf %mul3A_312, %mul3A_317 : vector<16xf32>
      %swap3A_319 = arith.index_cast %scan3A_74 : i32 to index
      %swap3A_320 = arith.constant 192 : index
      %swap3A_321 = tpu.vector_load %arg9[%swap3A_319, %swap3A_320] {strides = array<i32>} : memref<32x768xf32, #tpu.memory_space<vmem>>, vector<1x16xf32>,
      %swap3A_322 = vector.shape_cast %swap3A_321 : vector<1x16xf32> to vector<16xf32>
      %swap3A_323 = vector.shape_cast %add3A_318 : vector<16xf32> to vector<1x16xf32>
      tpu.vector_store %arg9[%swap3A_319, %swap3A_320], %swap3A_323 {strides = array<i32>} : memref<32x768xf32, #tpu.memory_space<vmem>>, vector<1x16xf32>,
      %get3A_324 = arith.index_cast %scan3A_74 : i32 to index
      %get3A_325 = arith.constant 208 : index
      %get3A_326 = tpu.vector_load %arg9[%get3A_324, %get3A_325] {strides = array<i32>} : memref<32x768xf32, #tpu.memory_space<vmem>>, vector<1x16xf32>,
      %get3A_327 = vector.shape_cast %get3A_326 : vector<1x16xf32> to vector<16xf32>
      %mul3A_328 = arith.mulf %select_n3A_95, %get3A_327 : vector<16xf32>
      %get3A_329 = arith.index_cast %scan3A_74 : i32 to index
      %get3A_330 = arith.constant 208 : index
      %get3A_331 = tpu.vector_load %arg10[%get3A_329, %get3A_330] {strides = array<i32>} : memref<32x768xf32, #tpu.memory_space<vmem>>, vector<1x16xf32>,
      %get3A_332 = vector.shape_cast %get3A_331 : vector<1x16xf32> to vector<16xf32>
      %mul3A_333 = arith.mulf %select_n3A_116, %get3A_332 : vector<16xf32>
      %add3A_334 = arith.addf %mul3A_328, %mul3A_333 : vector<16xf32>
      %swap3A_335 = arith.index_cast %scan3A_74 : i32 to index
      %swap3A_336 = arith.constant 208 : index
      %swap3A_337 = tpu.vector_load %arg9[%swap3A_335, %swap3A_336] {strides = array<i32>} : memref<32x768xf32, #tpu.memory_space<vmem>>, vector<1x16xf32>,
      %swap3A_338 = vector.shape_cast %swap3A_337 : vector<1x16xf32> to vector<16xf32>
      %swap3A_339 = vector.shape_cast %add3A_334 : vector<16xf32> to vector<1x16xf32>
      tpu.vector_store %arg9[%swap3A_335, %swap3A_336], %swap3A_339 {strides = array<i32>} : memref<32x768xf32, #tpu.memory_space<vmem>>, vector<1x16xf32>,
      %get3A_340 = arith.index_cast %scan3A_74 : i32 to index
      %get3A_341 = arith.constant 224 : index
      %get3A_342 = tpu.vector_load %arg9[%get3A_340, %get3A_341] {strides = array<i32>} : memref<32x768xf32, #tpu.memory_space<vmem>>, vector<1x16xf32>,
      %get3A_343 = vector.shape_cast %get3A_342 : vector<1x16xf32> to vector<16xf32>
      %mul3A_344 = arith.mulf %select_n3A_95, %get3A_343 : vector<16xf32>
      %get3A_345 = arith.index_cast %scan3A_74 : i32 to index
      %get3A_346 = arith.constant 224 : index
      %get3A_347 = tpu.vector_load %arg10[%get3A_345, %get3A_346] {strides = array<i32>} : memref<32x768xf32, #tpu.memory_space<vmem>>, vector<1x16xf32>,
      %get3A_348 = vector.shape_cast %get3A_347 : vector<1x16xf32> to vector<16xf32>
      %mul3A_349 = arith.mulf %select_n3A_116, %get3A_348 : vector<16xf32>
      %add3A_350 = arith.addf %mul3A_344, %mul3A_349 : vector<16xf32>
      %swap3A_351 = arith.index_cast %scan3A_74 : i32 to index
      %swap3A_352 = arith.constant 224 : index
      %swap3A_353 = tpu.vector_load %arg9[%swap3A_351, %swap3A_352] {strides = array<i32>} : memref<32x768xf32, #tpu.memory_space<vmem>>, vector<1x16xf32>,
      %swap3A_354 = vector.shape_cast %swap3A_353 : vector<1x16xf32> to vector<16xf32>
      %swap3A_355 = vector.shape_cast %add3A_350 : vector<16xf32> to vector<1x16xf32>
      tpu.vector_store %arg9[%swap3A_351, %swap3A_352], %swap3A_355 {strides = array<i32>} : memref<32x768xf32, #tpu.memory_space<vmem>>, vector<1x16xf32>,
      %get3A_356 = arith.index_cast %scan3A_74 : i32 to index
      %get3A_357 = arith.constant 240 : index
      %get3A_358 = tpu.vector_load %arg9[%get3A_356, %get3A_357] {strides = array<i32>} : memref<32x768xf32, #tpu.memory_space<vmem>>, vector<1x16xf32>,
      %get3A_359 = vector.shape_cast %get3A_358 : vector<1x16xf32> to vector<16xf32>
      %mul3A_360 = arith.mulf %select_n3A_95, %get3A_359 : vector<16xf32>
      %get3A_361 = arith.index_cast %scan3A_74 : i32 to index
      %get3A_362 = arith.constant 240 : index
      %get3A_363 = tpu.vector_load %arg10[%get3A_361, %get3A_362] {strides = array<i32>} : memref<32x768xf32, #tpu.memory_space<vmem>>, vector<1x16xf32>,
      %get3A_364 = vector.shape_cast %get3A_363 : vector<1x16xf32> to vector<16xf32>
      %mul3A_365 = arith.mulf %select_n3A_116, %get3A_364 : vector<16xf32>
      %add3A_366 = arith.addf %mul3A_360, %mul3A_365 : vector<16xf32>
      %swap3A_367 = arith.index_cast %scan3A_74 : i32 to index
      %swap3A_368 = arith.constant 240 : index
      %swap3A_369 = tpu.vector_load %arg9[%swap3A_367, %swap3A_368] {strides = array<i32>} : memref<32x768xf32, #tpu.memory_space<vmem>>, vector<1x16xf32>,
      %swap3A_370 = vector.shape_cast %swap3A_369 : vector<1x16xf32> to vector<16xf32>
      %swap3A_371 = vector.shape_cast %add3A_366 : vector<16xf32> to vector<1x16xf32>
      tpu.vector_store %arg9[%swap3A_367, %swap3A_368], %swap3A_371 {strides = array<i32>} : memref<32x768xf32, #tpu.memory_space<vmem>>, vector<1x16xf32>,
      %get3A_372 = arith.index_cast %scan3A_74 : i32 to index
      %get3A_373 = arith.constant 256 : index
      %get3A_374 = tpu.vector_load %arg9[%get3A_372, %get3A_373] {strides = array<i32>} : memref<32x768xf32, #tpu.memory_space<vmem>>, vector<1x16xf32>,
      %get3A_375 = vector.shape_cast %get3A_374 : vector<1x16xf32> to vector<16xf32>
      %mul3A_376 = arith.mulf %select_n3A_95, %get3A_375 : vector<16xf32>
      %get3A_377 = arith.index_cast %scan3A_74 : i32 to index
      %get3A_378 = arith.constant 256 : index
      %get3A_379 = tpu.vector_load %arg10[%get3A_377, %get3A_378] {strides = array<i32>} : memref<32x768xf32, #tpu.memory_space<vmem>>, vector<1x16xf32>,
      %get3A_380 = vector.shape_cast %get3A_379 : vector<1x16xf32> to vector<16xf32>
      %mul3A_381 = arith.mulf %select_n3A_116, %get3A_380 : vector<16xf32>
      %add3A_382 = arith.addf %mul3A_376, %mul3A_381 : vector<16xf32>
      %swap3A_383 = arith.index_cast %scan3A_74 : i32 to index
      %swap3A_384 = arith.constant 256 : index
      %swap3A_385 = tpu.vector_load %arg9[%swap3A_383, %swap3A_384] {strides = array<i32>} : memref<32x768xf32, #tpu.memory_space<vmem>>, vector<1x16xf32>,
      %swap3A_386 = vector.shape_cast %swap3A_385 : vector<1x16xf32> to vector<16xf32>
      %swap3A_387 = vector.shape_cast %add3A_382 : vector<16xf32> to vector<1x16xf32>
      tpu.vector_store %arg9[%swap3A_383, %swap3A_384], %swap3A_387 {strides = array<i32>} : memref<32x768xf32, #tpu.memory_space<vmem>>, vector<1x16xf32>,
      %get3A_388 = arith.index_cast %scan3A_74 : i32 to index
      %get3A_389 = arith.constant 272 : index
      %get3A_390 = tpu.vector_load %arg9[%get3A_388, %get3A_389] {strides = array<i32>} : memref<32x768xf32, #tpu.memory_space<vmem>>, vector<1x16xf32>,
      %get3A_391 = vector.shape_cast %get3A_390 : vector<1x16xf32> to vector<16xf32>
      %mul3A_392 = arith.mulf %select_n3A_95, %get3A_391 : vector<16xf32>
      %get3A_393 = arith.index_cast %scan3A_74 : i32 to index
      %get3A_394 = arith.constant 272 : index
      %get3A_395 = tpu.vector_load %arg10[%get3A_393, %get3A_394] {strides = array<i32>} : memref<32x768xf32, #tpu.memory_space<vmem>>, vector<1x16xf32>,
      %get3A_396 = vector.shape_cast %get3A_395 : vector<1x16xf32> to vector<16xf32>
      %mul3A_397 = arith.mulf %select_n3A_116, %get3A_396 : vector<16xf32>
      %add3A_398 = arith.addf %mul3A_392, %mul3A_397 : vector<16xf32>
      %swap3A_399 = arith.index_cast %scan3A_74 : i32 to index
      %swap3A_400 = arith.constant 272 : index
      %swap3A_401 = tpu.vector_load %arg9[%swap3A_399, %swap3A_400] {strides = array<i32>} : memref<32x768xf32, #tpu.memory_space<vmem>>, vector<1x16xf32>,
      %swap3A_402 = vector.shape_cast %swap3A_401 : vector<1x16xf32> to vector<16xf32>
      %swap3A_403 = vector.shape_cast %add3A_398 : vector<16xf32> to vector<1x16xf32>
      tpu.vector_store %arg9[%swap3A_399, %swap3A_400], %swap3A_403 {strides = array<i32>} : memref<32x768xf32, #tpu.memory_space<vmem>>, vector<1x16xf32>,
      %get3A_404 = arith.index_cast %scan3A_74 : i32 to index
      %get3A_405 = arith.constant 288 : index
      %get3A_406 = tpu.vector_load %arg9[%get3A_404, %get3A_405] {strides = array<i32>} : memref<32x768xf32, #tpu.memory_space<vmem>>, vector<1x16xf32>,
      %get3A_407 = vector.shape_cast %get3A_406 : vector<1x16xf32> to vector<16xf32>
      %mul3A_408 = arith.mulf %select_n3A_95, %get3A_407 : vector<16xf32>
      %get3A_409 = arith.index_cast %scan3A_74 : i32 to index
      %get3A_410 = arith.constant 288 : index
      %get3A_411 = tpu.vector_load %arg10[%get3A_409, %get3A_410] {strides = array<i32>} : memref<32x768xf32, #tpu.memory_space<vmem>>, vector<1x16xf32>,
      %get3A_412 = vector.shape_cast %get3A_411 : vector<1x16xf32> to vector<16xf32>
      %mul3A_413 = arith.mulf %select_n3A_116, %get3A_412 : vector<16xf32>
      %add3A_414 = arith.addf %mul3A_408, %mul3A_413 : vector<16xf32>
      %swap3A_415 = arith.index_cast %scan3A_74 : i32 to index
      %swap3A_416 = arith.constant 288 : index
      %swap3A_417 = tpu.vector_load %arg9[%swap3A_415, %swap3A_416] {strides = array<i32>} : memref<32x768xf32, #tpu.memory_space<vmem>>, vector<1x16xf32>,
      %swap3A_418 = vector.shape_cast %swap3A_417 : vector<1x16xf32> to vector<16xf32>
      %swap3A_419 = vector.shape_cast %add3A_414 : vector<16xf32> to vector<1x16xf32>
      tpu.vector_store %arg9[%swap3A_415, %swap3A_416], %swap3A_419 {strides = array<i32>} : memref<32x768xf32, #tpu.memory_space<vmem>>, vector<1x16xf32>,
      %get3A_420 = arith.index_cast %scan3A_74 : i32 to index
      %get3A_421 = arith.constant 304 : index
      %get3A_422 = tpu.vector_load %arg9[%get3A_420, %get3A_421] {strides = array<i32>} : memref<32x768xf32, #tpu.memory_space<vmem>>, vector<1x16xf32>,
      %get3A_423 = vector.shape_cast %get3A_422 : vector<1x16xf32> to vector<16xf32>
      %mul3A_424 = arith.mulf %select_n3A_95, %get3A_423 : vector<16xf32>
      %get3A_425 = arith.index_cast %scan3A_74 : i32 to index
      %get3A_426 = arith.constant 304 : index
      %get3A_427 = tpu.vector_load %arg10[%get3A_425, %get3A_426] {strides = array<i32>} : memref<32x768xf32, #tpu.memory_space<vmem>>, vector<1x16xf32>,
      %get3A_428 = vector.shape_cast %get3A_427 : vector<1x16xf32> to vector<16xf32>
      %mul3A_429 = arith.mulf %select_n3A_116, %get3A_428 : vector<16xf32>
      %add3A_430 = arith.addf %mul3A_424, %mul3A_429 : vector<16xf32>
      %swap3A_431 = arith.index_cast %scan3A_74 : i32 to index
      %swap3A_432 = arith.constant 304 : index
      %swap3A_433 = tpu.vector_load %arg9[%swap3A_431, %swap3A_432] {strides = array<i32>} : memref<32x768xf32, #tpu.memory_space<vmem>>, vector<1x16xf32>,
      %swap3A_434 = vector.shape_cast %swap3A_433 : vector<1x16xf32> to vector<16xf32>
      %swap3A_435 = vector.shape_cast %add3A_430 : vector<16xf32> to vector<1x16xf32>
      tpu.vector_store %arg9[%swap3A_431, %swap3A_432], %swap3A_435 {strides = array<i32>} : memref<32x768xf32, #tpu.memory_space<vmem>>, vector<1x16xf32>,
      %get3A_436 = arith.index_cast %scan3A_74 : i32 to index
      %get3A_437 = arith.constant 320 : index
      %get3A_438 = tpu.vector_load %arg9[%get3A_436, %get3A_437] {strides = array<i32>} : memref<32x768xf32, #tpu.memory_space<vmem>>, vector<1x16xf32>,
      %get3A_439 = vector.shape_cast %get3A_438 : vector<1x16xf32> to vector<16xf32>
      %mul3A_440 = arith.mulf %select_n3A_95, %get3A_439 : vector<16xf32>
      %get3A_441 = arith.index_cast %scan3A_74 : i32 to index
      %get3A_442 = arith.constant 320 : index
      %get3A_443 = tpu.vector_load %arg10[%get3A_441, %get3A_442] {strides = array<i32>} : memref<32x768xf32, #tpu.memory_space<vmem>>, vector<1x16xf32>,
      %get3A_444 = vector.shape_cast %get3A_443 : vector<1x16xf32> to vector<16xf32>
      %mul3A_445 = arith.mulf %select_n3A_116, %get3A_444 : vector<16xf32>
      %add3A_446 = arith.addf %mul3A_440, %mul3A_445 : vector<16xf32>
      %swap3A_447 = arith.index_cast %scan3A_74 : i32 to index
      %swap3A_448 = arith.constant 320 : index
      %swap3A_449 = tpu.vector_load %arg9[%swap3A_447, %swap3A_448] {strides = array<i32>} : memref<32x768xf32, #tpu.memory_space<vmem>>, vector<1x16xf32>,
      %swap3A_450 = vector.shape_cast %swap3A_449 : vector<1x16xf32> to vector<16xf32>
      %swap3A_451 = vector.shape_cast %add3A_446 : vector<16xf32> to vector<1x16xf32>
      tpu.vector_store %arg9[%swap3A_447, %swap3A_448], %swap3A_451 {strides = array<i32>} : memref<32x768xf32, #tpu.memory_space<vmem>>, vector<1x16xf32>,
      %get3A_452 = arith.index_cast %scan3A_74 : i32 to index
      %get3A_453 = arith.constant 336 : index
      %get3A_454 = tpu.vector_load %arg9[%get3A_452, %get3A_453] {strides = array<i32>} : memref<32x768xf32, #tpu.memory_space<vmem>>, vector<1x16xf32>,
      %get3A_455 = vector.shape_cast %get3A_454 : vector<1x16xf32> to vector<16xf32>
      %mul3A_456 = arith.mulf %select_n3A_95, %get3A_455 : vector<16xf32>
      %get3A_457 = arith.index_cast %scan3A_74 : i32 to index
      %get3A_458 = arith.constant 336 : index
      %get3A_459 = tpu.vector_load %arg10[%get3A_457, %get3A_458] {strides = array<i32>} : memref<32x768xf32, #tpu.memory_space<vmem>>, vector<1x16xf32>,
      %get3A_460 = vector.shape_cast %get3A_459 : vector<1x16xf32> to vector<16xf32>
      %mul3A_461 = arith.mulf %select_n3A_116, %get3A_460 : vector<16xf32>
      %add3A_462 = arith.addf %mul3A_456, %mul3A_461 : vector<16xf32>
      %swap3A_463 = arith.index_cast %scan3A_74 : i32 to index
      %swap3A_464 = arith.constant 336 : index
      %swap3A_465 = tpu.vector_load %arg9[%swap3A_463, %swap3A_464] {strides = array<i32>} : memref<32x768xf32, #tpu.memory_space<vmem>>, vector<1x16xf32>,
      %swap3A_466 = vector.shape_cast %swap3A_465 : vector<1x16xf32> to vector<16xf32>
      %swap3A_467 = vector.shape_cast %add3A_462 : vector<16xf32> to vector<1x16xf32>
      tpu.vector_store %arg9[%swap3A_463, %swap3A_464], %swap3A_467 {strides = array<i32>} : memref<32x768xf32, #tpu.memory_space<vmem>>, vector<1x16xf32>,
      %get3A_468 = arith.index_cast %scan3A_74 : i32 to index
      %get3A_469 = arith.constant 352 : index
      %get3A_470 = tpu.vector_load %arg9[%get3A_468, %get3A_469] {strides = array<i32>} : memref<32x768xf32, #tpu.memory_space<vmem>>, vector<1x16xf32>,
      %get3A_471 = vector.shape_cast %get3A_470 : vector<1x16xf32> to vector<16xf32>
      %mul3A_472 = arith.mulf %select_n3A_95, %get3A_471 : vector<16xf32>
      %get3A_473 = arith.index_cast %scan3A_74 : i32 to index
      %get3A_474 = arith.constant 352 : index
      %get3A_475 = tpu.vector_load %arg10[%get3A_473, %get3A_474] {strides = array<i32>} : memref<32x768xf32, #tpu.memory_space<vmem>>, vector<1x16xf32>,
      %get3A_476 = vector.shape_cast %get3A_475 : vector<1x16xf32> to vector<16xf32>
      %mul3A_477 = arith.mulf %select_n3A_116, %get3A_476 : vector<16xf32>
      %add3A_478 = arith.addf %mul3A_472, %mul3A_477 : vector<16xf32>
      %swap3A_479 = arith.index_cast %scan3A_74 : i32 to index
      %swap3A_480 = arith.constant 352 : index
      %swap3A_481 = tpu.vector_load %arg9[%swap3A_479, %swap3A_480] {strides = array<i32>} : memref<32x768xf32, #tpu.memory_space<vmem>>, vector<1x16xf32>,
      %swap3A_482 = vector.shape_cast %swap3A_481 : vector<1x16xf32> to vector<16xf32>
      %swap3A_483 = vector.shape_cast %add3A_478 : vector<16xf32> to vector<1x16xf32>
      tpu.vector_store %arg9[%swap3A_479, %swap3A_480], %swap3A_483 {strides = array<i32>} : memref<32x768xf32, #tpu.memory_space<vmem>>, vector<1x16xf32>,
      %get3A_484 = arith.index_cast %scan3A_74 : i32 to index
      %get3A_485 = arith.constant 368 : index
      %get3A_486 = tpu.vector_load %arg9[%get3A_484, %get3A_485] {strides = array<i32>} : memref<32x768xf32, #tpu.memory_space<vmem>>, vector<1x16xf32>,
      %get3A_487 = vector.shape_cast %get3A_486 : vector<1x16xf32> to vector<16xf32>
      %mul3A_488 = arith.mulf %select_n3A_95, %get3A_487 : vector<16xf32>
      %get3A_489 = arith.index_cast %scan3A_74 : i32 to index
      %get3A_490 = arith.constant 368 : index
      %get3A_491 = tpu.vector_load %arg10[%get3A_489, %get3A_490] {strides = array<i32>} : memref<32x768xf32, #tpu.memory_space<vmem>>, vector<1x16xf32>,
      %get3A_492 = vector.shape_cast %get3A_491 : vector<1x16xf32> to vector<16xf32>
      %mul3A_493 = arith.mulf %select_n3A_116, %get3A_492 : vector<16xf32>
      %add3A_494 = arith.addf %mul3A_488, %mul3A_493 : vector<16xf32>
      %swap3A_495 = arith.index_cast %scan3A_74 : i32 to index
      %swap3A_496 = arith.constant 368 : index
      %swap3A_497 = tpu.vector_load %arg9[%swap3A_495, %swap3A_496] {strides = array<i32>} : memref<32x768xf32, #tpu.memory_space<vmem>>, vector<1x16xf32>,
      %swap3A_498 = vector.shape_cast %swap3A_497 : vector<1x16xf32> to vector<16xf32>
      %swap3A_499 = vector.shape_cast %add3A_494 : vector<16xf32> to vector<1x16xf32>
      tpu.vector_store %arg9[%swap3A_495, %swap3A_496], %swap3A_499 {strides = array<i32>} : memref<32x768xf32, #tpu.memory_space<vmem>>, vector<1x16xf32>,
      %get3A_500 = arith.index_cast %scan3A_74 : i32 to index
      %get3A_501 = arith.constant 384 : index
      %get3A_502 = tpu.vector_load %arg9[%get3A_500, %get3A_501] {strides = array<i32>} : memref<32x768xf32, #tpu.memory_space<vmem>>, vector<1x16xf32>,
      %get3A_503 = vector.shape_cast %get3A_502 : vector<1x16xf32> to vector<16xf32>
      %mul3A_504 = arith.mulf %select_n3A_95, %get3A_503 : vector<16xf32>
      %get3A_505 = arith.index_cast %scan3A_74 : i32 to index
      %get3A_506 = arith.constant 384 : index
      %get3A_507 = tpu.vector_load %arg10[%get3A_505, %get3A_506] {strides = array<i32>} : memref<32x768xf32, #tpu.memory_space<vmem>>, vector<1x16xf32>,
      %get3A_508 = vector.shape_cast %get3A_507 : vector<1x16xf32> to vector<16xf32>
      %mul3A_509 = arith.mulf %select_n3A_116, %get3A_508 : vector<16xf32>
      %add3A_510 = arith.addf %mul3A_504, %mul3A_509 : vector<16xf32>
      %swap3A_511 = arith.index_cast %scan3A_74 : i32 to index
      %swap3A_512 = arith.constant 384 : index
      %swap3A_513 = tpu.vector_load %arg9[%swap3A_511, %swap3A_512] {strides = array<i32>} : memref<32x768xf32, #tpu.memory_space<vmem>>, vector<1x16xf32>,
      %swap3A_514 = vector.shape_cast %swap3A_513 : vector<1x16xf32> to vector<16xf32>
      %swap3A_515 = vector.shape_cast %add3A_510 : vector<16xf32> to vector<1x16xf32>
      tpu.vector_store %arg9[%swap3A_511, %swap3A_512], %swap3A_515 {strides = array<i32>} : memref<32x768xf32, #tpu.memory_space<vmem>>, vector<1x16xf32>,
      %get3A_516 = arith.index_cast %scan3A_74 : i32 to index
      %get3A_517 = arith.constant 400 : index
      %get3A_518 = tpu.vector_load %arg9[%get3A_516, %get3A_517] {strides = array<i32>} : memref<32x768xf32, #tpu.memory_space<vmem>>, vector<1x16xf32>,
      %get3A_519 = vector.shape_cast %get3A_518 : vector<1x16xf32> to vector<16xf32>
      %mul3A_520 = arith.mulf %select_n3A_95, %get3A_519 : vector<16xf32>
      %get3A_521 = arith.index_cast %scan3A_74 : i32 to index
      %get3A_522 = arith.constant 400 : index
      %get3A_523 = tpu.vector_load %arg10[%get3A_521, %get3A_522] {strides = array<i32>} : memref<32x768xf32, #tpu.memory_space<vmem>>, vector<1x16xf32>,
      %get3A_524 = vector.shape_cast %get3A_523 : vector<1x16xf32> to vector<16xf32>
      %mul3A_525 = arith.mulf %select_n3A_116, %get3A_524 : vector<16xf32>
      %add3A_526 = arith.addf %mul3A_520, %mul3A_525 : vector<16xf32>
      %swap3A_527 = arith.index_cast %scan3A_74 : i32 to index
      %swap3A_528 = arith.constant 400 : index
      %swap3A_529 = tpu.vector_load %arg9[%swap3A_527, %swap3A_528] {strides = array<i32>} : memref<32x768xf32, #tpu.memory_space<vmem>>, vector<1x16xf32>,
      %swap3A_530 = vector.shape_cast %swap3A_529 : vector<1x16xf32> to vector<16xf32>
      %swap3A_531 = vector.shape_cast %add3A_526 : vector<16xf32> to vector<1x16xf32>
      tpu.vector_store %arg9[%swap3A_527, %swap3A_528], %swap3A_531 {strides = array<i32>} : memref<32x768xf32, #tpu.memory_space<vmem>>, vector<1x16xf32>,
      %get3A_532 = arith.index_cast %scan3A_74 : i32 to index
      %get3A_533 = arith.constant 416 : index
      %get3A_534 = tpu.vector_load %arg9[%get3A_532, %get3A_533] {strides = array<i32>} : memref<32x768xf32, #tpu.memory_space<vmem>>, vector<1x16xf32>,
      %get3A_535 = vector.shape_cast %get3A_534 : vector<1x16xf32> to vector<16xf32>
      %mul3A_536 = arith.mulf %select_n3A_95, %get3A_535 : vector<16xf32>
      %get3A_537 = arith.index_cast %scan3A_74 : i32 to index
      %get3A_538 = arith.constant 416 : index
      %get3A_539 = tpu.vector_load %arg10[%get3A_537, %get3A_538] {strides = array<i32>} : memref<32x768xf32, #tpu.memory_space<vmem>>, vector<1x16xf32>,
      %get3A_540 = vector.shape_cast %get3A_539 : vector<1x16xf32> to vector<16xf32>
      %mul3A_541 = arith.mulf %select_n3A_116, %get3A_540 : vector<16xf32>
      %add3A_542 = arith.addf %mul3A_536, %mul3A_541 : vector<16xf32>
      %swap3A_543 = arith.index_cast %scan3A_74 : i32 to index
      %swap3A_544 = arith.constant 416 : index
      %swap3A_545 = tpu.vector_load %arg9[%swap3A_543, %swap3A_544] {strides = array<i32>} : memref<32x768xf32, #tpu.memory_space<vmem>>, vector<1x16xf32>,
      %swap3A_546 = vector.shape_cast %swap3A_545 : vector<1x16xf32> to vector<16xf32>
      %swap3A_547 = vector.shape_cast %add3A_542 : vector<16xf32> to vector<1x16xf32>
      tpu.vector_store %arg9[%swap3A_543, %swap3A_544], %swap3A_547 {strides = array<i32>} : memref<32x768xf32, #tpu.memory_space<vmem>>, vector<1x16xf32>,
      %get3A_548 = arith.index_cast %scan3A_74 : i32 to index
      %get3A_549 = arith.constant 432 : index
      %get3A_550 = tpu.vector_load %arg9[%get3A_548, %get3A_549] {strides = array<i32>} : memref<32x768xf32, #tpu.memory_space<vmem>>, vector<1x16xf32>,
      %get3A_551 = vector.shape_cast %get3A_550 : vector<1x16xf32> to vector<16xf32>
      %mul3A_552 = arith.mulf %select_n3A_95, %get3A_551 : vector<16xf32>
      %get3A_553 = arith.index_cast %scan3A_74 : i32 to index
      %get3A_554 = arith.constant 432 : index
      %get3A_555 = tpu.vector_load %arg10[%get3A_553, %get3A_554] {strides = array<i32>} : memref<32x768xf32, #tpu.memory_space<vmem>>, vector<1x16xf32>,
      %get3A_556 = vector.shape_cast %get3A_555 : vector<1x16xf32> to vector<16xf32>
      %mul3A_557 = arith.mulf %select_n3A_116, %get3A_556 : vector<16xf32>
      %add3A_558 = arith.addf %mul3A_552, %mul3A_557 : vector<16xf32>
      %swap3A_559 = arith.index_cast %scan3A_74 : i32 to index
      %swap3A_560 = arith.constant 432 : index
      %swap3A_561 = tpu.vector_load %arg9[%swap3A_559, %swap3A_560] {strides = array<i32>} : memref<32x768xf32, #tpu.memory_space<vmem>>, vector<1x16xf32>,
      %swap3A_562 = vector.shape_cast %swap3A_561 : vector<1x16xf32> to vector<16xf32>
      %swap3A_563 = vector.shape_cast %add3A_558 : vector<16xf32> to vector<1x16xf32>
      tpu.vector_store %arg9[%swap3A_559, %swap3A_560], %swap3A_563 {strides = array<i32>} : memref<32x768xf32, #tpu.memory_space<vmem>>, vector<1x16xf32>,
      %get3A_564 = arith.index_cast %scan3A_74 : i32 to index
      %get3A_565 = arith.constant 448 : index
      %get3A_566 = tpu.vector_load %arg9[%get3A_564, %get3A_565] {strides = array<i32>} : memref<32x768xf32, #tpu.memory_space<vmem>>, vector<1x16xf32>,
      %get3A_567 = vector.shape_cast %get3A_566 : vector<1x16xf32> to vector<16xf32>
      %mul3A_568 = arith.mulf %select_n3A_95, %get3A_567 : vector<16xf32>
      %get3A_569 = arith.index_cast %scan3A_74 : i32 to index
      %get3A_570 = arith.constant 448 : index
      %get3A_571 = tpu.vector_load %arg10[%get3A_569, %get3A_570] {strides = array<i32>} : memref<32x768xf32, #tpu.memory_space<vmem>>, vector<1x16xf32>,
      %get3A_572 = vector.shape_cast %get3A_571 : vector<1x16xf32> to vector<16xf32>
      %mul3A_573 = arith.mulf %select_n3A_116, %get3A_572 : vector<16xf32>
      %add3A_574 = arith.addf %mul3A_568, %mul3A_573 : vector<16xf32>
      %swap3A_575 = arith.index_cast %scan3A_74 : i32 to index
      %swap3A_576 = arith.constant 448 : index
      %swap3A_577 = tpu.vector_load %arg9[%swap3A_575, %swap3A_576] {strides = array<i32>} : memref<32x768xf32, #tpu.memory_space<vmem>>, vector<1x16xf32>,
      %swap3A_578 = vector.shape_cast %swap3A_577 : vector<1x16xf32> to vector<16xf32>
      %swap3A_579 = vector.shape_cast %add3A_574 : vector<16xf32> to vector<1x16xf32>
      tpu.vector_store %arg9[%swap3A_575, %swap3A_576], %swap3A_579 {strides = array<i32>} : memref<32x768xf32, #tpu.memory_space<vmem>>, vector<1x16xf32>,
      %get3A_580 = arith.index_cast %scan3A_74 : i32 to index
      %get3A_581 = arith.constant 464 : index
      %get3A_582 = tpu.vector_load %arg9[%get3A_580, %get3A_581] {strides = array<i32>} : memref<32x768xf32, #tpu.memory_space<vmem>>, vector<1x16xf32>,
      %get3A_583 = vector.shape_cast %get3A_582 : vector<1x16xf32> to vector<16xf32>
      %mul3A_584 = arith.mulf %select_n3A_95, %get3A_583 : vector<16xf32>
      %get3A_585 = arith.index_cast %scan3A_74 : i32 to index
      %get3A_586 = arith.constant 464 : index
      %get3A_587 = tpu.vector_load %arg10[%get3A_585, %get3A_586] {strides = array<i32>} : memref<32x768xf32, #tpu.memory_space<vmem>>, vector<1x16xf32>,
      %get3A_588 = vector.shape_cast %get3A_587 : vector<1x16xf32> to vector<16xf32>
      %mul3A_589 = arith.mulf %select_n3A_116, %get3A_588 : vector<16xf32>
      %add3A_590 = arith.addf %mul3A_584, %mul3A_589 : vector<16xf32>
      %swap3A_591 = arith.index_cast %scan3A_74 : i32 to index
      %swap3A_592 = arith.constant 464 : index
      %swap3A_593 = tpu.vector_load %arg9[%swap3A_591, %swap3A_592] {strides = array<i32>} : memref<32x768xf32, #tpu.memory_space<vmem>>, vector<1x16xf32>,
      %swap3A_594 = vector.shape_cast %swap3A_593 : vector<1x16xf32> to vector<16xf32>
      %swap3A_595 = vector.shape_cast %add3A_590 : vector<16xf32> to vector<1x16xf32>
      tpu.vector_store %arg9[%swap3A_591, %swap3A_592], %swap3A_595 {strides = array<i32>} : memref<32x768xf32, #tpu.memory_space<vmem>>, vector<1x16xf32>,
      %get3A_596 = arith.index_cast %scan3A_74 : i32 to index
      %get3A_597 = arith.constant 480 : index
      %get3A_598 = tpu.vector_load %arg9[%get3A_596, %get3A_597] {strides = array<i32>} : memref<32x768xf32, #tpu.memory_space<vmem>>, vector<1x16xf32>,
      %get3A_599 = vector.shape_cast %get3A_598 : vector<1x16xf32> to vector<16xf32>
      %mul3A_600 = arith.mulf %select_n3A_95, %get3A_599 : vector<16xf32>
      %get3A_601 = arith.index_cast %scan3A_74 : i32 to index
      %get3A_602 = arith.constant 480 : index
      %get3A_603 = tpu.vector_load %arg10[%get3A_601, %get3A_602] {strides = array<i32>} : memref<32x768xf32, #tpu.memory_space<vmem>>, vector<1x16xf32>,
      %get3A_604 = vector.shape_cast %get3A_603 : vector<1x16xf32> to vector<16xf32>
      %mul3A_605 = arith.mulf %select_n3A_116, %get3A_604 : vector<16xf32>
      %add3A_606 = arith.addf %mul3A_600, %mul3A_605 : vector<16xf32>
      %swap3A_607 = arith.index_cast %scan3A_74 : i32 to index
      %swap3A_608 = arith.constant 480 : index
      %swap3A_609 = tpu.vector_load %arg9[%swap3A_607, %swap3A_608] {strides = array<i32>} : memref<32x768xf32, #tpu.memory_space<vmem>>, vector<1x16xf32>,
      %swap3A_610 = vector.shape_cast %swap3A_609 : vector<1x16xf32> to vector<16xf32>
      %swap3A_611 = vector.shape_cast %add3A_606 : vector<16xf32> to vector<1x16xf32>
      tpu.vector_store %arg9[%swap3A_607, %swap3A_608], %swap3A_611 {strides = array<i32>} : memref<32x768xf32, #tpu.memory_space<vmem>>, vector<1x16xf32>,
      %get3A_612 = arith.index_cast %scan3A_74 : i32 to index
      %get3A_613 = arith.constant 496 : index
      %get3A_614 = tpu.vector_load %arg9[%get3A_612, %get3A_613] {strides = array<i32>} : memref<32x768xf32, #tpu.memory_space<vmem>>, vector<1x16xf32>,
      %get3A_615 = vector.shape_cast %get3A_614 : vector<1x16xf32> to vector<16xf32>
      %mul3A_616 = arith.mulf %select_n3A_95, %get3A_615 : vector<16xf32>
      %get3A_617 = arith.index_cast %scan3A_74 : i32 to index
      %get3A_618 = arith.constant 496 : index
      %get3A_619 = tpu.vector_load %arg10[%get3A_617, %get3A_618] {strides = array<i32>} : memref<32x768xf32, #tpu.memory_space<vmem>>, vector<1x16xf32>,
      %get3A_620 = vector.shape_cast %get3A_619 : vector<1x16xf32> to vector<16xf32>
      %mul3A_621 = arith.mulf %select_n3A_116, %get3A_620 : vector<16xf32>
      %add3A_622 = arith.addf %mul3A_616, %mul3A_621 : vector<16xf32>
      %swap3A_623 = arith.index_cast %scan3A_74 : i32 to index
      %swap3A_624 = arith.constant 496 : index
      %swap3A_625 = tpu.vector_load %arg9[%swap3A_623, %swap3A_624] {strides = array<i32>} : memref<32x768xf32, #tpu.memory_space<vmem>>, vector<1x16xf32>,
      %swap3A_626 = vector.shape_cast %swap3A_625 : vector<1x16xf32> to vector<16xf32>
      %swap3A_627 = vector.shape_cast %add3A_622 : vector<16xf32> to vector<1x16xf32>
      tpu.vector_store %arg9[%swap3A_623, %swap3A_624], %swap3A_627 {strides = array<i32>} : memref<32x768xf32, #tpu.memory_space<vmem>>, vector<1x16xf32>,
      %get3A_628 = arith.index_cast %scan3A_74 : i32 to index
      %get3A_629 = arith.constant 512 : index
      %get3A_630 = tpu.vector_load %arg9[%get3A_628, %get3A_629] {strides = array<i32>} : memref<32x768xf32, #tpu.memory_space<vmem>>, vector<1x16xf32>,
      %get3A_631 = vector.shape_cast %get3A_630 : vector<1x16xf32> to vector<16xf32>
      %mul3A_632 = arith.mulf %select_n3A_95, %get3A_631 : vector<16xf32>
      %get3A_633 = arith.index_cast %scan3A_74 : i32 to index
      %get3A_634 = arith.constant 512 : index
      %get3A_635 = tpu.vector_load %arg10[%get3A_633, %get3A_634] {strides = array<i32>} : memref<32x768xf32, #tpu.memory_space<vmem>>, vector<1x16xf32>,
      %get3A_636 = vector.shape_cast %get3A_635 : vector<1x16xf32> to vector<16xf32>
      %mul3A_637 = arith.mulf %select_n3A_116, %get3A_636 : vector<16xf32>
      %add3A_638 = arith.addf %mul3A_632, %mul3A_637 : vector<16xf32>
      %swap3A_639 = arith.index_cast %scan3A_74 : i32 to index
      %swap3A_640 = arith.constant 512 : index
      %swap3A_641 = tpu.vector_load %arg9[%swap3A_639, %swap3A_640] {strides = array<i32>} : memref<32x768xf32, #tpu.memory_space<vmem>>, vector<1x16xf32>,
      %swap3A_642 = vector.shape_cast %swap3A_641 : vector<1x16xf32> to vector<16xf32>
      %swap3A_643 = vector.shape_cast %add3A_638 : vector<16xf32> to vector<1x16xf32>
      tpu.vector_store %arg9[%swap3A_639, %swap3A_640], %swap3A_643 {strides = array<i32>} : memref<32x768xf32, #tpu.memory_space<vmem>>, vector<1x16xf32>,
      %get3A_644 = arith.index_cast %scan3A_74 : i32 to index
      %get3A_645 = arith.constant 528 : index
      %get3A_646 = tpu.vector_load %arg9[%get3A_644, %get3A_645] {strides = array<i32>} : memref<32x768xf32, #tpu.memory_space<vmem>>, vector<1x16xf32>,
      %get3A_647 = vector.shape_cast %get3A_646 : vector<1x16xf32> to vector<16xf32>
      %mul3A_648 = arith.mulf %select_n3A_95, %get3A_647 : vector<16xf32>
      %get3A_649 = arith.index_cast %scan3A_74 : i32 to index
      %get3A_650 = arith.constant 528 : index
      %get3A_651 = tpu.vector_load %arg10[%get3A_649, %get3A_650] {strides = array<i32>} : memref<32x768xf32, #tpu.memory_space<vmem>>, vector<1x16xf32>,
      %get3A_652 = vector.shape_cast %get3A_651 : vector<1x16xf32> to vector<16xf32>
      %mul3A_653 = arith.mulf %select_n3A_116, %get3A_652 : vector<16xf32>
      %add3A_654 = arith.addf %mul3A_648, %mul3A_653 : vector<16xf32>
      %swap3A_655 = arith.index_cast %scan3A_74 : i32 to index
      %swap3A_656 = arith.constant 528 : index
      %swap3A_657 = tpu.vector_load %arg9[%swap3A_655, %swap3A_656] {strides = array<i32>} : memref<32x768xf32, #tpu.memory_space<vmem>>, vector<1x16xf32>,
      %swap3A_658 = vector.shape_cast %swap3A_657 : vector<1x16xf32> to vector<16xf32>
      %swap3A_659 = vector.shape_cast %add3A_654 : vector<16xf32> to vector<1x16xf32>
      tpu.vector_store %arg9[%swap3A_655, %swap3A_656], %swap3A_659 {strides = array<i32>} : memref<32x768xf32, #tpu.memory_space<vmem>>, vector<1x16xf32>,
      %get3A_660 = arith.index_cast %scan3A_74 : i32 to index
      %get3A_661 = arith.constant 544 : index
      %get3A_662 = tpu.vector_load %arg9[%get3A_660, %get3A_661] {strides = array<i32>} : memref<32x768xf32, #tpu.memory_space<vmem>>, vector<1x16xf32>,
      %get3A_663 = vector.shape_cast %get3A_662 : vector<1x16xf32> to vector<16xf32>
      %mul3A_664 = arith.mulf %select_n3A_95, %get3A_663 : vector<16xf32>
      %get3A_665 = arith.index_cast %scan3A_74 : i32 to index
      %get3A_666 = arith.constant 544 : index
      %get3A_667 = tpu.vector_load %arg10[%get3A_665, %get3A_666] {strides = array<i32>} : memref<32x768xf32, #tpu.memory_space<vmem>>, vector<1x16xf32>,
      %get3A_668 = vector.shape_cast %get3A_667 : vector<1x16xf32> to vector<16xf32>
      %mul3A_669 = arith.mulf %select_n3A_116, %get3A_668 : vector<16xf32>
      %add3A_670 = arith.addf %mul3A_664, %mul3A_669 : vector<16xf32>
      %swap3A_671 = arith.index_cast %scan3A_74 : i32 to index
      %swap3A_672 = arith.constant 544 : index
      %swap3A_673 = tpu.vector_load %arg9[%swap3A_671, %swap3A_672] {strides = array<i32>} : memref<32x768xf32, #tpu.memory_space<vmem>>, vector<1x16xf32>,
      %swap3A_674 = vector.shape_cast %swap3A_673 : vector<1x16xf32> to vector<16xf32>
      %swap3A_675 = vector.shape_cast %add3A_670 : vector<16xf32> to vector<1x16xf32>
      tpu.vector_store %arg9[%swap3A_671, %swap3A_672], %swap3A_675 {strides = array<i32>} : memref<32x768xf32, #tpu.memory_space<vmem>>, vector<1x16xf32>,
      %get3A_676 = arith.index_cast %scan3A_74 : i32 to index
      %get3A_677 = arith.constant 560 : index
      %get3A_678 = tpu.vector_load %arg9[%get3A_676, %get3A_677] {strides = array<i32>} : memref<32x768xf32, #tpu.memory_space<vmem>>, vector<1x16xf32>,
      %get3A_679 = vector.shape_cast %get3A_678 : vector<1x16xf32> to vector<16xf32>
      %mul3A_680 = arith.mulf %select_n3A_95, %get3A_679 : vector<16xf32>
      %get3A_681 = arith.index_cast %scan3A_74 : i32 to index
      %get3A_682 = arith.constant 560 : index
      %get3A_683 = tpu.vector_load %arg10[%get3A_681, %get3A_682] {strides = array<i32>} : memref<32x768xf32, #tpu.memory_space<vmem>>, vector<1x16xf32>,
      %get3A_684 = vector.shape_cast %get3A_683 : vector<1x16xf32> to vector<16xf32>
      %mul3A_685 = arith.mulf %select_n3A_116, %get3A_684 : vector<16xf32>
      %add3A_686 = arith.addf %mul3A_680, %mul3A_685 : vector<16xf32>
      %swap3A_687 = arith.index_cast %scan3A_74 : i32 to index
      %swap3A_688 = arith.constant 560 : index
      %swap3A_689 = tpu.vector_load %arg9[%swap3A_687, %swap3A_688] {strides = array<i32>} : memref<32x768xf32, #tpu.memory_space<vmem>>, vector<1x16xf32>,
      %swap3A_690 = vector.shape_cast %swap3A_689 : vector<1x16xf32> to vector<16xf32>
      %swap3A_691 = vector.shape_cast %add3A_686 : vector<16xf32> to vector<1x16xf32>
      tpu.vector_store %arg9[%swap3A_687, %swap3A_688], %swap3A_691 {strides = array<i32>} : memref<32x768xf32, #tpu.memory_space<vmem>>, vector<1x16xf32>,
      %get3A_692 = arith.index_cast %scan3A_74 : i32 to index
      %get3A_693 = arith.constant 576 : index
      %get3A_694 = tpu.vector_load %arg9[%get3A_692, %get3A_693] {strides = array<i32>} : memref<32x768xf32, #tpu.memory_space<vmem>>, vector<1x16xf32>,
      %get3A_695 = vector.shape_cast %get3A_694 : vector<1x16xf32> to vector<16xf32>
      %mul3A_696 = arith.mulf %select_n3A_95, %get3A_695 : vector<16xf32>
      %get3A_697 = arith.index_cast %scan3A_74 : i32 to index
      %get3A_698 = arith.constant 576 : index
      %get3A_699 = tpu.vector_load %arg10[%get3A_697, %get3A_698] {strides = array<i32>} : memref<32x768xf32, #tpu.memory_space<vmem>>, vector<1x16xf32>,
      %get3A_700 = vector.shape_cast %get3A_699 : vector<1x16xf32> to vector<16xf32>
      %mul3A_701 = arith.mulf %select_n3A_116, %get3A_700 : vector<16xf32>
      %add3A_702 = arith.addf %mul3A_696, %mul3A_701 : vector<16xf32>
      %swap3A_703 = arith.index_cast %scan3A_74 : i32 to index
      %swap3A_704 = arith.constant 576 : index
      %swap3A_705 = tpu.vector_load %arg9[%swap3A_703, %swap3A_704] {strides = array<i32>} : memref<32x768xf32, #tpu.memory_space<vmem>>, vector<1x16xf32>,
      %swap3A_706 = vector.shape_cast %swap3A_705 : vector<1x16xf32> to vector<16xf32>
      %swap3A_707 = vector.shape_cast %add3A_702 : vector<16xf32> to vector<1x16xf32>
      tpu.vector_store %arg9[%swap3A_703, %swap3A_704], %swap3A_707 {strides = array<i32>} : memref<32x768xf32, #tpu.memory_space<vmem>>, vector<1x16xf32>,
      %get3A_708 = arith.index_cast %scan3A_74 : i32 to index
      %get3A_709 = arith.constant 592 : index
      %get3A_710 = tpu.vector_load %arg9[%get3A_708, %get3A_709] {strides = array<i32>} : memref<32x768xf32, #tpu.memory_space<vmem>>, vector<1x16xf32>,
      %get3A_711 = vector.shape_cast %get3A_710 : vector<1x16xf32> to vector<16xf32>
      %mul3A_712 = arith.mulf %select_n3A_95, %get3A_711 : vector<16xf32>
      %get3A_713 = arith.index_cast %scan3A_74 : i32 to index
      %get3A_714 = arith.constant 592 : index
      %get3A_715 = tpu.vector_load %arg10[%get3A_713, %get3A_714] {strides = array<i32>} : memref<32x768xf32, #tpu.memory_space<vmem>>, vector<1x16xf32>,
      %get3A_716 = vector.shape_cast %get3A_715 : vector<1x16xf32> to vector<16xf32>
      %mul3A_717 = arith.mulf %select_n3A_116, %get3A_716 : vector<16xf32>
      %add3A_718 = arith.addf %mul3A_712, %mul3A_717 : vector<16xf32>
      %swap3A_719 = arith.index_cast %scan3A_74 : i32 to index
      %swap3A_720 = arith.constant 592 : index
      %swap3A_721 = tpu.vector_load %arg9[%swap3A_719, %swap3A_720] {strides = array<i32>} : memref<32x768xf32, #tpu.memory_space<vmem>>, vector<1x16xf32>,
      %swap3A_722 = vector.shape_cast %swap3A_721 : vector<1x16xf32> to vector<16xf32>
      %swap3A_723 = vector.shape_cast %add3A_718 : vector<16xf32> to vector<1x16xf32>
      tpu.vector_store %arg9[%swap3A_719, %swap3A_720], %swap3A_723 {strides = array<i32>} : memref<32x768xf32, #tpu.memory_space<vmem>>, vector<1x16xf32>,
      %get3A_724 = arith.index_cast %scan3A_74 : i32 to index
      %get3A_725 = arith.constant 608 : index
      %get3A_726 = tpu.vector_load %arg9[%get3A_724, %get3A_725] {strides = array<i32>} : memref<32x768xf32, #tpu.memory_space<vmem>>, vector<1x16xf32>,
      %get3A_727 = vector.shape_cast %get3A_726 : vector<1x16xf32> to vector<16xf32>
      %mul3A_728 = arith.mulf %select_n3A_95, %get3A_727 : vector<16xf32>
      %get3A_729 = arith.index_cast %scan3A_74 : i32 to index
      %get3A_730 = arith.constant 608 : index
      %get3A_731 = tpu.vector_load %arg10[%get3A_729, %get3A_730] {strides = array<i32>} : memref<32x768xf32, #tpu.memory_space<vmem>>, vector<1x16xf32>,
      %get3A_732 = vector.shape_cast %get3A_731 : vector<1x16xf32> to vector<16xf32>
      %mul3A_733 = arith.mulf %select_n3A_116, %get3A_732 : vector<16xf32>
      %add3A_734 = arith.addf %mul3A_728, %mul3A_733 : vector<16xf32>
      %swap3A_735 = arith.index_cast %scan3A_74 : i32 to index
      %swap3A_736 = arith.constant 608 : index
      %swap3A_737 = tpu.vector_load %arg9[%swap3A_735, %swap3A_736] {strides = array<i32>} : memref<32x768xf32, #tpu.memory_space<vmem>>, vector<1x16xf32>,
      %swap3A_738 = vector.shape_cast %swap3A_737 : vector<1x16xf32> to vector<16xf32>
      %swap3A_739 = vector.shape_cast %add3A_734 : vector<16xf32> to vector<1x16xf32>
      tpu.vector_store %arg9[%swap3A_735, %swap3A_736], %swap3A_739 {strides = array<i32>} : memref<32x768xf32, #tpu.memory_space<vmem>>, vector<1x16xf32>,
      %get3A_740 = arith.index_cast %scan3A_74 : i32 to index
      %get3A_741 = arith.constant 624 : index
      %get3A_742 = tpu.vector_load %arg9[%get3A_740, %get3A_741] {strides = array<i32>} : memref<32x768xf32, #tpu.memory_space<vmem>>, vector<1x16xf32>,
      %get3A_743 = vector.shape_cast %get3A_742 : vector<1x16xf32> to vector<16xf32>
      %mul3A_744 = arith.mulf %select_n3A_95, %get3A_743 : vector<16xf32>
      %get3A_745 = arith.index_cast %scan3A_74 : i32 to index
      %get3A_746 = arith.constant 624 : index
      %get3A_747 = tpu.vector_load %arg10[%get3A_745, %get3A_746] {strides = array<i32>} : memref<32x768xf32, #tpu.memory_space<vmem>>, vector<1x16xf32>,
      %get3A_748 = vector.shape_cast %get3A_747 : vector<1x16xf32> to vector<16xf32>
      %mul3A_749 = arith.mulf %select_n3A_116, %get3A_748 : vector<16xf32>
      %add3A_750 = arith.addf %mul3A_744, %mul3A_749 : vector<16xf32>
      %swap3A_751 = arith.index_cast %scan3A_74 : i32 to index
      %swap3A_752 = arith.constant 624 : index
      %swap3A_753 = tpu.vector_load %arg9[%swap3A_751, %swap3A_752] {strides = array<i32>} : memref<32x768xf32, #tpu.memory_space<vmem>>, vector<1x16xf32>,
      %swap3A_754 = vector.shape_cast %swap3A_753 : vector<1x16xf32> to vector<16xf32>
      %swap3A_755 = vector.shape_cast %add3A_750 : vector<16xf32> to vector<1x16xf32>
      tpu.vector_store %arg9[%swap3A_751, %swap3A_752], %swap3A_755 {strides = array<i32>} : memref<32x768xf32, #tpu.memory_space<vmem>>, vector<1x16xf32>,
      %get3A_756 = arith.index_cast %scan3A_74 : i32 to index
      %get3A_757 = arith.constant 640 : index
      %get3A_758 = tpu.vector_load %arg9[%get3A_756, %get3A_757] {strides = array<i32>} : memref<32x768xf32, #tpu.memory_space<vmem>>, vector<1x16xf32>,
      %get3A_759 = vector.shape_cast %get3A_758 : vector<1x16xf32> to vector<16xf32>
      %mul3A_760 = arith.mulf %select_n3A_95, %get3A_759 : vector<16xf32>
      %get3A_761 = arith.index_cast %scan3A_74 : i32 to index
      %get3A_762 = arith.constant 640 : index
      %get3A_763 = tpu.vector_load %arg10[%get3A_761, %get3A_762] {strides = array<i32>} : memref<32x768xf32, #tpu.memory_space<vmem>>, vector<1x16xf32>,
      %get3A_764 = vector.shape_cast %get3A_763 : vector<1x16xf32> to vector<16xf32>
      %mul3A_765 = arith.mulf %select_n3A_116, %get3A_764 : vector<16xf32>
      %add3A_766 = arith.addf %mul3A_760, %mul3A_765 : vector<16xf32>
      %swap3A_767 = arith.index_cast %scan3A_74 : i32 to index
      %swap3A_768 = arith.constant 640 : index
      %swap3A_769 = tpu.vector_load %arg9[%swap3A_767, %swap3A_768] {strides = array<i32>} : memref<32x768xf32, #tpu.memory_space<vmem>>, vector<1x16xf32>,
      %swap3A_770 = vector.shape_cast %swap3A_769 : vector<1x16xf32> to vector<16xf32>
      %swap3A_771 = vector.shape_cast %add3A_766 : vector<16xf32> to vector<1x16xf32>
      tpu.vector_store %arg9[%swap3A_767, %swap3A_768], %swap3A_771 {strides = array<i32>} : memref<32x768xf32, #tpu.memory_space<vmem>>, vector<1x16xf32>,
      %get3A_772 = arith.index_cast %scan3A_74 : i32 to index
      %get3A_773 = arith.constant 656 : index
      %get3A_774 = tpu.vector_load %arg9[%get3A_772, %get3A_773] {strides = array<i32>} : memref<32x768xf32, #tpu.memory_space<vmem>>, vector<1x16xf32>,
      %get3A_775 = vector.shape_cast %get3A_774 : vector<1x16xf32> to vector<16xf32>
      %mul3A_776 = arith.mulf %select_n3A_95, %get3A_775 : vector<16xf32>
      %get3A_777 = arith.index_cast %scan3A_74 : i32 to index
      %get3A_778 = arith.constant 656 : index
      %get3A_779 = tpu.vector_load %arg10[%get3A_777, %get3A_778] {strides = array<i32>} : memref<32x768xf32, #tpu.memory_space<vmem>>, vector<1x16xf32>,
      %get3A_780 = vector.shape_cast %get3A_779 : vector<1x16xf32> to vector<16xf32>
      %mul3A_781 = arith.mulf %select_n3A_116, %get3A_780 : vector<16xf32>
      %add3A_782 = arith.addf %mul3A_776, %mul3A_781 : vector<16xf32>
      %swap3A_783 = arith.index_cast %scan3A_74 : i32 to index
      %swap3A_784 = arith.constant 656 : index
      %swap3A_785 = tpu.vector_load %arg9[%swap3A_783, %swap3A_784] {strides = array<i32>} : memref<32x768xf32, #tpu.memory_space<vmem>>, vector<1x16xf32>,
      %swap3A_786 = vector.shape_cast %swap3A_785 : vector<1x16xf32> to vector<16xf32>
      %swap3A_787 = vector.shape_cast %add3A_782 : vector<16xf32> to vector<1x16xf32>
      tpu.vector_store %arg9[%swap3A_783, %swap3A_784], %swap3A_787 {strides = array<i32>} : memref<32x768xf32, #tpu.memory_space<vmem>>, vector<1x16xf32>,
      %get3A_788 = arith.index_cast %scan3A_74 : i32 to index
      %get3A_789 = arith.constant 672 : index
      %get3A_790 = tpu.vector_load %arg9[%get3A_788, %get3A_789] {strides = array<i32>} : memref<32x768xf32, #tpu.memory_space<vmem>>, vector<1x16xf32>,
      %get3A_791 = vector.shape_cast %get3A_790 : vector<1x16xf32> to vector<16xf32>
      %mul3A_792 = arith.mulf %select_n3A_95, %get3A_791 : vector<16xf32>
      %get3A_793 = arith.index_cast %scan3A_74 : i32 to index
      %get3A_794 = arith.constant 672 : index
      %get3A_795 = tpu.vector_load %arg10[%get3A_793, %get3A_794] {strides = array<i32>} : memref<32x768xf32, #tpu.memory_space<vmem>>, vector<1x16xf32>,
      %get3A_796 = vector.shape_cast %get3A_795 : vector<1x16xf32> to vector<16xf32>
      %mul3A_797 = arith.mulf %select_n3A_116, %get3A_796 : vector<16xf32>
      %add3A_798 = arith.addf %mul3A_792, %mul3A_797 : vector<16xf32>
      %swap3A_799 = arith.index_cast %scan3A_74 : i32 to index
      %swap3A_800 = arith.constant 672 : index
      %swap3A_801 = tpu.vector_load %arg9[%swap3A_799, %swap3A_800] {strides = array<i32>} : memref<32x768xf32, #tpu.memory_space<vmem>>, vector<1x16xf32>,
      %swap3A_802 = vector.shape_cast %swap3A_801 : vector<1x16xf32> to vector<16xf32>
      %swap3A_803 = vector.shape_cast %add3A_798 : vector<16xf32> to vector<1x16xf32>
      tpu.vector_store %arg9[%swap3A_799, %swap3A_800], %swap3A_803 {strides = array<i32>} : memref<32x768xf32, #tpu.memory_space<vmem>>, vector<1x16xf32>,
      %get3A_804 = arith.index_cast %scan3A_74 : i32 to index
      %get3A_805 = arith.constant 688 : index
      %get3A_806 = tpu.vector_load %arg9[%get3A_804, %get3A_805] {strides = array<i32>} : memref<32x768xf32, #tpu.memory_space<vmem>>, vector<1x16xf32>,
      %get3A_807 = vector.shape_cast %get3A_806 : vector<1x16xf32> to vector<16xf32>
      %mul3A_808 = arith.mulf %select_n3A_95, %get3A_807 : vector<16xf32>
      %get3A_809 = arith.index_cast %scan3A_74 : i32 to index
      %get3A_810 = arith.constant 688 : index
      %get3A_811 = tpu.vector_load %arg10[%get3A_809, %get3A_810] {strides = array<i32>} : memref<32x768xf32, #tpu.memory_space<vmem>>, vector<1x16xf32>,
      %get3A_812 = vector.shape_cast %get3A_811 : vector<1x16xf32> to vector<16xf32>
      %mul3A_813 = arith.mulf %select_n3A_116, %get3A_812 : vector<16xf32>
      %add3A_814 = arith.addf %mul3A_808, %mul3A_813 : vector<16xf32>
      %swap3A_815 = arith.index_cast %scan3A_74 : i32 to index
      %swap3A_816 = arith.constant 688 : index
      %swap3A_817 = tpu.vector_load %arg9[%swap3A_815, %swap3A_816] {strides = array<i32>} : memref<32x768xf32, #tpu.memory_space<vmem>>, vector<1x16xf32>,
      %swap3A_818 = vector.shape_cast %swap3A_817 : vector<1x16xf32> to vector<16xf32>
      %swap3A_819 = vector.shape_cast %add3A_814 : vector<16xf32> to vector<1x16xf32>
      tpu.vector_store %arg9[%swap3A_815, %swap3A_816], %swap3A_819 {strides = array<i32>} : memref<32x768xf32, #tpu.memory_space<vmem>>, vector<1x16xf32>,
      %get3A_820 = arith.index_cast %scan3A_74 : i32 to index
      %get3A_821 = arith.constant 704 : index
      %get3A_822 = tpu.vector_load %arg9[%get3A_820, %get3A_821] {strides = array<i32>} : memref<32x768xf32, #tpu.memory_space<vmem>>, vector<1x16xf32>,
      %get3A_823 = vector.shape_cast %get3A_822 : vector<1x16xf32> to vector<16xf32>
      %mul3A_824 = arith.mulf %select_n3A_95, %get3A_823 : vector<16xf32>
      %get3A_825 = arith.index_cast %scan3A_74 : i32 to index
      %get3A_826 = arith.constant 704 : index
      %get3A_827 = tpu.vector_load %arg10[%get3A_825, %get3A_826] {strides = array<i32>} : memref<32x768xf32, #tpu.memory_space<vmem>>, vector<1x16xf32>,
      %get3A_828 = vector.shape_cast %get3A_827 : vector<1x16xf32> to vector<16xf32>
      %mul3A_829 = arith.mulf %select_n3A_116, %get3A_828 : vector<16xf32>
      %add3A_830 = arith.addf %mul3A_824, %mul3A_829 : vector<16xf32>
      %swap3A_831 = arith.index_cast %scan3A_74 : i32 to index
      %swap3A_832 = arith.constant 704 : index
      %swap3A_833 = tpu.vector_load %arg9[%swap3A_831, %swap3A_832] {strides = array<i32>} : memref<32x768xf32, #tpu.memory_space<vmem>>, vector<1x16xf32>,
      %swap3A_834 = vector.shape_cast %swap3A_833 : vector<1x16xf32> to vector<16xf32>
      %swap3A_835 = vector.shape_cast %add3A_830 : vector<16xf32> to vector<1x16xf32>
      tpu.vector_store %arg9[%swap3A_831, %swap3A_832], %swap3A_835 {strides = array<i32>} : memref<32x768xf32, #tpu.memory_space<vmem>>, vector<1x16xf32>,
      %get3A_836 = arith.index_cast %scan3A_74 : i32 to index
      %get3A_837 = arith.constant 720 : index
      %get3A_838 = tpu.vector_load %arg9[%get3A_836, %get3A_837] {strides = array<i32>} : memref<32x768xf32, #tpu.memory_space<vmem>>, vector<1x16xf32>,
      %get3A_839 = vector.shape_cast %get3A_838 : vector<1x16xf32> to vector<16xf32>
      %mul3A_840 = arith.mulf %select_n3A_95, %get3A_839 : vector<16xf32>
      %get3A_841 = arith.index_cast %scan3A_74 : i32 to index
      %get3A_842 = arith.constant 720 : index
      %get3A_843 = tpu.vector_load %arg10[%get3A_841, %get3A_842] {strides = array<i32>} : memref<32x768xf32, #tpu.memory_space<vmem>>, vector<1x16xf32>,
      %get3A_844 = vector.shape_cast %get3A_843 : vector<1x16xf32> to vector<16xf32>
      %mul3A_845 = arith.mulf %select_n3A_116, %get3A_844 : vector<16xf32>
      %add3A_846 = arith.addf %mul3A_840, %mul3A_845 : vector<16xf32>
      %swap3A_847 = arith.index_cast %scan3A_74 : i32 to index
      %swap3A_848 = arith.constant 720 : index
      %swap3A_849 = tpu.vector_load %arg9[%swap3A_847, %swap3A_848] {strides = array<i32>} : memref<32x768xf32, #tpu.memory_space<vmem>>, vector<1x16xf32>,
      %swap3A_850 = vector.shape_cast %swap3A_849 : vector<1x16xf32> to vector<16xf32>
      %swap3A_851 = vector.shape_cast %add3A_846 : vector<16xf32> to vector<1x16xf32>
      tpu.vector_store %arg9[%swap3A_847, %swap3A_848], %swap3A_851 {strides = array<i32>} : memref<32x768xf32, #tpu.memory_space<vmem>>, vector<1x16xf32>,
      %get3A_852 = arith.index_cast %scan3A_74 : i32 to index
      %get3A_853 = arith.constant 736 : index
      %get3A_854 = tpu.vector_load %arg9[%get3A_852, %get3A_853] {strides = array<i32>} : memref<32x768xf32, #tpu.memory_space<vmem>>, vector<1x16xf32>,
      %get3A_855 = vector.shape_cast %get3A_854 : vector<1x16xf32> to vector<16xf32>
      %mul3A_856 = arith.mulf %select_n3A_95, %get3A_855 : vector<16xf32>
      %get3A_857 = arith.index_cast %scan3A_74 : i32 to index
      %get3A_858 = arith.constant 736 : index
      %get3A_859 = tpu.vector_load %arg10[%get3A_857, %get3A_858] {strides = array<i32>} : memref<32x768xf32, #tpu.memory_space<vmem>>, vector<1x16xf32>,
      %get3A_860 = vector.shape_cast %get3A_859 : vector<1x16xf32> to vector<16xf32>
      %mul3A_861 = arith.mulf %select_n3A_116, %get3A_860 : vector<16xf32>
      %add3A_862 = arith.addf %mul3A_856, %mul3A_861 : vector<16xf32>
      %swap3A_863 = arith.index_cast %scan3A_74 : i32 to index
      %swap3A_864 = arith.constant 736 : index
      %swap3A_865 = tpu.vector_load %arg9[%swap3A_863, %swap3A_864] {strides = array<i32>} : memref<32x768xf32, #tpu.memory_space<vmem>>, vector<1x16xf32>,
      %swap3A_866 = vector.shape_cast %swap3A_865 : vector<1x16xf32> to vector<16xf32>
      %swap3A_867 = vector.shape_cast %add3A_862 : vector<16xf32> to vector<1x16xf32>
      tpu.vector_store %arg9[%swap3A_863, %swap3A_864], %swap3A_867 {strides = array<i32>} : memref<32x768xf32, #tpu.memory_space<vmem>>, vector<1x16xf32>,
      %get3A_868 = arith.index_cast %scan3A_74 : i32 to index
      %get3A_869 = arith.constant 752 : index
      %get3A_870 = tpu.vector_load %arg9[%get3A_868, %get3A_869] {strides = array<i32>} : memref<32x768xf32, #tpu.memory_space<vmem>>, vector<1x16xf32>,
      %get3A_871 = vector.shape_cast %get3A_870 : vector<1x16xf32> to vector<16xf32>
      %mul3A_872 = arith.mulf %select_n3A_95, %get3A_871 : vector<16xf32>
      %get3A_873 = arith.index_cast %scan3A_74 : i32 to index
      %get3A_874 = arith.constant 752 : index
      %get3A_875 = tpu.vector_load %arg10[%get3A_873, %get3A_874] {strides = array<i32>} : memref<32x768xf32, #tpu.memory_space<vmem>>, vector<1x16xf32>,
      %get3A_876 = vector.shape_cast %get3A_875 : vector<1x16xf32> to vector<16xf32>
      %mul3A_877 = arith.mulf %select_n3A_116, %get3A_876 : vector<16xf32>
      %add3A_878 = arith.addf %mul3A_872, %mul3A_877 : vector<16xf32>
      %swap3A_879 = arith.index_cast %scan3A_74 : i32 to index
      %swap3A_880 = arith.constant 752 : index
      %swap3A_881 = tpu.vector_load %arg9[%swap3A_879, %swap3A_880] {strides = array<i32>} : memref<32x768xf32, #tpu.memory_space<vmem>>, vector<1x16xf32>,
      %swap3A_882 = vector.shape_cast %swap3A_881 : vector<1x16xf32> to vector<16xf32>
      %swap3A_883 = vector.shape_cast %add3A_878 : vector<16xf32> to vector<1x16xf32>
      tpu.vector_store %arg9[%swap3A_879, %swap3A_880], %swap3A_883 {strides = array<i32>} : memref<32x768xf32, #tpu.memory_space<vmem>>, vector<1x16xf32>,
    }
    %scan3A_34 = arith.constant 32 : i32
    "tpu.region"() ({
      %run_scoped3A = tpu.sem_alloc : memref<!tpu.dma_semaphore, #tpu.memory_space<semaphore_mem>>
      %dma_start3A_74 = arith.constant 0 : i32
      %dma_start3A_75 = tpu.memref_slice %arg5[%multiple_of3A, %dma_start3A_74] : memref<2048x768xf32, #tpu.memory_space<hbm>> -> memref<32x768xf32, #tpu.memory_space<hbm>>
      %dma_start3A_76 = arith.constant 0 : i32
      %dma_start3A_77 = tpu.memref_slice %arg5[%multiple_of3A, %dma_start3A_76] : memref<2048x768xf32, #tpu.memory_space<hbm>> -> memref<32x768xf32, #tpu.memory_space<hbm>>
      tpu.enqueue_dma source(%arg9 : memref<32x768xf32, #tpu.memory_space<vmem>>) target(%dma_start3A_77 : memref<32x768xf32, #tpu.memory_space<hbm>>) target_semaphore(%run_scoped3A : memref<!tpu.dma_semaphore, #tpu.memory_space<semaphore_mem>>)
      %dma_wait3A_78 = arith.constant 0 : i32
      %dma_wait3A_79 = tpu.memref_slice %arg5[%multiple_of3A, %dma_wait3A_78] : memref<2048x768xf32, #tpu.memory_space<hbm>> -> memref<32x768xf32, #tpu.memory_space<hbm>>
      %dma_wait3A_80 = arith.constant 0 : i32
      %dma_wait3A_81 = tpu.memref_slice %arg5[%multiple_of3A, %dma_wait3A_80] : memref<2048x768xf32, #tpu.memory_space<hbm>> -> memref<32x768xf32, #tpu.memory_space<hbm>>
      tpu.wait_dma2 semaphore(%run_scoped3A : memref<!tpu.dma_semaphore, #tpu.memory_space<semaphore_mem>>) src(%arg9 : memref<32x768xf32, #tpu.memory_space<vmem>>) dst(%dma_wait3A_81 : memref<32x768xf32, #tpu.memory_space<hbm>>)
      tpu.yield
    }) : () -> ()
    %mul3A_35 = arith.constant 64 : i32
    %mul3A_36 = arith.muli %add3A, %mul3A_35 : i32
    %add3A_37 = arith.constant 32 : i32
    %add3A_38 = arith.addi %mul3A_36, %add3A_37 : i32
    %multiple_of3A_39 = tpu.assume_multiple %add3A_38, 32 : i32
    "tpu.region"() ({
      %run_scoped3A = tpu.sem_alloc : memref<!tpu.dma_semaphore, #tpu.memory_space<semaphore_mem>>
      %dma_start3A_74 = tpu.memref_slice %arg3[%multiple_of3A_39] : memref<4096xi32, #tpu.memory_space<hbm>> -> memref<32xi32, #tpu.memory_space<hbm>>
      %dma_start3A_75 = tpu.memref_slice %arg3[%multiple_of3A_39] : memref<4096xi32, #tpu.memory_space<hbm>> -> memref<32xi32, #tpu.memory_space<hbm>>
      tpu.enqueue_dma source(%dma_start3A_75 : memref<32xi32, #tpu.memory_space<hbm>>) target(%arg6 : memref<32xi32, #tpu.memory_space<vmem>>) target_semaphore(%run_scoped3A : memref<!tpu.dma_semaphore, #tpu.memory_space<semaphore_mem>>)
      %dma_wait3A_76 = tpu.memref_slice %arg3[%multiple_of3A_39] : memref<4096xi32, #tpu.memory_space<hbm>> -> memref<32xi32, #tpu.memory_space<hbm>>
      %dma_wait3A_77 = tpu.memref_slice %arg3[%multiple_of3A_39] : memref<4096xi32, #tpu.memory_space<hbm>> -> memref<32xi32, #tpu.memory_space<hbm>>
      tpu.wait_dma2 semaphore(%run_scoped3A : memref<!tpu.dma_semaphore, #tpu.memory_space<semaphore_mem>>) src(%dma_wait3A_77 : memref<32xi32, #tpu.memory_space<hbm>>) dst(%arg6 : memref<32xi32, #tpu.memory_space<vmem>>)
      tpu.yield
    }) : () -> ()
    %add3A_40 = arith.constant 2048 : i32
    %add3A_41 = arith.addi %add3A_40, %multiple_of3A_39 : i32
    "tpu.region"() ({
      %run_scoped3A = tpu.sem_alloc : memref<!tpu.dma_semaphore, #tpu.memory_space<semaphore_mem>>
      %dma_start3A_74 = tpu.memref_slice %arg3[%add3A_41] : memref<4096xi32, #tpu.memory_space<hbm>> -> memref<32xi32, #tpu.memory_space<hbm>>
      %dma_start3A_75 = tpu.memref_slice %arg3[%add3A_41] : memref<4096xi32, #tpu.memory_space<hbm>> -> memref<32xi32, #tpu.memory_space<hbm>>
      tpu.enqueue_dma source(%dma_start3A_75 : memref<32xi32, #tpu.memory_space<hbm>>) target(%arg7 : memref<32xi32, #tpu.memory_space<vmem>>) target_semaphore(%run_scoped3A : memref<!tpu.dma_semaphore, #tpu.memory_space<semaphore_mem>>)
      %dma_wait3A_76 = tpu.memref_slice %arg3[%add3A_41] : memref<4096xi32, #tpu.memory_space<hbm>> -> memref<32xi32, #tpu.memory_space<hbm>>
      %dma_wait3A_77 = tpu.memref_slice %arg3[%add3A_41] : memref<4096xi32, #tpu.memory_space<hbm>> -> memref<32xi32, #tpu.memory_space<hbm>>
      tpu.wait_dma2 semaphore(%run_scoped3A : memref<!tpu.dma_semaphore, #tpu.memory_space<semaphore_mem>>) src(%dma_wait3A_77 : memref<32xi32, #tpu.memory_space<hbm>>) dst(%arg7 : memref<32xi32, #tpu.memory_space<vmem>>)
      tpu.yield
    }) : () -> ()
    %dma_start3A_42 = arith.constant 0 : i32
    %dma_start3A_43 = arith.constant 0 : i32
    %dma_start3A_44 = tpu.memref_slice %arg2[%dma_start3A_42, %dma_start3A_43] : memref<6144x768xf32, #tpu.memory_space<hbm>> -> memref<6144x768xf32, #tpu.memory_space<hbm>>
    tpu.enqueue_indirect_dma source(%dma_start3A_44 : memref<6144x768xf32, #tpu.memory_space<hbm>>) target(%arg9 : memref<32x768xf32, #tpu.memory_space<vmem>>) offsets(%arg6 : memref<32xi32, #tpu.memory_space<vmem>>) semaphore(%arg11 : memref<!tpu.dma_semaphore, #tpu.memory_space<semaphore_mem>>)
    %dma_start3A_45 = arith.constant 0 : i32
    %dma_start3A_46 = arith.constant 0 : i32
    %dma_start3A_47 = tpu.memref_slice %arg2[%dma_start3A_45, %dma_start3A_46] : memref<6144x768xf32, #tpu.memory_space<hbm>> -> memref<6144x768xf32, #tpu.memory_space<hbm>>
    tpu.enqueue_indirect_dma source(%dma_start3A_47 : memref<6144x768xf32, #tpu.memory_space<hbm>>) target(%arg10 : memref<32x768xf32, #tpu.memory_space<vmem>>) offsets(%arg7 : memref<32xi32, #tpu.memory_space<vmem>>) semaphore(%arg11 : memref<!tpu.dma_semaphore, #tpu.memory_space<semaphore_mem>>)
    "tpu.region"() ({
      %run_scoped3A = tpu.sem_alloc : memref<!tpu.dma_semaphore, #tpu.memory_space<semaphore_mem>>
      %dma_start3A_74 = arith.constant 0 : i32
      %dma_start3A_75 = tpu.memref_slice %arg8[%dma_start3A_74] : memref<64xf32, #tpu.memory_space<vmem>> -> memref<32xf32, #tpu.memory_space<vmem>>
      %dma_start3A_76 = tpu.memref_slice %arg4[%multiple_of3A_39] : memref<4096xf32, #tpu.memory_space<hbm>> -> memref<32xf32, #tpu.memory_space<hbm>>
      %dma_start3A_77 = arith.constant 0 : i32
      %dma_start3A_78 = tpu.memref_slice %arg8[%dma_start3A_77] : memref<64xf32, #tpu.memory_space<vmem>> -> memref<32xf32, #tpu.memory_space<vmem>>
      %dma_start3A_79 = tpu.memref_slice %arg4[%multiple_of3A_39] : memref<4096xf32, #tpu.memory_space<hbm>> -> memref<32xf32, #tpu.memory_space<hbm>>
      tpu.enqueue_dma source(%dma_start3A_79 : memref<32xf32, #tpu.memory_space<hbm>>) target(%dma_start3A_78 : memref<32xf32, #tpu.memory_space<vmem>>) target_semaphore(%run_scoped3A : memref<!tpu.dma_semaphore, #tpu.memory_space<semaphore_mem>>)
      %dma_wait3A_80 = arith.constant 0 : i32
      %dma_wait3A_81 = tpu.memref_slice %arg8[%dma_wait3A_80] : memref<64xf32, #tpu.memory_space<vmem>> -> memref<32xf32, #tpu.memory_space<vmem>>
      %dma_wait3A_82 = tpu.memref_slice %arg4[%multiple_of3A_39] : memref<4096xf32, #tpu.memory_space<hbm>> -> memref<32xf32, #tpu.memory_space<hbm>>
      %dma_wait3A_83 = arith.constant 0 : i32
      %dma_wait3A_84 = tpu.memref_slice %arg8[%dma_wait3A_83] : memref<64xf32, #tpu.memory_space<vmem>> -> memref<32xf32, #tpu.memory_space<vmem>>
      %dma_wait3A_85 = tpu.memref_slice %arg4[%multiple_of3A_39] : memref<4096xf32, #tpu.memory_space<hbm>> -> memref<32xf32, #tpu.memory_space<hbm>>
      tpu.wait_dma2 semaphore(%run_scoped3A : memref<!tpu.dma_semaphore, #tpu.memory_space<semaphore_mem>>) src(%dma_wait3A_85 : memref<32xf32, #tpu.memory_space<hbm>>) dst(%dma_wait3A_84 : memref<32xf32, #tpu.memory_space<vmem>>)
      tpu.yield
    }) : () -> ()
    %add3A_48 = arith.constant 2048 : i32
    %add3A_49 = arith.addi %add3A_48, %multiple_of3A_39 : i32
    "tpu.region"() ({
      %run_scoped3A = tpu.sem_alloc : memref<!tpu.dma_semaphore, #tpu.memory_space<semaphore_mem>>
      %dma_start3A_74 = arith.constant 32 : i32
      %dma_start3A_75 = tpu.memref_slice %arg8[%dma_start3A_74] : memref<64xf32, #tpu.memory_space<vmem>> -> memref<32xf32, #tpu.memory_space<vmem>>
      %dma_start3A_76 = tpu.memref_slice %arg4[%add3A_49] : memref<4096xf32, #tpu.memory_space<hbm>> -> memref<32xf32, #tpu.memory_space<hbm>>
      %dma_start3A_77 = arith.constant 32 : i32
      %dma_start3A_78 = tpu.memref_slice %arg8[%dma_start3A_77] : memref<64xf32, #tpu.memory_space<vmem>> -> memref<32xf32, #tpu.memory_space<vmem>>
      %dma_start3A_79 = tpu.memref_slice %arg4[%add3A_49] : memref<4096xf32, #tpu.memory_space<hbm>> -> memref<32xf32, #tpu.memory_space<hbm>>
      tpu.enqueue_dma source(%dma_start3A_79 : memref<32xf32, #tpu.memory_space<hbm>>) target(%dma_start3A_78 : memref<32xf32, #tpu.memory_space<vmem>>) target_semaphore(%run_scoped3A : memref<!tpu.dma_semaphore, #tpu.memory_space<semaphore_mem>>)
      %dma_wait3A_80 = arith.constant 32 : i32
      %dma_wait3A_81 = tpu.memref_slice %arg8[%dma_wait3A_80] : memref<64xf32, #tpu.memory_space<vmem>> -> memref<32xf32, #tpu.memory_space<vmem>>
      %dma_wait3A_82 = tpu.memref_slice %arg4[%add3A_49] : memref<4096xf32, #tpu.memory_space<hbm>> -> memref<32xf32, #tpu.memory_space<hbm>>
      %dma_wait3A_83 = arith.constant 32 : i32
      %dma_wait3A_84 = tpu.memref_slice %arg8[%dma_wait3A_83] : memref<64xf32, #tpu.memory_space<vmem>> -> memref<32xf32, #tpu.memory_space<vmem>>
      %dma_wait3A_85 = tpu.memref_slice %arg4[%add3A_49] : memref<4096xf32, #tpu.memory_space<hbm>> -> memref<32xf32, #tpu.memory_space<hbm>>
      tpu.wait_dma2 semaphore(%run_scoped3A : memref<!tpu.dma_semaphore, #tpu.memory_space<semaphore_mem>>) src(%dma_wait3A_85 : memref<32xf32, #tpu.memory_space<hbm>>) dst(%dma_wait3A_84 : memref<32xf32, #tpu.memory_space<vmem>>)
      tpu.yield
    }) : () -> ()
    %dma_wait3A_50 = arith.constant 0 : i32
    %dma_wait3A_51 = arith.constant 0 : i32
    %dma_wait3A_52 = tpu.memref_slice %arg2[%dma_wait3A_50, %dma_wait3A_51] : memref<6144x768xf32, #tpu.memory_space<hbm>> -> memref<6144x768xf32, #tpu.memory_space<hbm>>
    tpu.wait_indirect_dma semaphore(%arg11 : memref<!tpu.dma_semaphore, #tpu.memory_space<semaphore_mem>>) src(%dma_wait3A_52 : memref<6144x768xf32, #tpu.memory_space<hbm>>) dst(%arg9 : memref<32x768xf32, #tpu.memory_space<vmem>>)
    %dma_wait3A_53 = arith.constant 0 : i32
    %dma_wait3A_54 = arith.constant 0 : i32
    %dma_wait3A_55 = tpu.memref_slice %arg2[%dma_wait3A_53, %dma_wait3A_54] : memref<6144x768xf32, #tpu.memory_space<hbm>> -> memref<6144x768xf32, #tpu.memory_space<hbm>>
    tpu.wait_indirect_dma semaphore(%arg11 : memref<!tpu.dma_semaphore, #tpu.memory_space<semaphore_mem>>) src(%dma_wait3A_55 : memref<6144x768xf32, #tpu.memory_space<hbm>>) dst(%arg10 : memref<32x768xf32, #tpu.memory_space<vmem>>)
    %get3A_56 = arith.constant 0 : index
    %get3A_57 = tpu.vector_load %arg8[%get3A_56] {strides = array<i32>} : memref<64xf32, #tpu.memory_space<vmem>>, vector<16xf32>,
    %get3A_58 = vector.shape_cast %get3A_57 : vector<16xf32> to vector<16xf32>
    %get3A_59 = arith.constant 16 : index
    %get3A_60 = tpu.vector_load %arg8[%get3A_59] {strides = array<i32>} : memref<64xf32, #tpu.memory_space<vmem>>, vector<16xf32>,
    %get3A_61 = vector.shape_cast %get3A_60 : vector<16xf32> to vector<16xf32>
    %get3A_62 = arith.constant 32 : index
    %get3A_63 = tpu.vector_load %arg8[%get3A_62] {strides = array<i32>} : memref<64xf32, #tpu.memory_space<vmem>>, vector<16xf32>,
    %get3A_64 = vector.shape_cast %get3A_63 : vector<16xf32> to vector<16xf32>
    %get3A_65 = arith.constant 48 : index
    %get3A_66 = tpu.vector_load %arg8[%get3A_65] {strides = array<i32>} : memref<64xf32, #tpu.memory_space<vmem>>, vector<16xf32>,
    %get3A_67 = vector.shape_cast %get3A_66 : vector<16xf32> to vector<16xf32>
    %scan3A_68 = arith.constant 0 : i32
    %scan3A_69 = arith.constant 0 : i32
    %scan3A_70 = arith.constant 32 : i32
    %scan3A_71 = arith.addi %scan3A_69, %scan3A_70 : i32
    %scan3A_72 = arith.constant 1 : i32
    scf.for %scan3A_74 = %scan3A_69 to %scan3A_71 step %scan3A_72  : i32 {
      %and3A = arith.constant 15 : i32
      %and3A_75 = arith.andi %scan3A_74, %and3A : i32
      %broadcast_in_dim3A = vector.broadcast %and3A_75 : i32 to vector<16xi32>
      %lt3A = arith.constant 16 : i32
      %lt3A_76 = arith.cmpi slt, %scan3A_74, %lt3A : i32
      %lt3A_77 = arith.constant 0 : i32
      %lt3A_78 = vector.broadcast %lt3A_77 : i32 to vector<16xi32>
      %lt3A_79 = arith.cmpi slt, %broadcast_in_dim3A, %lt3A_78 : vector<16xi32>
      %add3A_80 = arith.constant 16 : i32
      %add3A_81 = vector.broadcast %add3A_80 : i32 to vector<16xi32>
      %add3A_82 = arith.addi %broadcast_in_dim3A, %add3A_81 : vector<16xi32>
      %select_n3A = arith.select %lt3A_79, %add3A_82, %broadcast_in_dim3A : vector<16xi1>, vector<16xi32>
      %broadcast_in_dim3A_83 = vector.shape_cast %select_n3A : vector<16xi32> to vector<16x1xi32>
      %gather3A = vector.shape_cast %broadcast_in_dim3A_83 : vector<16x1xi32> to vector<16xi32>
      %gather3A_84 = tpu.dynamic_gather %get3A_58[%gather3A] in [0] : vector<16xf32>, vector<16xi32> -> vector<16xf32>
      %lt3A_85 = arith.constant 0 : i32
      %lt3A_86 = vector.broadcast %lt3A_85 : i32 to vector<16xi32>
      %lt3A_87 = arith.cmpi slt, %broadcast_in_dim3A, %lt3A_86 : vector<16xi32>
      %add3A_88 = arith.constant 16 : i32
      %add3A_89 = vector.broadcast %add3A_88 : i32 to vector<16xi32>
      %add3A_90 = arith.addi %broadcast_in_dim3A, %add3A_89 : vector<16xi32>
      %select_n3A_91 = arith.select %lt3A_87, %add3A_90, %broadcast_in_dim3A : vector<16xi1>, vector<16xi32>
      %broadcast_in_dim3A_92 = vector.shape_cast %select_n3A_91 : vector<16xi32> to vector<16x1xi32>
      %gather3A_93 = vector.shape_cast %broadcast_in_dim3A_92 : vector<16x1xi32> to vector<16xi32>
      %gather3A_94 = tpu.dynamic_gather %get3A_61[%gather3A_93] in [0] : vector<16xf32>, vector<16xi32> -> vector<16xf32>
      %select_n3A_95 = arith.select %lt3A_76, %gather3A_84, %gather3A_94 : vector<16xf32>
      %lt3A_96 = arith.constant 0 : i32
      %lt3A_97 = vector.broadcast %lt3A_96 : i32 to vector<16xi32>
      %lt3A_98 = arith.cmpi slt, %broadcast_in_dim3A, %lt3A_97 : vector<16xi32>
      %add3A_99 = arith.constant 16 : i32
      %add3A_100 = vector.broadcast %add3A_99 : i32 to vector<16xi32>
      %add3A_101 = arith.addi %broadcast_in_dim3A, %add3A_100 : vector<16xi32>
      %select_n3A_102 = arith.select %lt3A_98, %add3A_101, %broadcast_in_dim3A : vector<16xi1>, vector<16xi32>
      %broadcast_in_dim3A_103 = vector.shape_cast %select_n3A_102 : vector<16xi32> to vector<16x1xi32>
      %gather3A_104 = vector.shape_cast %broadcast_in_dim3A_103 : vector<16x1xi32> to vector<16xi32>
      %gather3A_105 = tpu.dynamic_gather %get3A_64[%gather3A_104] in [0] : vector<16xf32>, vector<16xi32> -> vector<16xf32>
      %lt3A_106 = arith.constant 0 : i32
      %lt3A_107 = vector.broadcast %lt3A_106 : i32 to vector<16xi32>
      %lt3A_108 = arith.cmpi slt, %broadcast_in_dim3A, %lt3A_107 : vector<16xi32>
      %add3A_109 = arith.constant 16 : i32
      %add3A_110 = vector.broadcast %add3A_109 : i32 to vector<16xi32>
      %add3A_111 = arith.addi %broadcast_in_dim3A, %add3A_110 : vector<16xi32>
      %select_n3A_112 = arith.select %lt3A_108, %add3A_111, %broadcast_in_dim3A : vector<16xi1>, vector<16xi32>
      %broadcast_in_dim3A_113 = vector.shape_cast %select_n3A_112 : vector<16xi32> to vector<16x1xi32>
      %gather3A_114 = vector.shape_cast %broadcast_in_dim3A_113 : vector<16x1xi32> to vector<16xi32>
      %gather3A_115 = tpu.dynamic_gather %get3A_67[%gather3A_114] in [0] : vector<16xf32>, vector<16xi32> -> vector<16xf32>
      %select_n3A_116 = arith.select %lt3A_76, %gather3A_105, %gather3A_115 : vector<16xf32>
      %get3A_117 = arith.index_cast %scan3A_74 : i32 to index
      %get3A_118 = arith.constant 0 : index
      %get3A_119 = tpu.vector_load %arg9[%get3A_117, %get3A_118] {strides = array<i32>} : memref<32x768xf32, #tpu.memory_space<vmem>>, vector<1x16xf32>,
      %get3A_120 = vector.shape_cast %get3A_119 : vector<1x16xf32> to vector<16xf32>
      %mul3A_121 = arith.mulf %select_n3A_95, %get3A_120 : vector<16xf32>
      %get3A_122 = arith.index_cast %scan3A_74 : i32 to index
      %get3A_123 = arith.constant 0 : index
      %get3A_124 = tpu.vector_load %arg10[%get3A_122, %get3A_123] {strides = array<i32>} : memref<32x768xf32, #tpu.memory_space<vmem>>, vector<1x16xf32>,
      %get3A_125 = vector.shape_cast %get3A_124 : vector<1x16xf32> to vector<16xf32>
      %mul3A_126 = arith.mulf %select_n3A_116, %get3A_125 : vector<16xf32>
      %add3A_127 = arith.addf %mul3A_121, %mul3A_126 : vector<16xf32>
      %swap3A = arith.index_cast %scan3A_74 : i32 to index
      %swap3A_128 = arith.constant 0 : index
      %swap3A_129 = tpu.vector_load %arg9[%swap3A, %swap3A_128] {strides = array<i32>} : memref<32x768xf32, #tpu.memory_space<vmem>>, vector<1x16xf32>,
      %swap3A_130 = vector.shape_cast %swap3A_129 : vector<1x16xf32> to vector<16xf32>
      %swap3A_131 = vector.shape_cast %add3A_127 : vector<16xf32> to vector<1x16xf32>
      tpu.vector_store %arg9[%swap3A, %swap3A_128], %swap3A_131 {strides = array<i32>} : memref<32x768xf32, #tpu.memory_space<vmem>>, vector<1x16xf32>,
      %get3A_132 = arith.index_cast %scan3A_74 : i32 to index
      %get3A_133 = arith.constant 16 : index
      %get3A_134 = tpu.vector_load %arg9[%get3A_132, %get3A_133] {strides = array<i32>} : memref<32x768xf32, #tpu.memory_space<vmem>>, vector<1x16xf32>,
      %get3A_135 = vector.shape_cast %get3A_134 : vector<1x16xf32> to vector<16xf32>
      %mul3A_136 = arith.mulf %select_n3A_95, %get3A_135 : vector<16xf32>
      %get3A_137 = arith.index_cast %scan3A_74 : i32 to index
      %get3A_138 = arith.constant 16 : index
      %get3A_139 = tpu.vector_load %arg10[%get3A_137, %get3A_138] {strides = array<i32>} : memref<32x768xf32, #tpu.memory_space<vmem>>, vector<1x16xf32>,
      %get3A_140 = vector.shape_cast %get3A_139 : vector<1x16xf32> to vector<16xf32>
      %mul3A_141 = arith.mulf %select_n3A_116, %get3A_140 : vector<16xf32>
      %add3A_142 = arith.addf %mul3A_136, %mul3A_141 : vector<16xf32>
      %swap3A_143 = arith.index_cast %scan3A_74 : i32 to index
      %swap3A_144 = arith.constant 16 : index
      %swap3A_145 = tpu.vector_load %arg9[%swap3A_143, %swap3A_144] {strides = array<i32>} : memref<32x768xf32, #tpu.memory_space<vmem>>, vector<1x16xf32>,
      %swap3A_146 = vector.shape_cast %swap3A_145 : vector<1x16xf32> to vector<16xf32>
      %swap3A_147 = vector.shape_cast %add3A_142 : vector<16xf32> to vector<1x16xf32>
      tpu.vector_store %arg9[%swap3A_143, %swap3A_144], %swap3A_147 {strides = array<i32>} : memref<32x768xf32, #tpu.memory_space<vmem>>, vector<1x16xf32>,
      %get3A_148 = arith.index_cast %scan3A_74 : i32 to index
      %get3A_149 = arith.constant 32 : index
      %get3A_150 = tpu.vector_load %arg9[%get3A_148, %get3A_149] {strides = array<i32>} : memref<32x768xf32, #tpu.memory_space<vmem>>, vector<1x16xf32>,
      %get3A_151 = vector.shape_cast %get3A_150 : vector<1x16xf32> to vector<16xf32>
      %mul3A_152 = arith.mulf %select_n3A_95, %get3A_151 : vector<16xf32>
      %get3A_153 = arith.index_cast %scan3A_74 : i32 to index
      %get3A_154 = arith.constant 32 : index
      %get3A_155 = tpu.vector_load %arg10[%get3A_153, %get3A_154] {strides = array<i32>} : memref<32x768xf32, #tpu.memory_space<vmem>>, vector<1x16xf32>,
      %get3A_156 = vector.shape_cast %get3A_155 : vector<1x16xf32> to vector<16xf32>
      %mul3A_157 = arith.mulf %select_n3A_116, %get3A_156 : vector<16xf32>
      %add3A_158 = arith.addf %mul3A_152, %mul3A_157 : vector<16xf32>
      %swap3A_159 = arith.index_cast %scan3A_74 : i32 to index
      %swap3A_160 = arith.constant 32 : index
      %swap3A_161 = tpu.vector_load %arg9[%swap3A_159, %swap3A_160] {strides = array<i32>} : memref<32x768xf32, #tpu.memory_space<vmem>>, vector<1x16xf32>,
      %swap3A_162 = vector.shape_cast %swap3A_161 : vector<1x16xf32> to vector<16xf32>
      %swap3A_163 = vector.shape_cast %add3A_158 : vector<16xf32> to vector<1x16xf32>
      tpu.vector_store %arg9[%swap3A_159, %swap3A_160], %swap3A_163 {strides = array<i32>} : memref<32x768xf32, #tpu.memory_space<vmem>>, vector<1x16xf32>,
      %get3A_164 = arith.index_cast %scan3A_74 : i32 to index
      %get3A_165 = arith.constant 48 : index
      %get3A_166 = tpu.vector_load %arg9[%get3A_164, %get3A_165] {strides = array<i32>} : memref<32x768xf32, #tpu.memory_space<vmem>>, vector<1x16xf32>,
      %get3A_167 = vector.shape_cast %get3A_166 : vector<1x16xf32> to vector<16xf32>
      %mul3A_168 = arith.mulf %select_n3A_95, %get3A_167 : vector<16xf32>
      %get3A_169 = arith.index_cast %scan3A_74 : i32 to index
      %get3A_170 = arith.constant 48 : index
      %get3A_171 = tpu.vector_load %arg10[%get3A_169, %get3A_170] {strides = array<i32>} : memref<32x768xf32, #tpu.memory_space<vmem>>, vector<1x16xf32>,
      %get3A_172 = vector.shape_cast %get3A_171 : vector<1x16xf32> to vector<16xf32>
      %mul3A_173 = arith.mulf %select_n3A_116, %get3A_172 : vector<16xf32>
      %add3A_174 = arith.addf %mul3A_168, %mul3A_173 : vector<16xf32>
      %swap3A_175 = arith.index_cast %scan3A_74 : i32 to index
      %swap3A_176 = arith.constant 48 : index
      %swap3A_177 = tpu.vector_load %arg9[%swap3A_175, %swap3A_176] {strides = array<i32>} : memref<32x768xf32, #tpu.memory_space<vmem>>, vector<1x16xf32>,
      %swap3A_178 = vector.shape_cast %swap3A_177 : vector<1x16xf32> to vector<16xf32>
      %swap3A_179 = vector.shape_cast %add3A_174 : vector<16xf32> to vector<1x16xf32>
      tpu.vector_store %arg9[%swap3A_175, %swap3A_176], %swap3A_179 {strides = array<i32>} : memref<32x768xf32, #tpu.memory_space<vmem>>, vector<1x16xf32>,
      %get3A_180 = arith.index_cast %scan3A_74 : i32 to index
      %get3A_181 = arith.constant 64 : index
      %get3A_182 = tpu.vector_load %arg9[%get3A_180, %get3A_181] {strides = array<i32>} : memref<32x768xf32, #tpu.memory_space<vmem>>, vector<1x16xf32>,
      %get3A_183 = vector.shape_cast %get3A_182 : vector<1x16xf32> to vector<16xf32>
      %mul3A_184 = arith.mulf %select_n3A_95, %get3A_183 : vector<16xf32>
      %get3A_185 = arith.index_cast %scan3A_74 : i32 to index
      %get3A_186 = arith.constant 64 : index
      %get3A_187 = tpu.vector_load %arg10[%get3A_185, %get3A_186] {strides = array<i32>} : memref<32x768xf32, #tpu.memory_space<vmem>>, vector<1x16xf32>,
      %get3A_188 = vector.shape_cast %get3A_187 : vector<1x16xf32> to vector<16xf32>
      %mul3A_189 = arith.mulf %select_n3A_116, %get3A_188 : vector<16xf32>
      %add3A_190 = arith.addf %mul3A_184, %mul3A_189 : vector<16xf32>
      %swap3A_191 = arith.index_cast %scan3A_74 : i32 to index
      %swap3A_192 = arith.constant 64 : index
      %swap3A_193 = tpu.vector_load %arg9[%swap3A_191, %swap3A_192] {strides = array<i32>} : memref<32x768xf32, #tpu.memory_space<vmem>>, vector<1x16xf32>,
      %swap3A_194 = vector.shape_cast %swap3A_193 : vector<1x16xf32> to vector<16xf32>
      %swap3A_195 = vector.shape_cast %add3A_190 : vector<16xf32> to vector<1x16xf32>
      tpu.vector_store %arg9[%swap3A_191, %swap3A_192], %swap3A_195 {strides = array<i32>} : memref<32x768xf32, #tpu.memory_space<vmem>>, vector<1x16xf32>,
      %get3A_196 = arith.index_cast %scan3A_74 : i32 to index
      %get3A_197 = arith.constant 80 : index
      %get3A_198 = tpu.vector_load %arg9[%get3A_196, %get3A_197] {strides = array<i32>} : memref<32x768xf32, #tpu.memory_space<vmem>>, vector<1x16xf32>,
      %get3A_199 = vector.shape_cast %get3A_198 : vector<1x16xf32> to vector<16xf32>
      %mul3A_200 = arith.mulf %select_n3A_95, %get3A_199 : vector<16xf32>
      %get3A_201 = arith.index_cast %scan3A_74 : i32 to index
      %get3A_202 = arith.constant 80 : index
      %get3A_203 = tpu.vector_load %arg10[%get3A_201, %get3A_202] {strides = array<i32>} : memref<32x768xf32, #tpu.memory_space<vmem>>, vector<1x16xf32>,
      %get3A_204 = vector.shape_cast %get3A_203 : vector<1x16xf32> to vector<16xf32>
      %mul3A_205 = arith.mulf %select_n3A_116, %get3A_204 : vector<16xf32>
      %add3A_206 = arith.addf %mul3A_200, %mul3A_205 : vector<16xf32>
      %swap3A_207 = arith.index_cast %scan3A_74 : i32 to index
      %swap3A_208 = arith.constant 80 : index
      %swap3A_209 = tpu.vector_load %arg9[%swap3A_207, %swap3A_208] {strides = array<i32>} : memref<32x768xf32, #tpu.memory_space<vmem>>, vector<1x16xf32>,
      %swap3A_210 = vector.shape_cast %swap3A_209 : vector<1x16xf32> to vector<16xf32>
      %swap3A_211 = vector.shape_cast %add3A_206 : vector<16xf32> to vector<1x16xf32>
      tpu.vector_store %arg9[%swap3A_207, %swap3A_208], %swap3A_211 {strides = array<i32>} : memref<32x768xf32, #tpu.memory_space<vmem>>, vector<1x16xf32>,
      %get3A_212 = arith.index_cast %scan3A_74 : i32 to index
      %get3A_213 = arith.constant 96 : index
      %get3A_214 = tpu.vector_load %arg9[%get3A_212, %get3A_213] {strides = array<i32>} : memref<32x768xf32, #tpu.memory_space<vmem>>, vector<1x16xf32>,
      %get3A_215 = vector.shape_cast %get3A_214 : vector<1x16xf32> to vector<16xf32>
      %mul3A_216 = arith.mulf %select_n3A_95, %get3A_215 : vector<16xf32>
      %get3A_217 = arith.index_cast %scan3A_74 : i32 to index
      %get3A_218 = arith.constant 96 : index
      %get3A_219 = tpu.vector_load %arg10[%get3A_217, %get3A_218] {strides = array<i32>} : memref<32x768xf32, #tpu.memory_space<vmem>>, vector<1x16xf32>,
      %get3A_220 = vector.shape_cast %get3A_219 : vector<1x16xf32> to vector<16xf32>
      %mul3A_221 = arith.mulf %select_n3A_116, %get3A_220 : vector<16xf32>
      %add3A_222 = arith.addf %mul3A_216, %mul3A_221 : vector<16xf32>
      %swap3A_223 = arith.index_cast %scan3A_74 : i32 to index
      %swap3A_224 = arith.constant 96 : index
      %swap3A_225 = tpu.vector_load %arg9[%swap3A_223, %swap3A_224] {strides = array<i32>} : memref<32x768xf32, #tpu.memory_space<vmem>>, vector<1x16xf32>,
      %swap3A_226 = vector.shape_cast %swap3A_225 : vector<1x16xf32> to vector<16xf32>
      %swap3A_227 = vector.shape_cast %add3A_222 : vector<16xf32> to vector<1x16xf32>
      tpu.vector_store %arg9[%swap3A_223, %swap3A_224], %swap3A_227 {strides = array<i32>} : memref<32x768xf32, #tpu.memory_space<vmem>>, vector<1x16xf32>,
      %get3A_228 = arith.index_cast %scan3A_74 : i32 to index
      %get3A_229 = arith.constant 112 : index
      %get3A_230 = tpu.vector_load %arg9[%get3A_228, %get3A_229] {strides = array<i32>} : memref<32x768xf32, #tpu.memory_space<vmem>>, vector<1x16xf32>,
      %get3A_231 = vector.shape_cast %get3A_230 : vector<1x16xf32> to vector<16xf32>
      %mul3A_232 = arith.mulf %select_n3A_95, %get3A_231 : vector<16xf32>
      %get3A_233 = arith.index_cast %scan3A_74 : i32 to index
      %get3A_234 = arith.constant 112 : index
      %get3A_235 = tpu.vector_load %arg10[%get3A_233, %get3A_234] {strides = array<i32>} : memref<32x768xf32, #tpu.memory_space<vmem>>, vector<1x16xf32>,
      %get3A_236 = vector.shape_cast %get3A_235 : vector<1x16xf32> to vector<16xf32>
      %mul3A_237 = arith.mulf %select_n3A_116, %get3A_236 : vector<16xf32>
      %add3A_238 = arith.addf %mul3A_232, %mul3A_237 : vector<16xf32>
      %swap3A_239 = arith.index_cast %scan3A_74 : i32 to index
      %swap3A_240 = arith.constant 112 : index
      %swap3A_241 = tpu.vector_load %arg9[%swap3A_239, %swap3A_240] {strides = array<i32>} : memref<32x768xf32, #tpu.memory_space<vmem>>, vector<1x16xf32>,
      %swap3A_242 = vector.shape_cast %swap3A_241 : vector<1x16xf32> to vector<16xf32>
      %swap3A_243 = vector.shape_cast %add3A_238 : vector<16xf32> to vector<1x16xf32>
      tpu.vector_store %arg9[%swap3A_239, %swap3A_240], %swap3A_243 {strides = array<i32>} : memref<32x768xf32, #tpu.memory_space<vmem>>, vector<1x16xf32>,
      %get3A_244 = arith.index_cast %scan3A_74 : i32 to index
      %get3A_245 = arith.constant 128 : index
      %get3A_246 = tpu.vector_load %arg9[%get3A_244, %get3A_245] {strides = array<i32>} : memref<32x768xf32, #tpu.memory_space<vmem>>, vector<1x16xf32>,
      %get3A_247 = vector.shape_cast %get3A_246 : vector<1x16xf32> to vector<16xf32>
      %mul3A_248 = arith.mulf %select_n3A_95, %get3A_247 : vector<16xf32>
      %get3A_249 = arith.index_cast %scan3A_74 : i32 to index
      %get3A_250 = arith.constant 128 : index
      %get3A_251 = tpu.vector_load %arg10[%get3A_249, %get3A_250] {strides = array<i32>} : memref<32x768xf32, #tpu.memory_space<vmem>>, vector<1x16xf32>,
      %get3A_252 = vector.shape_cast %get3A_251 : vector<1x16xf32> to vector<16xf32>
      %mul3A_253 = arith.mulf %select_n3A_116, %get3A_252 : vector<16xf32>
      %add3A_254 = arith.addf %mul3A_248, %mul3A_253 : vector<16xf32>
      %swap3A_255 = arith.index_cast %scan3A_74 : i32 to index
      %swap3A_256 = arith.constant 128 : index
      %swap3A_257 = tpu.vector_load %arg9[%swap3A_255, %swap3A_256] {strides = array<i32>} : memref<32x768xf32, #tpu.memory_space<vmem>>, vector<1x16xf32>,
      %swap3A_258 = vector.shape_cast %swap3A_257 : vector<1x16xf32> to vector<16xf32>
      %swap3A_259 = vector.shape_cast %add3A_254 : vector<16xf32> to vector<1x16xf32>
      tpu.vector_store %arg9[%swap3A_255, %swap3A_256], %swap3A_259 {strides = array<i32>} : memref<32x768xf32, #tpu.memory_space<vmem>>, vector<1x16xf32>,
      %get3A_260 = arith.index_cast %scan3A_74 : i32 to index
      %get3A_261 = arith.constant 144 : index
      %get3A_262 = tpu.vector_load %arg9[%get3A_260, %get3A_261] {strides = array<i32>} : memref<32x768xf32, #tpu.memory_space<vmem>>, vector<1x16xf32>,
      %get3A_263 = vector.shape_cast %get3A_262 : vector<1x16xf32> to vector<16xf32>
      %mul3A_264 = arith.mulf %select_n3A_95, %get3A_263 : vector<16xf32>
      %get3A_265 = arith.index_cast %scan3A_74 : i32 to index
      %get3A_266 = arith.constant 144 : index
      %get3A_267 = tpu.vector_load %arg10[%get3A_265, %get3A_266] {strides = array<i32>} : memref<32x768xf32, #tpu.memory_space<vmem>>, vector<1x16xf32>,
      %get3A_268 = vector.shape_cast %get3A_267 : vector<1x16xf32> to vector<16xf32>
      %mul3A_269 = arith.mulf %select_n3A_116, %get3A_268 : vector<16xf32>
      %add3A_270 = arith.addf %mul3A_264, %mul3A_269 : vector<16xf32>
      %swap3A_271 = arith.index_cast %scan3A_74 : i32 to index
      %swap3A_272 = arith.constant 144 : index
      %swap3A_273 = tpu.vector_load %arg9[%swap3A_271, %swap3A_272] {strides = array<i32>} : memref<32x768xf32, #tpu.memory_space<vmem>>, vector<1x16xf32>,
      %swap3A_274 = vector.shape_cast %swap3A_273 : vector<1x16xf32> to vector<16xf32>
      %swap3A_275 = vector.shape_cast %add3A_270 : vector<16xf32> to vector<1x16xf32>
      tpu.vector_store %arg9[%swap3A_271, %swap3A_272], %swap3A_275 {strides = array<i32>} : memref<32x768xf32, #tpu.memory_space<vmem>>, vector<1x16xf32>,
      %get3A_276 = arith.index_cast %scan3A_74 : i32 to index
      %get3A_277 = arith.constant 160 : index
      %get3A_278 = tpu.vector_load %arg9[%get3A_276, %get3A_277] {strides = array<i32>} : memref<32x768xf32, #tpu.memory_space<vmem>>, vector<1x16xf32>,
      %get3A_279 = vector.shape_cast %get3A_278 : vector<1x16xf32> to vector<16xf32>
      %mul3A_280 = arith.mulf %select_n3A_95, %get3A_279 : vector<16xf32>
      %get3A_281 = arith.index_cast %scan3A_74 : i32 to index
      %get3A_282 = arith.constant 160 : index
      %get3A_283 = tpu.vector_load %arg10[%get3A_281, %get3A_282] {strides = array<i32>} : memref<32x768xf32, #tpu.memory_space<vmem>>, vector<1x16xf32>,
      %get3A_284 = vector.shape_cast %get3A_283 : vector<1x16xf32> to vector<16xf32>
      %mul3A_285 = arith.mulf %select_n3A_116, %get3A_284 : vector<16xf32>
      %add3A_286 = arith.addf %mul3A_280, %mul3A_285 : vector<16xf32>
      %swap3A_287 = arith.index_cast %scan3A_74 : i32 to index
      %swap3A_288 = arith.constant 160 : index
      %swap3A_289 = tpu.vector_load %arg9[%swap3A_287, %swap3A_288] {strides = array<i32>} : memref<32x768xf32, #tpu.memory_space<vmem>>, vector<1x16xf32>,
      %swap3A_290 = vector.shape_cast %swap3A_289 : vector<1x16xf32> to vector<16xf32>
      %swap3A_291 = vector.shape_cast %add3A_286 : vector<16xf32> to vector<1x16xf32>
      tpu.vector_store %arg9[%swap3A_287, %swap3A_288], %swap3A_291 {strides = array<i32>} : memref<32x768xf32, #tpu.memory_space<vmem>>, vector<1x16xf32>,
      %get3A_292 = arith.index_cast %scan3A_74 : i32 to index
      %get3A_293 = arith.constant 176 : index
      %get3A_294 = tpu.vector_load %arg9[%get3A_292, %get3A_293] {strides = array<i32>} : memref<32x768xf32, #tpu.memory_space<vmem>>, vector<1x16xf32>,
      %get3A_295 = vector.shape_cast %get3A_294 : vector<1x16xf32> to vector<16xf32>
      %mul3A_296 = arith.mulf %select_n3A_95, %get3A_295 : vector<16xf32>
      %get3A_297 = arith.index_cast %scan3A_74 : i32 to index
      %get3A_298 = arith.constant 176 : index
      %get3A_299 = tpu.vector_load %arg10[%get3A_297, %get3A_298] {strides = array<i32>} : memref<32x768xf32, #tpu.memory_space<vmem>>, vector<1x16xf32>,
      %get3A_300 = vector.shape_cast %get3A_299 : vector<1x16xf32> to vector<16xf32>
      %mul3A_301 = arith.mulf %select_n3A_116, %get3A_300 : vector<16xf32>
      %add3A_302 = arith.addf %mul3A_296, %mul3A_301 : vector<16xf32>
      %swap3A_303 = arith.index_cast %scan3A_74 : i32 to index
      %swap3A_304 = arith.constant 176 : index
      %swap3A_305 = tpu.vector_load %arg9[%swap3A_303, %swap3A_304] {strides = array<i32>} : memref<32x768xf32, #tpu.memory_space<vmem>>, vector<1x16xf32>,
      %swap3A_306 = vector.shape_cast %swap3A_305 : vector<1x16xf32> to vector<16xf32>
      %swap3A_307 = vector.shape_cast %add3A_302 : vector<16xf32> to vector<1x16xf32>
      tpu.vector_store %arg9[%swap3A_303, %swap3A_304], %swap3A_307 {strides = array<i32>} : memref<32x768xf32, #tpu.memory_space<vmem>>, vector<1x16xf32>,
      %get3A_308 = arith.index_cast %scan3A_74 : i32 to index
      %get3A_309 = arith.constant 192 : index
      %get3A_310 = tpu.vector_load %arg9[%get3A_308, %get3A_309] {strides = array<i32>} : memref<32x768xf32, #tpu.memory_space<vmem>>, vector<1x16xf32>,
      %get3A_311 = vector.shape_cast %get3A_310 : vector<1x16xf32> to vector<16xf32>
      %mul3A_312 = arith.mulf %select_n3A_95, %get3A_311 : vector<16xf32>
      %get3A_313 = arith.index_cast %scan3A_74 : i32 to index
      %get3A_314 = arith.constant 192 : index
      %get3A_315 = tpu.vector_load %arg10[%get3A_313, %get3A_314] {strides = array<i32>} : memref<32x768xf32, #tpu.memory_space<vmem>>, vector<1x16xf32>,
      %get3A_316 = vector.shape_cast %get3A_315 : vector<1x16xf32> to vector<16xf32>
      %mul3A_317 = arith.mulf %select_n3A_116, %get3A_316 : vector<16xf32>
      %add3A_318 = arith.addf %mul3A_312, %mul3A_317 : vector<16xf32>
      %swap3A_319 = arith.index_cast %scan3A_74 : i32 to index
      %swap3A_320 = arith.constant 192 : index
      %swap3A_321 = tpu.vector_load %arg9[%swap3A_319, %swap3A_320] {strides = array<i32>} : memref<32x768xf32, #tpu.memory_space<vmem>>, vector<1x16xf32>,
      %swap3A_322 = vector.shape_cast %swap3A_321 : vector<1x16xf32> to vector<16xf32>
      %swap3A_323 = vector.shape_cast %add3A_318 : vector<16xf32> to vector<1x16xf32>
      tpu.vector_store %arg9[%swap3A_319, %swap3A_320], %swap3A_323 {strides = array<i32>} : memref<32x768xf32, #tpu.memory_space<vmem>>, vector<1x16xf32>,
      %get3A_324 = arith.index_cast %scan3A_74 : i32 to index
      %get3A_325 = arith.constant 208 : index
      %get3A_326 = tpu.vector_load %arg9[%get3A_324, %get3A_325] {strides = array<i32>} : memref<32x768xf32, #tpu.memory_space<vmem>>, vector<1x16xf32>,
      %get3A_327 = vector.shape_cast %get3A_326 : vector<1x16xf32> to vector<16xf32>
      %mul3A_328 = arith.mulf %select_n3A_95, %get3A_327 : vector<16xf32>
      %get3A_329 = arith.index_cast %scan3A_74 : i32 to index
      %get3A_330 = arith.constant 208 : index
      %get3A_331 = tpu.vector_load %arg10[%get3A_329, %get3A_330] {strides = array<i32>} : memref<32x768xf32, #tpu.memory_space<vmem>>, vector<1x16xf32>,
      %get3A_332 = vector.shape_cast %get3A_331 : vector<1x16xf32> to vector<16xf32>
      %mul3A_333 = arith.mulf %select_n3A_116, %get3A_332 : vector<16xf32>
      %add3A_334 = arith.addf %mul3A_328, %mul3A_333 : vector<16xf32>
      %swap3A_335 = arith.index_cast %scan3A_74 : i32 to index
      %swap3A_336 = arith.constant 208 : index
      %swap3A_337 = tpu.vector_load %arg9[%swap3A_335, %swap3A_336] {strides = array<i32>} : memref<32x768xf32, #tpu.memory_space<vmem>>, vector<1x16xf32>,
      %swap3A_338 = vector.shape_cast %swap3A_337 : vector<1x16xf32> to vector<16xf32>
      %swap3A_339 = vector.shape_cast %add3A_334 : vector<16xf32> to vector<1x16xf32>
      tpu.vector_store %arg9[%swap3A_335, %swap3A_336], %swap3A_339 {strides = array<i32>} : memref<32x768xf32, #tpu.memory_space<vmem>>, vector<1x16xf32>,
      %get3A_340 = arith.index_cast %scan3A_74 : i32 to index
      %get3A_341 = arith.constant 224 : index
      %get3A_342 = tpu.vector_load %arg9[%get3A_340, %get3A_341] {strides = array<i32>} : memref<32x768xf32, #tpu.memory_space<vmem>>, vector<1x16xf32>,
      %get3A_343 = vector.shape_cast %get3A_342 : vector<1x16xf32> to vector<16xf32>
      %mul3A_344 = arith.mulf %select_n3A_95, %get3A_343 : vector<16xf32>
      %get3A_345 = arith.index_cast %scan3A_74 : i32 to index
      %get3A_346 = arith.constant 224 : index
      %get3A_347 = tpu.vector_load %arg10[%get3A_345, %get3A_346] {strides = array<i32>} : memref<32x768xf32, #tpu.memory_space<vmem>>, vector<1x16xf32>,
      %get3A_348 = vector.shape_cast %get3A_347 : vector<1x16xf32> to vector<16xf32>
      %mul3A_349 = arith.mulf %select_n3A_116, %get3A_348 : vector<16xf32>
      %add3A_350 = arith.addf %mul3A_344, %mul3A_349 : vector<16xf32>
      %swap3A_351 = arith.index_cast %scan3A_74 : i32 to index
      %swap3A_352 = arith.constant 224 : index
      %swap3A_353 = tpu.vector_load %arg9[%swap3A_351, %swap3A_352] {strides = array<i32>} : memref<32x768xf32, #tpu.memory_space<vmem>>, vector<1x16xf32>,
      %swap3A_354 = vector.shape_cast %swap3A_353 : vector<1x16xf32> to vector<16xf32>
      %swap3A_355 = vector.shape_cast %add3A_350 : vector<16xf32> to vector<1x16xf32>
      tpu.vector_store %arg9[%swap3A_351, %swap3A_352], %swap3A_355 {strides = array<i32>} : memref<32x768xf32, #tpu.memory_space<vmem>>, vector<1x16xf32>,
      %get3A_356 = arith.index_cast %scan3A_74 : i32 to index
      %get3A_357 = arith.constant 240 : index
      %get3A_358 = tpu.vector_load %arg9[%get3A_356, %get3A_357] {strides = array<i32>} : memref<32x768xf32, #tpu.memory_space<vmem>>, vector<1x16xf32>,
      %get3A_359 = vector.shape_cast %get3A_358 : vector<1x16xf32> to vector<16xf32>
      %mul3A_360 = arith.mulf %select_n3A_95, %get3A_359 : vector<16xf32>
      %get3A_361 = arith.index_cast %scan3A_74 : i32 to index
      %get3A_362 = arith.constant 240 : index
      %get3A_363 = tpu.vector_load %arg10[%get3A_361, %get3A_362] {strides = array<i32>} : memref<32x768xf32, #tpu.memory_space<vmem>>, vector<1x16xf32>,
      %get3A_364 = vector.shape_cast %get3A_363 : vector<1x16xf32> to vector<16xf32>
      %mul3A_365 = arith.mulf %select_n3A_116, %get3A_364 : vector<16xf32>
      %add3A_366 = arith.addf %mul3A_360, %mul3A_365 : vector<16xf32>
      %swap3A_367 = arith.index_cast %scan3A_74 : i32 to index
      %swap3A_368 = arith.constant 240 : index
      %swap3A_369 = tpu.vector_load %arg9[%swap3A_367, %swap3A_368] {strides = array<i32>} : memref<32x768xf32, #tpu.memory_space<vmem>>, vector<1x16xf32>,
      %swap3A_370 = vector.shape_cast %swap3A_369 : vector<1x16xf32> to vector<16xf32>
      %swap3A_371 = vector.shape_cast %add3A_366 : vector<16xf32> to vector<1x16xf32>
      tpu.vector_store %arg9[%swap3A_367, %swap3A_368], %swap3A_371 {strides = array<i32>} : memref<32x768xf32, #tpu.memory_space<vmem>>, vector<1x16xf32>,
      %get3A_372 = arith.index_cast %scan3A_74 : i32 to index
      %get3A_373 = arith.constant 256 : index
      %get3A_374 = tpu.vector_load %arg9[%get3A_372, %get3A_373] {strides = array<i32>} : memref<32x768xf32, #tpu.memory_space<vmem>>, vector<1x16xf32>,
      %get3A_375 = vector.shape_cast %get3A_374 : vector<1x16xf32> to vector<16xf32>
      %mul3A_376 = arith.mulf %select_n3A_95, %get3A_375 : vector<16xf32>
      %get3A_377 = arith.index_cast %scan3A_74 : i32 to index
      %get3A_378 = arith.constant 256 : index
      %get3A_379 = tpu.vector_load %arg10[%get3A_377, %get3A_378] {strides = array<i32>} : memref<32x768xf32, #tpu.memory_space<vmem>>, vector<1x16xf32>,
      %get3A_380 = vector.shape_cast %get3A_379 : vector<1x16xf32> to vector<16xf32>
      %mul3A_381 = arith.mulf %select_n3A_116, %get3A_380 : vector<16xf32>
      %add3A_382 = arith.addf %mul3A_376, %mul3A_381 : vector<16xf32>
      %swap3A_383 = arith.index_cast %scan3A_74 : i32 to index
      %swap3A_384 = arith.constant 256 : index
      %swap3A_385 = tpu.vector_load %arg9[%swap3A_383, %swap3A_384] {strides = array<i32>} : memref<32x768xf32, #tpu.memory_space<vmem>>, vector<1x16xf32>,
      %swap3A_386 = vector.shape_cast %swap3A_385 : vector<1x16xf32> to vector<16xf32>
      %swap3A_387 = vector.shape_cast %add3A_382 : vector<16xf32> to vector<1x16xf32>
      tpu.vector_store %arg9[%swap3A_383, %swap3A_384], %swap3A_387 {strides = array<i32>} : memref<32x768xf32, #tpu.memory_space<vmem>>, vector<1x16xf32>,
      %get3A_388 = arith.index_cast %scan3A_74 : i32 to index
      %get3A_389 = arith.constant 272 : index
      %get3A_390 = tpu.vector_load %arg9[%get3A_388, %get3A_389] {strides = array<i32>} : memref<32x768xf32, #tpu.memory_space<vmem>>, vector<1x16xf32>,
      %get3A_391 = vector.shape_cast %get3A_390 : vector<1x16xf32> to vector<16xf32>
      %mul3A_392 = arith.mulf %select_n3A_95, %get3A_391 : vector<16xf32>
      %get3A_393 = arith.index_cast %scan3A_74 : i32 to index
      %get3A_394 = arith.constant 272 : index
      %get3A_395 = tpu.vector_load %arg10[%get3A_393, %get3A_394] {strides = array<i32>} : memref<32x768xf32, #tpu.memory_space<vmem>>, vector<1x16xf32>,
      %get3A_396 = vector.shape_cast %get3A_395 : vector<1x16xf32> to vector<16xf32>
      %mul3A_397 = arith.mulf %select_n3A_116, %get3A_396 : vector<16xf32>
      %add3A_398 = arith.addf %mul3A_392, %mul3A_397 : vector<16xf32>
      %swap3A_399 = arith.index_cast %scan3A_74 : i32 to index
      %swap3A_400 = arith.constant 272 : index
      %swap3A_401 = tpu.vector_load %arg9[%swap3A_399, %swap3A_400] {strides = array<i32>} : memref<32x768xf32, #tpu.memory_space<vmem>>, vector<1x16xf32>,
      %swap3A_402 = vector.shape_cast %swap3A_401 : vector<1x16xf32> to vector<16xf32>
      %swap3A_403 = vector.shape_cast %add3A_398 : vector<16xf32> to vector<1x16xf32>
      tpu.vector_store %arg9[%swap3A_399, %swap3A_400], %swap3A_403 {strides = array<i32>} : memref<32x768xf32, #tpu.memory_space<vmem>>, vector<1x16xf32>,
      %get3A_404 = arith.index_cast %scan3A_74 : i32 to index
      %get3A_405 = arith.constant 288 : index
      %get3A_406 = tpu.vector_load %arg9[%get3A_404, %get3A_405] {strides = array<i32>} : memref<32x768xf32, #tpu.memory_space<vmem>>, vector<1x16xf32>,
      %get3A_407 = vector.shape_cast %get3A_406 : vector<1x16xf32> to vector<16xf32>
      %mul3A_408 = arith.mulf %select_n3A_95, %get3A_407 : vector<16xf32>
      %get3A_409 = arith.index_cast %scan3A_74 : i32 to index
      %get3A_410 = arith.constant 288 : index
      %get3A_411 = tpu.vector_load %arg10[%get3A_409, %get3A_410] {strides = array<i32>} : memref<32x768xf32, #tpu.memory_space<vmem>>, vector<1x16xf32>,
      %get3A_412 = vector.shape_cast %get3A_411 : vector<1x16xf32> to vector<16xf32>
      %mul3A_413 = arith.mulf %select_n3A_116, %get3A_412 : vector<16xf32>
      %add3A_414 = arith.addf %mul3A_408, %mul3A_413 : vector<16xf32>
      %swap3A_415 = arith.index_cast %scan3A_74 : i32 to index
      %swap3A_416 = arith.constant 288 : index
      %swap3A_417 = tpu.vector_load %arg9[%swap3A_415, %swap3A_416] {strides = array<i32>} : memref<32x768xf32, #tpu.memory_space<vmem>>, vector<1x16xf32>,
      %swap3A_418 = vector.shape_cast %swap3A_417 : vector<1x16xf32> to vector<16xf32>
      %swap3A_419 = vector.shape_cast %add3A_414 : vector<16xf32> to vector<1x16xf32>
      tpu.vector_store %arg9[%swap3A_415, %swap3A_416], %swap3A_419 {strides = array<i32>} : memref<32x768xf32, #tpu.memory_space<vmem>>, vector<1x16xf32>,
      %get3A_420 = arith.index_cast %scan3A_74 : i32 to index
      %get3A_421 = arith.constant 304 : index
      %get3A_422 = tpu.vector_load %arg9[%get3A_420, %get3A_421] {strides = array<i32>} : memref<32x768xf32, #tpu.memory_space<vmem>>, vector<1x16xf32>,
      %get3A_423 = vector.shape_cast %get3A_422 : vector<1x16xf32> to vector<16xf32>
      %mul3A_424 = arith.mulf %select_n3A_95, %get3A_423 : vector<16xf32>
      %get3A_425 = arith.index_cast %scan3A_74 : i32 to index
      %get3A_426 = arith.constant 304 : index
      %get3A_427 = tpu.vector_load %arg10[%get3A_425, %get3A_426] {strides = array<i32>} : memref<32x768xf32, #tpu.memory_space<vmem>>, vector<1x16xf32>,
      %get3A_428 = vector.shape_cast %get3A_427 : vector<1x16xf32> to vector<16xf32>
      %mul3A_429 = arith.mulf %select_n3A_116, %get3A_428 : vector<16xf32>
      %add3A_430 = arith.addf %mul3A_424, %mul3A_429 : vector<16xf32>
      %swap3A_431 = arith.index_cast %scan3A_74 : i32 to index
      %swap3A_432 = arith.constant 304 : index
      %swap3A_433 = tpu.vector_load %arg9[%swap3A_431, %swap3A_432] {strides = array<i32>} : memref<32x768xf32, #tpu.memory_space<vmem>>, vector<1x16xf32>,
      %swap3A_434 = vector.shape_cast %swap3A_433 : vector<1x16xf32> to vector<16xf32>
      %swap3A_435 = vector.shape_cast %add3A_430 : vector<16xf32> to vector<1x16xf32>
      tpu.vector_store %arg9[%swap3A_431, %swap3A_432], %swap3A_435 {strides = array<i32>} : memref<32x768xf32, #tpu.memory_space<vmem>>, vector<1x16xf32>,
      %get3A_436 = arith.index_cast %scan3A_74 : i32 to index
      %get3A_437 = arith.constant 320 : index
      %get3A_438 = tpu.vector_load %arg9[%get3A_436, %get3A_437] {strides = array<i32>} : memref<32x768xf32, #tpu.memory_space<vmem>>, vector<1x16xf32>,
      %get3A_439 = vector.shape_cast %get3A_438 : vector<1x16xf32> to vector<16xf32>
      %mul3A_440 = arith.mulf %select_n3A_95, %get3A_439 : vector<16xf32>
      %get3A_441 = arith.index_cast %scan3A_74 : i32 to index
      %get3A_442 = arith.constant 320 : index
      %get3A_443 = tpu.vector_load %arg10[%get3A_441, %get3A_442] {strides = array<i32>} : memref<32x768xf32, #tpu.memory_space<vmem>>, vector<1x16xf32>,
      %get3A_444 = vector.shape_cast %get3A_443 : vector<1x16xf32> to vector<16xf32>
      %mul3A_445 = arith.mulf %select_n3A_116, %get3A_444 : vector<16xf32>
      %add3A_446 = arith.addf %mul3A_440, %mul3A_445 : vector<16xf32>
      %swap3A_447 = arith.index_cast %scan3A_74 : i32 to index
      %swap3A_448 = arith.constant 320 : index
      %swap3A_449 = tpu.vector_load %arg9[%swap3A_447, %swap3A_448] {strides = array<i32>} : memref<32x768xf32, #tpu.memory_space<vmem>>, vector<1x16xf32>,
      %swap3A_450 = vector.shape_cast %swap3A_449 : vector<1x16xf32> to vector<16xf32>
      %swap3A_451 = vector.shape_cast %add3A_446 : vector<16xf32> to vector<1x16xf32>
      tpu.vector_store %arg9[%swap3A_447, %swap3A_448], %swap3A_451 {strides = array<i32>} : memref<32x768xf32, #tpu.memory_space<vmem>>, vector<1x16xf32>,
      %get3A_452 = arith.index_cast %scan3A_74 : i32 to index
      %get3A_453 = arith.constant 336 : index
      %get3A_454 = tpu.vector_load %arg9[%get3A_452, %get3A_453] {strides = array<i32>} : memref<32x768xf32, #tpu.memory_space<vmem>>, vector<1x16xf32>,
      %get3A_455 = vector.shape_cast %get3A_454 : vector<1x16xf32> to vector<16xf32>
      %mul3A_456 = arith.mulf %select_n3A_95, %get3A_455 : vector<16xf32>
      %get3A_457 = arith.index_cast %scan3A_74 : i32 to index
      %get3A_458 = arith.constant 336 : index
      %get3A_459 = tpu.vector_load %arg10[%get3A_457, %get3A_458] {strides = array<i32>} : memref<32x768xf32, #tpu.memory_space<vmem>>, vector<1x16xf32>,
      %get3A_460 = vector.shape_cast %get3A_459 : vector<1x16xf32> to vector<16xf32>
      %mul3A_461 = arith.mulf %select_n3A_116, %get3A_460 : vector<16xf32>
      %add3A_462 = arith.addf %mul3A_456, %mul3A_461 : vector<16xf32>
      %swap3A_463 = arith.index_cast %scan3A_74 : i32 to index
      %swap3A_464 = arith.constant 336 : index
      %swap3A_465 = tpu.vector_load %arg9[%swap3A_463, %swap3A_464] {strides = array<i32>} : memref<32x768xf32, #tpu.memory_space<vmem>>, vector<1x16xf32>,
      %swap3A_466 = vector.shape_cast %swap3A_465 : vector<1x16xf32> to vector<16xf32>
      %swap3A_467 = vector.shape_cast %add3A_462 : vector<16xf32> to vector<1x16xf32>
      tpu.vector_store %arg9[%swap3A_463, %swap3A_464], %swap3A_467 {strides = array<i32>} : memref<32x768xf32, #tpu.memory_space<vmem>>, vector<1x16xf32>,
      %get3A_468 = arith.index_cast %scan3A_74 : i32 to index
      %get3A_469 = arith.constant 352 : index
      %get3A_470 = tpu.vector_load %arg9[%get3A_468, %get3A_469] {strides = array<i32>} : memref<32x768xf32, #tpu.memory_space<vmem>>, vector<1x16xf32>,
      %get3A_471 = vector.shape_cast %get3A_470 : vector<1x16xf32> to vector<16xf32>
      %mul3A_472 = arith.mulf %select_n3A_95, %get3A_471 : vector<16xf32>
      %get3A_473 = arith.index_cast %scan3A_74 : i32 to index
      %get3A_474 = arith.constant 352 : index
      %get3A_475 = tpu.vector_load %arg10[%get3A_473, %get3A_474] {strides = array<i32>} : memref<32x768xf32, #tpu.memory_space<vmem>>, vector<1x16xf32>,
      %get3A_476 = vector.shape_cast %get3A_475 : vector<1x16xf32> to vector<16xf32>
      %mul3A_477 = arith.mulf %select_n3A_116, %get3A_476 : vector<16xf32>
      %add3A_478 = arith.addf %mul3A_472, %mul3A_477 : vector<16xf32>
      %swap3A_479 = arith.index_cast %scan3A_74 : i32 to index
      %swap3A_480 = arith.constant 352 : index
      %swap3A_481 = tpu.vector_load %arg9[%swap3A_479, %swap3A_480] {strides = array<i32>} : memref<32x768xf32, #tpu.memory_space<vmem>>, vector<1x16xf32>,
      %swap3A_482 = vector.shape_cast %swap3A_481 : vector<1x16xf32> to vector<16xf32>
      %swap3A_483 = vector.shape_cast %add3A_478 : vector<16xf32> to vector<1x16xf32>
      tpu.vector_store %arg9[%swap3A_479, %swap3A_480], %swap3A_483 {strides = array<i32>} : memref<32x768xf32, #tpu.memory_space<vmem>>, vector<1x16xf32>,
      %get3A_484 = arith.index_cast %scan3A_74 : i32 to index
      %get3A_485 = arith.constant 368 : index
      %get3A_486 = tpu.vector_load %arg9[%get3A_484, %get3A_485] {strides = array<i32>} : memref<32x768xf32, #tpu.memory_space<vmem>>, vector<1x16xf32>,
      %get3A_487 = vector.shape_cast %get3A_486 : vector<1x16xf32> to vector<16xf32>
      %mul3A_488 = arith.mulf %select_n3A_95, %get3A_487 : vector<16xf32>
      %get3A_489 = arith.index_cast %scan3A_74 : i32 to index
      %get3A_490 = arith.constant 368 : index
      %get3A_491 = tpu.vector_load %arg10[%get3A_489, %get3A_490] {strides = array<i32>} : memref<32x768xf32, #tpu.memory_space<vmem>>, vector<1x16xf32>,
      %get3A_492 = vector.shape_cast %get3A_491 : vector<1x16xf32> to vector<16xf32>
      %mul3A_493 = arith.mulf %select_n3A_116, %get3A_492 : vector<16xf32>
      %add3A_494 = arith.addf %mul3A_488, %mul3A_493 : vector<16xf32>
      %swap3A_495 = arith.index_cast %scan3A_74 : i32 to index
      %swap3A_496 = arith.constant 368 : index
      %swap3A_497 = tpu.vector_load %arg9[%swap3A_495, %swap3A_496] {strides = array<i32>} : memref<32x768xf32, #tpu.memory_space<vmem>>, vector<1x16xf32>,
      %swap3A_498 = vector.shape_cast %swap3A_497 : vector<1x16xf32> to vector<16xf32>
      %swap3A_499 = vector.shape_cast %add3A_494 : vector<16xf32> to vector<1x16xf32>
      tpu.vector_store %arg9[%swap3A_495, %swap3A_496], %swap3A_499 {strides = array<i32>} : memref<32x768xf32, #tpu.memory_space<vmem>>, vector<1x16xf32>,
      %get3A_500 = arith.index_cast %scan3A_74 : i32 to index
      %get3A_501 = arith.constant 384 : index
      %get3A_502 = tpu.vector_load %arg9[%get3A_500, %get3A_501] {strides = array<i32>} : memref<32x768xf32, #tpu.memory_space<vmem>>, vector<1x16xf32>,
      %get3A_503 = vector.shape_cast %get3A_502 : vector<1x16xf32> to vector<16xf32>
      %mul3A_504 = arith.mulf %select_n3A_95, %get3A_503 : vector<16xf32>
      %get3A_505 = arith.index_cast %scan3A_74 : i32 to index
      %get3A_506 = arith.constant 384 : index
      %get3A_507 = tpu.vector_load %arg10[%get3A_505, %get3A_506] {strides = array<i32>} : memref<32x768xf32, #tpu.memory_space<vmem>>, vector<1x16xf32>,
      %get3A_508 = vector.shape_cast %get3A_507 : vector<1x16xf32> to vector<16xf32>
      %mul3A_509 = arith.mulf %select_n3A_116, %get3A_508 : vector<16xf32>
      %add3A_510 = arith.addf %mul3A_504, %mul3A_509 : vector<16xf32>
      %swap3A_511 = arith.index_cast %scan3A_74 : i32 to index
      %swap3A_512 = arith.constant 384 : index
      %swap3A_513 = tpu.vector_load %arg9[%swap3A_511, %swap3A_512] {strides = array<i32>} : memref<32x768xf32, #tpu.memory_space<vmem>>, vector<1x16xf32>,
      %swap3A_514 = vector.shape_cast %swap3A_513 : vector<1x16xf32> to vector<16xf32>
      %swap3A_515 = vector.shape_cast %add3A_510 : vector<16xf32> to vector<1x16xf32>
      tpu.vector_store %arg9[%swap3A_511, %swap3A_512], %swap3A_515 {strides = array<i32>} : memref<32x768xf32, #tpu.memory_space<vmem>>, vector<1x16xf32>,
      %get3A_516 = arith.index_cast %scan3A_74 : i32 to index
      %get3A_517 = arith.constant 400 : index
      %get3A_518 = tpu.vector_load %arg9[%get3A_516, %get3A_517] {strides = array<i32>} : memref<32x768xf32, #tpu.memory_space<vmem>>, vector<1x16xf32>,
      %get3A_519 = vector.shape_cast %get3A_518 : vector<1x16xf32> to vector<16xf32>
      %mul3A_520 = arith.mulf %select_n3A_95, %get3A_519 : vector<16xf32>
      %get3A_521 = arith.index_cast %scan3A_74 : i32 to index
      %get3A_522 = arith.constant 400 : index
      %get3A_523 = tpu.vector_load %arg10[%get3A_521, %get3A_522] {strides = array<i32>} : memref<32x768xf32, #tpu.memory_space<vmem>>, vector<1x16xf32>,
      %get3A_524 = vector.shape_cast %get3A_523 : vector<1x16xf32> to vector<16xf32>
      %mul3A_525 = arith.mulf %select_n3A_116, %get3A_524 : vector<16xf32>
      %add3A_526 = arith.addf %mul3A_520, %mul3A_525 : vector<16xf32>
      %swap3A_527 = arith.index_cast %scan3A_74 : i32 to index
      %swap3A_528 = arith.constant 400 : index
      %swap3A_529 = tpu.vector_load %arg9[%swap3A_527, %swap3A_528] {strides = array<i32>} : memref<32x768xf32, #tpu.memory_space<vmem>>, vector<1x16xf32>,
      %swap3A_530 = vector.shape_cast %swap3A_529 : vector<1x16xf32> to vector<16xf32>
      %swap3A_531 = vector.shape_cast %add3A_526 : vector<16xf32> to vector<1x16xf32>
      tpu.vector_store %arg9[%swap3A_527, %swap3A_528], %swap3A_531 {strides = array<i32>} : memref<32x768xf32, #tpu.memory_space<vmem>>, vector<1x16xf32>,
      %get3A_532 = arith.index_cast %scan3A_74 : i32 to index
      %get3A_533 = arith.constant 416 : index
      %get3A_534 = tpu.vector_load %arg9[%get3A_532, %get3A_533] {strides = array<i32>} : memref<32x768xf32, #tpu.memory_space<vmem>>, vector<1x16xf32>,
      %get3A_535 = vector.shape_cast %get3A_534 : vector<1x16xf32> to vector<16xf32>
      %mul3A_536 = arith.mulf %select_n3A_95, %get3A_535 : vector<16xf32>
      %get3A_537 = arith.index_cast %scan3A_74 : i32 to index
      %get3A_538 = arith.constant 416 : index
      %get3A_539 = tpu.vector_load %arg10[%get3A_537, %get3A_538] {strides = array<i32>} : memref<32x768xf32, #tpu.memory_space<vmem>>, vector<1x16xf32>,
      %get3A_540 = vector.shape_cast %get3A_539 : vector<1x16xf32> to vector<16xf32>
      %mul3A_541 = arith.mulf %select_n3A_116, %get3A_540 : vector<16xf32>
      %add3A_542 = arith.addf %mul3A_536, %mul3A_541 : vector<16xf32>
      %swap3A_543 = arith.index_cast %scan3A_74 : i32 to index
      %swap3A_544 = arith.constant 416 : index
      %swap3A_545 = tpu.vector_load %arg9[%swap3A_543, %swap3A_544] {strides = array<i32>} : memref<32x768xf32, #tpu.memory_space<vmem>>, vector<1x16xf32>,
      %swap3A_546 = vector.shape_cast %swap3A_545 : vector<1x16xf32> to vector<16xf32>
      %swap3A_547 = vector.shape_cast %add3A_542 : vector<16xf32> to vector<1x16xf32>
      tpu.vector_store %arg9[%swap3A_543, %swap3A_544], %swap3A_547 {strides = array<i32>} : memref<32x768xf32, #tpu.memory_space<vmem>>, vector<1x16xf32>,
      %get3A_548 = arith.index_cast %scan3A_74 : i32 to index
      %get3A_549 = arith.constant 432 : index
      %get3A_550 = tpu.vector_load %arg9[%get3A_548, %get3A_549] {strides = array<i32>} : memref<32x768xf32, #tpu.memory_space<vmem>>, vector<1x16xf32>,
      %get3A_551 = vector.shape_cast %get3A_550 : vector<1x16xf32> to vector<16xf32>
      %mul3A_552 = arith.mulf %select_n3A_95, %get3A_551 : vector<16xf32>
      %get3A_553 = arith.index_cast %scan3A_74 : i32 to index
      %get3A_554 = arith.constant 432 : index
      %get3A_555 = tpu.vector_load %arg10[%get3A_553, %get3A_554] {strides = array<i32>} : memref<32x768xf32, #tpu.memory_space<vmem>>, vector<1x16xf32>,
      %get3A_556 = vector.shape_cast %get3A_555 : vector<1x16xf32> to vector<16xf32>
      %mul3A_557 = arith.mulf %select_n3A_116, %get3A_556 : vector<16xf32>
      %add3A_558 = arith.addf %mul3A_552, %mul3A_557 : vector<16xf32>
      %swap3A_559 = arith.index_cast %scan3A_74 : i32 to index
      %swap3A_560 = arith.constant 432 : index
      %swap3A_561 = tpu.vector_load %arg9[%swap3A_559, %swap3A_560] {strides = array<i32>} : memref<32x768xf32, #tpu.memory_space<vmem>>, vector<1x16xf32>,
      %swap3A_562 = vector.shape_cast %swap3A_561 : vector<1x16xf32> to vector<16xf32>
      %swap3A_563 = vector.shape_cast %add3A_558 : vector<16xf32> to vector<1x16xf32>
      tpu.vector_store %arg9[%swap3A_559, %swap3A_560], %swap3A_563 {strides = array<i32>} : memref<32x768xf32, #tpu.memory_space<vmem>>, vector<1x16xf32>,
      %get3A_564 = arith.index_cast %scan3A_74 : i32 to index
      %get3A_565 = arith.constant 448 : index
      %get3A_566 = tpu.vector_load %arg9[%get3A_564, %get3A_565] {strides = array<i32>} : memref<32x768xf32, #tpu.memory_space<vmem>>, vector<1x16xf32>,
      %get3A_567 = vector.shape_cast %get3A_566 : vector<1x16xf32> to vector<16xf32>
      %mul3A_568 = arith.mulf %select_n3A_95, %get3A_567 : vector<16xf32>
      %get3A_569 = arith.index_cast %scan3A_74 : i32 to index
      %get3A_570 = arith.constant 448 : index
      %get3A_571 = tpu.vector_load %arg10[%get3A_569, %get3A_570] {strides = array<i32>} : memref<32x768xf32, #tpu.memory_space<vmem>>, vector<1x16xf32>,
      %get3A_572 = vector.shape_cast %get3A_571 : vector<1x16xf32> to vector<16xf32>
      %mul3A_573 = arith.mulf %select_n3A_116, %get3A_572 : vector<16xf32>
      %add3A_574 = arith.addf %mul3A_568, %mul3A_573 : vector<16xf32>
      %swap3A_575 = arith.index_cast %scan3A_74 : i32 to index
      %swap3A_576 = arith.constant 448 : index
      %swap3A_577 = tpu.vector_load %arg9[%swap3A_575, %swap3A_576] {strides = array<i32>} : memref<32x768xf32, #tpu.memory_space<vmem>>, vector<1x16xf32>,
      %swap3A_578 = vector.shape_cast %swap3A_577 : vector<1x16xf32> to vector<16xf32>
      %swap3A_579 = vector.shape_cast %add3A_574 : vector<16xf32> to vector<1x16xf32>
      tpu.vector_store %arg9[%swap3A_575, %swap3A_576], %swap3A_579 {strides = array<i32>} : memref<32x768xf32, #tpu.memory_space<vmem>>, vector<1x16xf32>,
      %get3A_580 = arith.index_cast %scan3A_74 : i32 to index
      %get3A_581 = arith.constant 464 : index
      %get3A_582 = tpu.vector_load %arg9[%get3A_580, %get3A_581] {strides = array<i32>} : memref<32x768xf32, #tpu.memory_space<vmem>>, vector<1x16xf32>,
      %get3A_583 = vector.shape_cast %get3A_582 : vector<1x16xf32> to vector<16xf32>
      %mul3A_584 = arith.mulf %select_n3A_95, %get3A_583 : vector<16xf32>
      %get3A_585 = arith.index_cast %scan3A_74 : i32 to index
      %get3A_586 = arith.constant 464 : index
      %get3A_587 = tpu.vector_load %arg10[%get3A_585, %get3A_586] {strides = array<i32>} : memref<32x768xf32, #tpu.memory_space<vmem>>, vector<1x16xf32>,
      %get3A_588 = vector.shape_cast %get3A_587 : vector<1x16xf32> to vector<16xf32>
      %mul3A_589 = arith.mulf %select_n3A_116, %get3A_588 : vector<16xf32>
      %add3A_590 = arith.addf %mul3A_584, %mul3A_589 : vector<16xf32>
      %swap3A_591 = arith.index_cast %scan3A_74 : i32 to index
      %swap3A_592 = arith.constant 464 : index
      %swap3A_593 = tpu.vector_load %arg9[%swap3A_591, %swap3A_592] {strides = array<i32>} : memref<32x768xf32, #tpu.memory_space<vmem>>, vector<1x16xf32>,
      %swap3A_594 = vector.shape_cast %swap3A_593 : vector<1x16xf32> to vector<16xf32>
      %swap3A_595 = vector.shape_cast %add3A_590 : vector<16xf32> to vector<1x16xf32>
      tpu.vector_store %arg9[%swap3A_591, %swap3A_592], %swap3A_595 {strides = array<i32>} : memref<32x768xf32, #tpu.memory_space<vmem>>, vector<1x16xf32>,
      %get3A_596 = arith.index_cast %scan3A_74 : i32 to index
      %get3A_597 = arith.constant 480 : index
      %get3A_598 = tpu.vector_load %arg9[%get3A_596, %get3A_597] {strides = array<i32>} : memref<32x768xf32, #tpu.memory_space<vmem>>, vector<1x16xf32>,
      %get3A_599 = vector.shape_cast %get3A_598 : vector<1x16xf32> to vector<16xf32>
      %mul3A_600 = arith.mulf %select_n3A_95, %get3A_599 : vector<16xf32>
      %get3A_601 = arith.index_cast %scan3A_74 : i32 to index
      %get3A_602 = arith.constant 480 : index
      %get3A_603 = tpu.vector_load %arg10[%get3A_601, %get3A_602] {strides = array<i32>} : memref<32x768xf32, #tpu.memory_space<vmem>>, vector<1x16xf32>,
      %get3A_604 = vector.shape_cast %get3A_603 : vector<1x16xf32> to vector<16xf32>
      %mul3A_605 = arith.mulf %select_n3A_116, %get3A_604 : vector<16xf32>
      %add3A_606 = arith.addf %mul3A_600, %mul3A_605 : vector<16xf32>
      %swap3A_607 = arith.index_cast %scan3A_74 : i32 to index
      %swap3A_608 = arith.constant 480 : index
      %swap3A_609 = tpu.vector_load %arg9[%swap3A_607, %swap3A_608] {strides = array<i32>} : memref<32x768xf32, #tpu.memory_space<vmem>>, vector<1x16xf32>,
      %swap3A_610 = vector.shape_cast %swap3A_609 : vector<1x16xf32> to vector<16xf32>
      %swap3A_611 = vector.shape_cast %add3A_606 : vector<16xf32> to vector<1x16xf32>
      tpu.vector_store %arg9[%swap3A_607, %swap3A_608], %swap3A_611 {strides = array<i32>} : memref<32x768xf32, #tpu.memory_space<vmem>>, vector<1x16xf32>,
      %get3A_612 = arith.index_cast %scan3A_74 : i32 to index
      %get3A_613 = arith.constant 496 : index
      %get3A_614 = tpu.vector_load %arg9[%get3A_612, %get3A_613] {strides = array<i32>} : memref<32x768xf32, #tpu.memory_space<vmem>>, vector<1x16xf32>,
      %get3A_615 = vector.shape_cast %get3A_614 : vector<1x16xf32> to vector<16xf32>
      %mul3A_616 = arith.mulf %select_n3A_95, %get3A_615 : vector<16xf32>
      %get3A_617 = arith.index_cast %scan3A_74 : i32 to index
      %get3A_618 = arith.constant 496 : index
      %get3A_619 = tpu.vector_load %arg10[%get3A_617, %get3A_618] {strides = array<i32>} : memref<32x768xf32, #tpu.memory_space<vmem>>, vector<1x16xf32>,
      %get3A_620 = vector.shape_cast %get3A_619 : vector<1x16xf32> to vector<16xf32>
      %mul3A_621 = arith.mulf %select_n3A_116, %get3A_620 : vector<16xf32>
      %add3A_622 = arith.addf %mul3A_616, %mul3A_621 : vector<16xf32>
      %swap3A_623 = arith.index_cast %scan3A_74 : i32 to index
      %swap3A_624 = arith.constant 496 : index
      %swap3A_625 = tpu.vector_load %arg9[%swap3A_623, %swap3A_624] {strides = array<i32>} : memref<32x768xf32, #tpu.memory_space<vmem>>, vector<1x16xf32>,
      %swap3A_626 = vector.shape_cast %swap3A_625 : vector<1x16xf32> to vector<16xf32>
      %swap3A_627 = vector.shape_cast %add3A_622 : vector<16xf32> to vector<1x16xf32>
      tpu.vector_store %arg9[%swap3A_623, %swap3A_624], %swap3A_627 {strides = array<i32>} : memref<32x768xf32, #tpu.memory_space<vmem>>, vector<1x16xf32>,
      %get3A_628 = arith.index_cast %scan3A_74 : i32 to index
      %get3A_629 = arith.constant 512 : index
      %get3A_630 = tpu.vector_load %arg9[%get3A_628, %get3A_629] {strides = array<i32>} : memref<32x768xf32, #tpu.memory_space<vmem>>, vector<1x16xf32>,
      %get3A_631 = vector.shape_cast %get3A_630 : vector<1x16xf32> to vector<16xf32>
      %mul3A_632 = arith.mulf %select_n3A_95, %get3A_631 : vector<16xf32>
      %get3A_633 = arith.index_cast %scan3A_74 : i32 to index
      %get3A_634 = arith.constant 512 : index
      %get3A_635 = tpu.vector_load %arg10[%get3A_633, %get3A_634] {strides = array<i32>} : memref<32x768xf32, #tpu.memory_space<vmem>>, vector<1x16xf32>,
      %get3A_636 = vector.shape_cast %get3A_635 : vector<1x16xf32> to vector<16xf32>
      %mul3A_637 = arith.mulf %select_n3A_116, %get3A_636 : vector<16xf32>
      %add3A_638 = arith.addf %mul3A_632, %mul3A_637 : vector<16xf32>
      %swap3A_639 = arith.index_cast %scan3A_74 : i32 to index
      %swap3A_640 = arith.constant 512 : index
      %swap3A_641 = tpu.vector_load %arg9[%swap3A_639, %swap3A_640] {strides = array<i32>} : memref<32x768xf32, #tpu.memory_space<vmem>>, vector<1x16xf32>,
      %swap3A_642 = vector.shape_cast %swap3A_641 : vector<1x16xf32> to vector<16xf32>
      %swap3A_643 = vector.shape_cast %add3A_638 : vector<16xf32> to vector<1x16xf32>
      tpu.vector_store %arg9[%swap3A_639, %swap3A_640], %swap3A_643 {strides = array<i32>} : memref<32x768xf32, #tpu.memory_space<vmem>>, vector<1x16xf32>,
      %get3A_644 = arith.index_cast %scan3A_74 : i32 to index
      %get3A_645 = arith.constant 528 : index
      %get3A_646 = tpu.vector_load %arg9[%get3A_644, %get3A_645] {strides = array<i32>} : memref<32x768xf32, #tpu.memory_space<vmem>>, vector<1x16xf32>,
      %get3A_647 = vector.shape_cast %get3A_646 : vector<1x16xf32> to vector<16xf32>
      %mul3A_648 = arith.mulf %select_n3A_95, %get3A_647 : vector<16xf32>
      %get3A_649 = arith.index_cast %scan3A_74 : i32 to index
      %get3A_650 = arith.constant 528 : index
      %get3A_651 = tpu.vector_load %arg10[%get3A_649, %get3A_650] {strides = array<i32>} : memref<32x768xf32, #tpu.memory_space<vmem>>, vector<1x16xf32>,
      %get3A_652 = vector.shape_cast %get3A_651 : vector<1x16xf32> to vector<16xf32>
      %mul3A_653 = arith.mulf %select_n3A_116, %get3A_652 : vector<16xf32>
      %add3A_654 = arith.addf %mul3A_648, %mul3A_653 : vector<16xf32>
      %swap3A_655 = arith.index_cast %scan3A_74 : i32 to index
      %swap3A_656 = arith.constant 528 : index
      %swap3A_657 = tpu.vector_load %arg9[%swap3A_655, %swap3A_656] {strides = array<i32>} : memref<32x768xf32, #tpu.memory_space<vmem>>, vector<1x16xf32>,
      %swap3A_658 = vector.shape_cast %swap3A_657 : vector<1x16xf32> to vector<16xf32>
      %swap3A_659 = vector.shape_cast %add3A_654 : vector<16xf32> to vector<1x16xf32>
      tpu.vector_store %arg9[%swap3A_655, %swap3A_656], %swap3A_659 {strides = array<i32>} : memref<32x768xf32, #tpu.memory_space<vmem>>, vector<1x16xf32>,
      %get3A_660 = arith.index_cast %scan3A_74 : i32 to index
      %get3A_661 = arith.constant 544 : index
      %get3A_662 = tpu.vector_load %arg9[%get3A_660, %get3A_661] {strides = array<i32>} : memref<32x768xf32, #tpu.memory_space<vmem>>, vector<1x16xf32>,
      %get3A_663 = vector.shape_cast %get3A_662 : vector<1x16xf32> to vector<16xf32>
      %mul3A_664 = arith.mulf %select_n3A_95, %get3A_663 : vector<16xf32>
      %get3A_665 = arith.index_cast %scan3A_74 : i32 to index
      %get3A_666 = arith.constant 544 : index
      %get3A_667 = tpu.vector_load %arg10[%get3A_665, %get3A_666] {strides = array<i32>} : memref<32x768xf32, #tpu.memory_space<vmem>>, vector<1x16xf32>,
      %get3A_668 = vector.shape_cast %get3A_667 : vector<1x16xf32> to vector<16xf32>
      %mul3A_669 = arith.mulf %select_n3A_116, %get3A_668 : vector<16xf32>
      %add3A_670 = arith.addf %mul3A_664, %mul3A_669 : vector<16xf32>
      %swap3A_671 = arith.index_cast %scan3A_74 : i32 to index
      %swap3A_672 = arith.constant 544 : index
      %swap3A_673 = tpu.vector_load %arg9[%swap3A_671, %swap3A_672] {strides = array<i32>} : memref<32x768xf32, #tpu.memory_space<vmem>>, vector<1x16xf32>,
      %swap3A_674 = vector.shape_cast %swap3A_673 : vector<1x16xf32> to vector<16xf32>
      %swap3A_675 = vector.shape_cast %add3A_670 : vector<16xf32> to vector<1x16xf32>
      tpu.vector_store %arg9[%swap3A_671, %swap3A_672], %swap3A_675 {strides = array<i32>} : memref<32x768xf32, #tpu.memory_space<vmem>>, vector<1x16xf32>,
      %get3A_676 = arith.index_cast %scan3A_74 : i32 to index
      %get3A_677 = arith.constant 560 : index
      %get3A_678 = tpu.vector_load %arg9[%get3A_676, %get3A_677] {strides = array<i32>} : memref<32x768xf32, #tpu.memory_space<vmem>>, vector<1x16xf32>,
      %get3A_679 = vector.shape_cast %get3A_678 : vector<1x16xf32> to vector<16xf32>
      %mul3A_680 = arith.mulf %select_n3A_95, %get3A_679 : vector<16xf32>
      %get3A_681 = arith.index_cast %scan3A_74 : i32 to index
      %get3A_682 = arith.constant 560 : index
      %get3A_683 = tpu.vector_load %arg10[%get3A_681, %get3A_682] {strides = array<i32>} : memref<32x768xf32, #tpu.memory_space<vmem>>, vector<1x16xf32>,
      %get3A_684 = vector.shape_cast %get3A_683 : vector<1x16xf32> to vector<16xf32>
      %mul3A_685 = arith.mulf %select_n3A_116, %get3A_684 : vector<16xf32>
      %add3A_686 = arith.addf %mul3A_680, %mul3A_685 : vector<16xf32>
      %swap3A_687 = arith.index_cast %scan3A_74 : i32 to index
      %swap3A_688 = arith.constant 560 : index
      %swap3A_689 = tpu.vector_load %arg9[%swap3A_687, %swap3A_688] {strides = array<i32>} : memref<32x768xf32, #tpu.memory_space<vmem>>, vector<1x16xf32>,
      %swap3A_690 = vector.shape_cast %swap3A_689 : vector<1x16xf32> to vector<16xf32>
      %swap3A_691 = vector.shape_cast %add3A_686 : vector<16xf32> to vector<1x16xf32>
      tpu.vector_store %arg9[%swap3A_687, %swap3A_688], %swap3A_691 {strides = array<i32>} : memref<32x768xf32, #tpu.memory_space<vmem>>, vector<1x16xf32>,
      %get3A_692 = arith.index_cast %scan3A_74 : i32 to index
      %get3A_693 = arith.constant 576 : index
      %get3A_694 = tpu.vector_load %arg9[%get3A_692, %get3A_693] {strides = array<i32>} : memref<32x768xf32, #tpu.memory_space<vmem>>, vector<1x16xf32>,
      %get3A_695 = vector.shape_cast %get3A_694 : vector<1x16xf32> to vector<16xf32>
      %mul3A_696 = arith.mulf %select_n3A_95, %get3A_695 : vector<16xf32>
      %get3A_697 = arith.index_cast %scan3A_74 : i32 to index
      %get3A_698 = arith.constant 576 : index
      %get3A_699 = tpu.vector_load %arg10[%get3A_697, %get3A_698] {strides = array<i32>} : memref<32x768xf32, #tpu.memory_space<vmem>>, vector<1x16xf32>,
      %get3A_700 = vector.shape_cast %get3A_699 : vector<1x16xf32> to vector<16xf32>
      %mul3A_701 = arith.mulf %select_n3A_116, %get3A_700 : vector<16xf32>
      %add3A_702 = arith.addf %mul3A_696, %mul3A_701 : vector<16xf32>
      %swap3A_703 = arith.index_cast %scan3A_74 : i32 to index
      %swap3A_704 = arith.constant 576 : index
      %swap3A_705 = tpu.vector_load %arg9[%swap3A_703, %swap3A_704] {strides = array<i32>} : memref<32x768xf32, #tpu.memory_space<vmem>>, vector<1x16xf32>,
      %swap3A_706 = vector.shape_cast %swap3A_705 : vector<1x16xf32> to vector<16xf32>
      %swap3A_707 = vector.shape_cast %add3A_702 : vector<16xf32> to vector<1x16xf32>
      tpu.vector_store %arg9[%swap3A_703, %swap3A_704], %swap3A_707 {strides = array<i32>} : memref<32x768xf32, #tpu.memory_space<vmem>>, vector<1x16xf32>,
      %get3A_708 = arith.index_cast %scan3A_74 : i32 to index
      %get3A_709 = arith.constant 592 : index
      %get3A_710 = tpu.vector_load %arg9[%get3A_708, %get3A_709] {strides = array<i32>} : memref<32x768xf32, #tpu.memory_space<vmem>>, vector<1x16xf32>,
      %get3A_711 = vector.shape_cast %get3A_710 : vector<1x16xf32> to vector<16xf32>
      %mul3A_712 = arith.mulf %select_n3A_95, %get3A_711 : vector<16xf32>
      %get3A_713 = arith.index_cast %scan3A_74 : i32 to index
      %get3A_714 = arith.constant 592 : index
      %get3A_715 = tpu.vector_load %arg10[%get3A_713, %get3A_714] {strides = array<i32>} : memref<32x768xf32, #tpu.memory_space<vmem>>, vector<1x16xf32>,
      %get3A_716 = vector.shape_cast %get3A_715 : vector<1x16xf32> to vector<16xf32>
      %mul3A_717 = arith.mulf %select_n3A_116, %get3A_716 : vector<16xf32>
      %add3A_718 = arith.addf %mul3A_712, %mul3A_717 : vector<16xf32>
      %swap3A_719 = arith.index_cast %scan3A_74 : i32 to index
      %swap3A_720 = arith.constant 592 : index
      %swap3A_721 = tpu.vector_load %arg9[%swap3A_719, %swap3A_720] {strides = array<i32>} : memref<32x768xf32, #tpu.memory_space<vmem>>, vector<1x16xf32>,
      %swap3A_722 = vector.shape_cast %swap3A_721 : vector<1x16xf32> to vector<16xf32>
      %swap3A_723 = vector.shape_cast %add3A_718 : vector<16xf32> to vector<1x16xf32>
      tpu.vector_store %arg9[%swap3A_719, %swap3A_720], %swap3A_723 {strides = array<i32>} : memref<32x768xf32, #tpu.memory_space<vmem>>, vector<1x16xf32>,
      %get3A_724 = arith.index_cast %scan3A_74 : i32 to index
      %get3A_725 = arith.constant 608 : index
      %get3A_726 = tpu.vector_load %arg9[%get3A_724, %get3A_725] {strides = array<i32>} : memref<32x768xf32, #tpu.memory_space<vmem>>, vector<1x16xf32>,
      %get3A_727 = vector.shape_cast %get3A_726 : vector<1x16xf32> to vector<16xf32>
      %mul3A_728 = arith.mulf %select_n3A_95, %get3A_727 : vector<16xf32>
      %get3A_729 = arith.index_cast %scan3A_74 : i32 to index
      %get3A_730 = arith.constant 608 : index
      %get3A_731 = tpu.vector_load %arg10[%get3A_729, %get3A_730] {strides = array<i32>} : memref<32x768xf32, #tpu.memory_space<vmem>>, vector<1x16xf32>,
      %get3A_732 = vector.shape_cast %get3A_731 : vector<1x16xf32> to vector<16xf32>
      %mul3A_733 = arith.mulf %select_n3A_116, %get3A_732 : vector<16xf32>
      %add3A_734 = arith.addf %mul3A_728, %mul3A_733 : vector<16xf32>
      %swap3A_735 = arith.index_cast %scan3A_74 : i32 to index
      %swap3A_736 = arith.constant 608 : index
      %swap3A_737 = tpu.vector_load %arg9[%swap3A_735, %swap3A_736] {strides = array<i32>} : memref<32x768xf32, #tpu.memory_space<vmem>>, vector<1x16xf32>,
      %swap3A_738 = vector.shape_cast %swap3A_737 : vector<1x16xf32> to vector<16xf32>
      %swap3A_739 = vector.shape_cast %add3A_734 : vector<16xf32> to vector<1x16xf32>
      tpu.vector_store %arg9[%swap3A_735, %swap3A_736], %swap3A_739 {strides = array<i32>} : memref<32x768xf32, #tpu.memory_space<vmem>>, vector<1x16xf32>,
      %get3A_740 = arith.index_cast %scan3A_74 : i32 to index
      %get3A_741 = arith.constant 624 : index
      %get3A_742 = tpu.vector_load %arg9[%get3A_740, %get3A_741] {strides = array<i32>} : memref<32x768xf32, #tpu.memory_space<vmem>>, vector<1x16xf32>,
      %get3A_743 = vector.shape_cast %get3A_742 : vector<1x16xf32> to vector<16xf32>
      %mul3A_744 = arith.mulf %select_n3A_95, %get3A_743 : vector<16xf32>
      %get3A_745 = arith.index_cast %scan3A_74 : i32 to index
      %get3A_746 = arith.constant 624 : index
      %get3A_747 = tpu.vector_load %arg10[%get3A_745, %get3A_746] {strides = array<i32>} : memref<32x768xf32, #tpu.memory_space<vmem>>, vector<1x16xf32>,
      %get3A_748 = vector.shape_cast %get3A_747 : vector<1x16xf32> to vector<16xf32>
      %mul3A_749 = arith.mulf %select_n3A_116, %get3A_748 : vector<16xf32>
      %add3A_750 = arith.addf %mul3A_744, %mul3A_749 : vector<16xf32>
      %swap3A_751 = arith.index_cast %scan3A_74 : i32 to index
      %swap3A_752 = arith.constant 624 : index
      %swap3A_753 = tpu.vector_load %arg9[%swap3A_751, %swap3A_752] {strides = array<i32>} : memref<32x768xf32, #tpu.memory_space<vmem>>, vector<1x16xf32>,
      %swap3A_754 = vector.shape_cast %swap3A_753 : vector<1x16xf32> to vector<16xf32>
      %swap3A_755 = vector.shape_cast %add3A_750 : vector<16xf32> to vector<1x16xf32>
      tpu.vector_store %arg9[%swap3A_751, %swap3A_752], %swap3A_755 {strides = array<i32>} : memref<32x768xf32, #tpu.memory_space<vmem>>, vector<1x16xf32>,
      %get3A_756 = arith.index_cast %scan3A_74 : i32 to index
      %get3A_757 = arith.constant 640 : index
      %get3A_758 = tpu.vector_load %arg9[%get3A_756, %get3A_757] {strides = array<i32>} : memref<32x768xf32, #tpu.memory_space<vmem>>, vector<1x16xf32>,
      %get3A_759 = vector.shape_cast %get3A_758 : vector<1x16xf32> to vector<16xf32>
      %mul3A_760 = arith.mulf %select_n3A_95, %get3A_759 : vector<16xf32>
      %get3A_761 = arith.index_cast %scan3A_74 : i32 to index
      %get3A_762 = arith.constant 640 : index
      %get3A_763 = tpu.vector_load %arg10[%get3A_761, %get3A_762] {strides = array<i32>} : memref<32x768xf32, #tpu.memory_space<vmem>>, vector<1x16xf32>,
      %get3A_764 = vector.shape_cast %get3A_763 : vector<1x16xf32> to vector<16xf32>
      %mul3A_765 = arith.mulf %select_n3A_116, %get3A_764 : vector<16xf32>
      %add3A_766 = arith.addf %mul3A_760, %mul3A_765 : vector<16xf32>
      %swap3A_767 = arith.index_cast %scan3A_74 : i32 to index
      %swap3A_768 = arith.constant 640 : index
      %swap3A_769 = tpu.vector_load %arg9[%swap3A_767, %swap3A_768] {strides = array<i32>} : memref<32x768xf32, #tpu.memory_space<vmem>>, vector<1x16xf32>,
      %swap3A_770 = vector.shape_cast %swap3A_769 : vector<1x16xf32> to vector<16xf32>
      %swap3A_771 = vector.shape_cast %add3A_766 : vector<16xf32> to vector<1x16xf32>
      tpu.vector_store %arg9[%swap3A_767, %swap3A_768], %swap3A_771 {strides = array<i32>} : memref<32x768xf32, #tpu.memory_space<vmem>>, vector<1x16xf32>,
      %get3A_772 = arith.index_cast %scan3A_74 : i32 to index
      %get3A_773 = arith.constant 656 : index
      %get3A_774 = tpu.vector_load %arg9[%get3A_772, %get3A_773] {strides = array<i32>} : memref<32x768xf32, #tpu.memory_space<vmem>>, vector<1x16xf32>,
      %get3A_775 = vector.shape_cast %get3A_774 : vector<1x16xf32> to vector<16xf32>
      %mul3A_776 = arith.mulf %select_n3A_95, %get3A_775 : vector<16xf32>
      %get3A_777 = arith.index_cast %scan3A_74 : i32 to index
      %get3A_778 = arith.constant 656 : index
      %get3A_779 = tpu.vector_load %arg10[%get3A_777, %get3A_778] {strides = array<i32>} : memref<32x768xf32, #tpu.memory_space<vmem>>, vector<1x16xf32>,
      %get3A_780 = vector.shape_cast %get3A_779 : vector<1x16xf32> to vector<16xf32>
      %mul3A_781 = arith.mulf %select_n3A_116, %get3A_780 : vector<16xf32>
      %add3A_782 = arith.addf %mul3A_776, %mul3A_781 : vector<16xf32>
      %swap3A_783 = arith.index_cast %scan3A_74 : i32 to index
      %swap3A_784 = arith.constant 656 : index
      %swap3A_785 = tpu.vector_load %arg9[%swap3A_783, %swap3A_784] {strides = array<i32>} : memref<32x768xf32, #tpu.memory_space<vmem>>, vector<1x16xf32>,
      %swap3A_786 = vector.shape_cast %swap3A_785 : vector<1x16xf32> to vector<16xf32>
      %swap3A_787 = vector.shape_cast %add3A_782 : vector<16xf32> to vector<1x16xf32>
      tpu.vector_store %arg9[%swap3A_783, %swap3A_784], %swap3A_787 {strides = array<i32>} : memref<32x768xf32, #tpu.memory_space<vmem>>, vector<1x16xf32>,
      %get3A_788 = arith.index_cast %scan3A_74 : i32 to index
      %get3A_789 = arith.constant 672 : index
      %get3A_790 = tpu.vector_load %arg9[%get3A_788, %get3A_789] {strides = array<i32>} : memref<32x768xf32, #tpu.memory_space<vmem>>, vector<1x16xf32>,
      %get3A_791 = vector.shape_cast %get3A_790 : vector<1x16xf32> to vector<16xf32>
      %mul3A_792 = arith.mulf %select_n3A_95, %get3A_791 : vector<16xf32>
      %get3A_793 = arith.index_cast %scan3A_74 : i32 to index
      %get3A_794 = arith.constant 672 : index
      %get3A_795 = tpu.vector_load %arg10[%get3A_793, %get3A_794] {strides = array<i32>} : memref<32x768xf32, #tpu.memory_space<vmem>>, vector<1x16xf32>,
      %get3A_796 = vector.shape_cast %get3A_795 : vector<1x16xf32> to vector<16xf32>
      %mul3A_797 = arith.mulf %select_n3A_116, %get3A_796 : vector<16xf32>
      %add3A_798 = arith.addf %mul3A_792, %mul3A_797 : vector<16xf32>
      %swap3A_799 = arith.index_cast %scan3A_74 : i32 to index
      %swap3A_800 = arith.constant 672 : index
      %swap3A_801 = tpu.vector_load %arg9[%swap3A_799, %swap3A_800] {strides = array<i32>} : memref<32x768xf32, #tpu.memory_space<vmem>>, vector<1x16xf32>,
      %swap3A_802 = vector.shape_cast %swap3A_801 : vector<1x16xf32> to vector<16xf32>
      %swap3A_803 = vector.shape_cast %add3A_798 : vector<16xf32> to vector<1x16xf32>
      tpu.vector_store %arg9[%swap3A_799, %swap3A_800], %swap3A_803 {strides = array<i32>} : memref<32x768xf32, #tpu.memory_space<vmem>>, vector<1x16xf32>,
      %get3A_804 = arith.index_cast %scan3A_74 : i32 to index
      %get3A_805 = arith.constant 688 : index
      %get3A_806 = tpu.vector_load %arg9[%get3A_804, %get3A_805] {strides = array<i32>} : memref<32x768xf32, #tpu.memory_space<vmem>>, vector<1x16xf32>,
      %get3A_807 = vector.shape_cast %get3A_806 : vector<1x16xf32> to vector<16xf32>
      %mul3A_808 = arith.mulf %select_n3A_95, %get3A_807 : vector<16xf32>
      %get3A_809 = arith.index_cast %scan3A_74 : i32 to index
      %get3A_810 = arith.constant 688 : index
      %get3A_811 = tpu.vector_load %arg10[%get3A_809, %get3A_810] {strides = array<i32>} : memref<32x768xf32, #tpu.memory_space<vmem>>, vector<1x16xf32>,
      %get3A_812 = vector.shape_cast %get3A_811 : vector<1x16xf32> to vector<16xf32>
      %mul3A_813 = arith.mulf %select_n3A_116, %get3A_812 : vector<16xf32>
      %add3A_814 = arith.addf %mul3A_808, %mul3A_813 : vector<16xf32>
      %swap3A_815 = arith.index_cast %scan3A_74 : i32 to index
      %swap3A_816 = arith.constant 688 : index
      %swap3A_817 = tpu.vector_load %arg9[%swap3A_815, %swap3A_816] {strides = array<i32>} : memref<32x768xf32, #tpu.memory_space<vmem>>, vector<1x16xf32>,
      %swap3A_818 = vector.shape_cast %swap3A_817 : vector<1x16xf32> to vector<16xf32>
      %swap3A_819 = vector.shape_cast %add3A_814 : vector<16xf32> to vector<1x16xf32>
      tpu.vector_store %arg9[%swap3A_815, %swap3A_816], %swap3A_819 {strides = array<i32>} : memref<32x768xf32, #tpu.memory_space<vmem>>, vector<1x16xf32>,
      %get3A_820 = arith.index_cast %scan3A_74 : i32 to index
      %get3A_821 = arith.constant 704 : index
      %get3A_822 = tpu.vector_load %arg9[%get3A_820, %get3A_821] {strides = array<i32>} : memref<32x768xf32, #tpu.memory_space<vmem>>, vector<1x16xf32>,
      %get3A_823 = vector.shape_cast %get3A_822 : vector<1x16xf32> to vector<16xf32>
      %mul3A_824 = arith.mulf %select_n3A_95, %get3A_823 : vector<16xf32>
      %get3A_825 = arith.index_cast %scan3A_74 : i32 to index
      %get3A_826 = arith.constant 704 : index
      %get3A_827 = tpu.vector_load %arg10[%get3A_825, %get3A_826] {strides = array<i32>} : memref<32x768xf32, #tpu.memory_space<vmem>>, vector<1x16xf32>,
      %get3A_828 = vector.shape_cast %get3A_827 : vector<1x16xf32> to vector<16xf32>
      %mul3A_829 = arith.mulf %select_n3A_116, %get3A_828 : vector<16xf32>
      %add3A_830 = arith.addf %mul3A_824, %mul3A_829 : vector<16xf32>
      %swap3A_831 = arith.index_cast %scan3A_74 : i32 to index
      %swap3A_832 = arith.constant 704 : index
      %swap3A_833 = tpu.vector_load %arg9[%swap3A_831, %swap3A_832] {strides = array<i32>} : memref<32x768xf32, #tpu.memory_space<vmem>>, vector<1x16xf32>,
      %swap3A_834 = vector.shape_cast %swap3A_833 : vector<1x16xf32> to vector<16xf32>
      %swap3A_835 = vector.shape_cast %add3A_830 : vector<16xf32> to vector<1x16xf32>
      tpu.vector_store %arg9[%swap3A_831, %swap3A_832], %swap3A_835 {strides = array<i32>} : memref<32x768xf32, #tpu.memory_space<vmem>>, vector<1x16xf32>,
      %get3A_836 = arith.index_cast %scan3A_74 : i32 to index
      %get3A_837 = arith.constant 720 : index
      %get3A_838 = tpu.vector_load %arg9[%get3A_836, %get3A_837] {strides = array<i32>} : memref<32x768xf32, #tpu.memory_space<vmem>>, vector<1x16xf32>,
      %get3A_839 = vector.shape_cast %get3A_838 : vector<1x16xf32> to vector<16xf32>
      %mul3A_840 = arith.mulf %select_n3A_95, %get3A_839 : vector<16xf32>
      %get3A_841 = arith.index_cast %scan3A_74 : i32 to index
      %get3A_842 = arith.constant 720 : index
      %get3A_843 = tpu.vector_load %arg10[%get3A_841, %get3A_842] {strides = array<i32>} : memref<32x768xf32, #tpu.memory_space<vmem>>, vector<1x16xf32>,
      %get3A_844 = vector.shape_cast %get3A_843 : vector<1x16xf32> to vector<16xf32>
      %mul3A_845 = arith.mulf %select_n3A_116, %get3A_844 : vector<16xf32>
      %add3A_846 = arith.addf %mul3A_840, %mul3A_845 : vector<16xf32>
      %swap3A_847 = arith.index_cast %scan3A_74 : i32 to index
      %swap3A_848 = arith.constant 720 : index
      %swap3A_849 = tpu.vector_load %arg9[%swap3A_847, %swap3A_848] {strides = array<i32>} : memref<32x768xf32, #tpu.memory_space<vmem>>, vector<1x16xf32>,
      %swap3A_850 = vector.shape_cast %swap3A_849 : vector<1x16xf32> to vector<16xf32>
      %swap3A_851 = vector.shape_cast %add3A_846 : vector<16xf32> to vector<1x16xf32>
      tpu.vector_store %arg9[%swap3A_847, %swap3A_848], %swap3A_851 {strides = array<i32>} : memref<32x768xf32, #tpu.memory_space<vmem>>, vector<1x16xf32>,
      %get3A_852 = arith.index_cast %scan3A_74 : i32 to index
      %get3A_853 = arith.constant 736 : index
      %get3A_854 = tpu.vector_load %arg9[%get3A_852, %get3A_853] {strides = array<i32>} : memref<32x768xf32, #tpu.memory_space<vmem>>, vector<1x16xf32>,
      %get3A_855 = vector.shape_cast %get3A_854 : vector<1x16xf32> to vector<16xf32>
      %mul3A_856 = arith.mulf %select_n3A_95, %get3A_855 : vector<16xf32>
      %get3A_857 = arith.index_cast %scan3A_74 : i32 to index
      %get3A_858 = arith.constant 736 : index
      %get3A_859 = tpu.vector_load %arg10[%get3A_857, %get3A_858] {strides = array<i32>} : memref<32x768xf32, #tpu.memory_space<vmem>>, vector<1x16xf32>,
      %get3A_860 = vector.shape_cast %get3A_859 : vector<1x16xf32> to vector<16xf32>
      %mul3A_861 = arith.mulf %select_n3A_116, %get3A_860 : vector<16xf32>
      %add3A_862 = arith.addf %mul3A_856, %mul3A_861 : vector<16xf32>
      %swap3A_863 = arith.index_cast %scan3A_74 : i32 to index
      %swap3A_864 = arith.constant 736 : index
      %swap3A_865 = tpu.vector_load %arg9[%swap3A_863, %swap3A_864] {strides = array<i32>} : memref<32x768xf32, #tpu.memory_space<vmem>>, vector<1x16xf32>,
      %swap3A_866 = vector.shape_cast %swap3A_865 : vector<1x16xf32> to vector<16xf32>
      %swap3A_867 = vector.shape_cast %add3A_862 : vector<16xf32> to vector<1x16xf32>
      tpu.vector_store %arg9[%swap3A_863, %swap3A_864], %swap3A_867 {strides = array<i32>} : memref<32x768xf32, #tpu.memory_space<vmem>>, vector<1x16xf32>,
      %get3A_868 = arith.index_cast %scan3A_74 : i32 to index
      %get3A_869 = arith.constant 752 : index
      %get3A_870 = tpu.vector_load %arg9[%get3A_868, %get3A_869] {strides = array<i32>} : memref<32x768xf32, #tpu.memory_space<vmem>>, vector<1x16xf32>,
      %get3A_871 = vector.shape_cast %get3A_870 : vector<1x16xf32> to vector<16xf32>
      %mul3A_872 = arith.mulf %select_n3A_95, %get3A_871 : vector<16xf32>
      %get3A_873 = arith.index_cast %scan3A_74 : i32 to index
      %get3A_874 = arith.constant 752 : index
      %get3A_875 = tpu.vector_load %arg10[%get3A_873, %get3A_874] {strides = array<i32>} : memref<32x768xf32, #tpu.memory_space<vmem>>, vector<1x16xf32>,
      %get3A_876 = vector.shape_cast %get3A_875 : vector<1x16xf32> to vector<16xf32>
      %mul3A_877 = arith.mulf %select_n3A_116, %get3A_876 : vector<16xf32>
      %add3A_878 = arith.addf %mul3A_872, %mul3A_877 : vector<16xf32>
      %swap3A_879 = arith.index_cast %scan3A_74 : i32 to index
      %swap3A_880 = arith.constant 752 : index
      %swap3A_881 = tpu.vector_load %arg9[%swap3A_879, %swap3A_880] {strides = array<i32>} : memref<32x768xf32, #tpu.memory_space<vmem>>, vector<1x16xf32>,
      %swap3A_882 = vector.shape_cast %swap3A_881 : vector<1x16xf32> to vector<16xf32>
      %swap3A_883 = vector.shape_cast %add3A_878 : vector<16xf32> to vector<1x16xf32>
      tpu.vector_store %arg9[%swap3A_879, %swap3A_880], %swap3A_883 {strides = array<i32>} : memref<32x768xf32, #tpu.memory_space<vmem>>, vector<1x16xf32>,
    }
    %scan3A_73 = arith.constant 32 : i32
    "tpu.region"() ({
      %run_scoped3A = tpu.sem_alloc : memref<!tpu.dma_semaphore, #tpu.memory_space<semaphore_mem>>
      %dma_start3A_74 = arith.constant 0 : i32
      %dma_start3A_75 = tpu.memref_slice %arg5[%multiple_of3A_39, %dma_start3A_74] : memref<2048x768xf32, #tpu.memory_space<hbm>> -> memref<32x768xf32, #tpu.memory_space<hbm>>
      %dma_start3A_76 = arith.constant 0 : i32
      %dma_start3A_77 = tpu.memref_slice %arg5[%multiple_of3A_39, %dma_start3A_76] : memref<2048x768xf32, #tpu.memory_space<hbm>> -> memref<32x768xf32, #tpu.memory_space<hbm>>
      tpu.enqueue_dma source(%arg9 : memref<32x768xf32, #tpu.memory_space<vmem>>) target(%dma_start3A_77 : memref<32x768xf32, #tpu.memory_space<hbm>>) target_semaphore(%run_scoped3A : memref<!tpu.dma_semaphore, #tpu.memory_space<semaphore_mem>>)
      %dma_wait3A_78 = arith.constant 0 : i32
      %dma_wait3A_79 = tpu.memref_slice %arg5[%multiple_of3A_39, %dma_wait3A_78] : memref<2048x768xf32, #tpu.memory_space<hbm>> -> memref<32x768xf32, #tpu.memory_space<hbm>>
      %dma_wait3A_80 = arith.constant 0 : i32
      %dma_wait3A_81 = tpu.memref_slice %arg5[%multiple_of3A_39, %dma_wait3A_80] : memref<2048x768xf32, #tpu.memory_space<hbm>> -> memref<32x768xf32, #tpu.memory_space<hbm>>
      tpu.wait_dma2 semaphore(%run_scoped3A : memref<!tpu.dma_semaphore, #tpu.memory_space<semaphore_mem>>) src(%arg9 : memref<32x768xf32, #tpu.memory_space<vmem>>) dst(%dma_wait3A_81 : memref<32x768xf32, #tpu.memory_space<hbm>>)
      tpu.yield
    }) : () -> ()
    return
  }
}

#map = affine_map<(d0, d1) -> (0, 0)>
#map1 = affine_map<(d0, d1) -> (0)>
module attributes {stable_mosaic.version = 14 : i64} {
  func.func @_xdispatch_body(%arg0: i32, %arg1: i32, %arg2: memref<2048x768xf32, #tpu.memory_space<hbm>>, %arg3: memref<4096xi32, #tpu.memory_space<hbm>>, %arg4: memref<6144x768xf32, #tpu.memory_space<hbm>>, %arg5: memref<128xi32, #tpu.memory_space<vmem>>, %arg6: memref<128x768xf32, #tpu.memory_space<vmem>>, %arg7: memref<!tpu.dma_semaphore, #tpu.memory_space<semaphore_mem>>, %arg8: memref<!tpu.dma_semaphore, #tpu.memory_space<semaphore_mem>>) attributes {dimension_semantics = [#tpu.dimension_semantics<core_parallel>, #tpu.dimension_semantics<subcore_parallel>], iteration_bounds = array<i64: 2, 16>, scalar_prefetch = 0 : i64, scratch_operands = 4 : i64, tpu.core_type = #tpu.core_type<sc_vector_subcore>, window_params = [{transform_indices = #map}, {transform_indices = #map1}, {transform_indices = #map}]} {
    %mul3A = arith.constant 2 : i32
    %mul3A_0 = arith.muli %arg1, %mul3A : i32
    %add3A = arith.addi %mul3A_0, %arg0 : i32
    %mul3A_1 = arith.constant 128 : i32
    %mul3A_2 = arith.muli %add3A, %mul3A_1 : i32
    %multiple_of3A = tpu.assume_multiple %mul3A_2, 128 : i32
    %and3A = arith.constant 2047 : i32
    %and3A_3 = arith.andi %multiple_of3A, %and3A : i32
    %multiple_of3A_4 = tpu.assume_multiple %and3A_3, 128 : i32
    %dma_start3A = tpu.memref_slice %arg3[%multiple_of3A] : memref<4096xi32, #tpu.memory_space<hbm>> -> memref<128xi32, #tpu.memory_space<hbm>>
    %dma_start3A_5 = tpu.memref_slice %arg3[%multiple_of3A] : memref<4096xi32, #tpu.memory_space<hbm>> -> memref<128xi32, #tpu.memory_space<hbm>>
    tpu.enqueue_dma source(%dma_start3A_5 : memref<128xi32, #tpu.memory_space<hbm>>) target(%arg5 : memref<128xi32, #tpu.memory_space<vmem>>) target_semaphore(%arg7 : memref<!tpu.dma_semaphore, #tpu.memory_space<semaphore_mem>>)
    %dma_start3A_6 = arith.constant 0 : i32
    %dma_start3A_7 = tpu.memref_slice %arg2[%multiple_of3A_4, %dma_start3A_6] : memref<2048x768xf32, #tpu.memory_space<hbm>> -> memref<128x768xf32, #tpu.memory_space<hbm>>
    %dma_start3A_8 = arith.constant 0 : i32
    %dma_start3A_9 = tpu.memref_slice %arg2[%multiple_of3A_4, %dma_start3A_8] : memref<2048x768xf32, #tpu.memory_space<hbm>> -> memref<128x768xf32, #tpu.memory_space<hbm>>
    tpu.enqueue_dma source(%dma_start3A_9 : memref<128x768xf32, #tpu.memory_space<hbm>>) target(%arg6 : memref<128x768xf32, #tpu.memory_space<vmem>>) target_semaphore(%arg8 : memref<!tpu.dma_semaphore, #tpu.memory_space<semaphore_mem>>)
    %dma_wait3A = tpu.memref_slice %arg3[%multiple_of3A] : memref<4096xi32, #tpu.memory_space<hbm>> -> memref<128xi32, #tpu.memory_space<hbm>>
    %dma_wait3A_10 = tpu.memref_slice %arg3[%multiple_of3A] : memref<4096xi32, #tpu.memory_space<hbm>> -> memref<128xi32, #tpu.memory_space<hbm>>
    tpu.wait_dma2 semaphore(%arg7 : memref<!tpu.dma_semaphore, #tpu.memory_space<semaphore_mem>>) src(%dma_wait3A_10 : memref<128xi32, #tpu.memory_space<hbm>>) dst(%arg5 : memref<128xi32, #tpu.memory_space<vmem>>)
    %dma_wait3A_11 = arith.constant 0 : i32
    %dma_wait3A_12 = tpu.memref_slice %arg2[%multiple_of3A_4, %dma_wait3A_11] : memref<2048x768xf32, #tpu.memory_space<hbm>> -> memref<128x768xf32, #tpu.memory_space<hbm>>
    %dma_wait3A_13 = arith.constant 0 : i32
    %dma_wait3A_14 = tpu.memref_slice %arg2[%multiple_of3A_4, %dma_wait3A_13] : memref<2048x768xf32, #tpu.memory_space<hbm>> -> memref<128x768xf32, #tpu.memory_space<hbm>>
    tpu.wait_dma2 semaphore(%arg8 : memref<!tpu.dma_semaphore, #tpu.memory_space<semaphore_mem>>) src(%dma_wait3A_14 : memref<128x768xf32, #tpu.memory_space<hbm>>) dst(%arg6 : memref<128x768xf32, #tpu.memory_space<vmem>>)
    "tpu.region"() ({
      %run_scoped3A = tpu.sem_alloc : memref<!tpu.dma_semaphore, #tpu.memory_space<semaphore_mem>>
      %dma_start3A_15 = arith.constant 0 : i32
      %dma_start3A_16 = arith.constant 0 : i32
      %dma_start3A_17 = tpu.memref_slice %arg4[%dma_start3A_15, %dma_start3A_16] : memref<6144x768xf32, #tpu.memory_space<hbm>> -> memref<6144x768xf32, #tpu.memory_space<hbm>>
      tpu.enqueue_indirect_dma source(%arg6 : memref<128x768xf32, #tpu.memory_space<vmem>>) target(%dma_start3A_17 : memref<6144x768xf32, #tpu.memory_space<hbm>>) offsets(%arg5 : memref<128xi32, #tpu.memory_space<vmem>>) semaphore(%run_scoped3A : memref<!tpu.dma_semaphore, #tpu.memory_space<semaphore_mem>>)
      %dma_wait3A_18 = arith.constant 0 : i32
      %dma_wait3A_19 = arith.constant 0 : i32
      %dma_wait3A_20 = tpu.memref_slice %arg4[%dma_wait3A_18, %dma_wait3A_19] : memref<6144x768xf32, #tpu.memory_space<hbm>> -> memref<6144x768xf32, #tpu.memory_space<hbm>>
      tpu.wait_indirect_dma semaphore(%run_scoped3A : memref<!tpu.dma_semaphore, #tpu.memory_space<semaphore_mem>>) src(%arg6 : memref<128x768xf32, #tpu.memory_space<vmem>>) dst(%dma_wait3A_20 : memref<6144x768xf32, #tpu.memory_space<hbm>>)
      tpu.yield
    }) : () -> ()
    return
  }
}

module attributes {stable_mosaic.version = 14 : i64} {
  func.func @_route_body(%arg0: memref<2048x768xf32, #tpu.memory_space<vmem>>, %arg1: memref<8x768xf32, #tpu.memory_space<vmem>>, %arg2: memref<8xf32, #tpu.memory_space<vmem>>, %arg3: memref<1xf32, #tpu.memory_space<vmem>>, %arg4: memref<2x2048xi32, #tpu.memory_space<vmem>>, %arg5: memref<2x2048xf32, #tpu.memory_space<vmem>>, %arg6: memref<4x32xi32, #tpu.memory_space<vmem>>) attributes {dimension_semantics = [], scalar_prefetch = 0 : i64, scratch_operands = 0 : i64, tpu.core_type = #tpu.core_type<tc>} {
    %get3A = arith.constant 0 : index
    %get3A_0 = arith.constant 0 : index
    %get3A_1 = vector.load %arg0[%get3A, %get3A_0] : memref<2048x768xf32, #tpu.memory_space<vmem>>, vector<2048x768xf32>
    %get3A_2 = arith.constant 0 : index
    %get3A_3 = arith.constant 0 : index
    %get3A_4 = vector.load %arg1[%get3A_2, %get3A_3] : memref<8x768xf32, #tpu.memory_space<vmem>>, vector<8x768xf32>
    %get3A_5 = arith.constant 0 : index
    %get3A_6 = vector.load %arg3[%get3A_5] : memref<1xf32, #tpu.memory_space<vmem>>, vector<1xf32>
    %get3A_7 = vector.extract %get3A_6[0] : f32 from vector<1xf32>
    %max3A = arith.constant 1.000000e-01 : f32
    %max3A_8 = arith.maximumf %get3A_7, %max3A : f32
    %dot_general3A = arith.constant dense<0.000000e+00> : vector<8x2048xf32>
    %dot_general3A_9 = tpu.matmul %get3A_4, %get3A_1, %dot_general3A {dimension_numbers = #tpu.dot_dimension_numbers<[1], [1], [0], [0], [0, 0, 1, 0], [], []>, transpose_lhs_hint = false} : vector<8x768xf32>, vector<2048x768xf32>, vector<8x2048xf32> -> vector<8x2048xf32>
    %get3A_10 = arith.constant 0 : index
    %get3A_11 = vector.load %arg2[%get3A_10] : memref<8xf32, #tpu.memory_space<vmem>>, vector<8xf32>
    %reshape3A = vector.shape_cast %get3A_11 : vector<8xf32> to vector<8x1xf32>
    %add3A = vector.broadcast %reshape3A : vector<8x1xf32> to vector<8x2048xf32>
    %add3A_12 = arith.addf %dot_general3A_9, %add3A : vector<8x2048xf32>
    %div3A = vector.broadcast %max3A_8 : f32 to vector<8x2048xf32>
    %div3A_13 = arith.divf %add3A_12, %div3A : vector<8x2048xf32>
    %reduce_max3A = arith.constant dense<0xFF800000> : vector<2048xf32>
    %reduce_max3A_14 = vector.multi_reduction <maximumf>, %div3A_13, %reduce_max3A [0] : vector<8x2048xf32> to vector<2048xf32>
    %broadcast_in_dim3A = vector.shape_cast %reduce_max3A_14 : vector<2048xf32> to vector<1x2048xf32>
    %sub3A = vector.broadcast %broadcast_in_dim3A : vector<1x2048xf32> to vector<8x2048xf32>
    %sub3A_15 = arith.subf %div3A_13, %sub3A : vector<8x2048xf32>
    %exp3A = math.exp %sub3A_15 : vector<8x2048xf32>
    %reduce_sum3A = arith.constant dense<0.000000e+00> : vector<2048xf32>
    %reduce_sum3A_16 = vector.multi_reduction <add>, %exp3A, %reduce_sum3A [0] : vector<8x2048xf32> to vector<2048xf32>
    %broadcast_in_dim3A_17 = vector.shape_cast %reduce_sum3A_16 : vector<2048xf32> to vector<1x2048xf32>
    %log3A = math.log %broadcast_in_dim3A_17 : vector<1x2048xf32>
    %add3A_18 = arith.addf %broadcast_in_dim3A, %log3A : vector<1x2048xf32>
    %sub3A_19 = vector.broadcast %add3A_18 : vector<1x2048xf32> to vector<8x2048xf32>
    %sub3A_20 = arith.subf %div3A_13, %sub3A_19 : vector<8x2048xf32>
    %reduce_max3A_21 = arith.constant dense<0xFF800000> : vector<8xf32>
    %reduce_max3A_22 = vector.multi_reduction <maximumf>, %sub3A_20, %reduce_max3A_21 [1] : vector<8x2048xf32> to vector<8xf32>
    %broadcast_in_dim3A_23 = vector.shape_cast %reduce_max3A_22 : vector<8xf32> to vector<8x1xf32>
    %sub3A_24 = vector.broadcast %broadcast_in_dim3A_23 : vector<8x1xf32> to vector<8x2048xf32>
    %sub3A_25 = arith.subf %sub3A_20, %sub3A_24 : vector<8x2048xf32>
    %exp3A_26 = math.exp %sub3A_25 : vector<8x2048xf32>
    %reduce_sum3A_27 = arith.constant dense<0.000000e+00> : vector<8xf32>
    %reduce_sum3A_28 = vector.multi_reduction <add>, %exp3A_26, %reduce_sum3A_27 [1] : vector<8x2048xf32> to vector<8xf32>
    %broadcast_in_dim3A_29 = vector.shape_cast %reduce_sum3A_28 : vector<8xf32> to vector<8x1xf32>
    %log3A_30 = math.log %broadcast_in_dim3A_29 : vector<8x1xf32>
    %add3A_31 = arith.addf %broadcast_in_dim3A_23, %log3A_30 : vector<8x1xf32>
    %sub3A_32 = vector.broadcast %add3A_31 : vector<8x1xf32> to vector<8x2048xf32>
    %sub3A_33 = arith.subf %sub3A_20, %sub3A_32 : vector<8x2048xf32>
    %reduce_max3A_34 = arith.constant dense<0xFF800000> : vector<2048xf32>
    %reduce_max3A_35 = vector.multi_reduction <maximumf>, %sub3A_33, %reduce_max3A_34 [0] : vector<8x2048xf32> to vector<2048xf32>
    %broadcast_in_dim3A_36 = vector.shape_cast %reduce_max3A_35 : vector<2048xf32> to vector<1x2048xf32>
    %sub3A_37 = vector.broadcast %broadcast_in_dim3A_36 : vector<1x2048xf32> to vector<8x2048xf32>
    %sub3A_38 = arith.subf %sub3A_33, %sub3A_37 : vector<8x2048xf32>
    %exp3A_39 = math.exp %sub3A_38 : vector<8x2048xf32>
    %reduce_sum3A_40 = arith.constant dense<0.000000e+00> : vector<2048xf32>
    %reduce_sum3A_41 = vector.multi_reduction <add>, %exp3A_39, %reduce_sum3A_40 [0] : vector<8x2048xf32> to vector<2048xf32>
    %broadcast_in_dim3A_42 = vector.shape_cast %reduce_sum3A_41 : vector<2048xf32> to vector<1x2048xf32>
    %log3A_43 = math.log %broadcast_in_dim3A_42 : vector<1x2048xf32>
    %add3A_44 = arith.addf %broadcast_in_dim3A_36, %log3A_43 : vector<1x2048xf32>
    %sub3A_45 = vector.broadcast %add3A_44 : vector<1x2048xf32> to vector<8x2048xf32>
    %sub3A_46 = arith.subf %sub3A_33, %sub3A_45 : vector<8x2048xf32>
    %reduce_max3A_47 = arith.constant dense<0xFF800000> : vector<8xf32>
    %reduce_max3A_48 = vector.multi_reduction <maximumf>, %sub3A_46, %reduce_max3A_47 [1] : vector<8x2048xf32> to vector<8xf32>
    %broadcast_in_dim3A_49 = vector.shape_cast %reduce_max3A_48 : vector<8xf32> to vector<8x1xf32>
    %sub3A_50 = vector.broadcast %broadcast_in_dim3A_49 : vector<8x1xf32> to vector<8x2048xf32>
    %sub3A_51 = arith.subf %sub3A_46, %sub3A_50 : vector<8x2048xf32>
    %exp3A_52 = math.exp %sub3A_51 : vector<8x2048xf32>
    %reduce_sum3A_53 = arith.constant dense<0.000000e+00> : vector<8xf32>
    %reduce_sum3A_54 = vector.multi_reduction <add>, %exp3A_52, %reduce_sum3A_53 [1] : vector<8x2048xf32> to vector<8xf32>
    %broadcast_in_dim3A_55 = vector.shape_cast %reduce_sum3A_54 : vector<8xf32> to vector<8x1xf32>
    %log3A_56 = math.log %broadcast_in_dim3A_55 : vector<8x1xf32>
    %add3A_57 = arith.addf %broadcast_in_dim3A_49, %log3A_56 : vector<8x1xf32>
    %sub3A_58 = vector.broadcast %add3A_57 : vector<8x1xf32> to vector<8x2048xf32>
    %sub3A_59 = arith.subf %sub3A_46, %sub3A_58 : vector<8x2048xf32>
    %reduce_max3A_60 = arith.constant dense<0xFF800000> : vector<2048xf32>
    %reduce_max3A_61 = vector.multi_reduction <maximumf>, %sub3A_59, %reduce_max3A_60 [0] : vector<8x2048xf32> to vector<2048xf32>
    %broadcast_in_dim3A_62 = vector.shape_cast %reduce_max3A_61 : vector<2048xf32> to vector<1x2048xf32>
    %sub3A_63 = vector.broadcast %broadcast_in_dim3A_62 : vector<1x2048xf32> to vector<8x2048xf32>
    %sub3A_64 = arith.subf %sub3A_59, %sub3A_63 : vector<8x2048xf32>
    %exp3A_65 = math.exp %sub3A_64 : vector<8x2048xf32>
    %reduce_sum3A_66 = arith.constant dense<0.000000e+00> : vector<2048xf32>
    %reduce_sum3A_67 = vector.multi_reduction <add>, %exp3A_65, %reduce_sum3A_66 [0] : vector<8x2048xf32> to vector<2048xf32>
    %broadcast_in_dim3A_68 = vector.shape_cast %reduce_sum3A_67 : vector<2048xf32> to vector<1x2048xf32>
    %log3A_69 = math.log %broadcast_in_dim3A_68 : vector<1x2048xf32>
    %add3A_70 = arith.addf %broadcast_in_dim3A_62, %log3A_69 : vector<1x2048xf32>
    %sub3A_71 = vector.broadcast %add3A_70 : vector<1x2048xf32> to vector<8x2048xf32>
    %sub3A_72 = arith.subf %sub3A_59, %sub3A_71 : vector<8x2048xf32>
    %reduce_max3A_73 = arith.constant dense<0xFF800000> : vector<8xf32>
    %reduce_max3A_74 = vector.multi_reduction <maximumf>, %sub3A_72, %reduce_max3A_73 [1] : vector<8x2048xf32> to vector<8xf32>
    %broadcast_in_dim3A_75 = vector.shape_cast %reduce_max3A_74 : vector<8xf32> to vector<8x1xf32>
    %sub3A_76 = vector.broadcast %broadcast_in_dim3A_75 : vector<8x1xf32> to vector<8x2048xf32>
    %sub3A_77 = arith.subf %sub3A_72, %sub3A_76 : vector<8x2048xf32>
    %exp3A_78 = math.exp %sub3A_77 : vector<8x2048xf32>
    %reduce_sum3A_79 = arith.constant dense<0.000000e+00> : vector<8xf32>
    %reduce_sum3A_80 = vector.multi_reduction <add>, %exp3A_78, %reduce_sum3A_79 [1] : vector<8x2048xf32> to vector<8xf32>
    %broadcast_in_dim3A_81 = vector.shape_cast %reduce_sum3A_80 : vector<8xf32> to vector<8x1xf32>
    %log3A_82 = math.log %broadcast_in_dim3A_81 : vector<8x1xf32>
    %add3A_83 = arith.addf %broadcast_in_dim3A_75, %log3A_82 : vector<8x1xf32>
    %sub3A_84 = vector.broadcast %add3A_83 : vector<8x1xf32> to vector<8x2048xf32>
    %sub3A_85 = arith.subf %sub3A_72, %sub3A_84 : vector<8x2048xf32>
    %exp3A_86 = math.exp %sub3A_85 : vector<8x2048xf32>
    %reduce_sum3A_87 = arith.constant dense<0.000000e+00> : vector<2048xf32>
    %reduce_sum3A_88 = vector.multi_reduction <add>, %exp3A_86, %reduce_sum3A_87 [0] : vector<8x2048xf32> to vector<2048xf32>
    %broadcast_in_dim3A_89 = vector.shape_cast %reduce_sum3A_88 : vector<2048xf32> to vector<1x2048xf32>
    %add3A_90 = arith.constant 9.99999993E-9 : f32
    %add3A_91 = vector.broadcast %add3A_90 : f32 to vector<1x2048xf32>
    %add3A_92 = arith.addf %broadcast_in_dim3A_89, %add3A_91 : vector<1x2048xf32>
    %div3A_93 = vector.broadcast %add3A_92 : vector<1x2048xf32> to vector<8x2048xf32>
    %div3A_94 = arith.divf %exp3A_86, %div3A_93 : vector<8x2048xf32>
    %iota3A = tpu.iota {dimensions = array<i32: 0>} : vector<8x2048xi32>
    %reduce_max3A_95 = arith.constant dense<0xFF800000> : vector<2048xf32>
    %reduce_max3A_96 = vector.multi_reduction <maximumf>, %div3A_94, %reduce_max3A_95 [0] : vector<8x2048xf32> to vector<2048xf32>
    %broadcast_in_dim3A_97 = vector.shape_cast %reduce_max3A_96 : vector<2048xf32> to vector<1x2048xf32>
    %eq3A = vector.broadcast %broadcast_in_dim3A_97 : vector<1x2048xf32> to vector<8x2048xf32>
    %eq3A_98 = arith.cmpf oeq, %div3A_94, %eq3A : vector<8x2048xf32>
    %jit3A = arith.constant 8 : i32
    %broadcast_in_dim3A_99 = vector.broadcast %jit3A : i32 to vector<8x2048xi32>
    %select_n3A = arith.select %eq3A_98, %iota3A, %broadcast_in_dim3A_99 : vector<8x2048xi1>, vector<8x2048xi32>
    %reduce_min3A = arith.constant dense<2147483647> : vector<2048xi32>
    %reduce_min3A_100 = vector.multi_reduction <minsi>, %select_n3A, %reduce_min3A [0] : vector<8x2048xi32> to vector<2048xi32>
    %broadcast_in_dim3A_101 = vector.shape_cast %reduce_min3A_100 : vector<2048xi32> to vector<1x2048xi32>
    %eq3A_102 = vector.broadcast %broadcast_in_dim3A_101 : vector<1x2048xi32> to vector<8x2048xi32>
    %eq3A_103 = arith.cmpi eq, %iota3A, %eq3A_102 : vector<8x2048xi32>
    %jit3A_104 = arith.constant -1.000000e+00 : f32
    %broadcast_in_dim3A_105 = vector.broadcast %jit3A_104 : f32 to vector<8x2048xf32>
    %select_n3A_106 = arith.select %eq3A_103, %broadcast_in_dim3A_105, %div3A_94 : vector<8x2048xi1>, vector<8x2048xf32>
    %reduce_max3A_107 = arith.constant dense<0xFF800000> : vector<2048xf32>
    %reduce_max3A_108 = vector.multi_reduction <maximumf>, %select_n3A_106, %reduce_max3A_107 [0] : vector<8x2048xf32> to vector<2048xf32>
    %broadcast_in_dim3A_109 = vector.shape_cast %reduce_max3A_108 : vector<2048xf32> to vector<1x2048xf32>
    %eq3A_110 = vector.broadcast %broadcast_in_dim3A_109 : vector<1x2048xf32> to vector<8x2048xf32>
    %eq3A_111 = arith.cmpf oeq, %select_n3A_106, %eq3A_110 : vector<8x2048xf32>
    %jit3A_112 = arith.constant 8 : i32
    %broadcast_in_dim3A_113 = vector.broadcast %jit3A_112 : i32 to vector<8x2048xi32>
    %select_n3A_114 = arith.select %eq3A_111, %iota3A, %broadcast_in_dim3A_113 : vector<8x2048xi1>, vector<8x2048xi32>
    %reduce_min3A_115 = arith.constant dense<2147483647> : vector<2048xi32>
    %reduce_min3A_116 = vector.multi_reduction <minsi>, %select_n3A_114, %reduce_min3A_115 [0] : vector<8x2048xi32> to vector<2048xi32>
    %broadcast_in_dim3A_117 = vector.shape_cast %reduce_min3A_116 : vector<2048xi32> to vector<1x2048xi32>
    %add3A_118 = arith.addf %broadcast_in_dim3A_97, %broadcast_in_dim3A_109 : vector<1x2048xf32>
    %add3A_119 = arith.constant 9.99999993E-9 : f32
    %add3A_120 = vector.broadcast %add3A_119 : f32 to vector<1x2048xf32>
    %add3A_121 = arith.addf %add3A_118, %add3A_120 : vector<1x2048xf32>
    %div3A_122 = arith.divf %broadcast_in_dim3A_97, %add3A_121 : vector<1x2048xf32>
    %div3A_123 = arith.divf %broadcast_in_dim3A_109, %add3A_121 : vector<1x2048xf32>
    %concatenate3A = tpu.concatenate %div3A_122, %div3A_123 in 0 : vector<1x2048xf32>, vector<1x2048xf32> -> vector<2x2048xf32>
    %swap3A = arith.constant 0 : index
    %swap3A_124 = arith.constant 0 : index
    %swap3A_125 = vector.load %arg5[%swap3A, %swap3A_124] : memref<2x2048xf32, #tpu.memory_space<vmem>>, vector<2x2048xf32>
    tpu.vector_store %arg5[%swap3A, %swap3A_124], %concatenate3A {strides = array<i32>} : memref<2x2048xf32, #tpu.memory_space<vmem>>, vector<2x2048xf32>,
    %eq3A_126 = vector.broadcast %broadcast_in_dim3A_101 : vector<1x2048xi32> to vector<8x2048xi32>
    %eq3A_127 = arith.cmpi eq, %iota3A, %eq3A_126 : vector<8x2048xi32>
    %convert_element_type3A = arith.extui %eq3A_127 : vector<8x2048xi1> to vector<8x2048xi32>
    %convert_element_type3A_128 = arith.sitofp %convert_element_type3A : vector<8x2048xi32> to vector<8x2048xf32>
    %eq3A_129 = vector.broadcast %broadcast_in_dim3A_117 : vector<1x2048xi32> to vector<8x2048xi32>
    %eq3A_130 = arith.cmpi eq, %iota3A, %eq3A_129 : vector<8x2048xi32>
    %convert_element_type3A_131 = arith.extui %eq3A_130 : vector<8x2048xi1> to vector<8x2048xi32>
    %convert_element_type3A_132 = arith.sitofp %convert_element_type3A_131 : vector<8x2048xi32> to vector<8x2048xf32>
    %broadcast_in_dim3A_133 = arith.constant 0.000000e+00 : f32
    %broadcast_in_dim3A_134 = vector.broadcast %broadcast_in_dim3A_133 : f32 to vector<8x1xf32>
    %slice3A = vector.extract_strided_slice %convert_element_type3A_128 {offsets = [0, 0], sizes = [8, 2047], strides = [1, 1]} : vector<8x2048xf32> to vector<8x2047xf32>
    %concatenate3A_135 = tpu.concatenate %broadcast_in_dim3A_134, %slice3A in 1 : vector<8x1xf32>, vector<8x2047xf32> -> vector<8x2048xf32>
    %add3A_136 = arith.addf %convert_element_type3A_128, %concatenate3A_135 : vector<8x2048xf32>
    %broadcast_in_dim3A_137 = arith.constant 0.000000e+00 : f32
    %broadcast_in_dim3A_138 = vector.broadcast %broadcast_in_dim3A_137 : f32 to vector<8x2xf32>
    %slice3A_139 = vector.extract_strided_slice %add3A_136 {offsets = [0, 0], sizes = [8, 2046], strides = [1, 1]} : vector<8x2048xf32> to vector<8x2046xf32>
    %concatenate3A_140 = tpu.concatenate %broadcast_in_dim3A_138, %slice3A_139 in 1 : vector<8x2xf32>, vector<8x2046xf32> -> vector<8x2048xf32>
    %add3A_141 = arith.addf %add3A_136, %concatenate3A_140 : vector<8x2048xf32>
    %broadcast_in_dim3A_142 = arith.constant 0.000000e+00 : f32
    %broadcast_in_dim3A_143 = vector.broadcast %broadcast_in_dim3A_142 : f32 to vector<8x4xf32>
    %slice3A_144 = vector.extract_strided_slice %add3A_141 {offsets = [0, 0], sizes = [8, 2044], strides = [1, 1]} : vector<8x2048xf32> to vector<8x2044xf32>
    %concatenate3A_145 = tpu.concatenate %broadcast_in_dim3A_143, %slice3A_144 in 1 : vector<8x4xf32>, vector<8x2044xf32> -> vector<8x2048xf32>
    %add3A_146 = arith.addf %add3A_141, %concatenate3A_145 : vector<8x2048xf32>
    %broadcast_in_dim3A_147 = arith.constant 0.000000e+00 : f32
    %broadcast_in_dim3A_148 = vector.broadcast %broadcast_in_dim3A_147 : f32 to vector<8x8xf32>
    %slice3A_149 = vector.extract_strided_slice %add3A_146 {offsets = [0, 0], sizes = [8, 2040], strides = [1, 1]} : vector<8x2048xf32> to vector<8x2040xf32>
    %concatenate3A_150 = tpu.concatenate %broadcast_in_dim3A_148, %slice3A_149 in 1 : vector<8x8xf32>, vector<8x2040xf32> -> vector<8x2048xf32>
    %add3A_151 = arith.addf %add3A_146, %concatenate3A_150 : vector<8x2048xf32>
    %broadcast_in_dim3A_152 = arith.constant 0.000000e+00 : f32
    %broadcast_in_dim3A_153 = vector.broadcast %broadcast_in_dim3A_152 : f32 to vector<8x16xf32>
    %slice3A_154 = vector.extract_strided_slice %add3A_151 {offsets = [0, 0], sizes = [8, 2032], strides = [1, 1]} : vector<8x2048xf32> to vector<8x2032xf32>
    %concatenate3A_155 = tpu.concatenate %broadcast_in_dim3A_153, %slice3A_154 in 1 : vector<8x16xf32>, vector<8x2032xf32> -> vector<8x2048xf32>
    %add3A_156 = arith.addf %add3A_151, %concatenate3A_155 : vector<8x2048xf32>
    %broadcast_in_dim3A_157 = arith.constant 0.000000e+00 : f32
    %broadcast_in_dim3A_158 = vector.broadcast %broadcast_in_dim3A_157 : f32 to vector<8x32xf32>
    %slice3A_159 = vector.extract_strided_slice %add3A_156 {offsets = [0, 0], sizes = [8, 2016], strides = [1, 1]} : vector<8x2048xf32> to vector<8x2016xf32>
    %concatenate3A_160 = tpu.concatenate %broadcast_in_dim3A_158, %slice3A_159 in 1 : vector<8x32xf32>, vector<8x2016xf32> -> vector<8x2048xf32>
    %add3A_161 = arith.addf %add3A_156, %concatenate3A_160 : vector<8x2048xf32>
    %broadcast_in_dim3A_162 = arith.constant 0.000000e+00 : f32
    %broadcast_in_dim3A_163 = vector.broadcast %broadcast_in_dim3A_162 : f32 to vector<8x64xf32>
    %slice3A_164 = vector.extract_strided_slice %add3A_161 {offsets = [0, 0], sizes = [8, 1984], strides = [1, 1]} : vector<8x2048xf32> to vector<8x1984xf32>
    %concatenate3A_165 = tpu.concatenate %broadcast_in_dim3A_163, %slice3A_164 in 1 : vector<8x64xf32>, vector<8x1984xf32> -> vector<8x2048xf32>
    %add3A_166 = arith.addf %add3A_161, %concatenate3A_165 : vector<8x2048xf32>
    %broadcast_in_dim3A_167 = arith.constant 0.000000e+00 : f32
    %broadcast_in_dim3A_168 = vector.broadcast %broadcast_in_dim3A_167 : f32 to vector<8x128xf32>
    %slice3A_169 = vector.extract_strided_slice %add3A_166 {offsets = [0, 0], sizes = [8, 1920], strides = [1, 1]} : vector<8x2048xf32> to vector<8x1920xf32>
    %concatenate3A_170 = tpu.concatenate %broadcast_in_dim3A_168, %slice3A_169 in 1 : vector<8x128xf32>, vector<8x1920xf32> -> vector<8x2048xf32>
    %add3A_171 = arith.addf %add3A_166, %concatenate3A_170 : vector<8x2048xf32>
    %broadcast_in_dim3A_172 = arith.constant 0.000000e+00 : f32
    %broadcast_in_dim3A_173 = vector.broadcast %broadcast_in_dim3A_172 : f32 to vector<8x256xf32>
    %slice3A_174 = vector.extract_strided_slice %add3A_171 {offsets = [0, 0], sizes = [8, 1792], strides = [1, 1]} : vector<8x2048xf32> to vector<8x1792xf32>
    %concatenate3A_175 = tpu.concatenate %broadcast_in_dim3A_173, %slice3A_174 in 1 : vector<8x256xf32>, vector<8x1792xf32> -> vector<8x2048xf32>
    %add3A_176 = arith.addf %add3A_171, %concatenate3A_175 : vector<8x2048xf32>
    %broadcast_in_dim3A_177 = arith.constant 0.000000e+00 : f32
    %broadcast_in_dim3A_178 = vector.broadcast %broadcast_in_dim3A_177 : f32 to vector<8x512xf32>
    %slice3A_179 = vector.extract_strided_slice %add3A_176 {offsets = [0, 0], sizes = [8, 1536], strides = [1, 1]} : vector<8x2048xf32> to vector<8x1536xf32>
    %concatenate3A_180 = tpu.concatenate %broadcast_in_dim3A_178, %slice3A_179 in 1 : vector<8x512xf32>, vector<8x1536xf32> -> vector<8x2048xf32>
    %add3A_181 = arith.addf %add3A_176, %concatenate3A_180 : vector<8x2048xf32>
    %broadcast_in_dim3A_182 = arith.constant 0.000000e+00 : f32
    %broadcast_in_dim3A_183 = vector.broadcast %broadcast_in_dim3A_182 : f32 to vector<8x1024xf32>
    %slice3A_184 = vector.extract_strided_slice %add3A_181 {offsets = [0, 0], sizes = [8, 1024], strides = [1, 1]} : vector<8x2048xf32> to vector<8x1024xf32>
    %concatenate3A_185 = tpu.concatenate %broadcast_in_dim3A_183, %slice3A_184 in 1 : vector<8x1024xf32>, vector<8x1024xf32> -> vector<8x2048xf32>
    %add3A_186 = arith.addf %add3A_181, %concatenate3A_185 : vector<8x2048xf32>
    %broadcast_in_dim3A_187 = arith.constant 0.000000e+00 : f32
    %broadcast_in_dim3A_188 = vector.broadcast %broadcast_in_dim3A_187 : f32 to vector<8x1xf32>
    %slice3A_189 = vector.extract_strided_slice %convert_element_type3A_132 {offsets = [0, 0], sizes = [8, 2047], strides = [1, 1]} : vector<8x2048xf32> to vector<8x2047xf32>
    %concatenate3A_190 = tpu.concatenate %broadcast_in_dim3A_188, %slice3A_189 in 1 : vector<8x1xf32>, vector<8x2047xf32> -> vector<8x2048xf32>
    %add3A_191 = arith.addf %convert_element_type3A_132, %concatenate3A_190 : vector<8x2048xf32>
    %broadcast_in_dim3A_192 = arith.constant 0.000000e+00 : f32
    %broadcast_in_dim3A_193 = vector.broadcast %broadcast_in_dim3A_192 : f32 to vector<8x2xf32>
    %slice3A_194 = vector.extract_strided_slice %add3A_191 {offsets = [0, 0], sizes = [8, 2046], strides = [1, 1]} : vector<8x2048xf32> to vector<8x2046xf32>
    %concatenate3A_195 = tpu.concatenate %broadcast_in_dim3A_193, %slice3A_194 in 1 : vector<8x2xf32>, vector<8x2046xf32> -> vector<8x2048xf32>
    %add3A_196 = arith.addf %add3A_191, %concatenate3A_195 : vector<8x2048xf32>
    %broadcast_in_dim3A_197 = arith.constant 0.000000e+00 : f32
    %broadcast_in_dim3A_198 = vector.broadcast %broadcast_in_dim3A_197 : f32 to vector<8x4xf32>
    %slice3A_199 = vector.extract_strided_slice %add3A_196 {offsets = [0, 0], sizes = [8, 2044], strides = [1, 1]} : vector<8x2048xf32> to vector<8x2044xf32>
    %concatenate3A_200 = tpu.concatenate %broadcast_in_dim3A_198, %slice3A_199 in 1 : vector<8x4xf32>, vector<8x2044xf32> -> vector<8x2048xf32>
    %add3A_201 = arith.addf %add3A_196, %concatenate3A_200 : vector<8x2048xf32>
    %broadcast_in_dim3A_202 = arith.constant 0.000000e+00 : f32
    %broadcast_in_dim3A_203 = vector.broadcast %broadcast_in_dim3A_202 : f32 to vector<8x8xf32>
    %slice3A_204 = vector.extract_strided_slice %add3A_201 {offsets = [0, 0], sizes = [8, 2040], strides = [1, 1]} : vector<8x2048xf32> to vector<8x2040xf32>
    %concatenate3A_205 = tpu.concatenate %broadcast_in_dim3A_203, %slice3A_204 in 1 : vector<8x8xf32>, vector<8x2040xf32> -> vector<8x2048xf32>
    %add3A_206 = arith.addf %add3A_201, %concatenate3A_205 : vector<8x2048xf32>
    %broadcast_in_dim3A_207 = arith.constant 0.000000e+00 : f32
    %broadcast_in_dim3A_208 = vector.broadcast %broadcast_in_dim3A_207 : f32 to vector<8x16xf32>
    %slice3A_209 = vector.extract_strided_slice %add3A_206 {offsets = [0, 0], sizes = [8, 2032], strides = [1, 1]} : vector<8x2048xf32> to vector<8x2032xf32>
    %concatenate3A_210 = tpu.concatenate %broadcast_in_dim3A_208, %slice3A_209 in 1 : vector<8x16xf32>, vector<8x2032xf32> -> vector<8x2048xf32>
    %add3A_211 = arith.addf %add3A_206, %concatenate3A_210 : vector<8x2048xf32>
    %broadcast_in_dim3A_212 = arith.constant 0.000000e+00 : f32
    %broadcast_in_dim3A_213 = vector.broadcast %broadcast_in_dim3A_212 : f32 to vector<8x32xf32>
    %slice3A_214 = vector.extract_strided_slice %add3A_211 {offsets = [0, 0], sizes = [8, 2016], strides = [1, 1]} : vector<8x2048xf32> to vector<8x2016xf32>
    %concatenate3A_215 = tpu.concatenate %broadcast_in_dim3A_213, %slice3A_214 in 1 : vector<8x32xf32>, vector<8x2016xf32> -> vector<8x2048xf32>
    %add3A_216 = arith.addf %add3A_211, %concatenate3A_215 : vector<8x2048xf32>
    %broadcast_in_dim3A_217 = arith.constant 0.000000e+00 : f32
    %broadcast_in_dim3A_218 = vector.broadcast %broadcast_in_dim3A_217 : f32 to vector<8x64xf32>
    %slice3A_219 = vector.extract_strided_slice %add3A_216 {offsets = [0, 0], sizes = [8, 1984], strides = [1, 1]} : vector<8x2048xf32> to vector<8x1984xf32>
    %concatenate3A_220 = tpu.concatenate %broadcast_in_dim3A_218, %slice3A_219 in 1 : vector<8x64xf32>, vector<8x1984xf32> -> vector<8x2048xf32>
    %add3A_221 = arith.addf %add3A_216, %concatenate3A_220 : vector<8x2048xf32>
    %broadcast_in_dim3A_222 = arith.constant 0.000000e+00 : f32
    %broadcast_in_dim3A_223 = vector.broadcast %broadcast_in_dim3A_222 : f32 to vector<8x128xf32>
    %slice3A_224 = vector.extract_strided_slice %add3A_221 {offsets = [0, 0], sizes = [8, 1920], strides = [1, 1]} : vector<8x2048xf32> to vector<8x1920xf32>
    %concatenate3A_225 = tpu.concatenate %broadcast_in_dim3A_223, %slice3A_224 in 1 : vector<8x128xf32>, vector<8x1920xf32> -> vector<8x2048xf32>
    %add3A_226 = arith.addf %add3A_221, %concatenate3A_225 : vector<8x2048xf32>
    %broadcast_in_dim3A_227 = arith.constant 0.000000e+00 : f32
    %broadcast_in_dim3A_228 = vector.broadcast %broadcast_in_dim3A_227 : f32 to vector<8x256xf32>
    %slice3A_229 = vector.extract_strided_slice %add3A_226 {offsets = [0, 0], sizes = [8, 1792], strides = [1, 1]} : vector<8x2048xf32> to vector<8x1792xf32>
    %concatenate3A_230 = tpu.concatenate %broadcast_in_dim3A_228, %slice3A_229 in 1 : vector<8x256xf32>, vector<8x1792xf32> -> vector<8x2048xf32>
    %add3A_231 = arith.addf %add3A_226, %concatenate3A_230 : vector<8x2048xf32>
    %broadcast_in_dim3A_232 = arith.constant 0.000000e+00 : f32
    %broadcast_in_dim3A_233 = vector.broadcast %broadcast_in_dim3A_232 : f32 to vector<8x512xf32>
    %slice3A_234 = vector.extract_strided_slice %add3A_231 {offsets = [0, 0], sizes = [8, 1536], strides = [1, 1]} : vector<8x2048xf32> to vector<8x1536xf32>
    %concatenate3A_235 = tpu.concatenate %broadcast_in_dim3A_233, %slice3A_234 in 1 : vector<8x512xf32>, vector<8x1536xf32> -> vector<8x2048xf32>
    %add3A_236 = arith.addf %add3A_231, %concatenate3A_235 : vector<8x2048xf32>
    %broadcast_in_dim3A_237 = arith.constant 0.000000e+00 : f32
    %broadcast_in_dim3A_238 = vector.broadcast %broadcast_in_dim3A_237 : f32 to vector<8x1024xf32>
    %slice3A_239 = vector.extract_strided_slice %add3A_236 {offsets = [0, 0], sizes = [8, 1024], strides = [1, 1]} : vector<8x2048xf32> to vector<8x1024xf32>
    %concatenate3A_240 = tpu.concatenate %broadcast_in_dim3A_238, %slice3A_239 in 1 : vector<8x1024xf32>, vector<8x1024xf32> -> vector<8x2048xf32>
    %add3A_241 = arith.addf %add3A_236, %concatenate3A_240 : vector<8x2048xf32>
    %slice3A_242 = vector.extract_strided_slice %add3A_186 {offsets = [0, 2047], sizes = [8, 1], strides = [1, 1]} : vector<8x2048xf32> to vector<8x1xf32>
    %slice3A_243 = vector.extract_strided_slice %add3A_241 {offsets = [0, 2047], sizes = [8, 1], strides = [1, 1]} : vector<8x2048xf32> to vector<8x1xf32>
    %add3A_244 = arith.addf %slice3A_242, %slice3A_243 : vector<8x1xf32>
    %add3A_245 = arith.constant 2.550000e+02 : f32
    %add3A_246 = vector.broadcast %add3A_245 : f32 to vector<8x1xf32>
    %add3A_247 = arith.addf %add3A_244, %add3A_246 : vector<8x1xf32>
    %div3A_248 = arith.constant 2.560000e+02 : f32
    %div3A_249 = vector.broadcast %div3A_248 : f32 to vector<8x1xf32>
    %div3A_250 = arith.divf %add3A_247, %div3A_249 : vector<8x1xf32>
    %floor3A = math.floor %div3A_250 : vector<8x1xf32>
    %mul3A = arith.constant 2.560000e+02 : f32
    %mul3A_251 = vector.broadcast %mul3A : f32 to vector<8x1xf32>
    %mul3A_252 = arith.mulf %floor3A, %mul3A_251 : vector<8x1xf32>
    %iota3A_253 = tpu.iota {dimensions = array<i32: 0>} : vector<8x8xi32>
    %iota3A_254 = tpu.iota {dimensions = array<i32: 1>} : vector<8x8xi32>
    %gt3A = arith.cmpi sgt, %iota3A_253, %iota3A_254 : vector<8x8xi32>
    %convert_element_type3A_255 = arith.extui %gt3A : vector<8x8xi1> to vector<8x8xi32>
    %convert_element_type3A_256 = arith.sitofp %convert_element_type3A_255 : vector<8x8xi32> to vector<8x8xf32>
    %dot_general3A_257 = arith.constant dense<0.000000e+00> : vector<8x1xf32>
    %dot_general3A_258 = tpu.matmul %convert_element_type3A_256, %mul3A_252, %dot_general3A_257 {dimension_numbers = #tpu.dot_dimension_numbers<[1], [0], [0], [1], [0, 0, 1, 1], [], []>, transpose_lhs_hint = false} : vector<8x8xf32>, vector<8x1xf32>, vector<8x1xf32> -> vector<8x1xf32>
    %add3A_259 = vector.broadcast %dot_general3A_258 : vector<8x1xf32> to vector<8x2048xf32>
    %add3A_260 = arith.addf %add3A_259, %add3A_186 : vector<8x2048xf32>
    %sub3A_261 = arith.subf %add3A_260, %convert_element_type3A_128 : vector<8x2048xf32>
    %mul3A_262 = arith.mulf %convert_element_type3A_128, %sub3A_261 : vector<8x2048xf32>
    %reduce_sum3A_263 = arith.constant dense<0.000000e+00> : vector<2048xf32>
    %reduce_sum3A_264 = vector.multi_reduction <add>, %mul3A_262, %reduce_sum3A_263 [0] : vector<8x2048xf32> to vector<2048xf32>
    %broadcast_in_dim3A_265 = vector.shape_cast %reduce_sum3A_264 : vector<2048xf32> to vector<1x2048xf32>
    %add3A_266 = arith.addf %dot_general3A_258, %slice3A_242 : vector<8x1xf32>
    %add3A_267 = vector.broadcast %add3A_266 : vector<8x1xf32> to vector<8x2048xf32>
    %add3A_268 = arith.addf %add3A_267, %add3A_241 : vector<8x2048xf32>
    %sub3A_269 = arith.subf %add3A_268, %convert_element_type3A_132 : vector<8x2048xf32>
    %mul3A_270 = arith.mulf %convert_element_type3A_132, %sub3A_269 : vector<8x2048xf32>
    %reduce_sum3A_271 = arith.constant dense<0.000000e+00> : vector<2048xf32>
    %reduce_sum3A_272 = vector.multi_reduction <add>, %mul3A_270, %reduce_sum3A_271 [0] : vector<8x2048xf32> to vector<2048xf32>
    %broadcast_in_dim3A_273 = vector.shape_cast %reduce_sum3A_272 : vector<2048xf32> to vector<1x2048xf32>
    %concatenate3A_274 = tpu.concatenate %broadcast_in_dim3A_265, %broadcast_in_dim3A_273 in 0 : vector<1x2048xf32>, vector<1x2048xf32> -> vector<2x2048xf32>
    %convert_element_type3A_275 = arith.fptosi %concatenate3A_274 : vector<2x2048xf32> to vector<2x2048xi32>
    %swap3A_276 = arith.constant 0 : index
    %swap3A_277 = arith.constant 0 : index
    %swap3A_278 = vector.load %arg4[%swap3A_276, %swap3A_277] : memref<2x2048xi32, #tpu.memory_space<vmem>>, vector<2x2048xi32>
    tpu.vector_store %arg4[%swap3A_276, %swap3A_277], %convert_element_type3A_275 {strides = array<i32>} : memref<2x2048xi32, #tpu.memory_space<vmem>>, vector<2x2048xi32>,
    %add3A_279 = arith.addf %dot_general3A_258, %mul3A_252 : vector<8x1xf32>
    %div3A_280 = arith.constant 2.560000e+02 : f32
    %div3A_281 = vector.broadcast %div3A_280 : f32 to vector<8x1xf32>
    %div3A_282 = arith.divf %add3A_279, %div3A_281 : vector<8x1xf32>
    %reduce_sum3A_283 = vector.shape_cast %mul3A_252 : vector<8x1xf32> to vector<1x8x1xf32>
    %reduce_sum3A_284 = arith.constant dense<0.000000e+00> : vector<1xf32>
    %reduce_sum3A_285 = vector.multi_reduction <add>, %reduce_sum3A_283, %reduce_sum3A_284 [1, 2] : vector<1x8x1xf32> to vector<1xf32>
    %reduce_sum3A_286 = vector.shape_cast %reduce_sum3A_285 : vector<1xf32> to vector<1x1x1xf32>
    %reduce_sum3A_287 = vector.extract %reduce_sum3A_286[0, 0, 0] : f32 from vector<1x1x1xf32>
    %div3A_288 = arith.constant 2.560000e+02 : f32
    %div3A_289 = arith.divf %reduce_sum3A_287, %div3A_288 : f32
    %iota3A_290 = tpu.iota {dimensions = array<i32: 1>} : vector<8x32xi32>
    %convert_element_type3A_291 = arith.sitofp %iota3A_290 : vector<8x32xi32> to vector<8x32xf32>
    %ge3A = vector.broadcast %div3A_282 : vector<8x1xf32> to vector<8x32xf32>
    %ge3A_292 = arith.cmpf oge, %convert_element_type3A_291, %ge3A : vector<8x32xf32>
    %convert_element_type3A_293 = arith.extui %ge3A_292 : vector<8x32xi1> to vector<8x32xi32>
    %convert_element_type3A_294 = arith.sitofp %convert_element_type3A_293 : vector<8x32xi32> to vector<8x32xf32>
    %reduce_sum3A_295 = arith.constant dense<0.000000e+00> : vector<32xf32>
    %reduce_sum3A_296 = vector.multi_reduction <add>, %convert_element_type3A_294, %reduce_sum3A_295 [0] : vector<8x32xf32> to vector<32xf32>
    %broadcast_in_dim3A_297 = vector.shape_cast %reduce_sum3A_296 : vector<32xf32> to vector<1x32xf32>
    %min3A = arith.constant 7.000000e+00 : f32
    %min3A_298 = vector.broadcast %min3A : f32 to vector<1x32xf32>
    %min3A_299 = arith.minimumf %broadcast_in_dim3A_297, %min3A_298 : vector<1x32xf32>
    %slice3A_300 = vector.extract_strided_slice %convert_element_type3A_291 {offsets = [0, 0], sizes = [1, 32], strides = [1, 1]} : vector<8x32xf32> to vector<1x32xf32>
    %ge3A_301 = vector.broadcast %div3A_289 : f32 to vector<1x32xf32>
    %ge3A_302 = arith.cmpf oge, %slice3A_300, %ge3A_301 : vector<1x32xf32>
    %convert_element_type3A_303 = arith.extui %ge3A_302 : vector<1x32xi1> to vector<1x32xi32>
    %convert_element_type3A_304 = arith.sitofp %convert_element_type3A_303 : vector<1x32xi32> to vector<1x32xf32>
    %mul3A_305 = arith.constant 8.000000e+00 : f32
    %mul3A_306 = vector.broadcast %mul3A_305 : f32 to vector<1x32xf32>
    %mul3A_307 = arith.mulf %mul3A_306, %convert_element_type3A_304 : vector<1x32xf32>
    %add3A_308 = arith.addf %min3A_299, %mul3A_307 : vector<1x32xf32>
    %broadcast_in_dim3A_309 = arith.constant -1.000000e+00 : f32
    %broadcast_in_dim3A_310 = vector.broadcast %broadcast_in_dim3A_309 : f32 to vector<1x1xf32>
    %slice3A_311 = vector.extract_strided_slice %add3A_308 {offsets = [0, 0], sizes = [1, 31], strides = [1, 1]} : vector<1x32xf32> to vector<1x31xf32>
    %concatenate3A_312 = tpu.concatenate %broadcast_in_dim3A_310, %slice3A_311 in 1 : vector<1x1xf32>, vector<1x31xf32> -> vector<1x32xf32>
    %ne3A = arith.cmpf one, %add3A_308, %concatenate3A_312 : vector<1x32xf32>
    %convert_element_type3A_313 = arith.extui %ne3A : vector<1x32xi1> to vector<1x32xi32>
    %convert_element_type3A_314 = arith.sitofp %convert_element_type3A_313 : vector<1x32xi32> to vector<1x32xf32>
    %broadcast_in_dim3A_315 = arith.constant 0.000000e+00 : f32
    %broadcast_in_dim3A_316 = vector.broadcast %broadcast_in_dim3A_315 : f32 to vector<1x1xf32>
    %slice3A_317 = vector.extract_strided_slice %convert_element_type3A_314 {offsets = [0, 0], sizes = [1, 31], strides = [1, 1]} : vector<1x32xf32> to vector<1x31xf32>
    %concatenate3A_318 = tpu.concatenate %broadcast_in_dim3A_316, %slice3A_317 in 1 : vector<1x1xf32>, vector<1x31xf32> -> vector<1x32xf32>
    %add3A_319 = arith.addf %convert_element_type3A_314, %concatenate3A_318 : vector<1x32xf32>
    %broadcast_in_dim3A_320 = arith.constant 0.000000e+00 : f32
    %broadcast_in_dim3A_321 = vector.broadcast %broadcast_in_dim3A_320 : f32 to vector<1x2xf32>
    %slice3A_322 = vector.extract_strided_slice %add3A_319 {offsets = [0, 0], sizes = [1, 30], strides = [1, 1]} : vector<1x32xf32> to vector<1x30xf32>
    %concatenate3A_323 = tpu.concatenate %broadcast_in_dim3A_321, %slice3A_322 in 1 : vector<1x2xf32>, vector<1x30xf32> -> vector<1x32xf32>
    %add3A_324 = arith.addf %add3A_319, %concatenate3A_323 : vector<1x32xf32>
    %broadcast_in_dim3A_325 = arith.constant 0.000000e+00 : f32
    %broadcast_in_dim3A_326 = vector.broadcast %broadcast_in_dim3A_325 : f32 to vector<1x4xf32>
    %slice3A_327 = vector.extract_strided_slice %add3A_324 {offsets = [0, 0], sizes = [1, 28], strides = [1, 1]} : vector<1x32xf32> to vector<1x28xf32>
    %concatenate3A_328 = tpu.concatenate %broadcast_in_dim3A_326, %slice3A_327 in 1 : vector<1x4xf32>, vector<1x28xf32> -> vector<1x32xf32>
    %add3A_329 = arith.addf %add3A_324, %concatenate3A_328 : vector<1x32xf32>
    %broadcast_in_dim3A_330 = arith.constant 0.000000e+00 : f32
    %broadcast_in_dim3A_331 = vector.broadcast %broadcast_in_dim3A_330 : f32 to vector<1x8xf32>
    %slice3A_332 = vector.extract_strided_slice %add3A_329 {offsets = [0, 0], sizes = [1, 24], strides = [1, 1]} : vector<1x32xf32> to vector<1x24xf32>
    %concatenate3A_333 = tpu.concatenate %broadcast_in_dim3A_331, %slice3A_332 in 1 : vector<1x8xf32>, vector<1x24xf32> -> vector<1x32xf32>
    %add3A_334 = arith.addf %add3A_329, %concatenate3A_333 : vector<1x32xf32>
    %broadcast_in_dim3A_335 = arith.constant 0.000000e+00 : f32
    %broadcast_in_dim3A_336 = vector.broadcast %broadcast_in_dim3A_335 : f32 to vector<1x16xf32>
    %slice3A_337 = vector.extract_strided_slice %add3A_334 {offsets = [0, 0], sizes = [1, 16], strides = [1, 1]} : vector<1x32xf32> to vector<1x16xf32>
    %concatenate3A_338 = tpu.concatenate %broadcast_in_dim3A_336, %slice3A_337 in 1 : vector<1x16xf32>, vector<1x16xf32> -> vector<1x32xf32>
    %add3A_339 = arith.addf %add3A_334, %concatenate3A_338 : vector<1x32xf32>
    %sub3A_340 = arith.constant 1.000000e+00 : f32
    %sub3A_341 = vector.broadcast %sub3A_340 : f32 to vector<1x32xf32>
    %sub3A_342 = arith.subf %add3A_339, %sub3A_341 : vector<1x32xf32>
    %div3A_343 = arith.constant 2.000000e+00 : f32
    %div3A_344 = vector.broadcast %div3A_343 : f32 to vector<1x32xf32>
    %div3A_345 = arith.divf %sub3A_342, %div3A_344 : vector<1x32xf32>
    %floor3A_346 = math.floor %div3A_345 : vector<1x32xf32>
    %mul3A_347 = arith.constant 2.000000e+00 : f32
    %mul3A_348 = vector.broadcast %mul3A_347 : f32 to vector<1x32xf32>
    %mul3A_349 = arith.mulf %mul3A_348, %floor3A_346 : vector<1x32xf32>
    %sub3A_350 = arith.subf %sub3A_342, %mul3A_349 : vector<1x32xf32>
    %broadcast_in_dim3A_351 = vector.shape_cast %add3A_308 : vector<1x32xf32> to vector<1x32xf32>
    %broadcast_in_dim3A_352 = vector.broadcast %broadcast_in_dim3A_351 : vector<1x32xf32> to vector<8x32xf32>
    %iota3A_353 = tpu.iota {dimensions = array<i32: 0>} : vector<8x32xi32>
    %convert_element_type3A_354 = arith.sitofp %iota3A_353 : vector<8x32xi32> to vector<8x32xf32>
    %eq3A_355 = arith.cmpf oeq, %broadcast_in_dim3A_352, %convert_element_type3A_354 : vector<8x32xf32>
    %convert_element_type3A_356 = arith.extui %eq3A_355 : vector<8x32xi1> to vector<8x32xi32>
    %convert_element_type3A_357 = arith.sitofp %convert_element_type3A_356 : vector<8x32xi32> to vector<8x32xf32>
    %eq3A_358 = vector.broadcast %div3A_282 : vector<8x1xf32> to vector<8x32xf32>
    %eq3A_359 = arith.cmpf oeq, %convert_element_type3A_291, %eq3A_358 : vector<8x32xf32>
    %convert_element_type3A_360 = arith.extui %eq3A_359 : vector<8x32xi1> to vector<8x32xi32>
    %convert_element_type3A_361 = arith.sitofp %convert_element_type3A_360 : vector<8x32xi32> to vector<8x32xf32>
    %broadcast_in_dim3A_362 = vector.shape_cast %add3A_308 : vector<1x32xf32> to vector<1x32xf32>
    %broadcast_in_dim3A_363 = vector.broadcast %broadcast_in_dim3A_362 : vector<1x32xf32> to vector<8x32xf32>
    %mul3A_364 = arith.mulf %convert_element_type3A_361, %broadcast_in_dim3A_363 : vector<8x32xf32>
    %reduce_sum3A_365 = arith.constant dense<0.000000e+00> : vector<8xf32>
    %reduce_sum3A_366 = vector.multi_reduction <add>, %mul3A_364, %reduce_sum3A_365 [1] : vector<8x32xf32> to vector<8xf32>
    %broadcast_in_dim3A_367 = vector.shape_cast %reduce_sum3A_366 : vector<8xf32> to vector<8x1xf32>
    %mul3A_368 = vector.broadcast %broadcast_in_dim3A_367 : vector<8x1xf32> to vector<8x32xf32>
    %mul3A_369 = arith.mulf %convert_element_type3A_357, %mul3A_368 : vector<8x32xf32>
    %reduce_sum3A_370 = arith.constant dense<0.000000e+00> : vector<32xf32>
    %reduce_sum3A_371 = vector.multi_reduction <add>, %mul3A_369, %reduce_sum3A_370 [0] : vector<8x32xf32> to vector<32xf32>
    %broadcast_in_dim3A_372 = vector.shape_cast %reduce_sum3A_371 : vector<32xf32> to vector<1x32xf32>
    %concatenate3A_373 = tpu.concatenate %add3A_308, %convert_element_type3A_314, %broadcast_in_dim3A_372, %sub3A_350 in 0 : vector<1x32xf32>, vector<1x32xf32>, vector<1x32xf32>, vector<1x32xf32> -> vector<4x32xf32>
    %convert_element_type3A_374 = arith.fptosi %concatenate3A_373 : vector<4x32xf32> to vector<4x32xi32>
    %swap3A_375 = arith.constant 0 : index
    %swap3A_376 = arith.constant 0 : index
    %swap3A_377 = vector.load %arg6[%swap3A_375, %swap3A_376] : memref<4x32xi32, #tpu.memory_space<vmem>>, vector<4x32xi32>
    tpu.vector_store %arg6[%swap3A_375, %swap3A_376], %convert_element_type3A_374 {strides = array<i32>} : memref<4x32xi32, #tpu.memory_space<vmem>>, vector<4x32xi32>,
    return
  }
}

module attributes {stable_mosaic.version = 14 : i64} {
  func.func @_ffn_body(%arg0: i32, %arg1: memref<4x32xi32, #tpu.memory_space<smem>>, %arg2: memref<256x768xf32, #tpu.memory_space<vmem>>, %arg3: memref<8x1536x768xf32, #tpu.memory_space<any>>, %arg4: memref<8x1536x768xf32, #tpu.memory_space<any>>, %arg5: memref<8x768x1536xf32, #tpu.memory_space<any>>, %arg6: memref<256x768xf32, #tpu.memory_space<vmem>>, %arg7: memref<2x1536x768xf32, #tpu.memory_space<vmem>>, %arg8: memref<2x1536x768xf32, #tpu.memory_space<vmem>>, %arg9: memref<2x768x1536xf32, #tpu.memory_space<vmem>>, %arg10: memref<2x!tpu.dma_semaphore, #tpu.memory_space<semaphore_mem>>) attributes {dimension_semantics = [#tpu.dimension_semantics<arbitrary>], iteration_bounds = array<i64: 24>, scalar_prefetch = 1 : i64, scratch_operands = 4 : i64, tpu.core_type = #tpu.core_type<tc>, window_params = [{transform_indices = @transform_0, window_bounds = array<i64: 256, 768>}, {}, {}, {}, {transform_indices = @transform_4, window_bounds = array<i64: 256, 768>}]} {
    %get3A = arith.constant 0 : index
    %get3A_0 = arith.index_cast %arg0 : i32 to index
    %get3A_1 = memref.load %arg1[%get3A, %get3A_0] : memref<4x32xi32, #tpu.memory_space<smem>>
    %lt3A = arith.constant 8 : i32
    %lt3A_2 = arith.cmpi slt, %get3A_1, %lt3A : i32
    %get3A_3 = arith.constant 1 : index
    %get3A_4 = arith.index_cast %arg0 : i32 to index
    %get3A_5 = memref.load %arg1[%get3A_3, %get3A_4] : memref<4x32xi32, #tpu.memory_space<smem>>
    %eq3A = arith.constant 1 : i32
    %eq3A_6 = arith.cmpi eq, %get3A_5, %eq3A : i32
    %get3A_7 = arith.constant 2 : index
    %get3A_8 = arith.index_cast %arg0 : i32 to index
    %get3A_9 = memref.load %arg1[%get3A_7, %get3A_8] : memref<4x32xi32, #tpu.memory_space<smem>>
    %get3A_10 = arith.constant 3 : index
    %get3A_11 = arith.index_cast %arg0 : i32 to index
    %get3A_12 = memref.load %arg1[%get3A_10, %get3A_11] : memref<4x32xi32, #tpu.memory_space<smem>>
    %and3A = arith.andi %lt3A_2, %eq3A_6 : i1
    %convert_element_type3A = arith.extui %and3A : i1 to i32
    %cond3A = arith.constant 0 : i32
    %cond3A_13 = arith.cmpi ne, %convert_element_type3A, %cond3A : i32
    scf.if %cond3A_13 {
      %eq3A_17 = arith.constant 0 : i32
      %eq3A_18 = arith.cmpi eq, %arg0, %eq3A_17 : i32
      %convert_element_type3A_19 = arith.extui %eq3A_18 : i1 to i32
      %cond3A_20 = arith.constant 0 : i32
      %cond3A_21 = arith.cmpi ne, %convert_element_type3A_19, %cond3A_20 : i32
      scf.if %cond3A_21 {
        %dma_start3A = tpu.memref_slice %arg10[%get3A_12] : memref<2x!tpu.dma_semaphore, #tpu.memory_space<semaphore_mem>> -> memref<1x!tpu.dma_semaphore, #tpu.memory_space<semaphore_mem>>
        %dma_start3A_56 = tpu.memref_squeeze %dma_start3A : memref<1x!tpu.dma_semaphore, #tpu.memory_space<semaphore_mem>> -> memref<!tpu.dma_semaphore, #tpu.memory_space<semaphore_mem>>
        %dma_start3A_57 = arith.constant 0 : i32
        %dma_start3A_58 = arith.constant 0 : i32
        %dma_start3A_59 = tpu.memref_slice %arg7[%get3A_12, %dma_start3A_57, %dma_start3A_58] : memref<2x1536x768xf32, #tpu.memory_space<vmem>> -> memref<1x1536x768xf32, #tpu.memory_space<vmem>>
        %dma_start3A_60 = tpu.memref_squeeze %dma_start3A_59 : memref<1x1536x768xf32, #tpu.memory_space<vmem>> -> memref<1536x768xf32, #tpu.memory_space<vmem>>
        %dma_start3A_61 = arith.constant 0 : i32
        %dma_start3A_62 = arith.constant 0 : i32
        %dma_start3A_63 = tpu.memref_slice %arg3[%get3A_1, %dma_start3A_61, %dma_start3A_62] : memref<8x1536x768xf32, #tpu.memory_space<any>> -> memref<1x1536x768xf32, #tpu.memory_space<any>>
        %dma_start3A_64 = tpu.memref_squeeze %dma_start3A_63 : memref<1x1536x768xf32, #tpu.memory_space<any>> -> memref<1536x768xf32, #tpu.memory_space<any>>
        tpu.enqueue_dma source(%dma_start3A_64 : memref<1536x768xf32, #tpu.memory_space<any>>) target(%dma_start3A_60 : memref<1536x768xf32, #tpu.memory_space<vmem>>) target_semaphore(%dma_start3A_56 : memref<!tpu.dma_semaphore, #tpu.memory_space<semaphore_mem>>)
        %dma_start3A_65 = tpu.memref_slice %arg10[%get3A_12] : memref<2x!tpu.dma_semaphore, #tpu.memory_space<semaphore_mem>> -> memref<1x!tpu.dma_semaphore, #tpu.memory_space<semaphore_mem>>
        %dma_start3A_66 = tpu.memref_squeeze %dma_start3A_65 : memref<1x!tpu.dma_semaphore, #tpu.memory_space<semaphore_mem>> -> memref<!tpu.dma_semaphore, #tpu.memory_space<semaphore_mem>>
        %dma_start3A_67 = arith.constant 0 : i32
        %dma_start3A_68 = arith.constant 0 : i32
        %dma_start3A_69 = tpu.memref_slice %arg8[%get3A_12, %dma_start3A_67, %dma_start3A_68] : memref<2x1536x768xf32, #tpu.memory_space<vmem>> -> memref<1x1536x768xf32, #tpu.memory_space<vmem>>
        %dma_start3A_70 = tpu.memref_squeeze %dma_start3A_69 : memref<1x1536x768xf32, #tpu.memory_space<vmem>> -> memref<1536x768xf32, #tpu.memory_space<vmem>>
        %dma_start3A_71 = arith.constant 0 : i32
        %dma_start3A_72 = arith.constant 0 : i32
        %dma_start3A_73 = tpu.memref_slice %arg4[%get3A_1, %dma_start3A_71, %dma_start3A_72] : memref<8x1536x768xf32, #tpu.memory_space<any>> -> memref<1x1536x768xf32, #tpu.memory_space<any>>
        %dma_start3A_74 = tpu.memref_squeeze %dma_start3A_73 : memref<1x1536x768xf32, #tpu.memory_space<any>> -> memref<1536x768xf32, #tpu.memory_space<any>>
        tpu.enqueue_dma source(%dma_start3A_74 : memref<1536x768xf32, #tpu.memory_space<any>>) target(%dma_start3A_70 : memref<1536x768xf32, #tpu.memory_space<vmem>>) target_semaphore(%dma_start3A_66 : memref<!tpu.dma_semaphore, #tpu.memory_space<semaphore_mem>>)
        %dma_start3A_75 = tpu.memref_slice %arg10[%get3A_12] : memref<2x!tpu.dma_semaphore, #tpu.memory_space<semaphore_mem>> -> memref<1x!tpu.dma_semaphore, #tpu.memory_space<semaphore_mem>>
        %dma_start3A_76 = tpu.memref_squeeze %dma_start3A_75 : memref<1x!tpu.dma_semaphore, #tpu.memory_space<semaphore_mem>> -> memref<!tpu.dma_semaphore, #tpu.memory_space<semaphore_mem>>
        %dma_start3A_77 = arith.constant 0 : i32
        %dma_start3A_78 = arith.constant 0 : i32
        %dma_start3A_79 = tpu.memref_slice %arg9[%get3A_12, %dma_start3A_77, %dma_start3A_78] : memref<2x768x1536xf32, #tpu.memory_space<vmem>> -> memref<1x768x1536xf32, #tpu.memory_space<vmem>>
        %dma_start3A_80 = tpu.memref_squeeze %dma_start3A_79 : memref<1x768x1536xf32, #tpu.memory_space<vmem>> -> memref<768x1536xf32, #tpu.memory_space<vmem>>
        %dma_start3A_81 = arith.constant 0 : i32
        %dma_start3A_82 = arith.constant 0 : i32
        %dma_start3A_83 = tpu.memref_slice %arg5[%get3A_1, %dma_start3A_81, %dma_start3A_82] : memref<8x768x1536xf32, #tpu.memory_space<any>> -> memref<1x768x1536xf32, #tpu.memory_space<any>>
        %dma_start3A_84 = tpu.memref_squeeze %dma_start3A_83 : memref<1x768x1536xf32, #tpu.memory_space<any>> -> memref<768x1536xf32, #tpu.memory_space<any>>
        tpu.enqueue_dma source(%dma_start3A_84 : memref<768x1536xf32, #tpu.memory_space<any>>) target(%dma_start3A_80 : memref<768x1536xf32, #tpu.memory_space<vmem>>) target_semaphore(%dma_start3A_76 : memref<!tpu.dma_semaphore, #tpu.memory_space<semaphore_mem>>)
      } else {
      }
      %dma_wait3A = tpu.memref_slice %arg10[%get3A_12] : memref<2x!tpu.dma_semaphore, #tpu.memory_space<semaphore_mem>> -> memref<1x!tpu.dma_semaphore, #tpu.memory_space<semaphore_mem>>
      %dma_wait3A_22 = tpu.memref_squeeze %dma_wait3A : memref<1x!tpu.dma_semaphore, #tpu.memory_space<semaphore_mem>> -> memref<!tpu.dma_semaphore, #tpu.memory_space<semaphore_mem>>
      %dma_wait3A_23 = arith.constant 0 : i32
      %dma_wait3A_24 = arith.constant 0 : i32
      %dma_wait3A_25 = tpu.memref_slice %arg7[%get3A_12, %dma_wait3A_23, %dma_wait3A_24] : memref<2x1536x768xf32, #tpu.memory_space<vmem>> -> memref<1x1536x768xf32, #tpu.memory_space<vmem>>
      %dma_wait3A_26 = tpu.memref_squeeze %dma_wait3A_25 : memref<1x1536x768xf32, #tpu.memory_space<vmem>> -> memref<1536x768xf32, #tpu.memory_space<vmem>>
      %dma_wait3A_27 = arith.constant 0 : i32
      %dma_wait3A_28 = arith.constant 0 : i32
      %dma_wait3A_29 = tpu.memref_slice %arg3[%get3A_1, %dma_wait3A_27, %dma_wait3A_28] : memref<8x1536x768xf32, #tpu.memory_space<any>> -> memref<1x1536x768xf32, #tpu.memory_space<any>>
      %dma_wait3A_30 = tpu.memref_squeeze %dma_wait3A_29 : memref<1x1536x768xf32, #tpu.memory_space<any>> -> memref<1536x768xf32, #tpu.memory_space<any>>
      tpu.wait_dma2 semaphore(%dma_wait3A_22 : memref<!tpu.dma_semaphore, #tpu.memory_space<semaphore_mem>>) src(%dma_wait3A_30 : memref<1536x768xf32, #tpu.memory_space<any>>) dst(%dma_wait3A_26 : memref<1536x768xf32, #tpu.memory_space<vmem>>)
      %dma_wait3A_31 = tpu.memref_slice %arg10[%get3A_12] : memref<2x!tpu.dma_semaphore, #tpu.memory_space<semaphore_mem>> -> memref<1x!tpu.dma_semaphore, #tpu.memory_space<semaphore_mem>>
      %dma_wait3A_32 = tpu.memref_squeeze %dma_wait3A_31 : memref<1x!tpu.dma_semaphore, #tpu.memory_space<semaphore_mem>> -> memref<!tpu.dma_semaphore, #tpu.memory_space<semaphore_mem>>
      %dma_wait3A_33 = arith.constant 0 : i32
      %dma_wait3A_34 = arith.constant 0 : i32
      %dma_wait3A_35 = tpu.memref_slice %arg8[%get3A_12, %dma_wait3A_33, %dma_wait3A_34] : memref<2x1536x768xf32, #tpu.memory_space<vmem>> -> memref<1x1536x768xf32, #tpu.memory_space<vmem>>
      %dma_wait3A_36 = tpu.memref_squeeze %dma_wait3A_35 : memref<1x1536x768xf32, #tpu.memory_space<vmem>> -> memref<1536x768xf32, #tpu.memory_space<vmem>>
      %dma_wait3A_37 = arith.constant 0 : i32
      %dma_wait3A_38 = arith.constant 0 : i32
      %dma_wait3A_39 = tpu.memref_slice %arg4[%get3A_1, %dma_wait3A_37, %dma_wait3A_38] : memref<8x1536x768xf32, #tpu.memory_space<any>> -> memref<1x1536x768xf32, #tpu.memory_space<any>>
      %dma_wait3A_40 = tpu.memref_squeeze %dma_wait3A_39 : memref<1x1536x768xf32, #tpu.memory_space<any>> -> memref<1536x768xf32, #tpu.memory_space<any>>
      tpu.wait_dma2 semaphore(%dma_wait3A_32 : memref<!tpu.dma_semaphore, #tpu.memory_space<semaphore_mem>>) src(%dma_wait3A_40 : memref<1536x768xf32, #tpu.memory_space<any>>) dst(%dma_wait3A_36 : memref<1536x768xf32, #tpu.memory_space<vmem>>)
      %dma_wait3A_41 = tpu.memref_slice %arg10[%get3A_12] : memref<2x!tpu.dma_semaphore, #tpu.memory_space<semaphore_mem>> -> memref<1x!tpu.dma_semaphore, #tpu.memory_space<semaphore_mem>>
      %dma_wait3A_42 = tpu.memref_squeeze %dma_wait3A_41 : memref<1x!tpu.dma_semaphore, #tpu.memory_space<semaphore_mem>> -> memref<!tpu.dma_semaphore, #tpu.memory_space<semaphore_mem>>
      %dma_wait3A_43 = arith.constant 0 : i32
      %dma_wait3A_44 = arith.constant 0 : i32
      %dma_wait3A_45 = tpu.memref_slice %arg9[%get3A_12, %dma_wait3A_43, %dma_wait3A_44] : memref<2x768x1536xf32, #tpu.memory_space<vmem>> -> memref<1x768x1536xf32, #tpu.memory_space<vmem>>
      %dma_wait3A_46 = tpu.memref_squeeze %dma_wait3A_45 : memref<1x768x1536xf32, #tpu.memory_space<vmem>> -> memref<768x1536xf32, #tpu.memory_space<vmem>>
      %dma_wait3A_47 = arith.constant 0 : i32
      %dma_wait3A_48 = arith.constant 0 : i32
      %dma_wait3A_49 = tpu.memref_slice %arg5[%get3A_1, %dma_wait3A_47, %dma_wait3A_48] : memref<8x768x1536xf32, #tpu.memory_space<any>> -> memref<1x768x1536xf32, #tpu.memory_space<any>>
      %dma_wait3A_50 = tpu.memref_squeeze %dma_wait3A_49 : memref<1x768x1536xf32, #tpu.memory_space<any>> -> memref<768x1536xf32, #tpu.memory_space<any>>
      tpu.wait_dma2 semaphore(%dma_wait3A_42 : memref<!tpu.dma_semaphore, #tpu.memory_space<semaphore_mem>>) src(%dma_wait3A_50 : memref<768x1536xf32, #tpu.memory_space<any>>) dst(%dma_wait3A_46 : memref<768x1536xf32, #tpu.memory_space<vmem>>)
      %lt3A_51 = arith.constant 8 : i32
      %lt3A_52 = arith.cmpi slt, %get3A_9, %lt3A_51 : i32
      %convert_element_type3A_53 = arith.extui %lt3A_52 : i1 to i32
      %cond3A_54 = arith.constant 0 : i32
      %cond3A_55 = arith.cmpi ne, %convert_element_type3A_53, %cond3A_54 : i32
      scf.if %cond3A_55 {
        %sub3A = arith.constant 1 : i32
        %sub3A_56 = arith.subi %sub3A, %get3A_12 : i32
        %dma_start3A = tpu.memref_slice %arg10[%sub3A_56] : memref<2x!tpu.dma_semaphore, #tpu.memory_space<semaphore_mem>> -> memref<1x!tpu.dma_semaphore, #tpu.memory_space<semaphore_mem>>
        %dma_start3A_57 = tpu.memref_squeeze %dma_start3A : memref<1x!tpu.dma_semaphore, #tpu.memory_space<semaphore_mem>> -> memref<!tpu.dma_semaphore, #tpu.memory_space<semaphore_mem>>
        %dma_start3A_58 = arith.constant 0 : i32
        %dma_start3A_59 = arith.constant 0 : i32
        %dma_start3A_60 = tpu.memref_slice %arg7[%sub3A_56, %dma_start3A_58, %dma_start3A_59] : memref<2x1536x768xf32, #tpu.memory_space<vmem>> -> memref<1x1536x768xf32, #tpu.memory_space<vmem>>
        %dma_start3A_61 = tpu.memref_squeeze %dma_start3A_60 : memref<1x1536x768xf32, #tpu.memory_space<vmem>> -> memref<1536x768xf32, #tpu.memory_space<vmem>>
        %dma_start3A_62 = arith.constant 0 : i32
        %dma_start3A_63 = arith.constant 0 : i32
        %dma_start3A_64 = tpu.memref_slice %arg3[%get3A_9, %dma_start3A_62, %dma_start3A_63] : memref<8x1536x768xf32, #tpu.memory_space<any>> -> memref<1x1536x768xf32, #tpu.memory_space<any>>
        %dma_start3A_65 = tpu.memref_squeeze %dma_start3A_64 : memref<1x1536x768xf32, #tpu.memory_space<any>> -> memref<1536x768xf32, #tpu.memory_space<any>>
        tpu.enqueue_dma source(%dma_start3A_65 : memref<1536x768xf32, #tpu.memory_space<any>>) target(%dma_start3A_61 : memref<1536x768xf32, #tpu.memory_space<vmem>>) target_semaphore(%dma_start3A_57 : memref<!tpu.dma_semaphore, #tpu.memory_space<semaphore_mem>>)
        %dma_start3A_66 = tpu.memref_slice %arg10[%sub3A_56] : memref<2x!tpu.dma_semaphore, #tpu.memory_space<semaphore_mem>> -> memref<1x!tpu.dma_semaphore, #tpu.memory_space<semaphore_mem>>
        %dma_start3A_67 = tpu.memref_squeeze %dma_start3A_66 : memref<1x!tpu.dma_semaphore, #tpu.memory_space<semaphore_mem>> -> memref<!tpu.dma_semaphore, #tpu.memory_space<semaphore_mem>>
        %dma_start3A_68 = arith.constant 0 : i32
        %dma_start3A_69 = arith.constant 0 : i32
        %dma_start3A_70 = tpu.memref_slice %arg8[%sub3A_56, %dma_start3A_68, %dma_start3A_69] : memref<2x1536x768xf32, #tpu.memory_space<vmem>> -> memref<1x1536x768xf32, #tpu.memory_space<vmem>>
        %dma_start3A_71 = tpu.memref_squeeze %dma_start3A_70 : memref<1x1536x768xf32, #tpu.memory_space<vmem>> -> memref<1536x768xf32, #tpu.memory_space<vmem>>
        %dma_start3A_72 = arith.constant 0 : i32
        %dma_start3A_73 = arith.constant 0 : i32
        %dma_start3A_74 = tpu.memref_slice %arg4[%get3A_9, %dma_start3A_72, %dma_start3A_73] : memref<8x1536x768xf32, #tpu.memory_space<any>> -> memref<1x1536x768xf32, #tpu.memory_space<any>>
        %dma_start3A_75 = tpu.memref_squeeze %dma_start3A_74 : memref<1x1536x768xf32, #tpu.memory_space<any>> -> memref<1536x768xf32, #tpu.memory_space<any>>
        tpu.enqueue_dma source(%dma_start3A_75 : memref<1536x768xf32, #tpu.memory_space<any>>) target(%dma_start3A_71 : memref<1536x768xf32, #tpu.memory_space<vmem>>) target_semaphore(%dma_start3A_67 : memref<!tpu.dma_semaphore, #tpu.memory_space<semaphore_mem>>)
        %dma_start3A_76 = tpu.memref_slice %arg10[%sub3A_56] : memref<2x!tpu.dma_semaphore, #tpu.memory_space<semaphore_mem>> -> memref<1x!tpu.dma_semaphore, #tpu.memory_space<semaphore_mem>>
        %dma_start3A_77 = tpu.memref_squeeze %dma_start3A_76 : memref<1x!tpu.dma_semaphore, #tpu.memory_space<semaphore_mem>> -> memref<!tpu.dma_semaphore, #tpu.memory_space<semaphore_mem>>
        %dma_start3A_78 = arith.constant 0 : i32
        %dma_start3A_79 = arith.constant 0 : i32
        %dma_start3A_80 = tpu.memref_slice %arg9[%sub3A_56, %dma_start3A_78, %dma_start3A_79] : memref<2x768x1536xf32, #tpu.memory_space<vmem>> -> memref<1x768x1536xf32, #tpu.memory_space<vmem>>
        %dma_start3A_81 = tpu.memref_squeeze %dma_start3A_80 : memref<1x768x1536xf32, #tpu.memory_space<vmem>> -> memref<768x1536xf32, #tpu.memory_space<vmem>>
        %dma_start3A_82 = arith.constant 0 : i32
        %dma_start3A_83 = arith.constant 0 : i32
        %dma_start3A_84 = tpu.memref_slice %arg5[%get3A_9, %dma_start3A_82, %dma_start3A_83] : memref<8x768x1536xf32, #tpu.memory_space<any>> -> memref<1x768x1536xf32, #tpu.memory_space<any>>
        %dma_start3A_85 = tpu.memref_squeeze %dma_start3A_84 : memref<1x768x1536xf32, #tpu.memory_space<any>> -> memref<768x1536xf32, #tpu.memory_space<any>>
        tpu.enqueue_dma source(%dma_start3A_85 : memref<768x1536xf32, #tpu.memory_space<any>>) target(%dma_start3A_81 : memref<768x1536xf32, #tpu.memory_space<vmem>>) target_semaphore(%dma_start3A_77 : memref<!tpu.dma_semaphore, #tpu.memory_space<semaphore_mem>>)
      } else {
      }
    } else {
    }
    %convert_element_type3A_14 = arith.extui %lt3A_2 : i1 to i32
    %cond3A_15 = arith.constant 0 : i32
    %cond3A_16 = arith.cmpi ne, %convert_element_type3A_14, %cond3A_15 : i32
    scf.if %cond3A_16 {
      %get3A_17 = arith.constant 0 : index
      %get3A_18 = arith.constant 0 : index
      %get3A_19 = vector.load %arg2[%get3A_17, %get3A_18] : memref<256x768xf32, #tpu.memory_space<vmem>>, vector<256x768xf32>
      %get3A_20 = arith.index_cast %get3A_12 : i32 to index
      %get3A_21 = arith.constant 0 : index
      %get3A_22 = arith.constant 0 : index
      %get3A_23 = vector.load %arg7[%get3A_20, %get3A_21, %get3A_22] : memref<2x1536x768xf32, #tpu.memory_space<vmem>>, vector<1x1536x768xf32>
      %get3A_24 = vector.shape_cast %get3A_23 : vector<1x1536x768xf32> to vector<1536x768xf32>
      %dot_general3A = arith.constant dense<0.000000e+00> : vector<256x1536xf32>
      %dot_general3A_25 = tpu.matmul %get3A_19, %get3A_24, %dot_general3A {dimension_numbers = #tpu.dot_dimension_numbers<[1], [1], [0], [0], [0, 0, 1, 0], [], []>, transpose_lhs_hint = false} : vector<256x768xf32>, vector<1536x768xf32>, vector<256x1536xf32> -> vector<256x1536xf32>
      %get3A_26 = arith.index_cast %get3A_12 : i32 to index
      %get3A_27 = arith.constant 0 : index
      %get3A_28 = arith.constant 0 : index
      %get3A_29 = vector.load %arg8[%get3A_26, %get3A_27, %get3A_28] : memref<2x1536x768xf32, #tpu.memory_space<vmem>>, vector<1x1536x768xf32>
      %get3A_30 = vector.shape_cast %get3A_29 : vector<1x1536x768xf32> to vector<1536x768xf32>
      %dot_general3A_31 = arith.constant dense<0.000000e+00> : vector<256x1536xf32>
      %dot_general3A_32 = tpu.matmul %get3A_19, %get3A_30, %dot_general3A_31 {dimension_numbers = #tpu.dot_dimension_numbers<[1], [1], [0], [0], [0, 0, 1, 0], [], []>, transpose_lhs_hint = false} : vector<256x768xf32>, vector<1536x768xf32>, vector<256x1536xf32> -> vector<256x1536xf32>
      %max3A = arith.constant 0.000000e+00 : f32
      %max3A_33 = vector.broadcast %max3A : f32 to vector<256x1536xf32>
      %max3A_34 = arith.maximumf %dot_general3A_25, %max3A_33 : vector<256x1536xf32>
      %mul3A = arith.mulf %max3A_34, %dot_general3A_32 : vector<256x1536xf32>
      %get3A_35 = arith.index_cast %get3A_12 : i32 to index
      %get3A_36 = arith.constant 0 : index
      %get3A_37 = arith.constant 0 : index
      %get3A_38 = vector.load %arg9[%get3A_35, %get3A_36, %get3A_37] : memref<2x768x1536xf32, #tpu.memory_space<vmem>>, vector<1x768x1536xf32>
      %get3A_39 = vector.shape_cast %get3A_38 : vector<1x768x1536xf32> to vector<768x1536xf32>
      %dot_general3A_40 = arith.constant dense<0.000000e+00> : vector<256x768xf32>
      %dot_general3A_41 = tpu.matmul %mul3A, %get3A_39, %dot_general3A_40 {dimension_numbers = #tpu.dot_dimension_numbers<[1], [1], [0], [0], [0, 0, 1, 0], [], []>, transpose_lhs_hint = false} : vector<256x1536xf32>, vector<768x1536xf32>, vector<256x768xf32> -> vector<256x768xf32>
      %add3A = arith.addf %dot_general3A_41, %get3A_19 : vector<256x768xf32>
      %swap3A = arith.constant 0 : index
      %swap3A_42 = arith.constant 0 : index
      %swap3A_43 = vector.load %arg6[%swap3A, %swap3A_42] : memref<256x768xf32, #tpu.memory_space<vmem>>, vector<256x768xf32>
      tpu.vector_store %arg6[%swap3A, %swap3A_42], %add3A {strides = array<i32>} : memref<256x768xf32, #tpu.memory_space<vmem>>, vector<256x768xf32>,
    } else {
    }
    return
  }
  func.func @transform_0(%arg0: i32, %arg1: memref<4x32xi32, #tpu.memory_space<smem>>) -> (i32, i32) {
    %get3A = arith.constant 0 : index
    %get3A_0 = arith.index_cast %arg0 : i32 to index
    %get3A_1 = memref.load %arg1[%get3A, %get3A_0] : memref<4x32xi32, #tpu.memory_space<smem>>
    %lt3A = arith.constant 8 : i32
    %lt3A_2 = arith.cmpi slt, %get3A_1, %lt3A : i32
    %jit3A = arith.constant 0 : i32
    %select_n3A = arith.select %lt3A_2, %arg0, %jit3A : i32
    %c0_i32 = arith.constant 0 : i32
    %c0_i32_3 = arith.constant 0 : i32
    return %select_n3A, %c0_i32 : i32, i32
  }
  func.func @transform_4(%arg0: i32, %arg1: memref<4x32xi32, #tpu.memory_space<smem>>) -> (i32, i32) {
    %c0_i32 = arith.constant 0 : i32
    %c0_i32_0 = arith.constant 0 : i32
    return %arg0, %c0_i32 : i32, i32
  }
}

</mosaic_0001>

<sc_bundles>
// kernel: kernel.6.cloned.1.call-start
scs
__scs_entry_jumppad:
0x0: {  	(pc) =	sbr.rel $0x88, $3  }
0x1: {  	(tag) =	ssettag $0x0;
	lr =	simm.s32 $0x1  }
0x2: {  	[smem:$0x3F9A] =	sst lr;
	_ =	strace $0xD0000000  }
0x3: {  	_ = 	snop  }
0x4: {  	_ = 	snop  }
0x5: {  	_ = 	snop  }
0x6: {  	_ = 	snop  }
0x7: {  	_ = 	snop  }
__scs_overlays_trampoline_lowered:
0x8: {  	[smem:$0x3FA9] =	sst s0  }
0x9: {  	[smem:$0x3FAA] =	sst s1  }
0xa: {  	[smem:$0x3FAB] =	sst s2  }
0xb: {  	[smem:$0x3FAC] =	sst s3  }
0xc: {  	[smem:$0x3FAD] =	sst s4  }
0xd: {  	[smem:$0x3FAE] =	sst s5  }
0xe: {  	[smem:$0x3FAF] =	sst s6  }
0xf: {  	[smem:$0x3FB0] =	sst s7  }
0x10: {  	[smem:$0x3FB1] =	sst s8  }
0x11: {  	[smem:$0x3FB2] =	sst s9;
	s0 =	simm.s32 @!p0 $0x0  }
0x12: {  	s1 =	sld [smem:$0x3F98];
	s0 =	simm.s32 @p0 $0x1  }
0x13: {  	[smem:$0x3FB3] =	sst s0;
	s0 =	simm.s32 @!p1 $0x0  }
0x14: {  	s2 =	sld [smem:$0x3F97];
	s0 =	simm.s32 @p1 $0x1  }
0x15: {  	[smem:$0x3FB4] =	sst s0;
	s0 =	simm.s32 @!p2 $0x0  }
0x16: {  	s3 =	sld [smem:$0x3FDB];
	s0 =	simm.s32 @p2 $0x1  }
0x17: {  	s4 =	simm.s32 $0x1BF5;
	[smem:$0x3FB6] =	sst s0  }
0x18: {  	s0 =	sld [smem:$0x3F99];
	_ =	swait.ge [sflag:s4], $0x0  }
0x19: {  	s7 =	sld [smem:$0x3F9A]  }
0x1a: {  	s8 =	sadd.s32 $0xFFFFE003, lr  }
0x1b: {  	s9 =	sadd.s32 $0xFFFFFEF7, lr;
	s5 =	simm.s32 $0xFFFFFFFF;
	p2 =	slt.u32 s8, $0xFFFFF086  }
0x1c: {  	p1 =	slt.u32 s9, $0xF7A;
	s5 =	simm.s32 @!p2 $0x0  }
0x1d: {  	s5 =	simm.s32 @p1 $0x1;
	p0 =	seq.s32 s7, s2  }
0x1e: {  	s7 =	smul.u32 @!p0 $0xF7A, s2;
	p2 =	seq.s32 @!p0 s5, $0x0  }
0x1f: {  	s9 =	smul.u32 $0xF7A, s1;
	s8 =	simm.s32 @!p0 $0x1BF5;
	p2 =	por !p2, p0  }
0x20: {  	[sflag:s8] =	ssyncset.s32 @!p0 $0xFFFFF086;
	s6 =	sadd.s32 @!p0 s3, s7;
	s7 =	simm.s32 @!p0 $0x108  }
0x21: {  	s3 =	sadd.s32 s3, s9;
	s6 =	sadd.s32 @!p0 $0x88, s6;
	s7 =	simm.s32 @p2 $0x1082  }
0x22: {  	[simem:s7], [sflag:s8] =	dma.local @!p0 [hbm:s6], $0xF7A  }
0x23: {  	s9 =	sor.u32 $0xD0000000, s2;
	s6 =	simm.s32 $0x108;
	_ =	swait.ge @!p0 [sflag:s8], $0x0  }
0x24: {  	s3 =	sadd.s32 $0x88, s3;
	s6 =	simm.s32 @!p1 $0x1082;
	[sflag:s4] =	ssyncset.s32 $0xFFFFF086  }
0x25: {  	[simem:s6], [sflag:s4] =	dma.local [hbm:s3], $0xF7A  }
0x26: {  	[smem:$0x3F9A] =	sst s1;
	(tag) =	ssettag s2;
	_ =	strace s9  }
0x27: {  	s1 =	sld [smem:$0x3FAA]  }
0x28: {  	s2 =	sld [smem:$0x3FAB]  }
0x29: {  	s4 =	sld [smem:$0x3FAD]  }
0x2a: {  	p0 =	seq.s32 s5, $0x0;
	s5 =	sld [smem:$0x3FAE]  }
0x2b: {  	s6 =	sld [smem:$0x3FAF]  }
0x2c: {  	s7 =	sld [smem:$0x3FB0]  }
0x2d: {  	s3 =	simm.s32 $0x108;
	s8 =	sld [smem:$0x3FB1]  }
0x2e: {  	s3 =	simm.s32 @!p0 $0x1082;
	s9 =	sld [smem:$0x3FB2]  }
0x2f: {  	lr =	sadd.s32 s0, s3;
	s0 =	sld [smem:$0x3FA9]  }
0x30: {  	s3 =	sld [smem:$0x3FAC]  }
0x31: {  	[smem:$0x3FB5] =	sst s10  }
0x32: {  	s10 =	sld [smem:$0x3FB3];
	_ =	sdelay $0x3  }
0x33: {  	p0 =	seq.s32 s10, $0x1;
	s10 =	sld [smem:$0x3FB5];
	_ =	sdelay $0x3  }
0x34: {  	[smem:$0x3FB5] =	sst s10  }
0x35: {  	s10 =	sld [smem:$0x3FB4];
	_ =	sdelay $0x3  }
0x36: {  	p1 =	seq.s32 s10, $0x1;
	s10 =	sld [smem:$0x3FB5];
	_ =	sdelay $0x3  }
0x37: {  	[smem:$0x3FB5] =	sst s10  }
0x38: {  	s10 =	sld [smem:$0x3FB6]  }
0x39: {  	_ = 	snop;
	(pc) =	sbr.ind lr, $3  }
0x3a: {  	_ = 	snop  }
0x3b: {  	_ = 	snop  }
0x3c: {  	p2 =	seq.s32 s10, $0x1;
	s10 =	sld [smem:$0x3FB5]  }
0x3d: {  	_ =	shalt  }
0x3e: {  	_ =	shalt  }
0x3f: {  	_ =	shalt  }
0x40: {  	_ =	shalt  }
0x41: {  	_ =	shalt  }
0x42: {  	_ =	shalt  }
0x43: {  	_ =	shalt  }
0x44: {  	_ =	shalt  }
0x45: {  	_ =	shalt  }
0x46: {  	_ =	shalt  }
0x47: {  	_ =	shalt  }
0x48: {  	_ =	shalt  }
0x49: {  	_ =	shalt  }
0x4a: {  	_ =	shalt  }
0x4b: {  	_ =	shalt  }
0x4c: {  	_ =	shalt  }
0x4d: {  	_ =	shalt  }
0x4e: {  	_ =	shalt  }
0x4f: {  	_ =	shalt  }
0x50: {  	_ =	shalt  }
0x51: {  	_ =	shalt  }
0x52: {  	_ =	shalt  }
0x53: {  	_ =	shalt  }
0x54: {  	_ =	shalt  }
0x55: {  	_ =	shalt  }
0x56: {  	_ =	shalt  }
0x57: {  	_ =	shalt  }
0x58: {  	_ =	shalt  }
0x59: {  	_ =	shalt  }
0x5a: {  	_ =	shalt  }
0x5b: {  	_ =	shalt  }
0x5c: {  	_ =	shalt  }
0x5d: {  	_ =	shalt  }
0x5e: {  	_ =	shalt  }
0x5f: {  	_ =	shalt  }
0x60: {  	_ =	shalt  }
0x61: {  	_ =	shalt  }
0x62: {  	_ =	shalt  }
0x63: {  	_ =	shalt  }
0x64: {  	_ =	shalt  }
0x65: {  	_ =	shalt  }
0x66: {  	_ =	shalt  }
0x67: {  	_ =	shalt  }
0x68: {  	_ =	shalt  }
0x69: {  	_ =	shalt  }
0x6a: {  	_ =	shalt  }
0x6b: {  	_ =	shalt  }
0x6c: {  	_ =	shalt  }
0x6d: {  	_ =	shalt  }
0x6e: {  	_ =	shalt  }
0x6f: {  	_ =	shalt  }
0x70: {  	_ =	shalt  }
0x71: {  	_ =	shalt  }
0x72: {  	_ =	shalt  }
0x73: {  	_ =	shalt  }
0x74: {  	_ =	shalt  }
0x75: {  	_ =	shalt  }
0x76: {  	_ =	shalt  }
0x77: {  	_ =	shalt  }
0x78: {  	_ =	shalt  }
0x79: {  	_ =	shalt  }
0x7a: {  	_ =	shalt  }
0x7b: {  	_ =	shalt  }
0x7c: {  	_ =	shalt  }
0x7d: {  	_ =	shalt  }
0x7e: {  	_ =	shalt  }
0x7f: {  	_ =	shalt  }
0x80: {  	_ =	shalt  }
0x81: {  	_ =	shalt  }
0x82: {  	_ =	shalt  }
0x83: {  	_ =	shalt  }
0x84: {  	_ =	shalt  }
0x85: {  	_ =	shalt  }
0x86: {  	_ =	shalt  }
0x87: {  	_ =	shalt  }
.Lfunc_end0:
.L_simem_size_0:
called_computation_lowered:
.L_overlay_start_0:
0x88: {  	s2 =	sld [smem:$0x3FD9]  }
0x89: {  	s3 =	sld [smem:$0x3FFE];
	_ =	sdelay $0x1  }
0x8a: {  	s1 =	srdreg.scid  }
0x8b: {  	s0 =	sand.u32 $0x1, s1  }
0x8c: {  	s17 =	sshll.u32 s0, $0xA;
	s2 =	sadd.s32 s3, s2  }
0x8d: {  	s2 =	sadd.s32 s2, s17  }
0x8e: {  	[smem:$0x3FC1] =	sst s2  }
0x8f: {  	_ = 	snop  }
0x90: {  	s2 =	sld [smem:$0x3FC9];
	(tm) =	ssettm $0x1  }
0x91: {  	s18 =	sld [smem:$0x3FFB];
	_ =	sdelay $0x3  }
0x92: {  	_ =	strace s18  }
0x93: {  	s3 =	sld [smem:$0x3FFC];
	_ =	sdelay $0x3  }
0x94: {  	_ =	strace s3  }
0x95: {  	s3 =	sld [smem:$0x3FFD];
	_ =	sdelay $0x3  }
0x96: {  	_ =	strace s3  }
0x97: {  	_ =	strace $0x8FFFFFFF  }
0x98: {  	s19 =	sld [smem:$0x3FDB];
	_ =	sdelay $0x1  }
0x99: {  	s4 =	simm.s32 $_scs_section_size  }
0x9a: {  	s5 =	simm.s32 $_size__tile_overlayer_lowered;
	s6 =	simm.s32 $_tile_overlayer_lowered  }
0x9b: {  	s22 =	simm.s32 $0x1BFF;
	s21 =	sshll.u32 s6, $0x1;
	s3 =	sadd.s32 s4, s19  }
0x9c: {  	s7 =	simm.s32 $0x0;
	s20 =	sshll.u32 s5, $0x1;
	s5 =	sadd.s32 s21, s3  }
0x9d: {  	[timem:s7], [sflag:s22] =	dma.local [hbm:s5], s20  }
0x9e: {  	_ =	swait.ge [sflag:s22], s20  }
0x9f: {  	s4 =	ssub.s32 $0x0, s20;
	[sflag:s22] =	ssyncset.done $0x0  }
0xa0: {  	[sflag:s22] =	ssyncadd.s32 s4;
	_ =	sdelay $0x1  }
0xa1: {  	s23 =	simm.s32 $0x1B8B  }
0xa2: {  	_ =	swait.ge [sflag:s23], $0x1  }
0xa3: {  	[sflag:s23] =	ssyncset.done $0x0  }
0xa4: {  	s25 =	simm.s32 $0x1B8E;
	s24 =	sld [smem:$0x3FFE];
	[sflag:s23] =	ssyncadd.s32 $0xFFFFFFFF  }
0xa5: {  	s26 =	simm.s32 $execute0_lowered;
	[smem:$0x3FD2] =	sst s25  }
0xa6: {  	s5 =	sshll.u32 s26, $0x1;
	_ =	strace $0x80000046;
	[dreg:$0x1] =	wrdreg $0xFFFFFFFF  }
0xa7: {  	s28 =	simm.s32 $_size_execute0_lowered;
	s3 =	sadd.s32 s3, s5;
	[dreg:$0x0] =	wrdreg $0x0  }
0xa8: {  	s5 =	sshll.u32 s28, $0x1;
	[dreg:$0x2] =	wrdreg s3  }
0xa9: {  	[dreg:$0x3] =	wrdreg s5  }
0xaa: {  	[dreg:$0x4] =	wrdreg $0xC0  }
0xab: {  	_ =	task [dreg:s7], $0x5FFFF  }
0xac: {  	[dreg:$0x1] =	wrdreg $0xFFFFFFFF  }
0xad: {  	[dreg:$0x0] =	wrdreg $0x60  }
0xae: {  	[dreg:$0x2] =	wrdreg s2  }
0xaf: {  	[dreg:$0x3] =	wrdreg s24  }
0xb0: {  	[dreg:$0x4] =	wrdreg $0x9  }
0xb1: {  	_ =	task.clear_ibuf [dreg:s7], $0x5FFFF;
	_ =	strace $0x90000046  }
0xb2: {  	s29 =	simm.s32 $0x9;
	_ =	strace $0x80000048  }
0xb3: {  	_ =	swait.ge [sflag:s29], $0x1  }
0xb4: {  	[sflag:s29] =	ssyncadd.s32 $0xFFFFFFFF  }
0xb5: {  	_ =	strace $0x90000048  }
0xb6: {  	_ =	sfence  }
0xb7: {  	s30 =	sld [smem:$0x0];
	_ =	sdelay $0x2  }
0xb8: {  	s31 =	sshll.u32 s1, $0xD;
	s1 =	sshrl.u32 s1, $0x2  }
0xb9: {  	s3 =	sand.u32 $0x4000, s31;
	s1 =	sadd.s32 s1, s30  }
0xba: {  	s0 =	sor.u32 s3, s0;
	s1 =	sshll.u32 s1, $0x11  }
0xbb: {  	s0 =	sor.u32 s1, s0  }
0xbc: {  	s0 =	sadd.s32 $0x8F2B, s0  }
0xbd: {  	[sflag:s0] =	ssyncadd.remote.s32 $0x1  }
0xbe: {  	_ =	sfence.sel $0xFFFF  }
0xbf: {  	[dreg:$0x0] =	wrdreg $0xFFFFFFFF;
	(pc) =	sbr.abs _section_cstart, $3  }
0xc0: {  	[dreg:$0x1] =	wrdreg $0xFFFFFFFF  }
0xc1: {  	_ =	task.clear_ibuf [dreg:s7], $0x2FFFF;
	_ =	strace $0x9FFFFFFF  }
0xc2: {  	(tm) =	ssettm $0x7FFFFFFF  }
0xc3: {  	_ =	shalt  }
tec
execute0_lowered:
.L_overlay_start_1:
0x0: {  	(tag) =	ssettag $0x1  }
0x1: {  	s1 =	srdreg.scid  }
0x2: {  	s0 =	stileid.u32;
	s1 =	sand.u32 $0x1, s1  }
0x3: {  	s3 =	rddreg [dreg:$0x0];
	s2 =	sshll.u32 s0, $0x5;
	s4 =	sshll.u32 s1, $0x4  }
0x4: {  	s5 =	rddreg [dreg:$0x1];
	s4 =	sor.u32 s4, s2;
	s2 =	simm.s32 $0x0  }
0x5: {  	s24 =	simm.s32 $0x880;
	[smem:$0x7FF] =	sst s2  }
0x6: {  	s25 =	simm.s32 $0x1080;
	_ =	strace $0x80000047;
	[dreg:$0x5] =	wrdreg s24  }
0x7: {  	s26 =	simm.s32 $0x1880;
	[dreg:$0x6] =	wrdreg s25  }
0x8: {  	s0 =	simm.s32 $0x2080;
	[dreg:$0x7] =	wrdreg s26  }
0x9: {  	s7 =	simm.s32 $0x3880;
	[dreg:$0x8] =	wrdreg s0  }
0xa: {  	s8 =	simm.s32 $0x4080;
	[dreg:$0xb] =	wrdreg s7  }
0xb: {  	s9 =	simm.s32 $0x4880;
	[dreg:$0xc] =	wrdreg s8  }
0xc: {  	s10 =	simm.s32 $0x5080;
	[dreg:$0xd] =	wrdreg s9  }
0xd: {  	s11 =	simm.s32 $0x5880;
	s12 =	simm.s32 $0x6080;
	[dreg:$0xe] =	wrdreg s10  }
0xe: {  	s13 =	simm.s32 $0x6880;
	s14 =	simm.s32 $0x7080;
	[dreg:$0xf] =	wrdreg s11  }
0xf: {  	s15 =	simm.s32 $0x7880;
	s16 =	simm.s32 $0x8080;
	[dreg:$0x10] =	wrdreg s12  }
0x10: {  	s17 =	simm.s32 $0x8880;
	s18 =	simm.s32 $0x9080;
	[dreg:$0x11] =	wrdreg s13  }
0x11: {  	s19 =	simm.s32 $0x9880;
	s21 =	simm.s32 $0xA080;
	[dreg:$0x12] =	wrdreg s14  }
0x12: {  	s22 =	simm.s32 $0xA880;
	s23 =	simm.s32 $0xB080;
	[dreg:$0x13] =	wrdreg s15  }
0x13: {  	s28 =	simm.s32 $0x16080;
	s29 =	simm.s32 $0x16880;
	[dreg:$0x14] =	wrdreg s16  }
0x14: {  	s30 =	simm.s32 $0x17080;
	s1 =	ssub.s32 $0x2, s1;
	[dreg:$0x15] =	wrdreg s17  }
0x15: {  	s31 =	simm.s32 $0x17880;
	s20 =	sshrl.u32 s1, $0x1;
	[dreg:$0x16] =	wrdreg s18  }
0x16: {  	s6 =	sand.u32 $0xF0, s4;
	s4 =	sadd.s32 s4, s5;
	[dreg:$0x17] =	wrdreg s19  }
0x17: {  	s1 =	ssub.s32 s1, s20;
	s20 =	simm.s32 $0x12880;
	[dreg:$0x18] =	wrdreg s21  }
0x18: {  	s6 =	smul.u32 $0x300, s6;
	s4 =	sadd.s32 $0x1200, s4;
	[dreg:$0x19] =	wrdreg s22  }
0x19: {  	[dreg:$0x1a] =	wrdreg s23;
	s7 =	simm.s32 $0xB880;
	s24 =	simm.s32 $0xC080  }
0x1a: {  	s25 =	simm.s32 $0xC880;
	s8 =	simm.s32 $0x1;
	s26 =	simm.s32 $0xD080  }
0x1b: {  	s9 =	simm.s32 $0x2;
	s11 =	simm.s32 $0xE080;
	s12 =	simm.s32 $0xE880  }
0x1c: {  	s13 =	simm.s32 $0xF080;
	s14 =	simm.s32 $0xF880;
	s15 =	simm.s32 $0x10080  }
0x1d: {  	s16 =	simm.s32 $0x10880;
	s17 =	simm.s32 $0x11080;
	[dreg:$0x3] =	wrdreg s4  }
0x1e: {  	s18 =	simm.s32 $0x11880;
	s19 =	simm.s32 $0x12080;
	[dreg:$0x1b] =	wrdreg s7  }
0x1f: {  	s21 =	simm.s32 $0x13080;
	s22 =	simm.s32 $0x13880;
	[dreg:$0x1c] =	wrdreg s24  }
0x20: {  	s23 =	simm.s32 $0x14080;
	s4 =	simm.s32 $0x2880;
	[dreg:$0x1d] =	wrdreg s25  }
0x21: {  	s7 =	simm.s32 $0x80;
	[dreg:$0x1e] =	wrdreg s26;
	s24 =	simm.s32 $0x14880  }
0x22: {  	s25 =	simm.s32 $0x15080;
	s3 =	sadd.s32 s3, s6;
	[dreg:$0x9] =	wrdreg s4  }
0x23: {  	v2 =	vlaneseq.u32;
	s26 =	simm.s32 $0x15880;
	s6 =	simm.s32 $0x3080;
	[dreg:$0x4] =	wrdreg s3  }
0x24: {  	vm0 =	vmmov $0xffff;
	v1 =	vshrl.u32 v2, $0x3;
	s4 =	sadd.s32 $0x1500, s5;
	[dreg:$0xa] =	wrdreg s6;
	s3 =	sadd.s32 $0x1400, s5  }
0x25: {  	v0 =	vand.u32 $0x7, v2;
	v2 =	vor.u32 $0x8, v2;
	v1 =	vmul.u32 $0x8, v1;
	s5 =	sadd.s32 $0x1600, s5;
	s6 =	smax.u32 s1, $0x1;
	s1 =	simm.s32 $0x3  }
.LBB2_1:
0x26: {  	s0 =	rddreg [dreg:$0x3]  }
0x27: {  	[tilespmem:s2], [sflag:$0x1] =	stream.linear.gather [hbm4b:s0+s2], $0x80, $0x38;
	[tilespmem:$0x18080] =	vst v63  }
0x28: {  	s10 =	rddreg [dreg:$0x4]  }
0x29: {  	[tilespmem:s7], [sflag:$0x2] =	stream.linear.gather [hbm4b:s10+s2], $0x18000, $0x38;
	[tilespmem:$0x18080] =	vst v63  }
0x2a: {  	_ =	swait.ge [sflag:s8], $0x80  }
0x2b: {  	[sflag:s8] =	ssyncset.done $0x0  }
0x2c: {  	[sflag:s8] =	ssyncadd.s32 $0xFFFFFF80  }
0x2d: {  	_ =	swait.ge [sflag:s9], $0x18000  }
0x2e: {  	[sflag:s9] =	ssyncset.done $0x0  }
0x2f: {  	[sflag:s9] =	ssyncadd.s32 $0xFFFE8000  }
0x30: {  	v3 =	vld [tilespmem:$0x0];
	_ =	sdelay $0x4  }
0x31: {  	v4 =	vshrl.u32 v3, $0x3  }
0x32: {  	v4 =	vmul.u32 $0x30, v4  }
0x33: {  	v3 =	vand.u32 $0x7, v3  }
0x34: {  	v3 =	vor.u32 v3, v4  }
0x35: {  	v4 =	vperm.xlane v3, v0;
	_ =	sdelay $0x1  }
0x36: {  	v4 =	vadd.s32 v1, v4;
	_ =	sdelay $0x3  }
0x37: {  	v3 =	vperm.xlane v3, v2  }
0x38: {  	[hbm4b:s3+s2] =	stream.indirect_vreg.scatter [tilespmem:s7], [sflag:$0x3], $0x80, v4, vm0, $0xb8;
	[tilespmem:$0x18080] =	vst v63  }
0x39: {  	s0 =	rddreg [dreg:$0x5];
	v3 =	vadd.s32 v1, v3  }
0x3a: {  	[hbm4b:s4+s2] =	stream.indirect_vreg.scatter [tilespmem:s0], [sflag:$0x3], $0x80, v4, vm0, $0xb8;
	[tilespmem:$0x18080] =	vst v63  }
0x3b: {  	s10 =	rddreg [dreg:$0x6]  }
0x3c: {  	[hbm4b:s5+s2] =	stream.indirect_vreg.scatter [tilespmem:s10], [sflag:$0x3], $0x80, v4, vm0, $0xb8;
	[tilespmem:$0x18080] =	vst v63  }
0x3d: {  	s0 =	rddreg [dreg:$0x7]  }
0x3e: {  	[hbm4b:s3+s2] =	stream.indirect_vreg.scatter [tilespmem:s0], [sflag:$0x3], $0x80, v3, vm0, $0xb8;
	[tilespmem:$0x18080] =	vst v63  }
0x3f: {  	s10 =	rddreg [dreg:$0x8]  }
0x40: {  	[hbm4b:s4+s2] =	stream.indirect_vreg.scatter [tilespmem:s10], [sflag:$0x3], $0x80, v3, vm0, $0xb8;
	[tilespmem:$0x18080] =	vst v63  }
0x41: {  	s0 =	rddreg [dreg:$0x9]  }
0x42: {  	[hbm4b:s5+s2] =	stream.indirect_vreg.scatter [tilespmem:s0], [sflag:$0x3], $0x80, v3, vm0, $0xb8;
	[tilespmem:$0x18080] =	vst v63  }
0x43: {  	v3 =	vld [tilespmem:$0x10];
	_ =	sdelay $0x4  }
0x44: {  	v57 =	vshrl.u32 v3, $0x3  }
0x45: {  	v4 =	vmul.u32 $0x30, v57  }
0x46: {  	v3 =	vand.u32 $0x7, v3  }
0x47: {  	v3 =	vor.u32 v3, v4  }
0x48: {  	v4 =	vperm.xlane v3, v0;
	_ =	sdelay $0x1  }
0x49: {  	v4 =	vadd.s32 v1, v4;
	_ =	sdelay $0x3  }
0x4a: {  	s0 =	rddreg [dreg:$0xa];
	v3 =	vperm.xlane v3, v2  }
0x4b: {  	[hbm4b:s3+s2] =	stream.indirect_vreg.scatter [tilespmem:s0], [sflag:$0x3], $0x80, v4, vm0, $0xb8;
	[tilespmem:$0x18080] =	vst v63  }
0x4c: {  	s10 =	rddreg [dreg:$0xb];
	v3 =	vadd.s32 v1, v3  }
0x4d: {  	[hbm4b:s4+s2] =	stream.indirect_vreg.scatter [tilespmem:s10], [sflag:$0x3], $0x80, v4, vm0, $0xb8;
	[tilespmem:$0x18080] =	vst v63  }
0x4e: {  	s0 =	rddreg [dreg:$0xc]  }
0x4f: {  	[hbm4b:s5+s2] =	stream.indirect_vreg.scatter [tilespmem:s0], [sflag:$0x3], $0x80, v4, vm0, $0xb8;
	[tilespmem:$0x18080] =	vst v63  }
0x50: {  	s10 =	rddreg [dreg:$0xd]  }
0x51: {  	[hbm4b:s3+s2] =	stream.indirect_vreg.scatter [tilespmem:s10], [sflag:$0x3], $0x80, v3, vm0, $0xb8;
	[tilespmem:$0x18080] =	vst v63  }
0x52: {  	s0 =	rddreg [dreg:$0xe]  }
0x53: {  	[hbm4b:s4+s2] =	stream.indirect_vreg.scatter [tilespmem:s0], [sflag:$0x3], $0x80, v3, vm0, $0xb8;
	[tilespmem:$0x18080] =	vst v63  }
0x54: {  	s10 =	rddreg [dreg:$0xf]  }
0x55: {  	[hbm4b:s5+s2] =	stream.indirect_vreg.scatter [tilespmem:s10], [sflag:$0x3], $0x80, v3, vm0, $0xb8;
	[tilespmem:$0x18080] =	vst v63  }
0x56: {  	v3 =	vld [tilespmem:$0x20];
	_ =	sdelay $0x4  }
0x57: {  	v58 =	vshrl.u32 v3, $0x3  }
0x58: {  	v4 =	vmul.u32 $0x30, v58  }
0x59: {  	v3 =	vand.u32 $0x7, v3  }
0x5a: {  	v3 =	vor.u32 v3, v4  }
0x5b: {  	v4 =	vperm.xlane v3, v0;
	_ =	sdelay $0x1  }
0x5c: {  	v4 =	vadd.s32 v1, v4;
	_ =	sdelay $0x3  }
0x5d: {  	s0 =	rddreg [dreg:$0x10];
	v3 =	vperm.xlane v3, v2  }
0x5e: {  	[hbm4b:s3+s2] =	stream.indirect_vreg.scatter [tilespmem:s0], [sflag:$0x3], $0x80, v4, vm0, $0xb8;
	[tilespmem:$0x18080] =	vst v63  }
0x5f: {  	s10 =	rddreg [dreg:$0x11];
	v3 =	vadd.s32 v1, v3  }
0x60: {  	[hbm4b:s4+s2] =	stream.indirect_vreg.scatter [tilespmem:s10], [sflag:$0x3], $0x80, v4, vm0, $0xb8;
	[tilespmem:$0x18080] =	vst v63  }
0x61: {  	s0 =	rddreg [dreg:$0x12]  }
0x62: {  	[hbm4b:s5+s2] =	stream.indirect_vreg.scatter [tilespmem:s0], [sflag:$0x3], $0x80, v4, vm0, $0xb8;
	[tilespmem:$0x18080] =	vst v63  }
0x63: {  	s10 =	rddreg [dreg:$0x13]  }
0x64: {  	[hbm4b:s3+s2] =	stream.indirect_vreg.scatter [tilespmem:s10], [sflag:$0x3], $0x80, v3, vm0, $0xb8;
	[tilespmem:$0x18080] =	vst v63  }
0x65: {  	s0 =	rddreg [dreg:$0x14]  }
0x66: {  	[hbm4b:s4+s2] =	stream.indirect_vreg.scatter [tilespmem:s0], [sflag:$0x3], $0x80, v3, vm0, $0xb8;
	[tilespmem:$0x18080] =	vst v63  }
0x67: {  	s10 =	rddreg [dreg:$0x15]  }
0x68: {  	[hbm4b:s5+s2] =	stream.indirect_vreg.scatter [tilespmem:s10], [sflag:$0x3], $0x80, v3, vm0, $0xb8;
	[tilespmem:$0x18080] =	vst v63  }
0x69: {  	v3 =	vld [tilespmem:$0x30];
	_ =	sdelay $0x4  }
0x6a: {  	v59 =	vshrl.u32 v3, $0x3  }
0x6b: {  	v4 =	vmul.u32 $0x30, v59  }
0x6c: {  	v3 =	vand.u32 $0x7, v3  }
0x6d: {  	v3 =	vor.u32 v3, v4  }
0x6e: {  	v4 =	vperm.xlane v3, v0;
	_ =	sdelay $0x1  }
0x6f: {  	v4 =	vadd.s32 v1, v4;
	_ =	sdelay $0x3  }
0x70: {  	s0 =	rddreg [dreg:$0x16];
	v3 =	vperm.xlane v3, v2  }
0x71: {  	[hbm4b:s3+s2] =	stream.indirect_vreg.scatter [tilespmem:s0], [sflag:$0x3], $0x80, v4, vm0, $0xb8;
	[tilespmem:$0x18080] =	vst v63  }
0x72: {  	s10 =	rddreg [dreg:$0x17];
	v3 =	vadd.s32 v1, v3  }
0x73: {  	[hbm4b:s4+s2] =	stream.indirect_vreg.scatter [tilespmem:s10], [sflag:$0x3], $0x80, v4, vm0, $0xb8;
	[tilespmem:$0x18080] =	vst v63  }
0x74: {  	s0 =	rddreg [dreg:$0x18]  }
0x75: {  	[hbm4b:s5+s2] =	stream.indirect_vreg.scatter [tilespmem:s0], [sflag:$0x3], $0x80, v4, vm0, $0xb8;
	[tilespmem:$0x18080] =	vst v63  }
0x76: {  	s10 =	rddreg [dreg:$0x19]  }
0x77: {  	[hbm4b:s3+s2] =	stream.indirect_vreg.scatter [tilespmem:s10], [sflag:$0x3], $0x80, v3, vm0, $0xb8;
	[tilespmem:$0x18080] =	vst v63  }
0x78: {  	s0 =	rddreg [dreg:$0x1a]  }
0x79: {  	[hbm4b:s4+s2] =	stream.indirect_vreg.scatter [tilespmem:s0], [sflag:$0x3], $0x80, v3, vm0, $0xb8;
	[tilespmem:$0x18080] =	vst v63  }
0x7a: {  	s10 =	rddreg [dreg:$0x1b]  }
0x7b: {  	[hbm4b:s5+s2] =	stream.indirect_vreg.scatter [tilespmem:s10], [sflag:$0x3], $0x80, v3, vm0, $0xb8;
	[tilespmem:$0x18080] =	vst v63  }
0x7c: {  	v3 =	vld [tilespmem:$0x40];
	_ =	sdelay $0x4  }
0x7d: {  	v60 =	vshrl.u32 v3, $0x3  }
0x7e: {  	v4 =	vmul.u32 $0x30, v60  }
0x7f: {  	v3 =	vand.u32 $0x7, v3  }
0x80: {  	v3 =	vor.u32 v3, v4  }
0x81: {  	v4 =	vperm.xlane v3, v0;
	_ =	sdelay $0x1  }
0x82: {  	v4 =	vadd.s32 v1, v4;
	_ =	sdelay $0x3  }
0x83: {  	s0 =	rddreg [dreg:$0x1c];
	v3 =	vperm.xlane v3, v2  }
0x84: {  	[hbm4b:s3+s2] =	stream.indirect_vreg.scatter [tilespmem:s0], [sflag:$0x3], $0x80, v4, vm0, $0xb8;
	[tilespmem:$0x18080] =	vst v63  }
0x85: {  	s10 =	rddreg [dreg:$0x1d];
	v3 =	vadd.s32 v1, v3  }
0x86: {  	[hbm4b:s4+s2] =	stream.indirect_vreg.scatter [tilespmem:s10], [sflag:$0x3], $0x80, v4, vm0, $0xb8;
	[tilespmem:$0x18080] =	vst v63  }
0x87: {  	s0 =	rddreg [dreg:$0x1e]  }
0x88: {  	[hbm4b:s5+s2] =	stream.indirect_vreg.scatter [tilespmem:s0], [sflag:$0x3], $0x80, v4, vm0, $0xb8;
	[tilespmem:$0x18080] =	vst v63  }
0x89: {  	s10 =	simm.s32 $0xD880  }
0x8a: {  	[hbm4b:s3+s2] =	stream.indirect_vreg.scatter [tilespmem:s10], [sflag:$0x3], $0x80, v3, vm0, $0xb8;
	[tilespmem:$0x18080] =	vst v63  }
0x8b: {  	_ = 	snop  }
0x8c: {  	[hbm4b:s4+s2] =	stream.indirect_vreg.scatter [tilespmem:s11], [sflag:$0x3], $0x80, v3, vm0, $0xb8;
	[tilespmem:$0x18080] =	vst v63  }
0x8d: {  	_ = 	snop  }
0x8e: {  	[hbm4b:s5+s2] =	stream.indirect_vreg.scatter [tilespmem:s12], [sflag:$0x3], $0x80, v3, vm0, $0xb8;
	[tilespmem:$0x18080] =	vst v63  }
0x8f: {  	v3 =	vld [tilespmem:$0x50];
	_ =	sdelay $0x4  }
0x90: {  	v61 =	vshrl.u32 v3, $0x3  }
0x91: {  	v4 =	vmul.u32 $0x30, v61  }
0x92: {  	v3 =	vand.u32 $0x7, v3  }
0x93: {  	v3 =	vor.u32 v3, v4  }
0x94: {  	v4 =	vperm.xlane v3, v0;
	_ =	sdelay $0x1  }
0x95: {  	v4 =	vadd.s32 v1, v4;
	_ =	sdelay $0x3  }
0x96: {  	v3 =	vperm.xlane v3, v2  }
0x97: {  	[hbm4b:s3+s2] =	stream.indirect_vreg.scatter [tilespmem:s13], [sflag:$0x3], $0x80, v4, vm0, $0xb8;
	[tilespmem:$0x18080] =	vst v63  }
0x98: {  	v3 =	vadd.s32 v1, v3  }
0x99: {  	[hbm4b:s4+s2] =	stream.indirect_vreg.scatter [tilespmem:s14], [sflag:$0x3], $0x80, v4, vm0, $0xb8;
	[tilespmem:$0x18080] =	vst v63  }
0x9a: {  	_ = 	snop  }
0x9b: {  	[hbm4b:s5+s2] =	stream.indirect_vreg.scatter [tilespmem:s15], [sflag:$0x3], $0x80, v4, vm0, $0xb8;
	[tilespmem:$0x18080] =	vst v63  }
0x9c: {  	_ = 	snop  }
0x9d: {  	[hbm4b:s3+s2] =	stream.indirect_vreg.scatter [tilespmem:s16], [sflag:$0x3], $0x80, v3, vm0, $0xb8;
	[tilespmem:$0x18080] =	vst v63  }
0x9e: {  	_ = 	snop  }
0x9f: {  	[hbm4b:s4+s2] =	stream.indirect_vreg.scatter [tilespmem:s17], [sflag:$0x3], $0x80, v3, vm0, $0xb8;
	[tilespmem:$0x18080] =	vst v63  }
0xa0: {  	_ = 	snop  }
0xa1: {  	[hbm4b:s5+s2] =	stream.indirect_vreg.scatter [tilespmem:s18], [sflag:$0x3], $0x80, v3, vm0, $0xb8;
	[tilespmem:$0x18080] =	vst v63  }
0xa2: {  	v3 =	vld [tilespmem:$0x60];
	_ =	sdelay $0x4  }
0xa3: {  	v62 =	vshrl.u32 v3, $0x3  }
0xa4: {  	v4 =	vmul.u32 $0x30, v62  }
0xa5: {  	v3 =	vand.u32 $0x7, v3  }
0xa6: {  	v3 =	vor.u32 v3, v4  }
0xa7: {  	v4 =	vperm.xlane v3, v0;
	_ =	sdelay $0x1  }
0xa8: {  	v4 =	vadd.s32 v1, v4;
	_ =	sdelay $0x3  }
0xa9: {  	v3 =	vperm.xlane v3, v2  }
0xaa: {  	[hbm4b:s3+s2] =	stream.indirect_vreg.scatter [tilespmem:s19], [sflag:$0x3], $0x80, v4, vm0, $0xb8;
	[tilespmem:$0x18080] =	vst v63  }
0xab: {  	v3 =	vadd.s32 v1, v3  }
0xac: {  	[hbm4b:s4+s2] =	stream.indirect_vreg.scatter [tilespmem:s20], [sflag:$0x3], $0x80, v4, vm0, $0xb8;
	[tilespmem:$0x18080] =	vst v63  }
0xad: {  	_ = 	snop  }
0xae: {  	[hbm4b:s5+s2] =	stream.indirect_vreg.scatter [tilespmem:s21], [sflag:$0x3], $0x80, v4, vm0, $0xb8;
	[tilespmem:$0x18080] =	vst v63  }
0xaf: {  	_ = 	snop  }
0xb0: {  	[hbm4b:s3+s2] =	stream.indirect_vreg.scatter [tilespmem:s22], [sflag:$0x3], $0x80, v3, vm0, $0xb8;
	[tilespmem:$0x18080] =	vst v63  }
0xb1: {  	_ = 	snop  }
0xb2: {  	[hbm4b:s4+s2] =	stream.indirect_vreg.scatter [tilespmem:s23], [sflag:$0x3], $0x80, v3, vm0, $0xb8;
	[tilespmem:$0x18080] =	vst v63  }
0xb3: {  	_ = 	snop  }
0xb4: {  	[hbm4b:s5+s2] =	stream.indirect_vreg.scatter [tilespmem:s24], [sflag:$0x3], $0x80, v3, vm0, $0xb8;
	[tilespmem:$0x18080] =	vst v63  }
0xb5: {  	v3 =	vld [tilespmem:$0x70];
	_ =	sdelay $0x4  }
0xb6: {  	v63 =	vshrl.u32 v3, $0x3  }
0xb7: {  	v4 =	vmul.u32 $0x30, v63  }
0xb8: {  	v3 =	vand.u32 $0x7, v3  }
0xb9: {  	v3 =	vor.u32 v3, v4  }
0xba: {  	v4 =	vperm.xlane v3, v0;
	_ =	sdelay $0x1  }
0xbb: {  	v4 =	vadd.s32 v1, v4;
	_ =	sdelay $0x3  }
0xbc: {  	v3 =	vperm.xlane v3, v2  }
0xbd: {  	[hbm4b:s3+s2] =	stream.indirect_vreg.scatter [tilespmem:s25], [sflag:$0x3], $0x80, v4, vm0, $0xb8;
	[tilespmem:$0x18080] =	vst v63  }
0xbe: {  	v3 =	vadd.s32 v1, v3  }
0xbf: {  	[hbm4b:s4+s2] =	stream.indirect_vreg.scatter [tilespmem:s26], [sflag:$0x3], $0x80, v4, vm0, $0xb8;
	[tilespmem:$0x18080] =	vst v63  }
0xc0: {  	_ = 	snop  }
0xc1: {  	[hbm4b:s5+s2] =	stream.indirect_vreg.scatter [tilespmem:s28], [sflag:$0x3], $0x80, v4, vm0, $0xb8;
	[tilespmem:$0x18080] =	vst v63  }
0xc2: {  	_ = 	snop  }
0xc3: {  	[hbm4b:s3+s2] =	stream.indirect_vreg.scatter [tilespmem:s29], [sflag:$0x3], $0x80, v3, vm0, $0xb8;
	[tilespmem:$0x18080] =	vst v63  }
0xc4: {  	p0 =	sne.s32 s6, $0x1  }
0xc5: {  	[hbm4b:s4+s2] =	stream.indirect_vreg.scatter [tilespmem:s30], [sflag:$0x3], $0x80, v3, vm0, $0xb8;
	[tilespmem:$0x18080] =	vst v63  }
.Ltmp0:
0xc6: {  	_ = 	snop;
	(pc) =	sbr.rel @p0 .LBB2_1-.Ltmp0, $4  }
0xc7: {  	[hbm4b:s5+s2] =	stream.indirect_vreg.scatter [tilespmem:s31], [sflag:$0x3], $0x80, v3, vm0, $0xb8;
	[tilespmem:$0x18080] =	vst v63  }
0xc8: {  	_ =	swait.ge [sflag:s1], $0x18000  }
0xc9: {  	[sflag:s1] =	ssyncset.done $0x0  }
0xca: {  	s6 =	sadd.s32 $0xFFFFFFFF, s6;
	[sflag:s1] =	ssyncadd.s32 $0xFFFE8000  }
0xcb: {  	_ =	sfence.sel $0x180000  }
0xcc: {  	[bflag:$0x0] =	sbarrier.arrive $0xFFFF  }
0xcd: {  	_ =	strace $0x90000047  }
0xce: {  	s0 =	stileid.u32;
	[bflag:$0x2] =	sbarrier.arrive $0xFFFF  }
0xcf: {  	p0 =	sne.s32 s0, $0x0;
	s0 =	rddreg [dreg:$0x2]  }
0xd0: {  	s0 =	sadd.s32 @!p0 $0x100000, s0  }
0xd1: {  	[sflag:s0] =	ssyncadd.tile.s32 @!p0 $0x1;
	_ =	shalt  }
.Lfunc_end2:
_tile_overlayer_lowered:
.L_overlay_start_2:
0xd2: {  	(tag) =	ssettag $0x2  }
0xd3: {  	s0 =	rddreg [dreg:$0x0];
	s2 =	stileid.u32  }
0xd4: {  	s1 =	rddreg [dreg:$0x1];
	p0 =	sne.s32 s2, $0x0  }
0xd5: {  	s3 =	rddreg [dreg:$0x2];
	[bflag:$0x3] =	sbarrier.arrive $0xFFFF;
	s2 =	simm.s32 @!p0 $0x1C03  }
0xd6: {  	[timem:s3], [sflag:s2] =	dma.local @!p0 [hbm:s0], s1  }
0xd7: {  	s0 =	simm.s32 @!p0 $0x3  }
0xd8: {  	_ =	swait.ge @!p0 [sflag:s0], s1  }
0xd9: {  	s1 =	ssub.s32 @!p0 $0x0, s1;
	[sflag:s0] =	ssyncset.done @!p0 $0x0  }
0xda: {  	[sflag:s0] =	ssyncadd.s32 @!p0 s1  }
0xdb: {  	[bflag:$0x3] =	sbarrier.arrive $0xFFFF  }
0xdc: {  	_ =	shalt  }

// kernel: kernel.9.cloned.1.call-start
scs
__scs_entry_jumppad:
0x0: {  	(pc) =	sbr.rel $0x88, $3  }
0x1: {  	(tag) =	ssettag $0x0;
	lr =	simm.s32 $0x1  }
0x2: {  	[smem:$0x3F9A] =	sst lr;
	_ =	strace $0xD0000000  }
0x3: {  	_ = 	snop  }
0x4: {  	_ = 	snop  }
0x5: {  	_ = 	snop  }
0x6: {  	_ = 	snop  }
0x7: {  	_ = 	snop  }
__scs_overlays_trampoline_lowered:
0x8: {  	[smem:$0x3FA9] =	sst s0  }
0x9: {  	[smem:$0x3FAA] =	sst s1  }
0xa: {  	[smem:$0x3FAB] =	sst s2  }
0xb: {  	[smem:$0x3FAC] =	sst s3  }
0xc: {  	[smem:$0x3FAD] =	sst s4  }
0xd: {  	[smem:$0x3FAE] =	sst s5  }
0xe: {  	[smem:$0x3FAF] =	sst s6  }
0xf: {  	[smem:$0x3FB0] =	sst s7  }
0x10: {  	[smem:$0x3FB1] =	sst s8  }
0x11: {  	[smem:$0x3FB2] =	sst s9;
	s0 =	simm.s32 @!p0 $0x0  }
0x12: {  	s1 =	sld [smem:$0x3F98];
	s0 =	simm.s32 @p0 $0x1  }
0x13: {  	[smem:$0x3FB3] =	sst s0;
	s0 =	simm.s32 @!p1 $0x0  }
0x14: {  	s2 =	sld [smem:$0x3F97];
	s0 =	simm.s32 @p1 $0x1  }
0x15: {  	[smem:$0x3FB4] =	sst s0;
	s0 =	simm.s32 @!p2 $0x0  }
0x16: {  	s3 =	sld [smem:$0x3FDB];
	s0 =	simm.s32 @p2 $0x1  }
0x17: {  	s4 =	simm.s32 $0x1BF5;
	[smem:$0x3FB6] =	sst s0  }
0x18: {  	s0 =	sld [smem:$0x3F99];
	_ =	swait.ge [sflag:s4], $0x0  }
0x19: {  	s7 =	sld [smem:$0x3F9A]  }
0x1a: {  	s8 =	sadd.s32 $0xFFFFE003, lr  }
0x1b: {  	s9 =	sadd.s32 $0xFFFFFEF7, lr;
	s5 =	simm.s32 $0xFFFFFFFF;
	p2 =	slt.u32 s8, $0xFFFFF086  }
0x1c: {  	p1 =	slt.u32 s9, $0xF7A;
	s5 =	simm.s32 @!p2 $0x0  }
0x1d: {  	s5 =	simm.s32 @p1 $0x1;
	p0 =	seq.s32 s7, s2  }
0x1e: {  	s7 =	smul.u32 @!p0 $0xF7A, s2;
	p2 =	seq.s32 @!p0 s5, $0x0  }
0x1f: {  	s9 =	smul.u32 $0xF7A, s1;
	s8 =	simm.s32 @!p0 $0x1BF5;
	p2 =	por !p2, p0  }
0x20: {  	[sflag:s8] =	ssyncset.s32 @!p0 $0xFFFFF086;
	s6 =	sadd.s32 @!p0 s3, s7;
	s7 =	simm.s32 @!p0 $0x108  }
0x21: {  	s3 =	sadd.s32 s3, s9;
	s6 =	sadd.s32 @!p0 $0x88, s6;
	s7 =	simm.s32 @p2 $0x1082  }
0x22: {  	[simem:s7], [sflag:s8] =	dma.local @!p0 [hbm:s6], $0xF7A  }
0x23: {  	s9 =	sor.u32 $0xD0000000, s2;
	s6 =	simm.s32 $0x108;
	_ =	swait.ge @!p0 [sflag:s8], $0x0  }
0x24: {  	s3 =	sadd.s32 $0x88, s3;
	s6 =	simm.s32 @!p1 $0x1082;
	[sflag:s4] =	ssyncset.s32 $0xFFFFF086  }
0x25: {  	[simem:s6], [sflag:s4] =	dma.local [hbm:s3], $0xF7A  }
0x26: {  	[smem:$0x3F9A] =	sst s1;
	(tag) =	ssettag s2;
	_ =	strace s9  }
0x27: {  	s1 =	sld [smem:$0x3FAA]  }
0x28: {  	s2 =	sld [smem:$0x3FAB]  }
0x29: {  	s4 =	sld [smem:$0x3FAD]  }
0x2a: {  	p0 =	seq.s32 s5, $0x0;
	s5 =	sld [smem:$0x3FAE]  }
0x2b: {  	s6 =	sld [smem:$0x3FAF]  }
0x2c: {  	s7 =	sld [smem:$0x3FB0]  }
0x2d: {  	s3 =	simm.s32 $0x108;
	s8 =	sld [smem:$0x3FB1]  }
0x2e: {  	s3 =	simm.s32 @!p0 $0x1082;
	s9 =	sld [smem:$0x3FB2]  }
0x2f: {  	lr =	sadd.s32 s0, s3;
	s0 =	sld [smem:$0x3FA9]  }
0x30: {  	s3 =	sld [smem:$0x3FAC]  }
0x31: {  	[smem:$0x3FB5] =	sst s10  }
0x32: {  	s10 =	sld [smem:$0x3FB3];
	_ =	sdelay $0x3  }
0x33: {  	p0 =	seq.s32 s10, $0x1;
	s10 =	sld [smem:$0x3FB5];
	_ =	sdelay $0x3  }
0x34: {  	[smem:$0x3FB5] =	sst s10  }
0x35: {  	s10 =	sld [smem:$0x3FB4];
	_ =	sdelay $0x3  }
0x36: {  	p1 =	seq.s32 s10, $0x1;
	s10 =	sld [smem:$0x3FB5];
	_ =	sdelay $0x3  }
0x37: {  	[smem:$0x3FB5] =	sst s10  }
0x38: {  	s10 =	sld [smem:$0x3FB6]  }
0x39: {  	_ = 	snop;
	(pc) =	sbr.ind lr, $3  }
0x3a: {  	_ = 	snop  }
0x3b: {  	_ = 	snop  }
0x3c: {  	p2 =	seq.s32 s10, $0x1;
	s10 =	sld [smem:$0x3FB5]  }
0x3d: {  	_ =	shalt  }
0x3e: {  	_ =	shalt  }
0x3f: {  	_ =	shalt  }
0x40: {  	_ =	shalt  }
0x41: {  	_ =	shalt  }
0x42: {  	_ =	shalt  }
0x43: {  	_ =	shalt  }
0x44: {  	_ =	shalt  }
0x45: {  	_ =	shalt  }
0x46: {  	_ =	shalt  }
0x47: {  	_ =	shalt  }
0x48: {  	_ =	shalt  }
0x49: {  	_ =	shalt  }
0x4a: {  	_ =	shalt  }
0x4b: {  	_ =	shalt  }
0x4c: {  	_ =	shalt  }
0x4d: {  	_ =	shalt  }
0x4e: {  	_ =	shalt  }
0x4f: {  	_ =	shalt  }
0x50: {  	_ =	shalt  }
0x51: {  	_ =	shalt  }
0x52: {  	_ =	shalt  }
0x53: {  	_ =	shalt  }
0x54: {  	_ =	shalt  }
0x55: {  	_ =	shalt  }
0x56: {  	_ =	shalt  }
0x57: {  	_ =	shalt  }
0x58: {  	_ =	shalt  }
0x59: {  	_ =	shalt  }
0x5a: {  	_ =	shalt  }
0x5b: {  	_ =	shalt  }
0x5c: {  	_ =	shalt  }
0x5d: {  	_ =	shalt  }
0x5e: {  	_ =	shalt  }
0x5f: {  	_ =	shalt  }
0x60: {  	_ =	shalt  }
0x61: {  	_ =	shalt  }
0x62: {  	_ =	shalt  }
0x63: {  	_ =	shalt  }
0x64: {  	_ =	shalt  }
0x65: {  	_ =	shalt  }
0x66: {  	_ =	shalt  }
0x67: {  	_ =	shalt  }
0x68: {  	_ =	shalt  }
0x69: {  	_ =	shalt  }
0x6a: {  	_ =	shalt  }
0x6b: {  	_ =	shalt  }
0x6c: {  	_ =	shalt  }
0x6d: {  	_ =	shalt  }
0x6e: {  	_ =	shalt  }
0x6f: {  	_ =	shalt  }
0x70: {  	_ =	shalt  }
0x71: {  	_ =	shalt  }
0x72: {  	_ =	shalt  }
0x73: {  	_ =	shalt  }
0x74: {  	_ =	shalt  }
0x75: {  	_ =	shalt  }
0x76: {  	_ =	shalt  }
0x77: {  	_ =	shalt  }
0x78: {  	_ =	shalt  }
0x79: {  	_ =	shalt  }
0x7a: {  	_ =	shalt  }
0x7b: {  	_ =	shalt  }
0x7c: {  	_ =	shalt  }
0x7d: {  	_ =	shalt  }
0x7e: {  	_ =	shalt  }
0x7f: {  	_ =	shalt  }
0x80: {  	_ =	shalt  }
0x81: {  	_ =	shalt  }
0x82: {  	_ =	shalt  }
0x83: {  	_ =	shalt  }
0x84: {  	_ =	shalt  }
0x85: {  	_ =	shalt  }
0x86: {  	_ =	shalt  }
0x87: {  	_ =	shalt  }
.Lfunc_end0:
.L_simem_size_0:
called_computation.1_lowered:
.L_overlay_start_0:
0x88: {  	s2 =	sld [smem:$0x3FD9]  }
0x89: {  	s3 =	sld [smem:$0x3FFE];
	_ =	sdelay $0x1  }
0x8a: {  	s1 =	srdreg.scid  }
0x8b: {  	s0 =	sand.u32 $0x1, s1  }
0x8c: {  	s17 =	sshll.u32 s0, $0xA;
	s2 =	sadd.s32 s3, s2  }
0x8d: {  	s2 =	sadd.s32 s2, s17  }
0x8e: {  	[smem:$0x3FC1] =	sst s2  }
0x8f: {  	_ = 	snop  }
0x90: {  	s2 =	sld [smem:$0x3FD0];
	(tm) =	ssettm $0x1  }
0x91: {  	s18 =	sld [smem:$0x3FFB];
	_ =	sdelay $0x3  }
0x92: {  	_ =	strace s18  }
0x93: {  	s3 =	sld [smem:$0x3FFC];
	_ =	sdelay $0x3  }
0x94: {  	_ =	strace s3  }
0x95: {  	s3 =	sld [smem:$0x3FFD];
	_ =	sdelay $0x3  }
0x96: {  	_ =	strace s3  }
0x97: {  	_ =	strace $0x8FFFFFFF  }
0x98: {  	s19 =	sld [smem:$0x3FDB];
	_ =	sdelay $0x1  }
0x99: {  	s4 =	simm.s32 $_scs_section_size  }
0x9a: {  	s5 =	simm.s32 $_size__tile_overlayer_lowered;
	s6 =	simm.s32 $_tile_overlayer_lowered  }
0x9b: {  	s22 =	simm.s32 $0x1BFF;
	s21 =	sshll.u32 s6, $0x1;
	s3 =	sadd.s32 s4, s19  }
0x9c: {  	s7 =	simm.s32 $0x0;
	s20 =	sshll.u32 s5, $0x1;
	s5 =	sadd.s32 s21, s3  }
0x9d: {  	[timem:s7], [sflag:s22] =	dma.local [hbm:s5], s20  }
0x9e: {  	_ =	swait.ge [sflag:s22], s20  }
0x9f: {  	s4 =	ssub.s32 $0x0, s20;
	[sflag:s22] =	ssyncset.done $0x0  }
0xa0: {  	[sflag:s22] =	ssyncadd.s32 s4;
	_ =	sdelay $0x1  }
0xa1: {  	s23 =	simm.s32 $0x1B8B  }
0xa2: {  	_ =	swait.ge [sflag:s23], $0x1  }
0xa3: {  	[sflag:s23] =	ssyncset.done $0x0  }
0xa4: {  	s25 =	simm.s32 $0x1B8E;
	s24 =	sld [smem:$0x3FFE];
	[sflag:s23] =	ssyncadd.s32 $0xFFFFFFFF  }
0xa5: {  	s26 =	simm.s32 $execute0_lowered;
	[smem:$0x3FD2] =	sst s25  }
0xa6: {  	s5 =	sshll.u32 s26, $0x1;
	_ =	strace $0x80000049;
	[dreg:$0x1] =	wrdreg $0xFFFFFFFF  }
0xa7: {  	s28 =	simm.s32 $_size_execute0_lowered;
	s3 =	sadd.s32 s3, s5;
	[dreg:$0x0] =	wrdreg $0x0  }
0xa8: {  	s5 =	sshll.u32 s28, $0x1;
	[dreg:$0x2] =	wrdreg s3  }
0xa9: {  	[dreg:$0x3] =	wrdreg s5  }
0xaa: {  	[dreg:$0x4] =	wrdreg $0xC0  }
0xab: {  	_ =	task [dreg:s7], $0x5FFFF  }
0xac: {  	[dreg:$0x1] =	wrdreg $0xFFFFFFFF  }
0xad: {  	[dreg:$0x0] =	wrdreg $0x60  }
0xae: {  	[dreg:$0x2] =	wrdreg s24  }
0xaf: {  	[dreg:$0x3] =	wrdreg s2  }
0xb0: {  	[dreg:$0x4] =	wrdreg $0x9  }
0xb1: {  	_ =	task.clear_ibuf [dreg:s7], $0x5FFFF;
	_ =	strace $0x90000049  }
0xb2: {  	s29 =	simm.s32 $0x9;
	_ =	strace $0x8000004B  }
0xb3: {  	_ =	swait.ge [sflag:s29], $0x1  }
0xb4: {  	[sflag:s29] =	ssyncadd.s32 $0xFFFFFFFF  }
0xb5: {  	_ =	strace $0x9000004B  }
0xb6: {  	_ =	sfence  }
0xb7: {  	s30 =	sld [smem:$0x0];
	_ =	sdelay $0x2  }
0xb8: {  	s31 =	sshll.u32 s1, $0xD;
	s1 =	sshrl.u32 s1, $0x2  }
0xb9: {  	s3 =	sand.u32 $0x4000, s31;
	s1 =	sadd.s32 s1, s30  }
0xba: {  	s0 =	sor.u32 s3, s0;
	s1 =	sshll.u32 s1, $0x11  }
0xbb: {  	s0 =	sor.u32 s1, s0  }
0xbc: {  	s0 =	sadd.s32 $0x8F2B, s0  }
0xbd: {  	[sflag:s0] =	ssyncadd.remote.s32 $0x1  }
0xbe: {  	_ =	sfence.sel $0xFFFF  }
0xbf: {  	[dreg:$0x0] =	wrdreg $0xFFFFFFFF;
	(pc) =	sbr.abs _section_cstart, $3  }
0xc0: {  	[dreg:$0x1] =	wrdreg $0xFFFFFFFF  }
0xc1: {  	_ =	task.clear_ibuf [dreg:s7], $0x2FFFF;
	_ =	strace $0x9FFFFFFF  }
0xc2: {  	(tm) =	ssettm $0x7FFFFFFF  }
0xc3: {  	_ =	shalt  }
tec
execute0_lowered:
.L_overlay_start_1:
0x0: {  	(tag) =	ssettag $0x1  }
0x1: {  	s0 =	rddreg [dreg:$0x0]  }
0x2: {  	s1 =	rddreg [dreg:$0x1];
	s2 =	simm.s32 $0x0  }
0x3: {  	s3 =	srdreg.scid;
	s5 =	stileid.u32;
	s17 =	simm.s32 $0x2  }
0x4: {  	s19 =	simm.s32 $0x180;
	s20 =	simm.s32 $0x7980;
	s28 =	simm.s32 $0x100  }
0x5: {  	s29 =	simm.s32 $0x120;
	s30 =	simm.s32 $0x1;
	s31 =	simm.s32 $0x0  }
0x6: {  	[smem:$0x7FF] =	sst s2;
	s4 =	sand.u32 $0x1, s3;
	s3 =	sadd.s32 $0x1400, s0  }
0x7: {  	s5 =	sshll.u32 s5, $0x4;
	s8 =	sadd.s32 $0x1200, s0;
	s9 =	sadd.s32 $0x91400, s0  }
0x8: {  	s7 =	sadd.s32 $0x1600, s0;
	s6 =	sshll.u32 s4, $0x3;
	s4 =	ssub.s32 $0x2, s4  }
0x9: {  	_ =	strace $0x8000004A;
	s5 =	sor.u32 s6, s5;
	s21 =	sshrl.u32 s4, $0x1  }
0xa: {  	s6 =	sadd.s32 $0x1500, s0;
	s10 =	sor.u32 $0x100, s5;
	s4 =	ssub.s32 s4, s21  }
0xb: {  	s22 =	sadd.s32 s8, s5;
	s24 =	smul.u32 $0x300, s5;
	s11 =	sadd.s32 s9, s5  }
0xc: {  	s13 =	sor.u32 $0x4, s5;
	s25 =	sor.u32 $0x104, s5;
	s21 =	simm.s32 $0x8180  }
0xd: {  	s5 =	simm.s32 $0xB980;
	[dreg:$0x3] =	wrdreg s22;
	s23 =	sadd.s32 s8, s10  }
0xe: {  	[dreg:$0x5] =	wrdreg s11;
	s10 =	sadd.s32 s9, s10;
	s26 =	smul.u32 $0x300, s13  }
0xf: {  	s11 =	sadd.s32 s8, s13;
	s12 =	sadd.s32 s8, s25;
	s13 =	sadd.s32 s9, s13  }
0x10: {  	s14 =	sadd.s32 s9, s25;
	s16 =	smax.u32 s4, $0x1;
	s22 =	simm.s32 $0x8980  }
0x11: {  	v2 =	vlaneseq.u32;
	s25 =	simm.s32 $0xA180;
	s4 =	simm.s32 $0xA980;
	[dreg:$0x4] =	wrdreg s23  }
0x12: {  	vm0 =	vmmov $0xffff;
	v1 =	vshrl.u32 v2, $0x3;
	[dreg:$0x6] =	wrdreg s10;
	s10 =	sadd.s32 s1, s24;
	s23 =	simm.s32 $0x9180  }
0x13: {  	v0 =	vand.u32 $0x7, v2;
	v2 =	vor.u32 $0x8, v2;
	v1 =	vmul.u32 $0x8, v1;
	s24 =	simm.s32 $0x9980;
	s15 =	sadd.s32 s1, s26;
	s26 =	simm.s32 $0xB180  }
.LBB2_1:
0x14: {  	s0 =	rddreg [dreg:$0x3]  }
0x15: {  	[tilespmem:s2], [sflag:$0x2] =	stream.linear.gather [hbm4b:s0+s2], $0x20, $0x38;
	[tilespmem:$0xC180] =	vst v63  }
0x16: {  	_ =	swait.ge [sflag:s17], $0x20  }
0x17: {  	[sflag:s17] =	ssyncset.done $0x0  }
0x18: {  	s1 =	simm.s32 $0x80;
	s8 =	rddreg [dreg:$0x4];
	[sflag:s17] =	ssyncadd.s32 $0xFFFFFFE0  }
0x19: {  	[tilespmem:s1], [sflag:$0x2] =	stream.linear.gather [hbm4b:s8+s2], $0x20, $0x38;
	[tilespmem:$0xC180] =	vst v63  }
0x1a: {  	_ =	swait.ge [sflag:s17], $0x20  }
0x1b: {  	[sflag:s17] =	ssyncset.done $0x0  }
0x1c: {  	[sflag:s17] =	ssyncadd.s32 $0xFFFFFFE0  }
0x1d: {  	v3 =	vld [tilespmem:$0x0];
	_ =	sdelay $0x4  }
0x1e: {  	v4 =	vshrl.u32 v3, $0x3  }
0x1f: {  	v4 =	vmul.u32 $0x30, v4  }
0x20: {  	v3 =	vand.u32 $0x7, v3  }
0x21: {  	v3 =	vor.u32 v3, v4  }
0x22: {  	v4 =	vperm.xlane v3, v0;
	_ =	sdelay $0x1  }
0x23: {  	v4 =	vadd.s32 v1, v4;
	_ =	sdelay $0x3  }
0x24: {  	v3 =	vperm.xlane v3, v2  }
0x25: {  	[tilespmem:s19], [sflag:$0x1] =	stream.indirect_vreg.gather [hbm4b:s3+s2], $0x80, v4, vm0, $0xb8;
	[tilespmem:$0xC180] =	vst v63  }
0x26: {  	s9 =	simm.s32 $0x980;
	v3 =	vadd.s32 v1, v3  }
0x27: {  	[tilespmem:s9], [sflag:$0x1] =	stream.indirect_vreg.gather [hbm4b:s6+s2], $0x80, v4, vm0, $0xb8;
	[tilespmem:$0xC180] =	vst v63  }
0x28: {  	s18 =	simm.s32 $0x1180  }
0x29: {  	[tilespmem:s18], [sflag:$0x1] =	stream.indirect_vreg.gather [hbm4b:s7+s2], $0x80, v4, vm0, $0xb8;
	[tilespmem:$0xC180] =	vst v63  }
0x2a: {  	s1 =	simm.s32 $0x1980  }
0x2b: {  	[tilespmem:s1], [sflag:$0x1] =	stream.indirect_vreg.gather [hbm4b:s3+s2], $0x80, v3, vm0, $0xb8;
	[tilespmem:$0xC180] =	vst v63  }
0x2c: {  	s8 =	simm.s32 $0x2180  }
0x2d: {  	[tilespmem:s8], [sflag:$0x1] =	stream.indirect_vreg.gather [hbm4b:s6+s2], $0x80, v3, vm0, $0xb8;
	[tilespmem:$0xC180] =	vst v63  }
0x2e: {  	s9 =	simm.s32 $0x2980  }
0x2f: {  	[tilespmem:s9], [sflag:$0x1] =	stream.indirect_vreg.gather [hbm4b:s7+s2], $0x80, v3, vm0, $0xb8;
	[tilespmem:$0xC180] =	vst v63  }
0x30: {  	v3 =	vld [tilespmem:$0x10];
	_ =	sdelay $0x4  }
0x31: {  	v4 =	vshrl.u32 v3, $0x3  }
0x32: {  	v4 =	vmul.u32 $0x30, v4  }
0x33: {  	v3 =	vand.u32 $0x7, v3  }
0x34: {  	v3 =	vor.u32 v3, v4  }
0x35: {  	v4 =	vperm.xlane v3, v0;
	_ =	sdelay $0x1  }
0x36: {  	v4 =	vadd.s32 v1, v4;
	_ =	sdelay $0x3  }
0x37: {  	s18 =	simm.s32 $0x3180;
	v3 =	vperm.xlane v3, v2  }
0x38: {  	[tilespmem:s18], [sflag:$0x1] =	stream.indirect_vreg.gather [hbm4b:s3+s2], $0x80, v4, vm0, $0xb8;
	[tilespmem:$0xC180] =	vst v63  }
0x39: {  	s1 =	simm.s32 $0x3980;
	v3 =	vadd.s32 v1, v3  }
0x3a: {  	[tilespmem:s1], [sflag:$0x1] =	stream.indirect_vreg.gather [hbm4b:s6+s2], $0x80, v4, vm0, $0xb8;
	[tilespmem:$0xC180] =	vst v63  }
0x3b: {  	s8 =	simm.s32 $0x4180  }
0x3c: {  	[tilespmem:s8], [sflag:$0x1] =	stream.indirect_vreg.gather [hbm4b:s7+s2], $0x80, v4, vm0, $0xb8;
	[tilespmem:$0xC180] =	vst v63  }
0x3d: {  	s9 =	simm.s32 $0x4980  }
0x3e: {  	[tilespmem:s9], [sflag:$0x1] =	stream.indirect_vreg.gather [hbm4b:s3+s2], $0x80, v3, vm0, $0xb8;
	[tilespmem:$0xC180] =	vst v63  }
0x3f: {  	s18 =	simm.s32 $0x5180  }
0x40: {  	[tilespmem:s18], [sflag:$0x1] =	stream.indirect_vreg.gather [hbm4b:s6+s2], $0x80, v3, vm0, $0xb8;
	[tilespmem:$0xC180] =	vst v63  }
0x41: {  	s1 =	simm.s32 $0x5980  }
0x42: {  	[tilespmem:s1], [sflag:$0x1] =	stream.indirect_vreg.gather [hbm4b:s7+s2], $0x80, v3, vm0, $0xb8;
	[tilespmem:$0xC180] =	vst v63  }
0x43: {  	v3 =	vld [tilespmem:$0x80];
	_ =	sdelay $0x4  }
0x44: {  	v4 =	vshrl.u32 v3, $0x3  }
0x45: {  	v4 =	vmul.u32 $0x30, v4  }
0x46: {  	v3 =	vand.u32 $0x7, v3  }
0x47: {  	v3 =	vor.u32 v3, v4  }
0x48: {  	v4 =	vperm.xlane v3, v0;
	_ =	sdelay $0x1  }
0x49: {  	v4 =	vadd.s32 v1, v4;
	_ =	sdelay $0x3  }
0x4a: {  	s8 =	simm.s32 $0x6180;
	v3 =	vperm.xlane v3, v2  }
0x4b: {  	[tilespmem:s8], [sflag:$0x1] =	stream.indirect_vreg.gather [hbm4b:s3+s2], $0x80, v4, vm0, $0xb8;
	[tilespmem:$0xC180] =	vst v63  }
0x4c: {  	s9 =	simm.s32 $0x6980;
	v3 =	vadd.s32 v1, v3  }
0x4d: {  	[tilespmem:s9], [sflag:$0x1] =	stream.indirect_vreg.gather [hbm4b:s6+s2], $0x80, v4, vm0, $0xb8;
	[tilespmem:$0xC180] =	vst v63  }
0x4e: {  	s18 =	simm.s32 $0x7180  }
0x4f: {  	[tilespmem:s18], [sflag:$0x1] =	stream.indirect_vreg.gather [hbm4b:s7+s2], $0x80, v4, vm0, $0xb8;
	[tilespmem:$0xC180] =	vst v63  }
0x50: {  	_ = 	snop  }
0x51: {  	[tilespmem:s20], [sflag:$0x1] =	stream.indirect_vreg.gather [hbm4b:s3+s2], $0x80, v3, vm0, $0xb8;
	[tilespmem:$0xC180] =	vst v63  }
0x52: {  	_ = 	snop  }
0x53: {  	[tilespmem:s21], [sflag:$0x1] =	stream.indirect_vreg.gather [hbm4b:s6+s2], $0x80, v3, vm0, $0xb8;
	[tilespmem:$0xC180] =	vst v63  }
0x54: {  	_ = 	snop  }
0x55: {  	[tilespmem:s22], [sflag:$0x1] =	stream.indirect_vreg.gather [hbm4b:s7+s2], $0x80, v3, vm0, $0xb8;
	[tilespmem:$0xC180] =	vst v63  }
0x56: {  	v3 =	vld [tilespmem:$0x90];
	_ =	sdelay $0x4  }
0x57: {  	v4 =	vshrl.u32 v3, $0x3  }
0x58: {  	v4 =	vmul.u32 $0x30, v4  }
0x59: {  	v3 =	vand.u32 $0x7, v3  }
0x5a: {  	v3 =	vor.u32 v3, v4  }
0x5b: {  	v4 =	vperm.xlane v3, v0;
	_ =	sdelay $0x1  }
0x5c: {  	v4 =	vadd.s32 v1, v4;
	_ =	sdelay $0x3  }
0x5d: {  	v3 =	vperm.xlane v3, v2  }
0x5e: {  	[tilespmem:s23], [sflag:$0x1] =	stream.indirect_vreg.gather [hbm4b:s3+s2], $0x80, v4, vm0, $0xb8;
	[tilespmem:$0xC180] =	vst v63  }
0x5f: {  	v3 =	vadd.s32 v1, v3  }
0x60: {  	[tilespmem:s24], [sflag:$0x1] =	stream.indirect_vreg.gather [hbm4b:s6+s2], $0x80, v4, vm0, $0xb8;
	[tilespmem:$0xC180] =	vst v63  }
0x61: {  	_ = 	snop  }
0x62: {  	[tilespmem:s25], [sflag:$0x1] =	stream.indirect_vreg.gather [hbm4b:s7+s2], $0x80, v4, vm0, $0xb8;
	[tilespmem:$0xC180] =	vst v63  }
0x63: {  	_ = 	snop  }
0x64: {  	[tilespmem:s4], [sflag:$0x1] =	stream.indirect_vreg.gather [hbm4b:s3+s2], $0x80, v3, vm0, $0xb8;
	[tilespmem:$0xC180] =	vst v63  }
0x65: {  	_ = 	snop  }
0x66: {  	[tilespmem:s26], [sflag:$0x1] =	stream.indirect_vreg.gather [hbm4b:s6+s2], $0x80, v3, vm0, $0xb8;
	[tilespmem:$0xC180] =	vst v63  }
0x67: {  	_ = 	snop  }
0x68: {  	[tilespmem:s5], [sflag:$0x1] =	stream.indirect_vreg.gather [hbm4b:s7+s2], $0x80, v3, vm0, $0xb8;
	[tilespmem:$0xC180] =	vst v63  }
0x69: {  	s1 =	rddreg [dreg:$0x5]  }
0x6a: {  	[tilespmem:s28], [sflag:$0x2] =	stream.linear.gather [hbm4b:s1+s2], $0x20, $0x38;
	[tilespmem:$0xC180] =	vst v63  }
0x6b: {  	_ =	swait.ge [sflag:s17], $0x20  }
0x6c: {  	[sflag:s17] =	ssyncset.done $0x0  }
0x6d: {  	s8 =	rddreg [dreg:$0x6];
	[sflag:s17] =	ssyncadd.s32 $0xFFFFFFE0  }
0x6e: {  	[tilespmem:s29], [sflag:$0x2] =	stream.linear.gather [hbm4b:s8+s2], $0x20, $0x38;
	[tilespmem:$0xC180] =	vst v63  }
0x6f: {  	_ =	swait.ge [sflag:s17], $0x20  }
0x70: {  	[sflag:s17] =	ssyncset.done $0x0  }
0x71: {  	[sflag:s17] =	ssyncadd.s32 $0xFFFFFFE0  }
0x72: {  	_ =	swait.ge [sflag:s30], $0x6000  }
0x73: {  	[sflag:s30] =	ssyncset.done $0x0  }
0x74: {  	[sflag:s30] =	ssyncadd.s32 $0xFFFFA000  }
0x75: {  	_ =	swait.ge [sflag:s30], $0x6000  }
0x76: {  	[sflag:s30] =	ssyncset.done $0x0  }
0x77: {  	[sflag:s30] =	ssyncadd.s32 $0xFFFFA000  }
0x78: {  	s9 =	simm.s32 $0x0;
	v3 =	vld [tilespmem:$0x100]  }
0x79: {  	s0 =	smul.u32 $0x1800, s9;
	v4 =	vld [tilespmem:$0x110]  }
0x7a: {  	s8 =	sand.u32 $0x380, s2;
	v5 =	vld [tilespmem:$0x120]  }
0x7b: {  	s8 =	sor.u32 s8, s0;
	v6 =	vld [tilespmem:$0x130]  }
0x7c: {  	v10 =	vld [tilespmem:s8+$0x6180]  }
0x7d: {  	v40 =	vld [tilespmem:s8+$0x6190]  }
0x7e: {  	v41 =	vld [tilespmem:s8+$0x61A0]  }
0x7f: {  	v42 =	vld [tilespmem:s8+$0x61B0]  }
0x80: {  	v43 =	vld [tilespmem:s8+$0x61C0]  }
0x81: {  	v44 =	vld [tilespmem:s8+$0x61D0]  }
0x82: {  	v45 =	vld [tilespmem:s8+$0x61E0]  }
0x83: {  	v46 =	vld [tilespmem:s8+$0x61F0]  }
0x84: {  	v47 =	vld [tilespmem:s8+$0x6580]  }
0x85: {  	v48 =	vld [tilespmem:s8+$0x6590]  }
0x86: {  	v49 =	vld [tilespmem:s8+$0x65A0]  }
0x87: {  	v50 =	vld [tilespmem:s8+$0x65B0]  }
0x88: {  	v51 =	vld [tilespmem:s8+$0x65C0]  }
0x89: {  	v52 =	vld [tilespmem:s8+$0x65D0]  }
0x8a: {  	v53 =	vld [tilespmem:s8+$0x65E0]  }
0x8b: {  	v54 =	vld [tilespmem:s8+$0x65F0]  }
0x8c: {  	v55 =	vld [tilespmem:s8+$0x6980]  }
0x8d: {  	v39 =	vld [tilespmem:s8+$0x6990]  }
0x8e: {  	v38 =	vld [tilespmem:s8+$0x69A0]  }
0x8f: {  	v37 =	vld [tilespmem:s8+$0x69B0]  }
0x90: {  	v36 =	vld [tilespmem:s8+$0x69C0]  }
0x91: {  	v35 =	vld [tilespmem:s8+$0x69D0]  }
0x92: {  	v34 =	vld [tilespmem:s8+$0x69E0]  }
0x93: {  	v33 =	vld [tilespmem:s8+$0x69F0]  }
0x94: {  	v32 =	vld [tilespmem:s8+$0x6D80]  }
0x95: {  	v31 =	vld [tilespmem:s8+$0x6D90]  }
0x96: {  	v30 =	vld [tilespmem:s8+$0x6DA0]  }
0x97: {  	v29 =	vld [tilespmem:s8+$0x6DB0]  }
0x98: {  	v28 =	vld [tilespmem:s8+$0x6DC0]  }
0x99: {  	v27 =	vld [tilespmem:s8+$0x6DD0]  }
0x9a: {  	v26 =	vld [tilespmem:s8+$0x6DE0]  }
0x9b: {  	v25 =	vld [tilespmem:s8+$0x6DF0]  }
0x9c: {  	v24 =	vld [tilespmem:s8+$0x7180]  }
0x9d: {  	v23 =	vld [tilespmem:s8+$0x7190]  }
0x9e: {  	v22 =	vld [tilespmem:s8+$0x71A0]  }
0x9f: {  	v21 =	vld [tilespmem:s8+$0x71B0]  }
0xa0: {  	v20 =	vld [tilespmem:s8+$0x71C0]  }
0xa1: {  	v19 =	vld [tilespmem:s8+$0x71D0]  }
0xa2: {  	v18 =	vld [tilespmem:s8+$0x71E0]  }
0xa3: {  	v17 =	vld [tilespmem:s8+$0x71F0]  }
0xa4: {  	v16 =	vld [tilespmem:s8+$0x7580]  }
0xa5: {  	v15 =	vld [tilespmem:s8+$0x7590]  }
0xa6: {  	v14 =	vld [tilespmem:s8+$0x75A0]  }
0xa7: {  	v11 =	vld [tilespmem:s8+$0x75B0]  }
0xa8: {  	s18 =	sand.u32 $0xF, s2;
	v9 =	vld [tilespmem:s8+$0x75C0]  }
0xa9: {  	v12 =	vmov s18;
	v56 =	vld [tilespmem:s8+$0x180]  }
0xaa: {  	v58 =	vld [tilespmem:s8+$0x190];
	v13 =	vperm.xlane v3, v12;
	v57 =	vperm.xlane v4, v12  }
0xab: {  	v61 =	vld [tilespmem:s8+$0x1A0];
	v59 =	vperm.xlane v5, v12;
	v60 =	vperm.xlane v6, v12  }
0xac: {  	p0 =	por $0x1, $0x1;
	v62 =	vld [tilespmem:s8+$0x1B0]  }
0xad: {  	v12 =	vpsel p0, v13, v57;
	v13 =	vpsel p0, v59, v60;
	v57 =	vld [tilespmem:s8+$0x1C0]  }
0xae: {  	v59 =	vld [tilespmem:s8+$0x1D0];
	v56 =	vmul.f32 v56, v12;
	v10 =	vmul.f32 v10, v13  }
0xaf: {  	v60 =	vld [tilespmem:s8+$0x1E0];
	v58 =	vmul.f32 v58, v12;
	v40 =	vmul.f32 v40, v13  }
0xb0: {  	v63 =	vld [tilespmem:s8+$0x1F0];
	v61 =	vmul.f32 v61, v12;
	v41 =	vmul.f32 v41, v13  }
0xb1: {  	v8 =	vld [tilespmem:s8+$0x75D0];
	v42 =	vmul.f32 v42, v13;
	v43 =	vmul.f32 v43, v13  }
0xb2: {  	v7 =	vld [tilespmem:s8+$0x75E0];
	v44 =	vmul.f32 v44, v13;
	v56 =	vadd.f32 v10, v56;
	v40 =	vadd.f32 v40, v58  }
0xb3: {  	v58 =	vmul.f32 v62, v12;
	v62 =	vld [tilespmem:s8+$0x580];
	v41 =	vadd.f32 v41, v61;
	v61 =	vmul.f32 v59, v12  }
0xb4: {  	[tilespmem:s8+$0x180] =	vst v56;
	v56 =	vmul.f32 v57, v12;
	v57 =	vld [tilespmem:s8+$0x590];
	v59 =	vmul.f32 v60, v12  }
0xb5: {  	v10 =	vld [tilespmem:s8+$0x75F0];
	v60 =	vadd.f32 v44, v61;
	v61 =	vmul.f32 v63, v12;
	v63 =	vmul.f32 v46, v13  }
0xb6: {  	v45 =	vmul.f32 v45, v13;
	[tilespmem:s8+$0x190] =	vst v40;
	v40 =	vadd.f32 v42, v58;
	v58 =	vadd.f32 v43, v56;
	v46 =	vld [tilespmem:s8+$0x5A0]  }
0xb7: {  	[tilespmem:s8+$0x1D0] =	vst v60;
	v60 =	vadd.f32 v63, v61;
	v61 =	vld [tilespmem:s8+$0x5B0]  }
0xb8: {  	v56 =	vadd.f32 v45, v59;
	v59 =	vmul.f32 v47, v13;
	[tilespmem:s8+$0x1C0] =	vst v58;
	v58 =	vmul.f32 v62, v12;
	v62 =	vld [tilespmem:s8+$0x5C0]  }
0xb9: {  	[tilespmem:s8+$0x1B0] =	vst v40;
	v63 =	vmul.f32 v57, v12;
	v57 =	vld [tilespmem:s8+$0x5D0]  }
0xba: {  	[tilespmem:s8+$0x1E0] =	vst v56;
	v56 =	vmul.f32 v48, v13;
	v43 =	vadd.f32 v59, v58;
	v58 =	vmul.f32 v49, v13;
	v59 =	vld [tilespmem:s8+$0x5E0]  }
0xbb: {  	v40 =	vld [tilespmem:s8+$0x980];
	[tilespmem:s8+$0x1F0] =	vst v60;
	v60 =	vmul.f32 v50, v13;
	v46 =	vmul.f32 v46, v12  }
0xbc: {  	v44 =	vadd.f32 v56, v63;
	v63 =	vmul.f32 v52, v13;
	[tilespmem:s8+$0x580] =	vst v43;
	v43 =	vld [tilespmem:s8+$0x990];
	v42 =	vmul.f32 v61, v12  }
0xbd: {  	[tilespmem:s8+$0x1A0] =	vst v41;
	v52 =	vld [tilespmem:s8+$0x9C0];
	v46 =	vadd.f32 v58, v46;
	v41 =	vmul.f32 v62, v12;
	v62 =	vmul.f32 v51, v13  }
0xbe: {  	[tilespmem:s8+$0x590] =	vst v44;
	v61 =	vld [tilespmem:s8+$0x5F0];
	v45 =	vmul.f32 v57, v12;
	v42 =	vadd.f32 v60, v42  }
0xbf: {  	v56 =	vmul.f32 v53, v13;
	v44 =	vld [tilespmem:s8+$0x9A0];
	[tilespmem:s8+$0x5A0] =	vst v46;
	v41 =	vadd.f32 v62, v41;
	v47 =	vmul.f32 v59, v12  }
0xc0: {  	v40 =	vmul.f32 v40, v12;
	v57 =	vld [tilespmem:s8+$0x9D0];
	v60 =	vmul.f32 v55, v13;
	v45 =	vadd.f32 v63, v45;
	[tilespmem:s8+$0x5B0] =	vst v42  }
0xc1: {  	v39 =	vmul.f32 v39, v13;
	v46 =	vld [tilespmem:s8+$0x9B0];
	[tilespmem:s8+$0x5C0] =	vst v41;
	v47 =	vadd.f32 v56, v47;
	v43 =	vmul.f32 v43, v12  }
0xc2: {  	v36 =	vmul.f32 v36, v13;
	v59 =	vld [tilespmem:s8+$0x9E0];
	v40 =	vadd.f32 v60, v40;
	v42 =	vmul.f32 v52, v12;
	[tilespmem:s8+$0x5D0] =	vst v45  }
0xc3: {  	v58 =	vmul.f32 v54, v13;
	v62 =	vld [tilespmem:s8+$0xD80];
	v48 =	vmul.f32 v61, v12;
	[tilespmem:s8+$0x5E0] =	vst v47;
	v39 =	vadd.f32 v39, v43  }
0xc4: {  	v38 =	vmul.f32 v38, v13;
	v63 =	vld [tilespmem:s8+$0xD90];
	v44 =	vmul.f32 v44, v12;
	[tilespmem:s8+$0x980] =	vst v40;
	v36 =	vadd.f32 v36, v42  }
0xc5: {  	v35 =	vmul.f32 v35, v13;
	v50 =	vld [tilespmem:s8+$0xDA0];
	v41 =	vmul.f32 v57, v12;
	v48 =	vadd.f32 v58, v48;
	[tilespmem:s8+$0x990] =	vst v39  }
0xc6: {  	v37 =	vmul.f32 v37, v13;
	v54 =	vld [tilespmem:s8+$0xDD0];
	v49 =	vmul.f32 v46, v12;
	v38 =	vadd.f32 v38, v44;
	[tilespmem:s8+$0x9C0] =	vst v36  }
0xc7: {  	v34 =	vmul.f32 v34, v13;
	v51 =	vld [tilespmem:s8+$0xDB0];
	v53 =	vmul.f32 v59, v12;
	v35 =	vadd.f32 v35, v41;
	[tilespmem:s8+$0x5F0] =	vst v48  }
0xc8: {  	v32 =	vmul.f32 v32, v13;
	v52 =	vld [tilespmem:s8+$0xDC0];
	v57 =	vmul.f32 v62, v12;
	v37 =	vadd.f32 v37, v49;
	[tilespmem:s8+$0x9A0] =	vst v38  }
0xc9: {  	v31 =	vmul.f32 v31, v13;
	v56 =	vld [tilespmem:s8+$0xDE0];
	v40 =	vmul.f32 v63, v12;
	v34 =	vadd.f32 v34, v53;
	[tilespmem:s8+$0x9D0] =	vst v35  }
0xca: {  	v30 =	vmul.f32 v30, v13;
	v58 =	vld [tilespmem:s8+$0xDF0];
	v39 =	vmul.f32 v50, v12;
	v32 =	vadd.f32 v32, v57;
	[tilespmem:s8+$0x9B0] =	vst v37  }
0xcb: {  	v27 =	vmul.f32 v27, v13;
	v59 =	vld [tilespmem:s8+$0x1180];
	v36 =	vmul.f32 v54, v12;
	v31 =	vadd.f32 v31, v40;
	[tilespmem:s8+$0x9E0] =	vst v34  }
0xcc: {  	v29 =	vmul.f32 v29, v13;
	v61 =	vld [tilespmem:s8+$0x9F0];
	v38 =	vmul.f32 v51, v12;
	v30 =	vadd.f32 v30, v39;
	[tilespmem:s8+$0xD80] =	vst v32  }
0xcd: {  	v28 =	vmul.f32 v28, v13;
	v60 =	vld [tilespmem:s8+$0x1190];
	v27 =	vadd.f32 v27, v36;
	v37 =	vmul.f32 v52, v12;
	[tilespmem:s8+$0xD90] =	vst v31  }
0xce: {  	v26 =	vmul.f32 v26, v13;
	v35 =	vmul.f32 v56, v12;
	v29 =	vadd.f32 v29, v38;
	v31 =	vld [tilespmem:s8+$0x11A0];
	[tilespmem:s8+$0xDA0] =	vst v30  }
0xcf: {  	v25 =	vmul.f32 v25, v13;
	v30 =	vld [tilespmem:s8+$0x11B0];
	v34 =	vmul.f32 v58, v12;
	[tilespmem:s8+$0xDD0] =	vst v27;
	v28 =	vadd.f32 v28, v37  }
0xd0: {  	v62 =	vmul.f32 v24, v13;
	v26 =	vadd.f32 v26, v35;
	v27 =	vmul.f32 v59, v12;
	[tilespmem:s8+$0xDB0] =	vst v29;
	v29 =	vld [tilespmem:s8+$0x11C0]  }
0xd1: {  	v33 =	vmul.f32 v33, v13;
	v55 =	vmul.f32 v61, v12;
	v25 =	vadd.f32 v25, v34;
	[tilespmem:s8+$0xDC0] =	vst v28;
	v28 =	vld [tilespmem:s8+$0x11D0]  }
0xd2: {  	v63 =	vmul.f32 v23, v13;
	v61 =	vld [tilespmem:s8+$0x11E0];
	[tilespmem:s8+$0xDE0] =	vst v26;
	v26 =	vmul.f32 v60, v12;
	v27 =	vadd.f32 v62, v27  }
0xd3: {  	v24 =	vld [tilespmem:s8+$0x11F0];
	v33 =	vadd.f32 v33, v55;
	[tilespmem:s8+$0xDF0] =	vst v25;
	v25 =	vmul.f32 v31, v12;
	v31 =	vmul.f32 v22, v13  }
0xd4: {  	v21 =	vmul.f32 v21, v13;
	v23 =	vld [tilespmem:s8+$0x1580];
	v26 =	vadd.f32 v63, v26;
	[tilespmem:s8+$0x1180] =	vst v27;
	v27 =	vmul.f32 v30, v12  }
0xd5: {  	[tilespmem:s8+$0x9F0] =	vst v33;
	v22 =	vld [tilespmem:s8+$0x1590];
	v30 =	vmul.f32 v20, v13;
	v29 =	vmul.f32 v29, v12;
	v25 =	vadd.f32 v31, v25  }
0xd6: {  	v20 =	vld [tilespmem:s8+$0x15A0];
	[tilespmem:s8+$0x1190] =	vst v26;
	v26 =	vadd.f32 v21, v27;
	v21 =	vmul.f32 v28, v12;
	v28 =	vmul.f32 v19, v13  }
0xd7: {  	s9 =	simm.s32 $0x0;
	s0 =	simm.s32 $0x1;
	v27 =	vadd.f32 v30, v29;
	v19 =	vmul.f32 v61, v12;
	[tilespmem:s8+$0x11A0] =	vst v25;
	v25 =	vmul.f32 v18, v13;
	v18 =	vld [tilespmem:s8+$0x15B0]  }
.LBB2_2:
0xd8: {  	s1 =	sshrl.u32 s0, $0x3;
	p0 =	sne.s32 s0, $0x1F;
	[tilespmem:s8+$0x11B0] =	vst v26;
	v21 =	vadd.f32 v28, v21;
	v24 =	vmul.f32 v24, v12;
	v17 =	vmul.f32 v17, v13;
	v26 =	vld [tilespmem:s8+$0x15C0]  }
0xd9: {  	v16 =	vmul.f32 v16, v13;
	s9 =	sadd.s32 $0x80, s9;
	s1 =	smul.u32 $0x1800, s1;
	[tilespmem:s8+$0x11C0] =	vst v27;
	v19 =	vadd.f32 v25, v19;
	v23 =	vmul.f32 v23, v12;
	v25 =	vld [tilespmem:s8+$0x15D0]  }
0xda: {  	v15 =	vmul.f32 v15, v13;
	s18 =	sand.u32 $0x380, s9;
	[tilespmem:s8+$0x11D0] =	vst v21;
	v17 =	vadd.f32 v17, v24;
	v21 =	vmul.f32 v22, v12;
	v22 =	vld [tilespmem:s8+$0x15E0]  }
0xdb: {  	v14 =	vmul.f32 v14, v13;
	s1 =	sor.u32 s18, s1;
	[tilespmem:s8+$0x11E0] =	vst v19;
	v16 =	vadd.f32 v16, v23;
	v19 =	vmul.f32 v20, v12;
	v20 =	vld [tilespmem:s8+$0x15F0]  }
0xdc: {  	v11 =	vmul.f32 v11, v13;
	v49 =	vld [tilespmem:s1+$0x6180];
	[tilespmem:s8+$0x11F0] =	vst v17;
	v15 =	vadd.f32 v15, v21;
	v17 =	vmul.f32 v18, v12  }
0xdd: {  	v9 =	vmul.f32 v9, v13;
	v51 =	vld [tilespmem:s1+$0x6190];
	[tilespmem:s8+$0x1580] =	vst v16;
	v14 =	vadd.f32 v14, v19;
	v16 =	vmul.f32 v26, v12  }
0xde: {  	v8 =	vmul.f32 v8, v13;
	v53 =	vld [tilespmem:s1+$0x61A0];
	[tilespmem:s8+$0x1590] =	vst v15;
	v11 =	vadd.f32 v11, v17;
	v15 =	vmul.f32 v25, v12  }
0xdf: {  	v7 =	vmul.f32 v7, v13;
	v54 =	vld [tilespmem:s1+$0x61B0];
	[tilespmem:s8+$0x15A0] =	vst v14;
	v9 =	vadd.f32 v9, v16;
	v14 =	vmul.f32 v22, v12  }
0xe0: {  	v10 =	vmul.f32 v10, v13;
	v55 =	vld [tilespmem:s1+$0x61C0];
	[tilespmem:s8+$0x15B0] =	vst v11;
	v8 =	vadd.f32 v8, v15;
	v11 =	vmul.f32 v20, v12  }
0xe1: {  	v56 =	vld [tilespmem:s1+$0x61D0];
	[tilespmem:s8+$0x15C0] =	vst v9;
	v7 =	vadd.f32 v7, v14  }
0xe2: {  	v52 =	vld [tilespmem:s1+$0x61E0];
	[tilespmem:s8+$0x15D0] =	vst v8;
	v8 =	vadd.f32 v10, v11  }
0xe3: {  	v50 =	vld [tilespmem:s1+$0x61F0];
	[tilespmem:s8+$0x15E0] =	vst v7  }
0xe4: {  	v48 =	vld [tilespmem:s1+$0x6580];
	[tilespmem:s8+$0x15F0] =	vst v8;
	s8 =	smov.u32 s1  }
0xe5: {  	v47 =	vld [tilespmem:s8+$0x6590]  }
0xe6: {  	v46 =	vld [tilespmem:s8+$0x65A0]  }
0xe7: {  	v45 =	vld [tilespmem:s8+$0x65B0]  }
0xe8: {  	v44 =	vld [tilespmem:s8+$0x65C0]  }
0xe9: {  	v43 =	vld [tilespmem:s8+$0x65D0]  }
0xea: {  	v42 =	vld [tilespmem:s8+$0x65E0]  }
0xeb: {  	v41 =	vld [tilespmem:s8+$0x65F0]  }
0xec: {  	v40 =	vld [tilespmem:s8+$0x6980]  }
0xed: {  	v39 =	vld [tilespmem:s8+$0x6990]  }
0xee: {  	v38 =	vld [tilespmem:s8+$0x69A0]  }
0xef: {  	v37 =	vld [tilespmem:s8+$0x69B0]  }
0xf0: {  	v36 =	vld [tilespmem:s8+$0x69C0]  }
0xf1: {  	v35 =	vld [tilespmem:s8+$0x69D0]  }
0xf2: {  	v34 =	vld [tilespmem:s8+$0x69E0]  }
0xf3: {  	v33 =	vld [tilespmem:s8+$0x69F0]  }
0xf4: {  	v32 =	vld [tilespmem:s8+$0x6D80]  }
0xf5: {  	v31 =	vld [tilespmem:s8+$0x6D90]  }
0xf6: {  	v30 =	vld [tilespmem:s8+$0x6DA0]  }
0xf7: {  	v29 =	vld [tilespmem:s8+$0x6DB0]  }
0xf8: {  	v28 =	vld [tilespmem:s8+$0x6DC0]  }
0xf9: {  	v27 =	vld [tilespmem:s8+$0x6DD0]  }
0xfa: {  	v26 =	vld [tilespmem:s8+$0x6DE0]  }
0xfb: {  	v25 =	vld [tilespmem:s8+$0x6DF0]  }
0xfc: {  	v24 =	vld [tilespmem:s8+$0x7180]  }
0xfd: {  	v23 =	vld [tilespmem:s8+$0x7190]  }
0xfe: {  	v22 =	vld [tilespmem:s8+$0x71A0]  }
0xff: {  	v21 =	vld [tilespmem:s8+$0x71B0]  }
0x100: {  	v20 =	vld [tilespmem:s8+$0x71C0]  }
0x101: {  	v19 =	vld [tilespmem:s8+$0x71D0]  }
0x102: {  	v18 =	vld [tilespmem:s8+$0x71E0]  }
0x103: {  	v17 =	vld [tilespmem:s8+$0x71F0]  }
0x104: {  	v16 =	vld [tilespmem:s8+$0x7580]  }
0x105: {  	v15 =	vld [tilespmem:s8+$0x7590]  }
0x106: {  	v14 =	vld [tilespmem:s8+$0x75A0]  }
0x107: {  	v11 =	vld [tilespmem:s8+$0x75B0]  }
0x108: {  	v9 =	vld [tilespmem:s8+$0x75C0]  }
0x109: {  	v8 =	vld [tilespmem:s8+$0x75D0]  }
0x10a: {  	v7 =	vld [tilespmem:s8+$0x75E0]  }
0x10b: {  	s1 =	sand.u32 $0xF, s0;
	v10 =	vld [tilespmem:s8+$0x75F0]  }
0x10c: {  	v12 =	vmov s1;
	v57 =	vld [tilespmem:s8+$0x180]  }
0x10d: {  	v13 =	vperm.xlane v3, v12;
	v58 =	vperm.xlane v4, v12;
	v59 =	vld [tilespmem:s8+$0x190]  }
0x10e: {  	v60 =	vperm.xlane v5, v12;
	v61 =	vperm.xlane v6, v12;
	v62 =	vld [tilespmem:s8+$0x1A0]  }
0x10f: {  	p1 =	slt.u32 s0, $0x10;
	v63 =	vld [tilespmem:s8+$0x1B0]  }
0x110: {  	v12 =	vpsel p1, v13, v58;
	v13 =	vpsel p1, v60, v61;
	v58 =	vld [tilespmem:s8+$0x1C0]  }
0x111: {  	v49 =	vmul.f32 v49, v13;
	v57 =	vmul.f32 v57, v12;
	v60 =	vld [tilespmem:s8+$0x1D0]  }
0x112: {  	v51 =	vmul.f32 v51, v13;
	v59 =	vmul.f32 v59, v12;
	v61 =	vld [tilespmem:s8+$0x1E0]  }
0x113: {  	v53 =	vmul.f32 v53, v13;
	v49 =	vadd.f32 v49, v57;
	v57 =	vmul.f32 v62, v12;
	v62 =	vld [tilespmem:s8+$0x1F0]  }
0x114: {  	v54 =	vmul.f32 v54, v13;
	v51 =	vadd.f32 v51, v59;
	v59 =	vmul.f32 v63, v12;
	v63 =	vld [tilespmem:s8+$0x580]  }
0x115: {  	v55 =	vmul.f32 v55, v13;
	[tilespmem:s8+$0x180] =	vst v49;
	v49 =	vadd.f32 v53, v57;
	v53 =	vmul.f32 v58, v12;
	v57 =	vld [tilespmem:s8+$0x590]  }
0x116: {  	v56 =	vmul.f32 v56, v13;
	[tilespmem:s8+$0x190] =	vst v51;
	v51 =	vadd.f32 v54, v59;
	v54 =	vmul.f32 v60, v12;
	v58 =	vld [tilespmem:s8+$0x5A0]  }
0x117: {  	v52 =	vmul.f32 v52, v13;
	[tilespmem:s8+$0x1A0] =	vst v49;
	v49 =	vadd.f32 v55, v53;
	v53 =	vmul.f32 v61, v12;
	v55 =	vld [tilespmem:s8+$0x5B0]  }
0x118: {  	v50 =	vmul.f32 v50, v13;
	[tilespmem:s8+$0x1B0] =	vst v51;
	v51 =	vadd.f32 v56, v54;
	v54 =	vmul.f32 v62, v12;
	v56 =	vld [tilespmem:s8+$0x5C0]  }
0x119: {  	v48 =	vmul.f32 v48, v13;
	[tilespmem:s8+$0x1C0] =	vst v49;
	v49 =	vadd.f32 v52, v53;
	v52 =	vmul.f32 v63, v12;
	v53 =	vld [tilespmem:s8+$0x5D0]  }
0x11a: {  	v47 =	vmul.f32 v47, v13;
	[tilespmem:s8+$0x1D0] =	vst v51;
	v50 =	vadd.f32 v50, v54;
	v51 =	vmul.f32 v57, v12;
	v54 =	vld [tilespmem:s8+$0x5E0]  }
0x11b: {  	v46 =	vmul.f32 v46, v13;
	[tilespmem:s8+$0x1E0] =	vst v49;
	v48 =	vadd.f32 v48, v52;
	v49 =	vmul.f32 v58, v12;
	v52 =	vld [tilespmem:s8+$0x5F0]  }
0x11c: {  	v45 =	vmul.f32 v45, v13;
	[tilespmem:s8+$0x1F0] =	vst v50;
	v47 =	vadd.f32 v47, v51;
	v50 =	vmul.f32 v55, v12;
	v51 =	vld [tilespmem:s8+$0x980]  }
0x11d: {  	v44 =	vmul.f32 v44, v13;
	[tilespmem:s8+$0x580] =	vst v48;
	v46 =	vadd.f32 v46, v49;
	v48 =	vmul.f32 v56, v12;
	v49 =	vld [tilespmem:s8+$0x990]  }
0x11e: {  	v43 =	vmul.f32 v43, v13;
	[tilespmem:s8+$0x590] =	vst v47;
	v45 =	vadd.f32 v45, v50;
	v47 =	vmul.f32 v53, v12;
	v50 =	vld [tilespmem:s8+$0x9A0]  }
0x11f: {  	v42 =	vmul.f32 v42, v13;
	[tilespmem:s8+$0x5A0] =	vst v46;
	v44 =	vadd.f32 v44, v48;
	v46 =	vmul.f32 v54, v12;
	v48 =	vld [tilespmem:s8+$0x9B0]  }
0x120: {  	v41 =	vmul.f32 v41, v13;
	[tilespmem:s8+$0x5B0] =	vst v45;
	v43 =	vadd.f32 v43, v47;
	v45 =	vmul.f32 v52, v12;
	v47 =	vld [tilespmem:s8+$0x9C0]  }
0x121: {  	v40 =	vmul.f32 v40, v13;
	[tilespmem:s8+$0x5C0] =	vst v44;
	v42 =	vadd.f32 v42, v46;
	v44 =	vmul.f32 v51, v12;
	v46 =	vld [tilespmem:s8+$0x9D0]  }
0x122: {  	v39 =	vmul.f32 v39, v13;
	[tilespmem:s8+$0x5D0] =	vst v43;
	v41 =	vadd.f32 v41, v45;
	v43 =	vmul.f32 v49, v12;
	v45 =	vld [tilespmem:s8+$0x9E0]  }
0x123: {  	v38 =	vmul.f32 v38, v13;
	[tilespmem:s8+$0x5E0] =	vst v42;
	v40 =	vadd.f32 v40, v44;
	v42 =	vmul.f32 v50, v12;
	v44 =	vld [tilespmem:s8+$0x9F0]  }
0x124: {  	v37 =	vmul.f32 v37, v13;
	[tilespmem:s8+$0x5F0] =	vst v41;
	v39 =	vadd.f32 v39, v43;
	v41 =	vmul.f32 v48, v12;
	v43 =	vld [tilespmem:s8+$0xD80]  }
0x125: {  	v36 =	vmul.f32 v36, v13;
	[tilespmem:s8+$0x980] =	vst v40;
	v38 =	vadd.f32 v38, v42;
	v40 =	vmul.f32 v47, v12;
	v42 =	vld [tilespmem:s8+$0xD90]  }
0x126: {  	v35 =	vmul.f32 v35, v13;
	[tilespmem:s8+$0x990] =	vst v39;
	v37 =	vadd.f32 v37, v41;
	v39 =	vmul.f32 v46, v12;
	v41 =	vld [tilespmem:s8+$0xDA0]  }
0x127: {  	v34 =	vmul.f32 v34, v13;
	[tilespmem:s8+$0x9A0] =	vst v38;
	v36 =	vadd.f32 v36, v40;
	v38 =	vmul.f32 v45, v12;
	v40 =	vld [tilespmem:s8+$0xDB0]  }
0x128: {  	v33 =	vmul.f32 v33, v13;
	[tilespmem:s8+$0x9B0] =	vst v37;
	v35 =	vadd.f32 v35, v39;
	v37 =	vmul.f32 v44, v12;
	v39 =	vld [tilespmem:s8+$0xDC0]  }
0x129: {  	v32 =	vmul.f32 v32, v13;
	[tilespmem:s8+$0x9C0] =	vst v36;
	v34 =	vadd.f32 v34, v38;
	v36 =	vmul.f32 v43, v12;
	v38 =	vld [tilespmem:s8+$0xDD0]  }
0x12a: {  	v31 =	vmul.f32 v31, v13;
	[tilespmem:s8+$0x9D0] =	vst v35;
	v33 =	vadd.f32 v33, v37;
	v35 =	vmul.f32 v42, v12;
	v37 =	vld [tilespmem:s8+$0xDE0]  }
0x12b: {  	v30 =	vmul.f32 v30, v13;
	[tilespmem:s8+$0x9E0] =	vst v34;
	v32 =	vadd.f32 v32, v36;
	v34 =	vmul.f32 v41, v12;
	v36 =	vld [tilespmem:s8+$0xDF0]  }
0x12c: {  	v29 =	vmul.f32 v29, v13;
	[tilespmem:s8+$0x9F0] =	vst v33;
	v31 =	vadd.f32 v31, v35;
	v33 =	vmul.f32 v40, v12;
	v35 =	vld [tilespmem:s8+$0x1180]  }
0x12d: {  	v28 =	vmul.f32 v28, v13;
	[tilespmem:s8+$0xD80] =	vst v32;
	v30 =	vadd.f32 v30, v34;
	v32 =	vmul.f32 v39, v12;
	v34 =	vld [tilespmem:s8+$0x1190]  }
0x12e: {  	v27 =	vmul.f32 v27, v13;
	[tilespmem:s8+$0xD90] =	vst v31;
	v29 =	vadd.f32 v29, v33;
	v31 =	vmul.f32 v38, v12;
	v33 =	vld [tilespmem:s8+$0x11A0]  }
0x12f: {  	v26 =	vmul.f32 v26, v13;
	[tilespmem:s8+$0xDA0] =	vst v30;
	v28 =	vadd.f32 v28, v32;
	v30 =	vmul.f32 v37, v12;
	v32 =	vld [tilespmem:s8+$0x11B0]  }
0x130: {  	v25 =	vmul.f32 v25, v13;
	[tilespmem:s8+$0xDB0] =	vst v29;
	v27 =	vadd.f32 v27, v31;
	v29 =	vmul.f32 v36, v12;
	v31 =	vld [tilespmem:s8+$0x11C0]  }
0x131: {  	v24 =	vmul.f32 v24, v13;
	[tilespmem:s8+$0xDC0] =	vst v28;
	v26 =	vadd.f32 v26, v30;
	v28 =	vmul.f32 v35, v12;
	v30 =	vld [tilespmem:s8+$0x11D0]  }
0x132: {  	v23 =	vmul.f32 v23, v13;
	[tilespmem:s8+$0xDD0] =	vst v27;
	v25 =	vadd.f32 v25, v29;
	v27 =	vmul.f32 v34, v12;
	v29 =	vld [tilespmem:s8+$0x11E0]  }
.Ltmp0:
0x133: {  	v22 =	vmul.f32 v22, v13;
	[tilespmem:s8+$0xDE0] =	vst v26;
	v26 =	vadd.f32 v24, v28;
	v28 =	vmul.f32 v33, v12;
	v24 =	vld [tilespmem:s8+$0x11F0];
	(pc) =	sbr.rel @p0 .LBB2_2-.Ltmp0, $4  }
0x134: {  	v21 =	vmul.f32 v21, v13;
	[tilespmem:s8+$0xDF0] =	vst v25;
	v25 =	vadd.f32 v23, v27;
	v27 =	vmul.f32 v32, v12;
	v23 =	vld [tilespmem:s8+$0x1580]  }
0x135: {  	v33 =	vmul.f32 v20, v13;
	[tilespmem:s8+$0x1180] =	vst v26;
	v32 =	vadd.f32 v22, v28;
	v31 =	vmul.f32 v31, v12;
	v22 =	vld [tilespmem:s8+$0x1590]  }
0x136: {  	v28 =	vmul.f32 v19, v13;
	[tilespmem:s8+$0x1190] =	vst v25;
	v26 =	vadd.f32 v21, v27;
	v21 =	vmul.f32 v30, v12;
	v20 =	vld [tilespmem:s8+$0x15A0]  }
0x137: {  	s0 =	sadd.s32 $0x1, s0;
	v25 =	vmul.f32 v18, v13;
	[tilespmem:s8+$0x11A0] =	vst v32;
	v27 =	vadd.f32 v33, v31;
	v19 =	vmul.f32 v29, v12;
	v18 =	vld [tilespmem:s8+$0x15B0]  }
0x138: {  	v4 =	vadd.f32 v28, v21  }
0x139: {  	[tilespmem:s8+$0x11B0] =	vst v26;
	v3 =	vld [tilespmem:s8+$0x15C0];
	v6 =	vmul.f32 v24, v12;
	v17 =	vmul.f32 v17, v13  }
0x13a: {  	v5 =	vld [tilespmem:s8+$0x15D0];
	v16 =	vmul.f32 v16, v13;
	v19 =	vadd.f32 v25, v19;
	[tilespmem:s8+$0x11D0] =	vst v4;
	v4 =	vmul.f32 v23, v12  }
0x13b: {  	v21 =	vld [tilespmem:s8+$0x15E0];
	v15 =	vmul.f32 v15, v13;
	[tilespmem:s8+$0x11C0] =	vst v27;
	v6 =	vadd.f32 v17, v6;
	v17 =	vmul.f32 v22, v12  }
0x13c: {  	v14 =	vmul.f32 v14, v13;
	[tilespmem:s8+$0x11E0] =	vst v19;
	v19 =	vld [tilespmem:s8+$0x15F0];
	v4 =	vadd.f32 v16, v4;
	v16 =	vmul.f32 v20, v12  }
0x13d: {  	v11 =	vmul.f32 v11, v13;
	[tilespmem:s8+$0x11F0] =	vst v6;
	v6 =	vadd.f32 v15, v17;
	v15 =	vmul.f32 v18, v12  }
0x13e: {  	v9 =	vmul.f32 v9, v13;
	v3 =	vmul.f32 v3, v12;
	[tilespmem:s8+$0x1580] =	vst v4;
	v4 =	vadd.f32 v14, v16  }
0x13f: {  	v8 =	vmul.f32 v8, v13;
	v5 =	vmul.f32 v5, v12;
	[tilespmem:s8+$0x1590] =	vst v6;
	v6 =	vadd.f32 v11, v15  }
0x140: {  	v7 =	vmul.f32 v7, v13;
	v3 =	vadd.f32 v9, v3;
	[tilespmem:s8+$0x15A0] =	vst v4;
	v4 =	vmul.f32 v21, v12  }
0x141: {  	v5 =	vadd.f32 v8, v5;
	v8 =	vmul.f32 v10, v13;
	[tilespmem:s8+$0x15B0] =	vst v6;
	v6 =	vmul.f32 v19, v12  }
0x142: {  	[tilespmem:s8+$0x15C0] =	vst v3;
	v3 =	vadd.f32 v7, v4  }
0x143: {  	[tilespmem:s8+$0x15D0] =	vst v5;
	v4 =	vadd.f32 v8, v6  }
0x144: {  	[tilespmem:s8+$0x15E0] =	vst v3  }
0x145: {  	[tilespmem:s8+$0x15F0] =	vst v4;
	s8 =	simm.s32 $0x0  }
0x146: {  	[hbm4b:s10+s8] =	stream.linear.scatter [tilespmem:s19], [sflag:$0x2], $0x6000, $0x38;
	[tilespmem:$0xC180] =	vst v63  }
0x147: {  	_ =	swait.ge [sflag:s17], $0x6000  }
0x148: {  	[sflag:s17] =	ssyncset.done $0x0  }
0x149: {  	[sflag:s17] =	ssyncadd.s32 $0xFFFFA000  }
0x14a: {  	[tilespmem:s8], [sflag:$0x2] =	stream.linear.gather [hbm4b:s11+s8], $0x20, $0x38;
	[tilespmem:$0xC180] =	vst v63  }
0x14b: {  	_ =	swait.ge [sflag:s17], $0x20  }
0x14c: {  	[sflag:s17] =	ssyncset.done $0x0  }
0x14d: {  	s0 =	simm.s32 $0x80;
	[sflag:s17] =	ssyncadd.s32 $0xFFFFFFE0  }
0x14e: {  	[tilespmem:s0], [sflag:$0x2] =	stream.linear.gather [hbm4b:s12+s8], $0x20, $0x38;
	[tilespmem:$0xC180] =	vst v63  }
0x14f: {  	_ =	swait.ge [sflag:s17], $0x20  }
0x150: {  	[sflag:s17] =	ssyncset.done $0x0  }
0x151: {  	[sflag:s17] =	ssyncadd.s32 $0xFFFFFFE0  }
0x152: {  	v3 =	vld [tilespmem:$0x0];
	_ =	sdelay $0x4  }
0x153: {  	v4 =	vshrl.u32 v3, $0x3  }
0x154: {  	v4 =	vmul.u32 $0x30, v4  }
0x155: {  	v3 =	vand.u32 $0x7, v3  }
0x156: {  	v3 =	vor.u32 v3, v4  }
0x157: {  	v4 =	vperm.xlane v3, v0;
	_ =	sdelay $0x1  }
0x158: {  	v4 =	vadd.s32 v1, v4;
	_ =	sdelay $0x3  }
0x159: {  	v3 =	vperm.xlane v3, v2  }
0x15a: {  	[tilespmem:s19], [sflag:$0x1] =	stream.indirect_vreg.gather [hbm4b:s3+s8], $0x80, v4, vm0, $0xb8;
	[tilespmem:$0xC180] =	vst v63  }
0x15b: {  	s18 =	simm.s32 $0x980;
	v3 =	vadd.s32 v1, v3  }
0x15c: {  	[tilespmem:s18], [sflag:$0x1] =	stream.indirect_vreg.gather [hbm4b:s6+s8], $0x80, v4, vm0, $0xb8;
	[tilespmem:$0xC180] =	vst v63  }
0x15d: {  	s1 =	simm.s32 $0x1180  }
0x15e: {  	[tilespmem:s1], [sflag:$0x1] =	stream.indirect_vreg.gather [hbm4b:s7+s8], $0x80, v4, vm0, $0xb8;
	[tilespmem:$0xC180] =	vst v63  }
0x15f: {  	s9 =	simm.s32 $0x1980  }
0x160: {  	[tilespmem:s9], [sflag:$0x1] =	stream.indirect_vreg.gather [hbm4b:s3+s8], $0x80, v3, vm0, $0xb8;
	[tilespmem:$0xC180] =	vst v63  }
0x161: {  	s18 =	simm.s32 $0x2180  }
0x162: {  	[tilespmem:s18], [sflag:$0x1] =	stream.indirect_vreg.gather [hbm4b:s6+s8], $0x80, v3, vm0, $0xb8;
	[tilespmem:$0xC180] =	vst v63  }
0x163: {  	s1 =	simm.s32 $0x2980  }
0x164: {  	[tilespmem:s1], [sflag:$0x1] =	stream.indirect_vreg.gather [hbm4b:s7+s8], $0x80, v3, vm0, $0xb8;
	[tilespmem:$0xC180] =	vst v63  }
0x165: {  	v3 =	vld [tilespmem:$0x10];
	_ =	sdelay $0x4  }
0x166: {  	v4 =	vshrl.u32 v3, $0x3  }
0x167: {  	v4 =	vmul.u32 $0x30, v4  }
0x168: {  	v3 =	vand.u32 $0x7, v3  }
0x169: {  	v3 =	vor.u32 v3, v4  }
0x16a: {  	v4 =	vperm.xlane v3, v0;
	_ =	sdelay $0x1  }
0x16b: {  	v4 =	vadd.s32 v1, v4;
	_ =	sdelay $0x3  }
0x16c: {  	s9 =	simm.s32 $0x3180;
	v3 =	vperm.xlane v3, v2  }
0x16d: {  	[tilespmem:s9], [sflag:$0x1] =	stream.indirect_vreg.gather [hbm4b:s3+s8], $0x80, v4, vm0, $0xb8;
	[tilespmem:$0xC180] =	vst v63  }
0x16e: {  	s18 =	simm.s32 $0x3980;
	v3 =	vadd.s32 v1, v3  }
0x16f: {  	[tilespmem:s18], [sflag:$0x1] =	stream.indirect_vreg.gather [hbm4b:s6+s8], $0x80, v4, vm0, $0xb8;
	[tilespmem:$0xC180] =	vst v63  }
0x170: {  	s1 =	simm.s32 $0x4180  }
0x171: {  	[tilespmem:s1], [sflag:$0x1] =	stream.indirect_vreg.gather [hbm4b:s7+s8], $0x80, v4, vm0, $0xb8;
	[tilespmem:$0xC180] =	vst v63  }
0x172: {  	s9 =	simm.s32 $0x4980  }
0x173: {  	[tilespmem:s9], [sflag:$0x1] =	stream.indirect_vreg.gather [hbm4b:s3+s8], $0x80, v3, vm0, $0xb8;
	[tilespmem:$0xC180] =	vst v63  }
0x174: {  	s18 =	simm.s32 $0x5180  }
0x175: {  	[tilespmem:s18], [sflag:$0x1] =	stream.indirect_vreg.gather [hbm4b:s6+s8], $0x80, v3, vm0, $0xb8;
	[tilespmem:$0xC180] =	vst v63  }
0x176: {  	s1 =	simm.s32 $0x5980  }
0x177: {  	[tilespmem:s1], [sflag:$0x1] =	stream.indirect_vreg.gather [hbm4b:s7+s8], $0x80, v3, vm0, $0xb8;
	[tilespmem:$0xC180] =	vst v63  }
0x178: {  	v3 =	vld [tilespmem:$0x80];
	_ =	sdelay $0x4  }
0x179: {  	v4 =	vshrl.u32 v3, $0x3  }
0x17a: {  	v4 =	vmul.u32 $0x30, v4  }
0x17b: {  	v3 =	vand.u32 $0x7, v3  }
0x17c: {  	v3 =	vor.u32 v3, v4  }
0x17d: {  	v4 =	vperm.xlane v3, v0;
	_ =	sdelay $0x1  }
0x17e: {  	v4 =	vadd.s32 v1, v4;
	_ =	sdelay $0x3  }
0x17f: {  	s9 =	simm.s32 $0x6180;
	v3 =	vperm.xlane v3, v2  }
0x180: {  	[tilespmem:s9], [sflag:$0x1] =	stream.indirect_vreg.gather [hbm4b:s3+s8], $0x80, v4, vm0, $0xb8;
	[tilespmem:$0xC180] =	vst v63  }
0x181: {  	s18 =	simm.s32 $0x6980;
	v3 =	vadd.s32 v1, v3  }
0x182: {  	[tilespmem:s18], [sflag:$0x1] =	stream.indirect_vreg.gather [hbm4b:s6+s8], $0x80, v4, vm0, $0xb8;
	[tilespmem:$0xC180] =	vst v63  }
0x183: {  	s1 =	simm.s32 $0x7180  }
0x184: {  	[tilespmem:s1], [sflag:$0x1] =	stream.indirect_vreg.gather [hbm4b:s7+s8], $0x80, v4, vm0, $0xb8;
	[tilespmem:$0xC180] =	vst v63  }
0x185: {  	_ = 	snop  }
0x186: {  	[tilespmem:s20], [sflag:$0x1] =	stream.indirect_vreg.gather [hbm4b:s3+s8], $0x80, v3, vm0, $0xb8;
	[tilespmem:$0xC180] =	vst v63  }
0x187: {  	_ = 	snop  }
0x188: {  	[tilespmem:s21], [sflag:$0x1] =	stream.indirect_vreg.gather [hbm4b:s6+s8], $0x80, v3, vm0, $0xb8;
	[tilespmem:$0xC180] =	vst v63  }
0x189: {  	_ = 	snop  }
0x18a: {  	[tilespmem:s22], [sflag:$0x1] =	stream.indirect_vreg.gather [hbm4b:s7+s8], $0x80, v3, vm0, $0xb8;
	[tilespmem:$0xC180] =	vst v63  }
0x18b: {  	v3 =	vld [tilespmem:$0x90];
	_ =	sdelay $0x4  }
0x18c: {  	v4 =	vshrl.u32 v3, $0x3  }
0x18d: {  	v4 =	vmul.u32 $0x30, v4  }
0x18e: {  	v3 =	vand.u32 $0x7, v3  }
0x18f: {  	v3 =	vor.u32 v3, v4  }
0x190: {  	v4 =	vperm.xlane v3, v0;
	_ =	sdelay $0x1  }
0x191: {  	v4 =	vadd.s32 v1, v4;
	_ =	sdelay $0x3  }
0x192: {  	v3 =	vperm.xlane v3, v2  }
0x193: {  	[tilespmem:s23], [sflag:$0x1] =	stream.indirect_vreg.gather [hbm4b:s3+s8], $0x80, v4, vm0, $0xb8;
	[tilespmem:$0xC180] =	vst v63  }
0x194: {  	v3 =	vadd.s32 v1, v3  }
0x195: {  	[tilespmem:s24], [sflag:$0x1] =	stream.indirect_vreg.gather [hbm4b:s6+s8], $0x80, v4, vm0, $0xb8;
	[tilespmem:$0xC180] =	vst v63  }
0x196: {  	_ = 	snop  }
0x197: {  	[tilespmem:s25], [sflag:$0x1] =	stream.indirect_vreg.gather [hbm4b:s7+s8], $0x80, v4, vm0, $0xb8;
	[tilespmem:$0xC180] =	vst v63  }
0x198: {  	_ = 	snop  }
0x199: {  	[tilespmem:s4], [sflag:$0x1] =	stream.indirect_vreg.gather [hbm4b:s3+s8], $0x80, v3, vm0, $0xb8;
	[tilespmem:$0xC180] =	vst v63  }
0x19a: {  	_ = 	snop  }
0x19b: {  	[tilespmem:s26], [sflag:$0x1] =	stream.indirect_vreg.gather [hbm4b:s6+s8], $0x80, v3, vm0, $0xb8;
	[tilespmem:$0xC180] =	vst v63  }
0x19c: {  	_ = 	snop  }
0x19d: {  	[tilespmem:s5], [sflag:$0x1] =	stream.indirect_vreg.gather [hbm4b:s7+s8], $0x80, v3, vm0, $0xb8;
	[tilespmem:$0xC180] =	vst v63  }
0x19e: {  	_ = 	snop  }
0x19f: {  	[tilespmem:s28], [sflag:$0x2] =	stream.linear.gather [hbm4b:s13+s8], $0x20, $0x38;
	[tilespmem:$0xC180] =	vst v63  }
0x1a0: {  	_ =	swait.ge [sflag:s17], $0x20  }
0x1a1: {  	[sflag:s17] =	ssyncset.done $0x0  }
0x1a2: {  	[sflag:s17] =	ssyncadd.s32 $0xFFFFFFE0  }
0x1a3: {  	[tilespmem:s29], [sflag:$0x2] =	stream.linear.gather [hbm4b:s14+s8], $0x20, $0x38;
	[tilespmem:$0xC180] =	vst v63  }
0x1a4: {  	_ =	swait.ge [sflag:s17], $0x20  }
0x1a5: {  	[sflag:s17] =	ssyncset.done $0x0  }
0x1a6: {  	[sflag:s17] =	ssyncadd.s32 $0xFFFFFFE0  }
0x1a7: {  	_ =	swait.ge [sflag:s30], $0x6000  }
0x1a8: {  	[sflag:s30] =	ssyncset.done $0x0  }
0x1a9: {  	[sflag:s30] =	ssyncadd.s32 $0xFFFFA000  }
0x1aa: {  	_ =	swait.ge [sflag:s30], $0x6000  }
0x1ab: {  	[sflag:s30] =	ssyncset.done $0x0  }
0x1ac: {  	[sflag:s30] =	ssyncadd.s32 $0xFFFFA000  }
0x1ad: {  	s9 =	simm.s32 $0x0;
	v3 =	vld [tilespmem:$0x100]  }
0x1ae: {  	s0 =	smul.u32 $0x1800, s9;
	v4 =	vld [tilespmem:$0x110]  }
0x1af: {  	s1 =	sand.u32 $0x380, s8;
	v5 =	vld [tilespmem:$0x120]  }
0x1b0: {  	s0 =	sor.u32 s1, s0;
	v6 =	vld [tilespmem:$0x130]  }
0x1b1: {  	v10 =	vld [tilespmem:s0+$0x6180]  }
0x1b2: {  	v40 =	vld [tilespmem:s0+$0x6190]  }
0x1b3: {  	v41 =	vld [tilespmem:s0+$0x61A0]  }
0x1b4: {  	v42 =	vld [tilespmem:s0+$0x61B0]  }
0x1b5: {  	v43 =	vld [tilespmem:s0+$0x61C0]  }
0x1b6: {  	v44 =	vld [tilespmem:s0+$0x61D0]  }
0x1b7: {  	v45 =	vld [tilespmem:s0+$0x61E0]  }
0x1b8: {  	v46 =	vld [tilespmem:s0+$0x61F0]  }
0x1b9: {  	v47 =	vld [tilespmem:s0+$0x6580]  }
0x1ba: {  	v48 =	vld [tilespmem:s0+$0x6590]  }
0x1bb: {  	v49 =	vld [tilespmem:s0+$0x65A0]  }
0x1bc: {  	v50 =	vld [tilespmem:s0+$0x65B0]  }
0x1bd: {  	v51 =	vld [tilespmem:s0+$0x65C0]  }
0x1be: {  	v52 =	vld [tilespmem:s0+$0x65D0]  }
0x1bf: {  	v53 =	vld [tilespmem:s0+$0x65E0]  }
0x1c0: {  	v54 =	vld [tilespmem:s0+$0x65F0]  }
0x1c1: {  	v55 =	vld [tilespmem:s0+$0x6980]  }
0x1c2: {  	v39 =	vld [tilespmem:s0+$0x6990]  }
0x1c3: {  	v38 =	vld [tilespmem:s0+$0x69A0]  }
0x1c4: {  	v37 =	vld [tilespmem:s0+$0x69B0]  }
0x1c5: {  	v36 =	vld [tilespmem:s0+$0x69C0]  }
0x1c6: {  	v35 =	vld [tilespmem:s0+$0x69D0]  }
0x1c7: {  	v34 =	vld [tilespmem:s0+$0x69E0]  }
0x1c8: {  	v33 =	vld [tilespmem:s0+$0x69F0]  }
0x1c9: {  	v32 =	vld [tilespmem:s0+$0x6D80]  }
0x1ca: {  	v31 =	vld [tilespmem:s0+$0x6D90]  }
0x1cb: {  	v30 =	vld [tilespmem:s0+$0x6DA0]  }
0x1cc: {  	v29 =	vld [tilespmem:s0+$0x6DB0]  }
0x1cd: {  	v28 =	vld [tilespmem:s0+$0x6DC0]  }
0x1ce: {  	v27 =	vld [tilespmem:s0+$0x6DD0]  }
0x1cf: {  	v26 =	vld [tilespmem:s0+$0x6DE0]  }
0x1d0: {  	v25 =	vld [tilespmem:s0+$0x6DF0]  }
0x1d1: {  	v24 =	vld [tilespmem:s0+$0x7180]  }
0x1d2: {  	v23 =	vld [tilespmem:s0+$0x7190]  }
0x1d3: {  	v22 =	vld [tilespmem:s0+$0x71A0]  }
0x1d4: {  	v21 =	vld [tilespmem:s0+$0x71B0]  }
0x1d5: {  	v20 =	vld [tilespmem:s0+$0x71C0]  }
0x1d6: {  	v19 =	vld [tilespmem:s0+$0x71D0]  }
0x1d7: {  	v18 =	vld [tilespmem:s0+$0x71E0]  }
0x1d8: {  	v17 =	vld [tilespmem:s0+$0x71F0]  }
0x1d9: {  	v16 =	vld [tilespmem:s0+$0x7580]  }
0x1da: {  	v15 =	vld [tilespmem:s0+$0x7590]  }
0x1db: {  	v14 =	vld [tilespmem:s0+$0x75A0]  }
0x1dc: {  	v11 =	vld [tilespmem:s0+$0x75B0]  }
0x1dd: {  	s18 =	sand.u32 $0xF, s8;
	v9 =	vld [tilespmem:s0+$0x75C0]  }
0x1de: {  	v12 =	vmov s18;
	v56 =	vld [tilespmem:s0+$0x180]  }
0x1df: {  	v58 =	vld [tilespmem:s0+$0x190];
	v13 =	vperm.xlane v3, v12;
	v57 =	vperm.xlane v4, v12  }
0x1e0: {  	v61 =	vld [tilespmem:s0+$0x1A0];
	v59 =	vperm.xlane v5, v12;
	v60 =	vperm.xlane v6, v12  }
0x1e1: {  	p0 =	por $0x1, $0x1;
	v62 =	vld [tilespmem:s0+$0x1B0]  }
0x1e2: {  	v12 =	vpsel p0, v13, v57;
	v13 =	vpsel p0, v59, v60;
	v57 =	vld [tilespmem:s0+$0x1C0]  }
0x1e3: {  	v59 =	vld [tilespmem:s0+$0x1D0];
	v56 =	vmul.f32 v56, v12;
	v10 =	vmul.f32 v10, v13  }
0x1e4: {  	v60 =	vld [tilespmem:s0+$0x1E0];
	v58 =	vmul.f32 v58, v12;
	v40 =	vmul.f32 v40, v13  }
0x1e5: {  	v63 =	vld [tilespmem:s0+$0x1F0];
	v61 =	vmul.f32 v61, v12;
	v41 =	vmul.f32 v41, v13  }
0x1e6: {  	v8 =	vld [tilespmem:s0+$0x75D0];
	v42 =	vmul.f32 v42, v13;
	v43 =	vmul.f32 v43, v13  }
0x1e7: {  	v7 =	vld [tilespmem:s0+$0x75E0];
	v44 =	vmul.f32 v44, v13;
	v56 =	vadd.f32 v10, v56;
	v40 =	vadd.f32 v40, v58  }
0x1e8: {  	v58 =	vmul.f32 v62, v12;
	v62 =	vld [tilespmem:s0+$0x580];
	v41 =	vadd.f32 v41, v61;
	v61 =	vmul.f32 v59, v12  }
0x1e9: {  	[tilespmem:s0+$0x180] =	vst v56;
	v56 =	vmul.f32 v57, v12;
	v57 =	vld [tilespmem:s0+$0x590];
	v59 =	vmul.f32 v60, v12  }
0x1ea: {  	v10 =	vld [tilespmem:s0+$0x75F0];
	v60 =	vadd.f32 v44, v61;
	v61 =	vmul.f32 v63, v12;
	v63 =	vmul.f32 v46, v13  }
0x1eb: {  	v45 =	vmul.f32 v45, v13;
	[tilespmem:s0+$0x190] =	vst v40;
	v40 =	vadd.f32 v42, v58;
	v58 =	vadd.f32 v43, v56;
	v46 =	vld [tilespmem:s0+$0x5A0]  }
0x1ec: {  	[tilespmem:s0+$0x1D0] =	vst v60;
	v60 =	vadd.f32 v63, v61;
	v61 =	vld [tilespmem:s0+$0x5B0]  }
0x1ed: {  	v56 =	vadd.f32 v45, v59;
	v59 =	vmul.f32 v47, v13;
	[tilespmem:s0+$0x1C0] =	vst v58;
	v58 =	vmul.f32 v62, v12;
	v62 =	vld [tilespmem:s0+$0x5C0]  }
0x1ee: {  	[tilespmem:s0+$0x1B0] =	vst v40;
	v63 =	vmul.f32 v57, v12;
	v57 =	vld [tilespmem:s0+$0x5D0]  }
0x1ef: {  	[tilespmem:s0+$0x1E0] =	vst v56;
	v56 =	vmul.f32 v48, v13;
	v43 =	vadd.f32 v59, v58;
	v58 =	vmul.f32 v49, v13;
	v59 =	vld [tilespmem:s0+$0x5E0]  }
0x1f0: {  	v40 =	vld [tilespmem:s0+$0x980];
	[tilespmem:s0+$0x1F0] =	vst v60;
	v60 =	vmul.f32 v50, v13;
	v46 =	vmul.f32 v46, v12  }
0x1f1: {  	v44 =	vadd.f32 v56, v63;
	v63 =	vmul.f32 v52, v13;
	[tilespmem:s0+$0x580] =	vst v43;
	v43 =	vld [tilespmem:s0+$0x990];
	v42 =	vmul.f32 v61, v12  }
0x1f2: {  	[tilespmem:s0+$0x1A0] =	vst v41;
	v52 =	vld [tilespmem:s0+$0x9C0];
	v46 =	vadd.f32 v58, v46;
	v41 =	vmul.f32 v62, v12;
	v62 =	vmul.f32 v51, v13  }
0x1f3: {  	[tilespmem:s0+$0x590] =	vst v44;
	v61 =	vld [tilespmem:s0+$0x5F0];
	v45 =	vmul.f32 v57, v12;
	v42 =	vadd.f32 v60, v42  }
0x1f4: {  	v56 =	vmul.f32 v53, v13;
	v44 =	vld [tilespmem:s0+$0x9A0];
	[tilespmem:s0+$0x5A0] =	vst v46;
	v41 =	vadd.f32 v62, v41;
	v47 =	vmul.f32 v59, v12  }
0x1f5: {  	v40 =	vmul.f32 v40, v12;
	v57 =	vld [tilespmem:s0+$0x9D0];
	v60 =	vmul.f32 v55, v13;
	v45 =	vadd.f32 v63, v45;
	[tilespmem:s0+$0x5B0] =	vst v42  }
0x1f6: {  	v39 =	vmul.f32 v39, v13;
	v46 =	vld [tilespmem:s0+$0x9B0];
	[tilespmem:s0+$0x5C0] =	vst v41;
	v47 =	vadd.f32 v56, v47;
	v43 =	vmul.f32 v43, v12  }
0x1f7: {  	v36 =	vmul.f32 v36, v13;
	v59 =	vld [tilespmem:s0+$0x9E0];
	v40 =	vadd.f32 v60, v40;
	v42 =	vmul.f32 v52, v12;
	[tilespmem:s0+$0x5D0] =	vst v45  }
0x1f8: {  	v58 =	vmul.f32 v54, v13;
	v62 =	vld [tilespmem:s0+$0xD80];
	v48 =	vmul.f32 v61, v12;
	[tilespmem:s0+$0x5E0] =	vst v47;
	v39 =	vadd.f32 v39, v43  }
0x1f9: {  	v38 =	vmul.f32 v38, v13;
	v63 =	vld [tilespmem:s0+$0xD90];
	v44 =	vmul.f32 v44, v12;
	[tilespmem:s0+$0x980] =	vst v40;
	v36 =	vadd.f32 v36, v42  }
0x1fa: {  	v35 =	vmul.f32 v35, v13;
	v50 =	vld [tilespmem:s0+$0xDA0];
	v41 =	vmul.f32 v57, v12;
	v48 =	vadd.f32 v58, v48;
	[tilespmem:s0+$0x990] =	vst v39  }
0x1fb: {  	v37 =	vmul.f32 v37, v13;
	v54 =	vld [tilespmem:s0+$0xDD0];
	v49 =	vmul.f32 v46, v12;
	v38 =	vadd.f32 v38, v44;
	[tilespmem:s0+$0x9C0] =	vst v36  }
0x1fc: {  	v34 =	vmul.f32 v34, v13;
	v51 =	vld [tilespmem:s0+$0xDB0];
	v53 =	vmul.f32 v59, v12;
	v35 =	vadd.f32 v35, v41;
	[tilespmem:s0+$0x5F0] =	vst v48  }
0x1fd: {  	v32 =	vmul.f32 v32, v13;
	v52 =	vld [tilespmem:s0+$0xDC0];
	v57 =	vmul.f32 v62, v12;
	v37 =	vadd.f32 v37, v49;
	[tilespmem:s0+$0x9A0] =	vst v38  }
0x1fe: {  	v31 =	vmul.f32 v31, v13;
	v56 =	vld [tilespmem:s0+$0xDE0];
	v40 =	vmul.f32 v63, v12;
	v34 =	vadd.f32 v34, v53;
	[tilespmem:s0+$0x9D0] =	vst v35  }
0x1ff: {  	v30 =	vmul.f32 v30, v13;
	v58 =	vld [tilespmem:s0+$0xDF0];
	v39 =	vmul.f32 v50, v12;
	v32 =	vadd.f32 v32, v57;
	[tilespmem:s0+$0x9B0] =	vst v37  }
0x200: {  	v27 =	vmul.f32 v27, v13;
	v59 =	vld [tilespmem:s0+$0x1180];
	v36 =	vmul.f32 v54, v12;
	v31 =	vadd.f32 v31, v40;
	[tilespmem:s0+$0x9E0] =	vst v34  }
0x201: {  	v29 =	vmul.f32 v29, v13;
	v61 =	vld [tilespmem:s0+$0x9F0];
	v38 =	vmul.f32 v51, v12;
	v30 =	vadd.f32 v30, v39;
	[tilespmem:s0+$0xD80] =	vst v32  }
0x202: {  	v28 =	vmul.f32 v28, v13;
	v60 =	vld [tilespmem:s0+$0x1190];
	v27 =	vadd.f32 v27, v36;
	v37 =	vmul.f32 v52, v12;
	[tilespmem:s0+$0xD90] =	vst v31  }
0x203: {  	v26 =	vmul.f32 v26, v13;
	v35 =	vmul.f32 v56, v12;
	v29 =	vadd.f32 v29, v38;
	v31 =	vld [tilespmem:s0+$0x11A0];
	[tilespmem:s0+$0xDA0] =	vst v30  }
0x204: {  	v25 =	vmul.f32 v25, v13;
	v30 =	vld [tilespmem:s0+$0x11B0];
	v34 =	vmul.f32 v58, v12;
	[tilespmem:s0+$0xDD0] =	vst v27;
	v28 =	vadd.f32 v28, v37  }
0x205: {  	v62 =	vmul.f32 v24, v13;
	v26 =	vadd.f32 v26, v35;
	v27 =	vmul.f32 v59, v12;
	[tilespmem:s0+$0xDB0] =	vst v29;
	v29 =	vld [tilespmem:s0+$0x11C0]  }
0x206: {  	v33 =	vmul.f32 v33, v13;
	v55 =	vmul.f32 v61, v12;
	v25 =	vadd.f32 v25, v34;
	[tilespmem:s0+$0xDC0] =	vst v28;
	v28 =	vld [tilespmem:s0+$0x11D0]  }
0x207: {  	v63 =	vmul.f32 v23, v13;
	v61 =	vld [tilespmem:s0+$0x11E0];
	[tilespmem:s0+$0xDE0] =	vst v26;
	v26 =	vmul.f32 v60, v12;
	v27 =	vadd.f32 v62, v27  }
0x208: {  	v24 =	vld [tilespmem:s0+$0x11F0];
	v33 =	vadd.f32 v33, v55;
	[tilespmem:s0+$0xDF0] =	vst v25;
	v25 =	vmul.f32 v31, v12;
	v31 =	vmul.f32 v22, v13  }
0x209: {  	v21 =	vmul.f32 v21, v13;
	v23 =	vld [tilespmem:s0+$0x1580];
	v26 =	vadd.f32 v63, v26;
	[tilespmem:s0+$0x1180] =	vst v27;
	v27 =	vmul.f32 v30, v12  }
0x20a: {  	[tilespmem:s0+$0x9F0] =	vst v33;
	v22 =	vld [tilespmem:s0+$0x1590];
	v30 =	vmul.f32 v20, v13;
	v29 =	vmul.f32 v29, v12;
	v25 =	vadd.f32 v31, v25  }
0x20b: {  	v20 =	vld [tilespmem:s0+$0x15A0];
	[tilespmem:s0+$0x1190] =	vst v26;
	v26 =	vadd.f32 v21, v27;
	v21 =	vmul.f32 v28, v12;
	v28 =	vmul.f32 v19, v13  }
0x20c: {  	s9 =	simm.s32 $0x1;
	v27 =	vadd.f32 v30, v29;
	v19 =	vmul.f32 v61, v12;
	[tilespmem:s0+$0x11A0] =	vst v25;
	v25 =	vmul.f32 v18, v13;
	v18 =	vld [tilespmem:s0+$0x15B0]  }
.LBB2_4:
0x20d: {  	s1 =	sshrl.u32 s9, $0x3;
	p0 =	sne.s32 s9, $0x1F;
	[tilespmem:s0+$0x11B0] =	vst v26;
	v21 =	vadd.f32 v28, v21;
	v24 =	vmul.f32 v24, v12;
	v17 =	vmul.f32 v17, v13;
	v26 =	vld [tilespmem:s0+$0x15C0]  }
0x20e: {  	v16 =	vmul.f32 v16, v13;
	s8 =	sadd.s32 $0x80, s8;
	s1 =	smul.u32 $0x1800, s1;
	[tilespmem:s0+$0x11C0] =	vst v27;
	v19 =	vadd.f32 v25, v19;
	v23 =	vmul.f32 v23, v12;
	v25 =	vld [tilespmem:s0+$0x15D0]  }
0x20f: {  	v15 =	vmul.f32 v15, v13;
	s18 =	sand.u32 $0x380, s8;
	[tilespmem:s0+$0x11D0] =	vst v21;
	v17 =	vadd.f32 v17, v24;
	v21 =	vmul.f32 v22, v12;
	v22 =	vld [tilespmem:s0+$0x15E0]  }
0x210: {  	v14 =	vmul.f32 v14, v13;
	s1 =	sor.u32 s18, s1;
	[tilespmem:s0+$0x11E0] =	vst v19;
	v16 =	vadd.f32 v16, v23;
	v19 =	vmul.f32 v20, v12;
	v20 =	vld [tilespmem:s0+$0x15F0]  }
0x211: {  	v11 =	vmul.f32 v11, v13;
	v49 =	vld [tilespmem:s1+$0x6180];
	[tilespmem:s0+$0x11F0] =	vst v17;
	v15 =	vadd.f32 v15, v21;
	v17 =	vmul.f32 v18, v12  }
0x212: {  	v9 =	vmul.f32 v9, v13;
	v51 =	vld [tilespmem:s1+$0x6190];
	[tilespmem:s0+$0x1580] =	vst v16;
	v14 =	vadd.f32 v14, v19;
	v16 =	vmul.f32 v26, v12  }
0x213: {  	v8 =	vmul.f32 v8, v13;
	v53 =	vld [tilespmem:s1+$0x61A0];
	[tilespmem:s0+$0x1590] =	vst v15;
	v11 =	vadd.f32 v11, v17;
	v15 =	vmul.f32 v25, v12  }
0x214: {  	v7 =	vmul.f32 v7, v13;
	v54 =	vld [tilespmem:s1+$0x61B0];
	[tilespmem:s0+$0x15A0] =	vst v14;
	v9 =	vadd.f32 v9, v16;
	v14 =	vmul.f32 v22, v12  }
0x215: {  	v10 =	vmul.f32 v10, v13;
	v55 =	vld [tilespmem:s1+$0x61C0];
	[tilespmem:s0+$0x15B0] =	vst v11;
	v8 =	vadd.f32 v8, v15;
	v11 =	vmul.f32 v20, v12  }
0x216: {  	v56 =	vld [tilespmem:s1+$0x61D0];
	[tilespmem:s0+$0x15C0] =	vst v9;
	v7 =	vadd.f32 v7, v14  }
0x217: {  	v52 =	vld [tilespmem:s1+$0x61E0];
	[tilespmem:s0+$0x15D0] =	vst v8;
	v8 =	vadd.f32 v10, v11  }
0x218: {  	v50 =	vld [tilespmem:s1+$0x61F0];
	[tilespmem:s0+$0x15E0] =	vst v7  }
0x219: {  	v48 =	vld [tilespmem:s1+$0x6580];
	[tilespmem:s0+$0x15F0] =	vst v8;
	s0 =	smov.u32 s1  }
0x21a: {  	v47 =	vld [tilespmem:s0+$0x6590]  }
0x21b: {  	v46 =	vld [tilespmem:s0+$0x65A0]  }
0x21c: {  	v45 =	vld [tilespmem:s0+$0x65B0]  }
0x21d: {  	v44 =	vld [tilespmem:s0+$0x65C0]  }
0x21e: {  	v43 =	vld [tilespmem:s0+$0x65D0]  }
0x21f: {  	v42 =	vld [tilespmem:s0+$0x65E0]  }
0x220: {  	v41 =	vld [tilespmem:s0+$0x65F0]  }
0x221: {  	v40 =	vld [tilespmem:s0+$0x6980]  }
0x222: {  	v39 =	vld [tilespmem:s0+$0x6990]  }
0x223: {  	v38 =	vld [tilespmem:s0+$0x69A0]  }
0x224: {  	v37 =	vld [tilespmem:s0+$0x69B0]  }
0x225: {  	v36 =	vld [tilespmem:s0+$0x69C0]  }
0x226: {  	v35 =	vld [tilespmem:s0+$0x69D0]  }
0x227: {  	v34 =	vld [tilespmem:s0+$0x69E0]  }
0x228: {  	v33 =	vld [tilespmem:s0+$0x69F0]  }
0x229: {  	v32 =	vld [tilespmem:s0+$0x6D80]  }
0x22a: {  	v31 =	vld [tilespmem:s0+$0x6D90]  }
0x22b: {  	v30 =	vld [tilespmem:s0+$0x6DA0]  }
0x22c: {  	v29 =	vld [tilespmem:s0+$0x6DB0]  }
0x22d: {  	v28 =	vld [tilespmem:s0+$0x6DC0]  }
0x22e: {  	v27 =	vld [tilespmem:s0+$0x6DD0]  }
0x22f: {  	v26 =	vld [tilespmem:s0+$0x6DE0]  }
0x230: {  	v25 =	vld [tilespmem:s0+$0x6DF0]  }
0x231: {  	v24 =	vld [tilespmem:s0+$0x7180]  }
0x232: {  	v23 =	vld [tilespmem:s0+$0x7190]  }
0x233: {  	v22 =	vld [tilespmem:s0+$0x71A0]  }
0x234: {  	v21 =	vld [tilespmem:s0+$0x71B0]  }
0x235: {  	v20 =	vld [tilespmem:s0+$0x71C0]  }
0x236: {  	v19 =	vld [tilespmem:s0+$0x71D0]  }
0x237: {  	v18 =	vld [tilespmem:s0+$0x71E0]  }
0x238: {  	v17 =	vld [tilespmem:s0+$0x71F0]  }
0x239: {  	v16 =	vld [tilespmem:s0+$0x7580]  }
0x23a: {  	v15 =	vld [tilespmem:s0+$0x7590]  }
0x23b: {  	v14 =	vld [tilespmem:s0+$0x75A0]  }
0x23c: {  	v11 =	vld [tilespmem:s0+$0x75B0]  }
0x23d: {  	v9 =	vld [tilespmem:s0+$0x75C0]  }
0x23e: {  	v8 =	vld [tilespmem:s0+$0x75D0]  }
0x23f: {  	v7 =	vld [tilespmem:s0+$0x75E0]  }
0x240: {  	s1 =	sand.u32 $0xF, s9;
	v10 =	vld [tilespmem:s0+$0x75F0]  }
0x241: {  	v12 =	vmov s1;
	v57 =	vld [tilespmem:s0+$0x180]  }
0x242: {  	v13 =	vperm.xlane v3, v12;
	v58 =	vperm.xlane v4, v12;
	v59 =	vld [tilespmem:s0+$0x190]  }
0x243: {  	v60 =	vperm.xlane v5, v12;
	v61 =	vperm.xlane v6, v12;
	v62 =	vld [tilespmem:s0+$0x1A0]  }
0x244: {  	p1 =	slt.u32 s9, $0x10;
	v63 =	vld [tilespmem:s0+$0x1B0]  }
0x245: {  	v12 =	vpsel p1, v13, v58;
	v13 =	vpsel p1, v60, v61;
	v58 =	vld [tilespmem:s0+$0x1C0]  }
0x246: {  	v49 =	vmul.f32 v49, v13;
	v57 =	vmul.f32 v57, v12;
	v60 =	vld [tilespmem:s0+$0x1D0]  }
0x247: {  	v51 =	vmul.f32 v51, v13;
	v59 =	vmul.f32 v59, v12;
	v61 =	vld [tilespmem:s0+$0x1E0]  }
0x248: {  	v53 =	vmul.f32 v53, v13;
	v49 =	vadd.f32 v49, v57;
	v57 =	vmul.f32 v62, v12;
	v62 =	vld [tilespmem:s0+$0x1F0]  }
0x249: {  	v54 =	vmul.f32 v54, v13;
	v51 =	vadd.f32 v51, v59;
	v59 =	vmul.f32 v63, v12;
	v63 =	vld [tilespmem:s0+$0x580]  }
0x24a: {  	v55 =	vmul.f32 v55, v13;
	[tilespmem:s0+$0x180] =	vst v49;
	v49 =	vadd.f32 v53, v57;
	v53 =	vmul.f32 v58, v12;
	v57 =	vld [tilespmem:s0+$0x590]  }
0x24b: {  	v56 =	vmul.f32 v56, v13;
	[tilespmem:s0+$0x190] =	vst v51;
	v51 =	vadd.f32 v54, v59;
	v54 =	vmul.f32 v60, v12;
	v58 =	vld [tilespmem:s0+$0x5A0]  }
0x24c: {  	v52 =	vmul.f32 v52, v13;
	[tilespmem:s0+$0x1A0] =	vst v49;
	v49 =	vadd.f32 v55, v53;
	v53 =	vmul.f32 v61, v12;
	v55 =	vld [tilespmem:s0+$0x5B0]  }
0x24d: {  	v50 =	vmul.f32 v50, v13;
	[tilespmem:s0+$0x1B0] =	vst v51;
	v51 =	vadd.f32 v56, v54;
	v54 =	vmul.f32 v62, v12;
	v56 =	vld [tilespmem:s0+$0x5C0]  }
0x24e: {  	v48 =	vmul.f32 v48, v13;
	[tilespmem:s0+$0x1C0] =	vst v49;
	v49 =	vadd.f32 v52, v53;
	v52 =	vmul.f32 v63, v12;
	v53 =	vld [tilespmem:s0+$0x5D0]  }
0x24f: {  	v47 =	vmul.f32 v47, v13;
	[tilespmem:s0+$0x1D0] =	vst v51;
	v50 =	vadd.f32 v50, v54;
	v51 =	vmul.f32 v57, v12;
	v54 =	vld [tilespmem:s0+$0x5E0]  }
0x250: {  	v46 =	vmul.f32 v46, v13;
	[tilespmem:s0+$0x1E0] =	vst v49;
	v48 =	vadd.f32 v48, v52;
	v49 =	vmul.f32 v58, v12;
	v52 =	vld [tilespmem:s0+$0x5F0]  }
0x251: {  	v45 =	vmul.f32 v45, v13;
	[tilespmem:s0+$0x1F0] =	vst v50;
	v47 =	vadd.f32 v47, v51;
	v50 =	vmul.f32 v55, v12;
	v51 =	vld [tilespmem:s0+$0x980]  }
0x252: {  	v44 =	vmul.f32 v44, v13;
	[tilespmem:s0+$0x580] =	vst v48;
	v46 =	vadd.f32 v46, v49;
	v48 =	vmul.f32 v56, v12;
	v49 =	vld [tilespmem:s0+$0x990]  }
0x253: {  	v43 =	vmul.f32 v43, v13;
	[tilespmem:s0+$0x590] =	vst v47;
	v45 =	vadd.f32 v45, v50;
	v47 =	vmul.f32 v53, v12;
	v50 =	vld [tilespmem:s0+$0x9A0]  }
0x254: {  	v42 =	vmul.f32 v42, v13;
	[tilespmem:s0+$0x5A0] =	vst v46;
	v44 =	vadd.f32 v44, v48;
	v46 =	vmul.f32 v54, v12;
	v48 =	vld [tilespmem:s0+$0x9B0]  }
0x255: {  	v41 =	vmul.f32 v41, v13;
	[tilespmem:s0+$0x5B0] =	vst v45;
	v43 =	vadd.f32 v43, v47;
	v45 =	vmul.f32 v52, v12;
	v47 =	vld [tilespmem:s0+$0x9C0]  }
0x256: {  	v40 =	vmul.f32 v40, v13;
	[tilespmem:s0+$0x5C0] =	vst v44;
	v42 =	vadd.f32 v42, v46;
	v44 =	vmul.f32 v51, v12;
	v46 =	vld [tilespmem:s0+$0x9D0]  }
0x257: {  	v39 =	vmul.f32 v39, v13;
	[tilespmem:s0+$0x5D0] =	vst v43;
	v41 =	vadd.f32 v41, v45;
	v43 =	vmul.f32 v49, v12;
	v45 =	vld [tilespmem:s0+$0x9E0]  }
0x258: {  	v38 =	vmul.f32 v38, v13;
	[tilespmem:s0+$0x5E0] =	vst v42;
	v40 =	vadd.f32 v40, v44;
	v42 =	vmul.f32 v50, v12;
	v44 =	vld [tilespmem:s0+$0x9F0]  }
0x259: {  	v37 =	vmul.f32 v37, v13;
	[tilespmem:s0+$0x5F0] =	vst v41;
	v39 =	vadd.f32 v39, v43;
	v41 =	vmul.f32 v48, v12;
	v43 =	vld [tilespmem:s0+$0xD80]  }
0x25a: {  	v36 =	vmul.f32 v36, v13;
	[tilespmem:s0+$0x980] =	vst v40;
	v38 =	vadd.f32 v38, v42;
	v40 =	vmul.f32 v47, v12;
	v42 =	vld [tilespmem:s0+$0xD90]  }
0x25b: {  	v35 =	vmul.f32 v35, v13;
	[tilespmem:s0+$0x990] =	vst v39;
	v37 =	vadd.f32 v37, v41;
	v39 =	vmul.f32 v46, v12;
	v41 =	vld [tilespmem:s0+$0xDA0]  }
0x25c: {  	v34 =	vmul.f32 v34, v13;
	[tilespmem:s0+$0x9A0] =	vst v38;
	v36 =	vadd.f32 v36, v40;
	v38 =	vmul.f32 v45, v12;
	v40 =	vld [tilespmem:s0+$0xDB0]  }
0x25d: {  	v33 =	vmul.f32 v33, v13;
	[tilespmem:s0+$0x9B0] =	vst v37;
	v35 =	vadd.f32 v35, v39;
	v37 =	vmul.f32 v44, v12;
	v39 =	vld [tilespmem:s0+$0xDC0]  }
0x25e: {  	v32 =	vmul.f32 v32, v13;
	[tilespmem:s0+$0x9C0] =	vst v36;
	v34 =	vadd.f32 v34, v38;
	v36 =	vmul.f32 v43, v12;
	v38 =	vld [tilespmem:s0+$0xDD0]  }
0x25f: {  	v31 =	vmul.f32 v31, v13;
	[tilespmem:s0+$0x9D0] =	vst v35;
	v33 =	vadd.f32 v33, v37;
	v35 =	vmul.f32 v42, v12;
	v37 =	vld [tilespmem:s0+$0xDE0]  }
0x260: {  	v30 =	vmul.f32 v30, v13;
	[tilespmem:s0+$0x9E0] =	vst v34;
	v32 =	vadd.f32 v32, v36;
	v34 =	vmul.f32 v41, v12;
	v36 =	vld [tilespmem:s0+$0xDF0]  }
0x261: {  	v29 =	vmul.f32 v29, v13;
	[tilespmem:s0+$0x9F0] =	vst v33;
	v31 =	vadd.f32 v31, v35;
	v33 =	vmul.f32 v40, v12;
	v35 =	vld [tilespmem:s0+$0x1180]  }
0x262: {  	v28 =	vmul.f32 v28, v13;
	[tilespmem:s0+$0xD80] =	vst v32;
	v30 =	vadd.f32 v30, v34;
	v32 =	vmul.f32 v39, v12;
	v34 =	vld [tilespmem:s0+$0x1190]  }
0x263: {  	v27 =	vmul.f32 v27, v13;
	[tilespmem:s0+$0xD90] =	vst v31;
	v29 =	vadd.f32 v29, v33;
	v31 =	vmul.f32 v38, v12;
	v33 =	vld [tilespmem:s0+$0x11A0]  }
0x264: {  	v26 =	vmul.f32 v26, v13;
	[tilespmem:s0+$0xDA0] =	vst v30;
	v28 =	vadd.f32 v28, v32;
	v30 =	vmul.f32 v37, v12;
	v32 =	vld [tilespmem:s0+$0x11B0]  }
0x265: {  	v25 =	vmul.f32 v25, v13;
	[tilespmem:s0+$0xDB0] =	vst v29;
	v27 =	vadd.f32 v27, v31;
	v29 =	vmul.f32 v36, v12;
	v31 =	vld [tilespmem:s0+$0x11C0]  }
0x266: {  	v24 =	vmul.f32 v24, v13;
	[tilespmem:s0+$0xDC0] =	vst v28;
	v26 =	vadd.f32 v26, v30;
	v28 =	vmul.f32 v35, v12;
	v30 =	vld [tilespmem:s0+$0x11D0]  }
0x267: {  	v23 =	vmul.f32 v23, v13;
	[tilespmem:s0+$0xDD0] =	vst v27;
	v25 =	vadd.f32 v25, v29;
	v27 =	vmul.f32 v34, v12;
	v29 =	vld [tilespmem:s0+$0x11E0]  }
.Ltmp1:
0x268: {  	v22 =	vmul.f32 v22, v13;
	[tilespmem:s0+$0xDE0] =	vst v26;
	v26 =	vadd.f32 v24, v28;
	v28 =	vmul.f32 v33, v12;
	v24 =	vld [tilespmem:s0+$0x11F0];
	(pc) =	sbr.rel @p0 .LBB2_4-.Ltmp1, $4  }
0x269: {  	v21 =	vmul.f32 v21, v13;
	[tilespmem:s0+$0xDF0] =	vst v25;
	v25 =	vadd.f32 v23, v27;
	v27 =	vmul.f32 v32, v12;
	v23 =	vld [tilespmem:s0+$0x1580]  }
0x26a: {  	v33 =	vmul.f32 v20, v13;
	[tilespmem:s0+$0x1180] =	vst v26;
	v32 =	vadd.f32 v22, v28;
	v31 =	vmul.f32 v31, v12;
	v22 =	vld [tilespmem:s0+$0x1590]  }
0x26b: {  	v28 =	vmul.f32 v19, v13;
	[tilespmem:s0+$0x1190] =	vst v25;
	v26 =	vadd.f32 v21, v27;
	v21 =	vmul.f32 v30, v12;
	v20 =	vld [tilespmem:s0+$0x15A0]  }
0x26c: {  	s9 =	sadd.s32 $0x1, s9;
	v25 =	vmul.f32 v18, v13;
	[tilespmem:s0+$0x11A0] =	vst v32;
	v27 =	vadd.f32 v33, v31;
	v19 =	vmul.f32 v29, v12;
	v18 =	vld [tilespmem:s0+$0x15B0]  }
0x26d: {  	[tilespmem:s0+$0x11B0] =	vst v26;
	v3 =	vld [tilespmem:s0+$0x15C0];
	v4 =	vadd.f32 v28, v21;
	v6 =	vmul.f32 v24, v12;
	v17 =	vmul.f32 v17, v13  }
0x26e: {  	v5 =	vld [tilespmem:s0+$0x15D0];
	v16 =	vmul.f32 v16, v13;
	[tilespmem:s0+$0x11C0] =	vst v27;
	v19 =	vadd.f32 v25, v19;
	v51 =	vmul.f32 v23, v12  }
0x26f: {  	v15 =	vmul.f32 v15, v13;
	v55 =	vld [tilespmem:s0+$0x15F0];
	[tilespmem:s0+$0x11D0] =	vst v4;
	v6 =	vadd.f32 v17, v6;
	v53 =	vmul.f32 v22, v12  }
0x270: {  	v52 =	vld [tilespmem:s0+$0x15E0];
	v14 =	vmul.f32 v14, v13;
	[tilespmem:s0+$0x11E0] =	vst v19;
	v4 =	vadd.f32 v16, v51;
	v54 =	vmul.f32 v20, v12  }
0x271: {  	v11 =	vmul.f32 v11, v13;
	[tilespmem:s0+$0x11F0] =	vst v6;
	v56 =	vadd.f32 v15, v53;
	v57 =	vmul.f32 v18, v12  }
0x272: {  	v9 =	vmul.f32 v9, v13;
	[tilespmem:s0+$0x1580] =	vst v4;
	v58 =	vadd.f32 v14, v54;
	v3 =	vmul.f32 v3, v12  }
0x273: {  	v8 =	vmul.f32 v8, v13;
	v5 =	vmul.f32 v5, v12;
	[tilespmem:s0+$0x1590] =	vst v56;
	v59 =	vadd.f32 v11, v57  }
0x274: {  	v62 =	vmul.f32 v10, v13;
	v61 =	vmul.f32 v55, v12;
	[tilespmem:s0+$0x15A0] =	vst v58;
	v3 =	vadd.f32 v9, v3  }
0x275: {  	v7 =	vmul.f32 v7, v13;
	v60 =	vmul.f32 v52, v12;
	v5 =	vadd.f32 v8, v5;
	[tilespmem:s0+$0x15B0] =	vst v59  }
0x276: {  	v63 =	vadd.f32 v62, v61;
	[tilespmem:s0+$0x15C0] =	vst v3  }
0x277: {  	s31 =	sadd.s32 $0x1, s31;
	v3 =	vadd.f32 v7, v60;
	[tilespmem:s0+$0x15D0] =	vst v5  }
0x278: {  	p0 =	sne.s32 s31, s16;
	[tilespmem:s0+$0x15F0] =	vst v63  }
.Ltmp2:
0x279: {  	[tilespmem:s0+$0x15E0] =	vst v3;
	(pc) =	sbr.rel @p0 .LBB2_1-.Ltmp2, $4  }
0x27a: {  	[hbm4b:s15+s2] =	stream.linear.scatter [tilespmem:s19], [sflag:$0x2], $0x6000, $0x38;
	[tilespmem:$0xC180] =	vst v63  }
0x27b: {  	_ =	swait.ge [sflag:s17], $0x6000  }
0x27c: {  	[sflag:s17] =	ssyncset.done $0x0  }
0x27d: {  	[sflag:s17] =	ssyncadd.s32 $0xFFFFA000  }
0x27e: {  	_ =	sfence.sel $0x180000  }
0x27f: {  	[bflag:$0x0] =	sbarrier.arrive $0xFFFF  }
0x280: {  	_ =	strace $0x9000004A  }
0x281: {  	s0 =	stileid.u32;
	[bflag:$0x2] =	sbarrier.arrive $0xFFFF  }
0x282: {  	p0 =	sne.s32 s0, $0x0;
	s0 =	rddreg [dreg:$0x2]  }
0x283: {  	s0 =	sadd.s32 @!p0 $0x100000, s0  }
0x284: {  	[sflag:s0] =	ssyncadd.tile.s32 @!p0 $0x1;
	_ =	shalt  }
.Lfunc_end2:
_tile_overlayer_lowered:
.L_overlay_start_2:
0x285: {  	(tag) =	ssettag $0x2  }
0x286: {  	s0 =	rddreg [dreg:$0x0];
	s2 =	stileid.u32  }
0x287: {  	s1 =	rddreg [dreg:$0x1];
	p0 =	sne.s32 s2, $0x0  }
0x288: {  	s3 =	rddreg [dreg:$0x2];
	[bflag:$0x3] =	sbarrier.arrive $0xFFFF;
	s2 =	simm.s32 @!p0 $0x1C02  }
0x289: {  	[timem:s3], [sflag:s2] =	dma.local @!p0 [hbm:s0], s1  }
0x28a: {  	s0 =	simm.s32 @!p0 $0x2  }
0x28b: {  	_ =	swait.ge @!p0 [sflag:s0], s1  }
0x28c: {  	s1 =	ssub.s32 @!p0 $0x0, s1;
	[sflag:s0] =	ssyncset.done @!p0 $0x0  }
0x28d: {  	[sflag:s0] =	ssyncadd.s32 @!p0 s1  }
0x28e: {  	[bflag:$0x3] =	sbarrier.arrive $0xFFFF  }
0x28f: {  	_ =	shalt  }

</sc_bundles>
